<compile_context>
chip_gen: v7x
topology: tpu7x:2x2x1
jax: 0.10.2.dev20260603
libtpu: 0.0.44.dev20260713+nightly
codegen_flags: <defaults>
</compile_context>

<pallas_src>
import functools

import jax
import jax.numpy as jnp
from jax import lax
from jax.experimental import pallas as pl
from jax.experimental.pallas import tpu as pltpu
from jax.experimental.pallas import tpu_sc as plsc

N = 10000
E = 320000
D = 128
D2 = 256
L = 5
NUM_ATOM = 28
NUM_BOND = 4
G = 512

NP = 10240
BLK = 1024
NB = NP // BLK
NC = 2
NS = 16
C = 128
NCH = 80
NHALF = 2
NCHH = NCH // NHALF
EP = NC * NS * NCH * C
NPA = 10112
RPT = NPA // NS
EPS = 1e-5

_INTERPRET = False



def _sc_edge_body(t_hbm, gidx_hbm, dst_hbm, zeros_hbm, out_hbm,
                  gidx_v, dst_v, buf0, buf1, sem0, sem1, accum):
    c = lax.axis_index("c")
    s = lax.axis_index("s")
    pltpu.sync_copy(zeros_hbm, accum.at[pl.ds(s * RPT, RPT)])
    plsc.subcore_barrier()

    for half in range(NHALF):
        pltpu.sync_copy(gidx_hbm.at[c, s, pl.ds(half * NCHH, NCHH)], gidx_v)
        pltpu.sync_copy(dst_hbm.at[c, s, pl.ds(half * NCHH, NCHH)], dst_v)
        pltpu.async_copy(t_hbm.at[gidx_v.at[0]], buf0, sem0)

        def body(jj, carry):
            j0 = 2 * jj
            pltpu.async_copy(t_hbm.at[gidx_v.at[j0 + 1]], buf1, sem1)
            pltpu.make_async_copy(t_hbm.at[gidx_v.at[j0]], buf0, sem0).wait()
            pltpu.sync_copy(buf0, accum.at[dst_v.at[j0]], add=True)

            @pl.when(j0 + 2 < NCHH)
            def _():
                pltpu.async_copy(t_hbm.at[gidx_v.at[j0 + 2]], buf0, sem0)

            pltpu.make_async_copy(t_hbm.at[gidx_v.at[j0 + 1]], buf1, sem1).wait()
            pltpu.sync_copy(buf1, accum.at[dst_v.at[j0 + 1]], add=True)
            return carry

        lax.fori_loop(0, NCHH // 2, body, 0)
    plsc.subcore_barrier()
    pltpu.sync_copy(accum.at[pl.ds(s * RPT, RPT)],
                    out_hbm.at[c, pl.ds(s * RPT, RPT)])


def _sc_edge(t2d, gidx, dst, zeros):
    mesh = plsc.VectorSubcoreMesh(core_axis_name="c", subcore_axis_name="s")
    fn = pl.kernel(
        _sc_edge_body,
        out_type=jax.ShapeDtypeStruct((NC, NP, D), jnp.float32),
        mesh=mesh,
        scratch_types=[
            pltpu.VMEM((NCHH, C), jnp.int32),
            pltpu.VMEM((NCHH, C), jnp.int32),
            pltpu.VMEM((C, D), jnp.float32),
            pltpu.VMEM((C, D), jnp.float32),
            pltpu.SemaphoreType.DMA,
            pltpu.SemaphoreType.DMA,
            pltpu.VMEM_SHARED((NPA, D), jnp.float32),
        ],
    )
    return fn(t2d, gidx, dst, zeros)



def _prep_body(x_ref, atom_ref, bond_ref, h_ref, t_ref):
    b = pl.program_id(0)
    rowid = lax.broadcasted_iota(jnp.int32, (BLK, 1), 0) + b * BLK
    mask = rowid < N
    oh = (x_ref[...] == lax.broadcasted_iota(jnp.int32, (BLK, 32), 1)
          ).astype(jnp.float32)
    h0 = jnp.dot(oh, atom_ref[...], preferred_element_type=jnp.float32,
                 precision=lax.Precision.HIGHEST)
    h_ref[...] = h0
    for bb in range(NUM_BOND):
        t_ref[bb] = jnp.where(
            mask, jax.nn.relu(h0 + bond_ref[bb:bb + 1, :]), 0.0)


def _prep(xp, atom_p, bond):
    return pl.pallas_call(
        _prep_body,
        grid=(NB,),
        in_specs=[
            pl.BlockSpec((BLK, 1), lambda b: (b, 0)),
            pl.BlockSpec((32, D), lambda b: (0, 0)),
            pl.BlockSpec((NUM_BOND, D), lambda b: (0, 0)),
        ],
        out_specs=[
            pl.BlockSpec((BLK, D), lambda b: (b, 0)),
            pl.BlockSpec((NUM_BOND, BLK, D), lambda b: (0, b, 0)),
        ],
        out_shape=[
            jax.ShapeDtypeStruct((NP, D), jnp.float32),
            jax.ShapeDtypeStruct((NUM_BOND, NP, D), jnp.float32),
        ],
        compiler_params=pltpu.CompilerParams(
            dimension_semantics=("arbitrary",)),
        interpret=_INTERPRET,
    )(xp, atom_p, bond)



def _layer_body(last, relu_out,
                h_ref, a_ref, w1_ref, b1_ref, g1_ref, be1_ref,
                w2_ref, b2_ref, g2_ref, be2_ref, aux_ref,
                h_out_ref, t_out_ref, z1s, z2s, st, ps):
    p = pl.program_id(0)
    b = pl.program_id(1)
    rowid = lax.broadcasted_iota(jnp.int32, (BLK, 1), 0) + b * BLK
    mask = rowid < N

    @pl.when(p == 0)
    def _phase0():
        z = h_ref[...] + a_ref[0] + a_ref[1]
        z1 = jnp.dot(z, w1_ref[...],
                     preferred_element_type=jnp.float32) + b1_ref[...]
        z1s[pl.ds(b * BLK, BLK), :] = z1
        zm = jnp.where(mask, z1, 0.0)
        s_ = jnp.sum(zm, axis=0, keepdims=True)
        st[0:1, :] = jnp.where(b == 0, s_, st[0:1, :] + s_)

    @pl.when(p == 1)
    def _phase1():
        @pl.when(b == 0)
        def _():
            st[2:3, :] = st[0:1, :] / N

        mu = st[2:3, :]
        z1 = z1s[pl.ds(b * BLK, BLK), :]
        dev = jnp.where(mask, z1 - mu, 0.0)
        q_ = jnp.sum(dev * dev, axis=0, keepdims=True)
        st[1:2, :] = jnp.where(b == 0, q_, st[1:2, :] + q_)

    @pl.when(p == 2)
    def _phase2():
        @pl.when(b == 0)
        def _():
            st[3:4, :] = jnp.sqrt(st[1:2, :] / N + EPS)

        mu = st[2:3, :]
        s1 = st[3:4, :]
        z1 = z1s[pl.ds(b * BLK, BLK), :]
        z1n = jax.nn.relu((z1 - mu) / s1 * g1_ref[...] + be1_ref[...])
        z2 = jnp.dot(z1n, w2_ref[...],
                     preferred_element_type=jnp.float32) + b2_ref[...]
        z2s[pl.ds(b * BLK, BLK), :] = z2
        zm = jnp.where(mask, z2, 0.0)
        s_ = jnp.sum(zm, axis=0, keepdims=True)
        st[4:5, 0:D] = jnp.where(b == 0, s_, st[4:5, 0:D] + s_)

    @pl.when(p == 3)
    def _phase3():
        @pl.when(b == 0)
        def _():
            st[6:7, 0:D] = st[4:5, 0:D] / N

        mu2 = st[6:7, 0:D]
        z2 = z2s[pl.ds(b * BLK, BLK), :]
        dev = jnp.where(mask, z2 - mu2, 0.0)
        q_ = jnp.sum(dev * dev, axis=0, keepdims=True)
        st[5:6, 0:D] = jnp.where(b == 0, q_, st[5:6, 0:D] + q_)

    @pl.when(p == 4)
    def _phase4():
        @pl.when(b == 0)
        def _():
            st[7:8, 0:D] = jnp.sqrt(st[5:6, 0:D] / N + EPS)

        mu2 = st[6:7, 0:D]
        s2 = st[7:8, 0:D]
        z2 = z2s[pl.ds(b * BLK, BLK), :]
        hn = (z2 - mu2) / s2 * g2_ref[...] + be2_ref[...]
        if relu_out:
            hn = jax.nn.relu(hn)
        hn = jnp.where(mask, hn, 0.0)
        h_out_ref[...] = hn
        if not last:
            for bb in range(NUM_BOND):
                t_out_ref[bb] = jnp.where(
                    mask, jax.nn.relu(hn + aux_ref[bb:bb + 1, :]), 0.0)
        else:
            oh = (aux_ref[...] == lax.broadcasted_iota(jnp.int32, (BLK, G), 1)
                  ).astype(jnp.float32)
            contrib = lax.dot_general(
                oh, hn, (((0,), (0,)), ((), ())),
                preferred_element_type=jnp.float32,
                precision=lax.Precision.HIGHEST)
            ps[...] = jnp.where(b == 0, contrib, ps[...] + contrib)
            t_out_ref[...] = ps[...]


def _layer(h, a, w1, b1, g1, be1, w2, b2, g2, be2, aux, last, relu_out):
    def only0(p, b):
        return (jnp.where(p == 0, b, 0), 0)

    def only0_3d(p, b):
        return (0, jnp.where(p == 0, b, 0), 0)

    def only2(p, b):
        return (jnp.where(p == 4, b, 0), 0)

    def only2_3d(p, b):
        return (0, jnp.where(p == 4, b, 0), 0)

    const2 = lambda p, b: (0, 0)

    if last:
        aux_spec = pl.BlockSpec((BLK, 1), only2)
        t_out_spec = pl.BlockSpec((G, D), const2)
        t_out_shape = jax.ShapeDtypeStruct((G, D), jnp.float32)
    else:
        aux_spec = pl.BlockSpec((NUM_BOND, D), const2)
        t_out_spec = pl.BlockSpec((NUM_BOND, BLK, D), only2_3d)
        t_out_shape = jax.ShapeDtypeStruct((NUM_BOND, NP, D), jnp.float32)

    return pl.pallas_call(
        functools.partial(_layer_body, last, relu_out),
        grid=(5, NB),
        in_specs=[
            pl.BlockSpec((BLK, D), only0),
            pl.BlockSpec((NC, BLK, D), only0_3d),
            pl.BlockSpec((D, D2), const2),
            pl.BlockSpec((1, D2), const2),
            pl.BlockSpec((1, D2), const2),
            pl.BlockSpec((1, D2), const2),
            pl.BlockSpec((D2, D), const2),
            pl.BlockSpec((1, D), const2),
            pl.BlockSpec((1, D), const2),
            pl.BlockSpec((1, D), const2),
            aux_spec,
        ],
        out_specs=[
            pl.BlockSpec((BLK, D), only2),
            t_out_spec,
        ],
        out_shape=[
            jax.ShapeDtypeStruct((NP, D), jnp.float32),
            t_out_shape,
        ],
        scratch_shapes=[
            pltpu.VMEM((NP, D2), jnp.float32),
            pltpu.VMEM((NP, D), jnp.float32),
            pltpu.VMEM((8, D2), jnp.float32),
            pltpu.VMEM((G, D), jnp.float32),
        ],
        compiler_params=pltpu.CompilerParams(
            dimension_semantics=("arbitrary", "arbitrary")),
        interpret=_INTERPRET,
    )(h, a, w1, b1, g1, be1, w2, b2, g2, be2, aux)



def kernel(batch, x, edge_index, edge_attr, atom_emb, bond_emb,
           W1, b1, g_mlp, be_mlp, W2, b2, g_out, be_out):
    f32 = jnp.float32
    i32 = jnp.int32

    xp = jnp.pad(x.astype(i32), ((0, NP - N), (0, 0)), constant_values=28)
    atom_p = jnp.pad(atom_emb, ((0, 32 - NUM_ATOM), (0, 0)))
    batch_p = jnp.pad(batch.astype(i32), (0, NP - N)).reshape(NP, 1)

    src = edge_index[0].astype(i32)
    dst = edge_index[1].astype(i32)
    gidx = edge_attr.astype(i32) * NP + src
    gidx = jnp.pad(gidx, (0, EP - E), constant_values=N)
    dstp = jnp.pad(dst, (0, EP - E)).reshape(NC, NS, NCH, C)
    gidx = gidx.reshape(NC, NS, NCH, C)
    zeros = jnp.zeros((RPT, D), f32)

    b1r = b1.reshape(L, 1, D2)
    g1r = g_mlp.reshape(L, 1, D2)
    be1r = be_mlp.reshape(L, 1, D2)
    b2r = b2.reshape(L, 1, D)
    g2r = g_out.reshape(L, 1, D)
    be2r = be_out.reshape(L, 1, D)

    h, t = _prep(xp, atom_p, bond_emb)
    for i in range(L):
        a = _sc_edge(t.reshape(NUM_BOND * NP, D), gidx, dstp, zeros)
        last = i == L - 1
        aux = batch_p if last else bond_emb
        h, t = _layer(h, a, W1[i], b1r[i], g1r[i], be1r[i],
                      W2[i], b2r[i], g2r[i], be2r[i], aux,
                      last, relu_out=not last)
    return (t, h[:N])

# --- scband reference (transcript-rebuilt; emitter-appended) ---
"""Pipeline reference for scband-zincencoder-16295105921243 (READ-ONLY COPY).

The authoritative reference and input builder live on the scoring server;
editing this copy changes nothing except your own understanding.
"""

import jax, jax.numpy as jnp
import numpy as np

N = 10000
E = 320000
D = 128
L = 5
NUM_ATOM = 28
NUM_BOND = 4
G = 512

def setup_inputs(seed: int = 0):
    key = jax.random.key(seed)
    ks = jax.random.split(key, 10)
    batch = jnp.sort(jax.random.randint(ks[0], (N,), 0, G))
    x = jax.random.randint(ks[1], (N, 1), 0, NUM_ATOM)
    edge_index = jax.random.randint(ks[2], (2, E), 0, N)
    edge_attr = jax.random.randint(ks[3], (E,), 0, NUM_BOND)
    atom_emb = jax.random.normal(ks[4], (NUM_ATOM, D), dtype=jnp.float32) * 0.1
    bond_emb = jax.random.normal(ks[5], (NUM_BOND, D), dtype=jnp.float32) * 0.1
    W1 = jax.random.normal(ks[6], (L, D, 2 * D), dtype=jnp.float32) * 0.05
    b1 = jnp.zeros((L, 2 * D), dtype=jnp.float32)
    g_mlp = jnp.ones((L, 2 * D), dtype=jnp.float32)
    be_mlp = jnp.zeros((L, 2 * D), dtype=jnp.float32)
    W2 = jax.random.normal(ks[7], (L, 2 * D, D), dtype=jnp.float32) * 0.05
    b2 = jnp.zeros((L, D), dtype=jnp.float32)
    g_out = jnp.ones((L, D), dtype=jnp.float32)
    be_out = jnp.zeros((L, D), dtype=jnp.float32)
    return {"batch": batch, "x": x, "edge_index": edge_index, "edge_attr": edge_attr, "atom_emb": atom_emb, "bond_emb": bond_emb, "W1": W1, "b1": b1, "g_mlp": g_mlp, "be_mlp": be_mlp, "W2": W2, "b2": b2, "g_out": g_out, "be_out": be_out}

def _bn(h, gamma, beta, eps=1e-5):
    mu = jnp.mean(h, axis=0)
    var = jnp.var(h, axis=0)
    return (h - mu) / jnp.sqrt(var + eps) * gamma + beta

def reference(batch, x, edge_index, edge_attr, atom_emb, bond_emb, W1, b1, g_mlp, be_mlp, W2, b2, g_out, be_out):
    # atom_embedding(x).squeeze(1): x is [N,1] int -> [N,1,D] -> [N,D]
    h = jnp.take(atom_emb, x[:, 0], axis=0)
    ea = jnp.take(bond_emb, edge_attr, axis=0)
    src = edge_index[0]
    dst = edge_index[1]
    for i in range(L):
        # GINEConv: out = nn((1+eps)*x + sum_j relu(x_j + e_ij)), eps=0
        m = jax.nn.relu(h[src] + ea)
        aggr = jax.ops.segment_sum(m, dst, num_segments=N)
        z = h + aggr
        z = z @ W1[i] + b1[i]
        z = jax.nn.relu(_bn(z, g_mlp[i], be_mlp[i]))
        z = z @ W2[i] + b2[i]
        h = _bn(z, g_out[i], be_out[i])
        if i < L - 1:
            h = jax.nn.relu(h)
        # dropout with p=0.0 is identity
    xpool = jax.ops.segment_sum(h, batch, num_segments=G)
    return (xpool, h)

if __name__ == "__main__":
    import jax
    _d = setup_inputs()
    print(jax.jit(kernel)(*tuple(_d.values())))

</pallas_src>

<mosaic_0001>
#map = affine_map<(d0, d1) -> (0, 0)>
#map1 = affine_map<(d0, d1) -> (0, 0, 0, 0)>
#map2 = affine_map<(d0, d1) -> (0, 0, 0)>
module attributes {stable_mosaic.version = 14 : i64} {
  func.func @_sc_edge_body(%arg0: i32, %arg1: i32, %arg2: memref<40960x128xf32, #tpu.memory_space<hbm>>, %arg3: memref<2x16x80x128xi32, #tpu.memory_space<hbm>>, %arg4: memref<2x16x80x128xi32, #tpu.memory_space<hbm>>, %arg5: memref<632x128xf32, #tpu.memory_space<hbm>>, %arg6: memref<2x10240x128xf32, #tpu.memory_space<hbm>>, %arg7: memref<40x128xi32, #tpu.memory_space<vmem>>, %arg8: memref<40x128xi32, #tpu.memory_space<vmem>>, %arg9: memref<128x128xf32, #tpu.memory_space<vmem>>, %arg10: memref<128x128xf32, #tpu.memory_space<vmem>>, %arg11: memref<!tpu.dma_semaphore, #tpu.memory_space<semaphore_mem>>, %arg12: memref<!tpu.dma_semaphore, #tpu.memory_space<semaphore_mem>>, %arg13: memref<10112x128xf32, #tpu.memory_space<vmem_shared>>) attributes {dimension_semantics = [#tpu.dimension_semantics<core_parallel>, #tpu.dimension_semantics<subcore_parallel>], iteration_bounds = array<i64: 2, 16>, scalar_prefetch = 0 : i64, scratch_operands = 7 : i64, tpu.core_type = #tpu.core_type<sc_vector_subcore>, window_params = [{transform_indices = #map}, {transform_indices = #map1}, {transform_indices = #map1}, {transform_indices = #map}, {transform_indices = #map2}]} {
    %mul3A = arith.constant 632 : i32
    %mul3A_0 = arith.muli %arg1, %mul3A : i32
    "tpu.region"() ({
      %run_scoped3A = tpu.sem_alloc : memref<!tpu.dma_semaphore, #tpu.memory_space<semaphore_mem>>
      %dma_start3A_30 = arith.constant 0 : i32
      %dma_start3A_31 = tpu.memref_slice %arg13[%mul3A_0, %dma_start3A_30] : memref<10112x128xf32, #tpu.memory_space<vmem_shared>> -> memref<632x128xf32, #tpu.memory_space<vmem_shared>>
      tpu.enqueue_dma source(%arg5 : memref<632x128xf32, #tpu.memory_space<hbm>>) target(%dma_start3A_31 : memref<632x128xf32, #tpu.memory_space<vmem_shared>>) target_semaphore(%run_scoped3A : memref<!tpu.dma_semaphore, #tpu.memory_space<semaphore_mem>>)
      %dma_wait3A = arith.constant 0 : i32
      %dma_wait3A_32 = tpu.memref_slice %arg13[%mul3A_0, %dma_wait3A] : memref<10112x128xf32, #tpu.memory_space<vmem_shared>> -> memref<632x128xf32, #tpu.memory_space<vmem_shared>>
      tpu.wait_dma2 semaphore(%run_scoped3A : memref<!tpu.dma_semaphore, #tpu.memory_space<semaphore_mem>>) src(%arg5 : memref<632x128xf32, #tpu.memory_space<hbm>>) dst(%dma_wait3A_32 : memref<632x128xf32, #tpu.memory_space<vmem_shared>>)
      tpu.yield
    }) : () -> ()
    %barrier3A = arith.constant 0 : index
    tpu.barrier barrier_id(%barrier3A)
    "tpu.region"() ({
      %run_scoped3A = tpu.sem_alloc : memref<!tpu.dma_semaphore, #tpu.memory_space<semaphore_mem>>
      %dma_start3A_30 = arith.constant 0 : i32
      %dma_start3A_31 = arith.constant 0 : i32
      %dma_start3A_32 = tpu.memref_slice %arg3[%arg0, %arg1, %dma_start3A_30, %dma_start3A_31] : memref<2x16x80x128xi32, #tpu.memory_space<hbm>> -> memref<1x1x40x128xi32, #tpu.memory_space<hbm>>
      %dma_start3A_33 = tpu.memref_squeeze %dma_start3A_32 : memref<1x1x40x128xi32, #tpu.memory_space<hbm>> -> memref<40x128xi32, #tpu.memory_space<hbm>>
      %dma_start3A_34 = arith.constant 0 : i32
      %dma_start3A_35 = arith.constant 0 : i32
      %dma_start3A_36 = tpu.memref_slice %arg3[%arg0, %arg1, %dma_start3A_34, %dma_start3A_35] : memref<2x16x80x128xi32, #tpu.memory_space<hbm>> -> memref<1x1x40x128xi32, #tpu.memory_space<hbm>>
      %dma_start3A_37 = tpu.memref_squeeze %dma_start3A_36 : memref<1x1x40x128xi32, #tpu.memory_space<hbm>> -> memref<40x128xi32, #tpu.memory_space<hbm>>
      tpu.enqueue_dma source(%dma_start3A_37 : memref<40x128xi32, #tpu.memory_space<hbm>>) target(%arg7 : memref<40x128xi32, #tpu.memory_space<vmem>>) target_semaphore(%run_scoped3A : memref<!tpu.dma_semaphore, #tpu.memory_space<semaphore_mem>>)
      %dma_wait3A = arith.constant 0 : i32
      %dma_wait3A_38 = arith.constant 0 : i32
      %dma_wait3A_39 = tpu.memref_slice %arg3[%arg0, %arg1, %dma_wait3A, %dma_wait3A_38] : memref<2x16x80x128xi32, #tpu.memory_space<hbm>> -> memref<1x1x40x128xi32, #tpu.memory_space<hbm>>
      %dma_wait3A_40 = tpu.memref_squeeze %dma_wait3A_39 : memref<1x1x40x128xi32, #tpu.memory_space<hbm>> -> memref<40x128xi32, #tpu.memory_space<hbm>>
      %dma_wait3A_41 = arith.constant 0 : i32
      %dma_wait3A_42 = arith.constant 0 : i32
      %dma_wait3A_43 = tpu.memref_slice %arg3[%arg0, %arg1, %dma_wait3A_41, %dma_wait3A_42] : memref<2x16x80x128xi32, #tpu.memory_space<hbm>> -> memref<1x1x40x128xi32, #tpu.memory_space<hbm>>
      %dma_wait3A_44 = tpu.memref_squeeze %dma_wait3A_43 : memref<1x1x40x128xi32, #tpu.memory_space<hbm>> -> memref<40x128xi32, #tpu.memory_space<hbm>>
      tpu.wait_dma2 semaphore(%run_scoped3A : memref<!tpu.dma_semaphore, #tpu.memory_space<semaphore_mem>>) src(%dma_wait3A_44 : memref<40x128xi32, #tpu.memory_space<hbm>>) dst(%arg7 : memref<40x128xi32, #tpu.memory_space<vmem>>)
      tpu.yield
    }) : () -> ()
    "tpu.region"() ({
      %run_scoped3A = tpu.sem_alloc : memref<!tpu.dma_semaphore, #tpu.memory_space<semaphore_mem>>
      %dma_start3A_30 = arith.constant 0 : i32
      %dma_start3A_31 = arith.constant 0 : i32
      %dma_start3A_32 = tpu.memref_slice %arg4[%arg0, %arg1, %dma_start3A_30, %dma_start3A_31] : memref<2x16x80x128xi32, #tpu.memory_space<hbm>> -> memref<1x1x40x128xi32, #tpu.memory_space<hbm>>
      %dma_start3A_33 = tpu.memref_squeeze %dma_start3A_32 : memref<1x1x40x128xi32, #tpu.memory_space<hbm>> -> memref<40x128xi32, #tpu.memory_space<hbm>>
      %dma_start3A_34 = arith.constant 0 : i32
      %dma_start3A_35 = arith.constant 0 : i32
      %dma_start3A_36 = tpu.memref_slice %arg4[%arg0, %arg1, %dma_start3A_34, %dma_start3A_35] : memref<2x16x80x128xi32, #tpu.memory_space<hbm>> -> memref<1x1x40x128xi32, #tpu.memory_space<hbm>>
      %dma_start3A_37 = tpu.memref_squeeze %dma_start3A_36 : memref<1x1x40x128xi32, #tpu.memory_space<hbm>> -> memref<40x128xi32, #tpu.memory_space<hbm>>
      tpu.enqueue_dma source(%dma_start3A_37 : memref<40x128xi32, #tpu.memory_space<hbm>>) target(%arg8 : memref<40x128xi32, #tpu.memory_space<vmem>>) target_semaphore(%run_scoped3A : memref<!tpu.dma_semaphore, #tpu.memory_space<semaphore_mem>>)
      %dma_wait3A = arith.constant 0 : i32
      %dma_wait3A_38 = arith.constant 0 : i32
      %dma_wait3A_39 = tpu.memref_slice %arg4[%arg0, %arg1, %dma_wait3A, %dma_wait3A_38] : memref<2x16x80x128xi32, #tpu.memory_space<hbm>> -> memref<1x1x40x128xi32, #tpu.memory_space<hbm>>
      %dma_wait3A_40 = tpu.memref_squeeze %dma_wait3A_39 : memref<1x1x40x128xi32, #tpu.memory_space<hbm>> -> memref<40x128xi32, #tpu.memory_space<hbm>>
      %dma_wait3A_41 = arith.constant 0 : i32
      %dma_wait3A_42 = arith.constant 0 : i32
      %dma_wait3A_43 = tpu.memref_slice %arg4[%arg0, %arg1, %dma_wait3A_41, %dma_wait3A_42] : memref<2x16x80x128xi32, #tpu.memory_space<hbm>> -> memref<1x1x40x128xi32, #tpu.memory_space<hbm>>
      %dma_wait3A_44 = tpu.memref_squeeze %dma_wait3A_43 : memref<1x1x40x128xi32, #tpu.memory_space<hbm>> -> memref<40x128xi32, #tpu.memory_space<hbm>>
      tpu.wait_dma2 semaphore(%run_scoped3A : memref<!tpu.dma_semaphore, #tpu.memory_space<semaphore_mem>>) src(%dma_wait3A_44 : memref<40x128xi32, #tpu.memory_space<hbm>>) dst(%arg8 : memref<40x128xi32, #tpu.memory_space<vmem>>)
      tpu.yield
    }) : () -> ()
    %dma_start3A = arith.constant 0 : i32
    %dma_start3A_1 = arith.constant 0 : i32
    %dma_start3A_2 = tpu.memref_slice %arg7[%dma_start3A, %dma_start3A_1] : memref<40x128xi32, #tpu.memory_space<vmem>> -> memref<1x128xi32, #tpu.memory_space<vmem>>
    %dma_start3A_3 = tpu.memref_squeeze %dma_start3A_2 : memref<1x128xi32, #tpu.memory_space<vmem>> -> memref<128xi32, #tpu.memory_space<vmem>>
    %dma_start3A_4 = arith.constant 0 : i32
    %dma_start3A_5 = arith.constant 0 : i32
    %dma_start3A_6 = tpu.memref_slice %arg2[%dma_start3A_4, %dma_start3A_5] : memref<40960x128xf32, #tpu.memory_space<hbm>> -> memref<40960x128xf32, #tpu.memory_space<hbm>>
    tpu.enqueue_indirect_dma source(%dma_start3A_6 : memref<40960x128xf32, #tpu.memory_space<hbm>>) target(%arg9 : memref<128x128xf32, #tpu.memory_space<vmem>>) offsets(%dma_start3A_3 : memref<128xi32, #tpu.memory_space<vmem>>) semaphore(%arg11 : memref<!tpu.dma_semaphore, #tpu.memory_space<semaphore_mem>>)
    %scan3A = arith.constant 0 : i32
    %scan3A_7 = arith.constant 0 : i32
    %scan3A_8 = arith.constant 20 : i32
    %scan3A_9 = arith.addi %scan3A_7, %scan3A_8 : i32
    %scan3A_10 = arith.constant 1 : i32
    scf.for %scan3A_30 = %scan3A_7 to %scan3A_9 step %scan3A_10  : i32 {
      %mul3A_31 = arith.constant 2 : i32
      %mul3A_32 = arith.muli %mul3A_31, %scan3A_30 : i32
      %add3A = arith.constant 1 : i32
      %add3A_33 = arith.addi %mul3A_32, %add3A : i32
      %dma_start3A_34 = arith.constant 0 : i32
      %dma_start3A_35 = tpu.memref_slice %arg7[%add3A_33, %dma_start3A_34] : memref<40x128xi32, #tpu.memory_space<vmem>> -> memref<1x128xi32, #tpu.memory_space<vmem>>
      %dma_start3A_36 = tpu.memref_squeeze %dma_start3A_35 : memref<1x128xi32, #tpu.memory_space<vmem>> -> memref<128xi32, #tpu.memory_space<vmem>>
      %dma_start3A_37 = arith.constant 0 : i32
      %dma_start3A_38 = arith.constant 0 : i32
      %dma_start3A_39 = tpu.memref_slice %arg2[%dma_start3A_37, %dma_start3A_38] : memref<40960x128xf32, #tpu.memory_space<hbm>> -> memref<40960x128xf32, #tpu.memory_space<hbm>>
      tpu.enqueue_indirect_dma source(%dma_start3A_39 : memref<40960x128xf32, #tpu.memory_space<hbm>>) target(%arg10 : memref<128x128xf32, #tpu.memory_space<vmem>>) offsets(%dma_start3A_36 : memref<128xi32, #tpu.memory_space<vmem>>) semaphore(%arg12 : memref<!tpu.dma_semaphore, #tpu.memory_space<semaphore_mem>>)
      %dma_wait3A = arith.constant 0 : i32
      %dma_wait3A_40 = tpu.memref_slice %arg7[%mul3A_32, %dma_wait3A] : memref<40x128xi32, #tpu.memory_space<vmem>> -> memref<1x128xi32, #tpu.memory_space<vmem>>
      %dma_wait3A_41 = tpu.memref_squeeze %dma_wait3A_40 : memref<1x128xi32, #tpu.memory_space<vmem>> -> memref<128xi32, #tpu.memory_space<vmem>>
      %dma_wait3A_42 = arith.constant 0 : i32
      %dma_wait3A_43 = arith.constant 0 : i32
      %dma_wait3A_44 = tpu.memref_slice %arg2[%dma_wait3A_42, %dma_wait3A_43] : memref<40960x128xf32, #tpu.memory_space<hbm>> -> memref<40960x128xf32, #tpu.memory_space<hbm>>
      tpu.wait_indirect_dma semaphore(%arg11 : memref<!tpu.dma_semaphore, #tpu.memory_space<semaphore_mem>>) src(%dma_wait3A_44 : memref<40960x128xf32, #tpu.memory_space<hbm>>) dst(%arg9 : memref<128x128xf32, #tpu.memory_space<vmem>>)
      "tpu.region"() ({
        %run_scoped3A = tpu.sem_alloc : memref<!tpu.dma_semaphore, #tpu.memory_space<semaphore_mem>>
        %dma_start3A_59 = arith.constant 0 : i32
        %dma_start3A_60 = tpu.memref_slice %arg8[%mul3A_32, %dma_start3A_59] : memref<40x128xi32, #tpu.memory_space<vmem>> -> memref<1x128xi32, #tpu.memory_space<vmem>>
        %dma_start3A_61 = tpu.memref_squeeze %dma_start3A_60 : memref<1x128xi32, #tpu.memory_space<vmem>> -> memref<128xi32, #tpu.memory_space<vmem>>
        %dma_start3A_62 = arith.constant 0 : i32
        %dma_start3A_63 = arith.constant 0 : i32
        %dma_start3A_64 = tpu.memref_slice %arg13[%dma_start3A_62, %dma_start3A_63] : memref<10112x128xf32, #tpu.memory_space<vmem_shared>> -> memref<10112x128xf32, #tpu.memory_space<vmem_shared>>
        tpu.enqueue_indirect_dma source(%arg9 : memref<128x128xf32, #tpu.memory_space<vmem>>) target(%dma_start3A_64 : memref<10112x128xf32, #tpu.memory_space<vmem_shared>>) offsets(%dma_start3A_61 : memref<128xi32, #tpu.memory_space<vmem>>) semaphore(%run_scoped3A : memref<!tpu.dma_semaphore, #tpu.memory_space<semaphore_mem>>) {add = true}
        %dma_wait3A_65 = arith.constant 0 : i32
        %dma_wait3A_66 = tpu.memref_slice %arg8[%mul3A_32, %dma_wait3A_65] : memref<40x128xi32, #tpu.memory_space<vmem>> -> memref<1x128xi32, #tpu.memory_space<vmem>>
        %dma_wait3A_67 = tpu.memref_squeeze %dma_wait3A_66 : memref<1x128xi32, #tpu.memory_space<vmem>> -> memref<128xi32, #tpu.memory_space<vmem>>
        %dma_wait3A_68 = arith.constant 0 : i32
        %dma_wait3A_69 = arith.constant 0 : i32
        %dma_wait3A_70 = tpu.memref_slice %arg13[%dma_wait3A_68, %dma_wait3A_69] : memref<10112x128xf32, #tpu.memory_space<vmem_shared>> -> memref<10112x128xf32, #tpu.memory_space<vmem_shared>>
        tpu.wait_indirect_dma semaphore(%run_scoped3A : memref<!tpu.dma_semaphore, #tpu.memory_space<semaphore_mem>>) src(%arg9 : memref<128x128xf32, #tpu.memory_space<vmem>>) dst(%dma_wait3A_70 : memref<10112x128xf32, #tpu.memory_space<vmem_shared>>)
        tpu.yield
      }) : () -> ()
      %add3A_45 = arith.constant 2 : i32
      %add3A_46 = arith.addi %mul3A_32, %add3A_45 : i32
      %lt3A = arith.constant 40 : i32
      %lt3A_47 = arith.cmpi slt, %add3A_46, %lt3A : i32
      %convert_element_type3A = arith.extui %lt3A_47 : i1 to i32
      %cond3A = arith.constant 0 : i32
      %cond3A_48 = arith.cmpi ne, %convert_element_type3A, %cond3A : i32
      scf.if %cond3A_48 {
        %add3A_59 = arith.constant 2 : i32
        %add3A_60 = arith.addi %mul3A_32, %add3A_59 : i32
        %dma_start3A_61 = arith.constant 0 : i32
        %dma_start3A_62 = tpu.memref_slice %arg7[%add3A_60, %dma_start3A_61] : memref<40x128xi32, #tpu.memory_space<vmem>> -> memref<1x128xi32, #tpu.memory_space<vmem>>
        %dma_start3A_63 = tpu.memref_squeeze %dma_start3A_62 : memref<1x128xi32, #tpu.memory_space<vmem>> -> memref<128xi32, #tpu.memory_space<vmem>>
        %dma_start3A_64 = arith.constant 0 : i32
        %dma_start3A_65 = arith.constant 0 : i32
        %dma_start3A_66 = tpu.memref_slice %arg2[%dma_start3A_64, %dma_start3A_65] : memref<40960x128xf32, #tpu.memory_space<hbm>> -> memref<40960x128xf32, #tpu.memory_space<hbm>>
        tpu.enqueue_indirect_dma source(%dma_start3A_66 : memref<40960x128xf32, #tpu.memory_space<hbm>>) target(%arg9 : memref<128x128xf32, #tpu.memory_space<vmem>>) offsets(%dma_start3A_63 : memref<128xi32, #tpu.memory_space<vmem>>) semaphore(%arg11 : memref<!tpu.dma_semaphore, #tpu.memory_space<semaphore_mem>>)
      } else {
      }
      %add3A_49 = arith.constant 1 : i32
      %add3A_50 = arith.addi %mul3A_32, %add3A_49 : i32
      %dma_wait3A_51 = arith.constant 0 : i32
      %dma_wait3A_52 = tpu.memref_slice %arg7[%add3A_50, %dma_wait3A_51] : memref<40x128xi32, #tpu.memory_space<vmem>> -> memref<1x128xi32, #tpu.memory_space<vmem>>
      %dma_wait3A_53 = tpu.memref_squeeze %dma_wait3A_52 : memref<1x128xi32, #tpu.memory_space<vmem>> -> memref<128xi32, #tpu.memory_space<vmem>>
      %dma_wait3A_54 = arith.constant 0 : i32
      %dma_wait3A_55 = arith.constant 0 : i32
      %dma_wait3A_56 = tpu.memref_slice %arg2[%dma_wait3A_54, %dma_wait3A_55] : memref<40960x128xf32, #tpu.memory_space<hbm>> -> memref<40960x128xf32, #tpu.memory_space<hbm>>
      tpu.wait_indirect_dma semaphore(%arg12 : memref<!tpu.dma_semaphore, #tpu.memory_space<semaphore_mem>>) src(%dma_wait3A_56 : memref<40960x128xf32, #tpu.memory_space<hbm>>) dst(%arg10 : memref<128x128xf32, #tpu.memory_space<vmem>>)
      %add3A_57 = arith.constant 1 : i32
      %add3A_58 = arith.addi %mul3A_32, %add3A_57 : i32
      "tpu.region"() ({
        %run_scoped3A = tpu.sem_alloc : memref<!tpu.dma_semaphore, #tpu.memory_space<semaphore_mem>>
        %dma_start3A_59 = arith.constant 0 : i32
        %dma_start3A_60 = tpu.memref_slice %arg8[%add3A_58, %dma_start3A_59] : memref<40x128xi32, #tpu.memory_space<vmem>> -> memref<1x128xi32, #tpu.memory_space<vmem>>
        %dma_start3A_61 = tpu.memref_squeeze %dma_start3A_60 : memref<1x128xi32, #tpu.memory_space<vmem>> -> memref<128xi32, #tpu.memory_space<vmem>>
        %dma_start3A_62 = arith.constant 0 : i32
        %dma_start3A_63 = arith.constant 0 : i32
        %dma_start3A_64 = tpu.memref_slice %arg13[%dma_start3A_62, %dma_start3A_63] : memref<10112x128xf32, #tpu.memory_space<vmem_shared>> -> memref<10112x128xf32, #tpu.memory_space<vmem_shared>>
        tpu.enqueue_indirect_dma source(%arg10 : memref<128x128xf32, #tpu.memory_space<vmem>>) target(%dma_start3A_64 : memref<10112x128xf32, #tpu.memory_space<vmem_shared>>) offsets(%dma_start3A_61 : memref<128xi32, #tpu.memory_space<vmem>>) semaphore(%run_scoped3A : memref<!tpu.dma_semaphore, #tpu.memory_space<semaphore_mem>>) {add = true}
        %dma_wait3A_65 = arith.constant 0 : i32
        %dma_wait3A_66 = tpu.memref_slice %arg8[%add3A_58, %dma_wait3A_65] : memref<40x128xi32, #tpu.memory_space<vmem>> -> memref<1x128xi32, #tpu.memory_space<vmem>>
        %dma_wait3A_67 = tpu.memref_squeeze %dma_wait3A_66 : memref<1x128xi32, #tpu.memory_space<vmem>> -> memref<128xi32, #tpu.memory_space<vmem>>
        %dma_wait3A_68 = arith.constant 0 : i32
        %dma_wait3A_69 = arith.constant 0 : i32
        %dma_wait3A_70 = tpu.memref_slice %arg13[%dma_wait3A_68, %dma_wait3A_69] : memref<10112x128xf32, #tpu.memory_space<vmem_shared>> -> memref<10112x128xf32, #tpu.memory_space<vmem_shared>>
        tpu.wait_indirect_dma semaphore(%run_scoped3A : memref<!tpu.dma_semaphore, #tpu.memory_space<semaphore_mem>>) src(%arg10 : memref<128x128xf32, #tpu.memory_space<vmem>>) dst(%dma_wait3A_70 : memref<10112x128xf32, #tpu.memory_space<vmem_shared>>)
        tpu.yield
      }) : () -> ()
    }
    %scan3A_11 = arith.constant 20 : i32
    "tpu.region"() ({
      %run_scoped3A = tpu.sem_alloc : memref<!tpu.dma_semaphore, #tpu.memory_space<semaphore_mem>>
      %dma_start3A_30 = arith.constant 40 : i32
      %dma_start3A_31 = arith.constant 0 : i32
      %dma_start3A_32 = tpu.memref_slice %arg3[%arg0, %arg1, %dma_start3A_30, %dma_start3A_31] : memref<2x16x80x128xi32, #tpu.memory_space<hbm>> -> memref<1x1x40x128xi32, #tpu.memory_space<hbm>>
      %dma_start3A_33 = tpu.memref_squeeze %dma_start3A_32 : memref<1x1x40x128xi32, #tpu.memory_space<hbm>> -> memref<40x128xi32, #tpu.memory_space<hbm>>
      %dma_start3A_34 = arith.constant 40 : i32
      %dma_start3A_35 = arith.constant 0 : i32
      %dma_start3A_36 = tpu.memref_slice %arg3[%arg0, %arg1, %dma_start3A_34, %dma_start3A_35] : memref<2x16x80x128xi32, #tpu.memory_space<hbm>> -> memref<1x1x40x128xi32, #tpu.memory_space<hbm>>
      %dma_start3A_37 = tpu.memref_squeeze %dma_start3A_36 : memref<1x1x40x128xi32, #tpu.memory_space<hbm>> -> memref<40x128xi32, #tpu.memory_space<hbm>>
      tpu.enqueue_dma source(%dma_start3A_37 : memref<40x128xi32, #tpu.memory_space<hbm>>) target(%arg7 : memref<40x128xi32, #tpu.memory_space<vmem>>) target_semaphore(%run_scoped3A : memref<!tpu.dma_semaphore, #tpu.memory_space<semaphore_mem>>)
      %dma_wait3A = arith.constant 40 : i32
      %dma_wait3A_38 = arith.constant 0 : i32
      %dma_wait3A_39 = tpu.memref_slice %arg3[%arg0, %arg1, %dma_wait3A, %dma_wait3A_38] : memref<2x16x80x128xi32, #tpu.memory_space<hbm>> -> memref<1x1x40x128xi32, #tpu.memory_space<hbm>>
      %dma_wait3A_40 = tpu.memref_squeeze %dma_wait3A_39 : memref<1x1x40x128xi32, #tpu.memory_space<hbm>> -> memref<40x128xi32, #tpu.memory_space<hbm>>
      %dma_wait3A_41 = arith.constant 40 : i32
      %dma_wait3A_42 = arith.constant 0 : i32
      %dma_wait3A_43 = tpu.memref_slice %arg3[%arg0, %arg1, %dma_wait3A_41, %dma_wait3A_42] : memref<2x16x80x128xi32, #tpu.memory_space<hbm>> -> memref<1x1x40x128xi32, #tpu.memory_space<hbm>>
      %dma_wait3A_44 = tpu.memref_squeeze %dma_wait3A_43 : memref<1x1x40x128xi32, #tpu.memory_space<hbm>> -> memref<40x128xi32, #tpu.memory_space<hbm>>
      tpu.wait_dma2 semaphore(%run_scoped3A : memref<!tpu.dma_semaphore, #tpu.memory_space<semaphore_mem>>) src(%dma_wait3A_44 : memref<40x128xi32, #tpu.memory_space<hbm>>) dst(%arg7 : memref<40x128xi32, #tpu.memory_space<vmem>>)
      tpu.yield
    }) : () -> ()
    "tpu.region"() ({
      %run_scoped3A = tpu.sem_alloc : memref<!tpu.dma_semaphore, #tpu.memory_space<semaphore_mem>>
      %dma_start3A_30 = arith.constant 40 : i32
      %dma_start3A_31 = arith.constant 0 : i32
      %dma_start3A_32 = tpu.memref_slice %arg4[%arg0, %arg1, %dma_start3A_30, %dma_start3A_31] : memref<2x16x80x128xi32, #tpu.memory_space<hbm>> -> memref<1x1x40x128xi32, #tpu.memory_space<hbm>>
      %dma_start3A_33 = tpu.memref_squeeze %dma_start3A_32 : memref<1x1x40x128xi32, #tpu.memory_space<hbm>> -> memref<40x128xi32, #tpu.memory_space<hbm>>
      %dma_start3A_34 = arith.constant 40 : i32
      %dma_start3A_35 = arith.constant 0 : i32
      %dma_start3A_36 = tpu.memref_slice %arg4[%arg0, %arg1, %dma_start3A_34, %dma_start3A_35] : memref<2x16x80x128xi32, #tpu.memory_space<hbm>> -> memref<1x1x40x128xi32, #tpu.memory_space<hbm>>
      %dma_start3A_37 = tpu.memref_squeeze %dma_start3A_36 : memref<1x1x40x128xi32, #tpu.memory_space<hbm>> -> memref<40x128xi32, #tpu.memory_space<hbm>>
      tpu.enqueue_dma source(%dma_start3A_37 : memref<40x128xi32, #tpu.memory_space<hbm>>) target(%arg8 : memref<40x128xi32, #tpu.memory_space<vmem>>) target_semaphore(%run_scoped3A : memref<!tpu.dma_semaphore, #tpu.memory_space<semaphore_mem>>)
      %dma_wait3A = arith.constant 40 : i32
      %dma_wait3A_38 = arith.constant 0 : i32
      %dma_wait3A_39 = tpu.memref_slice %arg4[%arg0, %arg1, %dma_wait3A, %dma_wait3A_38] : memref<2x16x80x128xi32, #tpu.memory_space<hbm>> -> memref<1x1x40x128xi32, #tpu.memory_space<hbm>>
      %dma_wait3A_40 = tpu.memref_squeeze %dma_wait3A_39 : memref<1x1x40x128xi32, #tpu.memory_space<hbm>> -> memref<40x128xi32, #tpu.memory_space<hbm>>
      %dma_wait3A_41 = arith.constant 40 : i32
      %dma_wait3A_42 = arith.constant 0 : i32
      %dma_wait3A_43 = tpu.memref_slice %arg4[%arg0, %arg1, %dma_wait3A_41, %dma_wait3A_42] : memref<2x16x80x128xi32, #tpu.memory_space<hbm>> -> memref<1x1x40x128xi32, #tpu.memory_space<hbm>>
      %dma_wait3A_44 = tpu.memref_squeeze %dma_wait3A_43 : memref<1x1x40x128xi32, #tpu.memory_space<hbm>> -> memref<40x128xi32, #tpu.memory_space<hbm>>
      tpu.wait_dma2 semaphore(%run_scoped3A : memref<!tpu.dma_semaphore, #tpu.memory_space<semaphore_mem>>) src(%dma_wait3A_44 : memref<40x128xi32, #tpu.memory_space<hbm>>) dst(%arg8 : memref<40x128xi32, #tpu.memory_space<vmem>>)
      tpu.yield
    }) : () -> ()
    %dma_start3A_12 = arith.constant 0 : i32
    %dma_start3A_13 = arith.constant 0 : i32
    %dma_start3A_14 = tpu.memref_slice %arg7[%dma_start3A_12, %dma_start3A_13] : memref<40x128xi32, #tpu.memory_space<vmem>> -> memref<1x128xi32, #tpu.memory_space<vmem>>
    %dma_start3A_15 = tpu.memref_squeeze %dma_start3A_14 : memref<1x128xi32, #tpu.memory_space<vmem>> -> memref<128xi32, #tpu.memory_space<vmem>>
    %dma_start3A_16 = arith.constant 0 : i32
    %dma_start3A_17 = arith.constant 0 : i32
    %dma_start3A_18 = tpu.memref_slice %arg2[%dma_start3A_16, %dma_start3A_17] : memref<40960x128xf32, #tpu.memory_space<hbm>> -> memref<40960x128xf32, #tpu.memory_space<hbm>>
    tpu.enqueue_indirect_dma source(%dma_start3A_18 : memref<40960x128xf32, #tpu.memory_space<hbm>>) target(%arg9 : memref<128x128xf32, #tpu.memory_space<vmem>>) offsets(%dma_start3A_15 : memref<128xi32, #tpu.memory_space<vmem>>) semaphore(%arg11 : memref<!tpu.dma_semaphore, #tpu.memory_space<semaphore_mem>>)
    %scan3A_19 = arith.constant 0 : i32
    %scan3A_20 = arith.constant 0 : i32
    %scan3A_21 = arith.constant 20 : i32
    %scan3A_22 = arith.addi %scan3A_20, %scan3A_21 : i32
    %scan3A_23 = arith.constant 1 : i32
    scf.for %scan3A_30 = %scan3A_20 to %scan3A_22 step %scan3A_23  : i32 {
      %mul3A_31 = arith.constant 2 : i32
      %mul3A_32 = arith.muli %mul3A_31, %scan3A_30 : i32
      %add3A = arith.constant 1 : i32
      %add3A_33 = arith.addi %mul3A_32, %add3A : i32
      %dma_start3A_34 = arith.constant 0 : i32
      %dma_start3A_35 = tpu.memref_slice %arg7[%add3A_33, %dma_start3A_34] : memref<40x128xi32, #tpu.memory_space<vmem>> -> memref<1x128xi32, #tpu.memory_space<vmem>>
      %dma_start3A_36 = tpu.memref_squeeze %dma_start3A_35 : memref<1x128xi32, #tpu.memory_space<vmem>> -> memref<128xi32, #tpu.memory_space<vmem>>
      %dma_start3A_37 = arith.constant 0 : i32
      %dma_start3A_38 = arith.constant 0 : i32
      %dma_start3A_39 = tpu.memref_slice %arg2[%dma_start3A_37, %dma_start3A_38] : memref<40960x128xf32, #tpu.memory_space<hbm>> -> memref<40960x128xf32, #tpu.memory_space<hbm>>
      tpu.enqueue_indirect_dma source(%dma_start3A_39 : memref<40960x128xf32, #tpu.memory_space<hbm>>) target(%arg10 : memref<128x128xf32, #tpu.memory_space<vmem>>) offsets(%dma_start3A_36 : memref<128xi32, #tpu.memory_space<vmem>>) semaphore(%arg12 : memref<!tpu.dma_semaphore, #tpu.memory_space<semaphore_mem>>)
      %dma_wait3A = arith.constant 0 : i32
      %dma_wait3A_40 = tpu.memref_slice %arg7[%mul3A_32, %dma_wait3A] : memref<40x128xi32, #tpu.memory_space<vmem>> -> memref<1x128xi32, #tpu.memory_space<vmem>>
      %dma_wait3A_41 = tpu.memref_squeeze %dma_wait3A_40 : memref<1x128xi32, #tpu.memory_space<vmem>> -> memref<128xi32, #tpu.memory_space<vmem>>
      %dma_wait3A_42 = arith.constant 0 : i32
      %dma_wait3A_43 = arith.constant 0 : i32
      %dma_wait3A_44 = tpu.memref_slice %arg2[%dma_wait3A_42, %dma_wait3A_43] : memref<40960x128xf32, #tpu.memory_space<hbm>> -> memref<40960x128xf32, #tpu.memory_space<hbm>>
      tpu.wait_indirect_dma semaphore(%arg11 : memref<!tpu.dma_semaphore, #tpu.memory_space<semaphore_mem>>) src(%dma_wait3A_44 : memref<40960x128xf32, #tpu.memory_space<hbm>>) dst(%arg9 : memref<128x128xf32, #tpu.memory_space<vmem>>)
      "tpu.region"() ({
        %run_scoped3A = tpu.sem_alloc : memref<!tpu.dma_semaphore, #tpu.memory_space<semaphore_mem>>
        %dma_start3A_59 = arith.constant 0 : i32
        %dma_start3A_60 = tpu.memref_slice %arg8[%mul3A_32, %dma_start3A_59] : memref<40x128xi32, #tpu.memory_space<vmem>> -> memref<1x128xi32, #tpu.memory_space<vmem>>
        %dma_start3A_61 = tpu.memref_squeeze %dma_start3A_60 : memref<1x128xi32, #tpu.memory_space<vmem>> -> memref<128xi32, #tpu.memory_space<vmem>>
        %dma_start3A_62 = arith.constant 0 : i32
        %dma_start3A_63 = arith.constant 0 : i32
        %dma_start3A_64 = tpu.memref_slice %arg13[%dma_start3A_62, %dma_start3A_63] : memref<10112x128xf32, #tpu.memory_space<vmem_shared>> -> memref<10112x128xf32, #tpu.memory_space<vmem_shared>>
        tpu.enqueue_indirect_dma source(%arg9 : memref<128x128xf32, #tpu.memory_space<vmem>>) target(%dma_start3A_64 : memref<10112x128xf32, #tpu.memory_space<vmem_shared>>) offsets(%dma_start3A_61 : memref<128xi32, #tpu.memory_space<vmem>>) semaphore(%run_scoped3A : memref<!tpu.dma_semaphore, #tpu.memory_space<semaphore_mem>>) {add = true}
        %dma_wait3A_65 = arith.constant 0 : i32
        %dma_wait3A_66 = tpu.memref_slice %arg8[%mul3A_32, %dma_wait3A_65] : memref<40x128xi32, #tpu.memory_space<vmem>> -> memref<1x128xi32, #tpu.memory_space<vmem>>
        %dma_wait3A_67 = tpu.memref_squeeze %dma_wait3A_66 : memref<1x128xi32, #tpu.memory_space<vmem>> -> memref<128xi32, #tpu.memory_space<vmem>>
        %dma_wait3A_68 = arith.constant 0 : i32
        %dma_wait3A_69 = arith.constant 0 : i32
        %dma_wait3A_70 = tpu.memref_slice %arg13[%dma_wait3A_68, %dma_wait3A_69] : memref<10112x128xf32, #tpu.memory_space<vmem_shared>> -> memref<10112x128xf32, #tpu.memory_space<vmem_shared>>
        tpu.wait_indirect_dma semaphore(%run_scoped3A : memref<!tpu.dma_semaphore, #tpu.memory_space<semaphore_mem>>) src(%arg9 : memref<128x128xf32, #tpu.memory_space<vmem>>) dst(%dma_wait3A_70 : memref<10112x128xf32, #tpu.memory_space<vmem_shared>>)
        tpu.yield
      }) : () -> ()
      %add3A_45 = arith.constant 2 : i32
      %add3A_46 = arith.addi %mul3A_32, %add3A_45 : i32
      %lt3A = arith.constant 40 : i32
      %lt3A_47 = arith.cmpi slt, %add3A_46, %lt3A : i32
      %convert_element_type3A = arith.extui %lt3A_47 : i1 to i32
      %cond3A = arith.constant 0 : i32
      %cond3A_48 = arith.cmpi ne, %convert_element_type3A, %cond3A : i32
      scf.if %cond3A_48 {
        %add3A_59 = arith.constant 2 : i32
        %add3A_60 = arith.addi %mul3A_32, %add3A_59 : i32
        %dma_start3A_61 = arith.constant 0 : i32
        %dma_start3A_62 = tpu.memref_slice %arg7[%add3A_60, %dma_start3A_61] : memref<40x128xi32, #tpu.memory_space<vmem>> -> memref<1x128xi32, #tpu.memory_space<vmem>>
        %dma_start3A_63 = tpu.memref_squeeze %dma_start3A_62 : memref<1x128xi32, #tpu.memory_space<vmem>> -> memref<128xi32, #tpu.memory_space<vmem>>
        %dma_start3A_64 = arith.constant 0 : i32
        %dma_start3A_65 = arith.constant 0 : i32
        %dma_start3A_66 = tpu.memref_slice %arg2[%dma_start3A_64, %dma_start3A_65] : memref<40960x128xf32, #tpu.memory_space<hbm>> -> memref<40960x128xf32, #tpu.memory_space<hbm>>
        tpu.enqueue_indirect_dma source(%dma_start3A_66 : memref<40960x128xf32, #tpu.memory_space<hbm>>) target(%arg9 : memref<128x128xf32, #tpu.memory_space<vmem>>) offsets(%dma_start3A_63 : memref<128xi32, #tpu.memory_space<vmem>>) semaphore(%arg11 : memref<!tpu.dma_semaphore, #tpu.memory_space<semaphore_mem>>)
      } else {
      }
      %add3A_49 = arith.constant 1 : i32
      %add3A_50 = arith.addi %mul3A_32, %add3A_49 : i32
      %dma_wait3A_51 = arith.constant 0 : i32
      %dma_wait3A_52 = tpu.memref_slice %arg7[%add3A_50, %dma_wait3A_51] : memref<40x128xi32, #tpu.memory_space<vmem>> -> memref<1x128xi32, #tpu.memory_space<vmem>>
      %dma_wait3A_53 = tpu.memref_squeeze %dma_wait3A_52 : memref<1x128xi32, #tpu.memory_space<vmem>> -> memref<128xi32, #tpu.memory_space<vmem>>
      %dma_wait3A_54 = arith.constant 0 : i32
      %dma_wait3A_55 = arith.constant 0 : i32
      %dma_wait3A_56 = tpu.memref_slice %arg2[%dma_wait3A_54, %dma_wait3A_55] : memref<40960x128xf32, #tpu.memory_space<hbm>> -> memref<40960x128xf32, #tpu.memory_space<hbm>>
      tpu.wait_indirect_dma semaphore(%arg12 : memref<!tpu.dma_semaphore, #tpu.memory_space<semaphore_mem>>) src(%dma_wait3A_56 : memref<40960x128xf32, #tpu.memory_space<hbm>>) dst(%arg10 : memref<128x128xf32, #tpu.memory_space<vmem>>)
      %add3A_57 = arith.constant 1 : i32
      %add3A_58 = arith.addi %mul3A_32, %add3A_57 : i32
      "tpu.region"() ({
        %run_scoped3A = tpu.sem_alloc : memref<!tpu.dma_semaphore, #tpu.memory_space<semaphore_mem>>
        %dma_start3A_59 = arith.constant 0 : i32
        %dma_start3A_60 = tpu.memref_slice %arg8[%add3A_58, %dma_start3A_59] : memref<40x128xi32, #tpu.memory_space<vmem>> -> memref<1x128xi32, #tpu.memory_space<vmem>>
        %dma_start3A_61 = tpu.memref_squeeze %dma_start3A_60 : memref<1x128xi32, #tpu.memory_space<vmem>> -> memref<128xi32, #tpu.memory_space<vmem>>
        %dma_start3A_62 = arith.constant 0 : i32
        %dma_start3A_63 = arith.constant 0 : i32
        %dma_start3A_64 = tpu.memref_slice %arg13[%dma_start3A_62, %dma_start3A_63] : memref<10112x128xf32, #tpu.memory_space<vmem_shared>> -> memref<10112x128xf32, #tpu.memory_space<vmem_shared>>
        tpu.enqueue_indirect_dma source(%arg10 : memref<128x128xf32, #tpu.memory_space<vmem>>) target(%dma_start3A_64 : memref<10112x128xf32, #tpu.memory_space<vmem_shared>>) offsets(%dma_start3A_61 : memref<128xi32, #tpu.memory_space<vmem>>) semaphore(%run_scoped3A : memref<!tpu.dma_semaphore, #tpu.memory_space<semaphore_mem>>) {add = true}
        %dma_wait3A_65 = arith.constant 0 : i32
        %dma_wait3A_66 = tpu.memref_slice %arg8[%add3A_58, %dma_wait3A_65] : memref<40x128xi32, #tpu.memory_space<vmem>> -> memref<1x128xi32, #tpu.memory_space<vmem>>
        %dma_wait3A_67 = tpu.memref_squeeze %dma_wait3A_66 : memref<1x128xi32, #tpu.memory_space<vmem>> -> memref<128xi32, #tpu.memory_space<vmem>>
        %dma_wait3A_68 = arith.constant 0 : i32
        %dma_wait3A_69 = arith.constant 0 : i32
        %dma_wait3A_70 = tpu.memref_slice %arg13[%dma_wait3A_68, %dma_wait3A_69] : memref<10112x128xf32, #tpu.memory_space<vmem_shared>> -> memref<10112x128xf32, #tpu.memory_space<vmem_shared>>
        tpu.wait_indirect_dma semaphore(%run_scoped3A : memref<!tpu.dma_semaphore, #tpu.memory_space<semaphore_mem>>) src(%arg10 : memref<128x128xf32, #tpu.memory_space<vmem>>) dst(%dma_wait3A_70 : memref<10112x128xf32, #tpu.memory_space<vmem_shared>>)
        tpu.yield
      }) : () -> ()
    }
    %scan3A_24 = arith.constant 20 : i32
    %barrier3A_25 = arith.constant 0 : index
    tpu.barrier barrier_id(%barrier3A_25)
    %mul3A_26 = arith.constant 632 : i32
    %mul3A_27 = arith.muli %arg1, %mul3A_26 : i32
    %mul3A_28 = arith.constant 632 : i32
    %mul3A_29 = arith.muli %arg1, %mul3A_28 : i32
    "tpu.region"() ({
      %run_scoped3A = tpu.sem_alloc : memref<!tpu.dma_semaphore, #tpu.memory_space<semaphore_mem>>
      %dma_start3A_30 = arith.constant 0 : i32
      %dma_start3A_31 = tpu.memref_slice %arg6[%arg0, %mul3A_29, %dma_start3A_30] : memref<2x10240x128xf32, #tpu.memory_space<hbm>> -> memref<1x632x128xf32, #tpu.memory_space<hbm>>
      %dma_start3A_32 = tpu.memref_squeeze %dma_start3A_31 : memref<1x632x128xf32, #tpu.memory_space<hbm>> -> memref<632x128xf32, #tpu.memory_space<hbm>>
      %dma_start3A_33 = arith.constant 0 : i32
      %dma_start3A_34 = tpu.memref_slice %arg13[%mul3A_27, %dma_start3A_33] : memref<10112x128xf32, #tpu.memory_space<vmem_shared>> -> memref<632x128xf32, #tpu.memory_space<vmem_shared>>
      tpu.enqueue_dma source(%dma_start3A_34 : memref<632x128xf32, #tpu.memory_space<vmem_shared>>) target(%dma_start3A_32 : memref<632x128xf32, #tpu.memory_space<hbm>>) target_semaphore(%run_scoped3A : memref<!tpu.dma_semaphore, #tpu.memory_space<semaphore_mem>>)
      %dma_wait3A = arith.constant 0 : i32
      %dma_wait3A_35 = tpu.memref_slice %arg6[%arg0, %mul3A_29, %dma_wait3A] : memref<2x10240x128xf32, #tpu.memory_space<hbm>> -> memref<1x632x128xf32, #tpu.memory_space<hbm>>
      %dma_wait3A_36 = tpu.memref_squeeze %dma_wait3A_35 : memref<1x632x128xf32, #tpu.memory_space<hbm>> -> memref<632x128xf32, #tpu.memory_space<hbm>>
      %dma_wait3A_37 = arith.constant 0 : i32
      %dma_wait3A_38 = tpu.memref_slice %arg13[%mul3A_27, %dma_wait3A_37] : memref<10112x128xf32, #tpu.memory_space<vmem_shared>> -> memref<632x128xf32, #tpu.memory_space<vmem_shared>>
      tpu.wait_dma2 semaphore(%run_scoped3A : memref<!tpu.dma_semaphore, #tpu.memory_space<semaphore_mem>>) src(%dma_wait3A_38 : memref<632x128xf32, #tpu.memory_space<vmem_shared>>) dst(%dma_wait3A_36 : memref<632x128xf32, #tpu.memory_space<hbm>>)
      tpu.yield
    }) : () -> ()
    return
  }
}

#map = affine_map<(d0, d1) -> (0, 0)>
#map1 = affine_map<(d0, d1) -> (0, 0, 0, 0)>
#map2 = affine_map<(d0, d1) -> (0, 0, 0)>
module attributes {stable_mosaic.version = 14 : i64} {
  func.func @_sc_edge_body(%arg0: i32, %arg1: i32, %arg2: memref<40960x128xf32, #tpu.memory_space<hbm>>, %arg3: memref<2x16x80x128xi32, #tpu.memory_space<hbm>>, %arg4: memref<2x16x80x128xi32, #tpu.memory_space<hbm>>, %arg5: memref<632x128xf32, #tpu.memory_space<hbm>>, %arg6: memref<2x10240x128xf32, #tpu.memory_space<hbm>>, %arg7: memref<40x128xi32, #tpu.memory_space<vmem>>, %arg8: memref<40x128xi32, #tpu.memory_space<vmem>>, %arg9: memref<128x128xf32, #tpu.memory_space<vmem>>, %arg10: memref<128x128xf32, #tpu.memory_space<vmem>>, %arg11: memref<!tpu.dma_semaphore, #tpu.memory_space<semaphore_mem>>, %arg12: memref<!tpu.dma_semaphore, #tpu.memory_space<semaphore_mem>>, %arg13: memref<10112x128xf32, #tpu.memory_space<vmem_shared>>) attributes {dimension_semantics = [#tpu.dimension_semantics<core_parallel>, #tpu.dimension_semantics<subcore_parallel>], iteration_bounds = array<i64: 2, 16>, scalar_prefetch = 0 : i64, scratch_operands = 7 : i64, tpu.core_type = #tpu.core_type<sc_vector_subcore>, window_params = [{transform_indices = #map}, {transform_indices = #map1}, {transform_indices = #map1}, {transform_indices = #map}, {transform_indices = #map2}]} {
    %mul3A = arith.constant 632 : i32
    %mul3A_0 = arith.muli %arg1, %mul3A : i32
    "tpu.region"() ({
      %run_scoped3A = tpu.sem_alloc : memref<!tpu.dma_semaphore, #tpu.memory_space<semaphore_mem>>
      %dma_start3A_30 = arith.constant 0 : i32
      %dma_start3A_31 = tpu.memref_slice %arg13[%mul3A_0, %dma_start3A_30] : memref<10112x128xf32, #tpu.memory_space<vmem_shared>> -> memref<632x128xf32, #tpu.memory_space<vmem_shared>>
      tpu.enqueue_dma source(%arg5 : memref<632x128xf32, #tpu.memory_space<hbm>>) target(%dma_start3A_31 : memref<632x128xf32, #tpu.memory_space<vmem_shared>>) target_semaphore(%run_scoped3A : memref<!tpu.dma_semaphore, #tpu.memory_space<semaphore_mem>>)
      %dma_wait3A = arith.constant 0 : i32
      %dma_wait3A_32 = tpu.memref_slice %arg13[%mul3A_0, %dma_wait3A] : memref<10112x128xf32, #tpu.memory_space<vmem_shared>> -> memref<632x128xf32, #tpu.memory_space<vmem_shared>>
      tpu.wait_dma2 semaphore(%run_scoped3A : memref<!tpu.dma_semaphore, #tpu.memory_space<semaphore_mem>>) src(%arg5 : memref<632x128xf32, #tpu.memory_space<hbm>>) dst(%dma_wait3A_32 : memref<632x128xf32, #tpu.memory_space<vmem_shared>>)
      tpu.yield
    }) : () -> ()
    %barrier3A = arith.constant 0 : index
    tpu.barrier barrier_id(%barrier3A)
    "tpu.region"() ({
      %run_scoped3A = tpu.sem_alloc : memref<!tpu.dma_semaphore, #tpu.memory_space<semaphore_mem>>
      %dma_start3A_30 = arith.constant 0 : i32
      %dma_start3A_31 = arith.constant 0 : i32
      %dma_start3A_32 = tpu.memref_slice %arg3[%arg0, %arg1, %dma_start3A_30, %dma_start3A_31] : memref<2x16x80x128xi32, #tpu.memory_space<hbm>> -> memref<1x1x40x128xi32, #tpu.memory_space<hbm>>
      %dma_start3A_33 = tpu.memref_squeeze %dma_start3A_32 : memref<1x1x40x128xi32, #tpu.memory_space<hbm>> -> memref<40x128xi32, #tpu.memory_space<hbm>>
      %dma_start3A_34 = arith.constant 0 : i32
      %dma_start3A_35 = arith.constant 0 : i32
      %dma_start3A_36 = tpu.memref_slice %arg3[%arg0, %arg1, %dma_start3A_34, %dma_start3A_35] : memref<2x16x80x128xi32, #tpu.memory_space<hbm>> -> memref<1x1x40x128xi32, #tpu.memory_space<hbm>>
      %dma_start3A_37 = tpu.memref_squeeze %dma_start3A_36 : memref<1x1x40x128xi32, #tpu.memory_space<hbm>> -> memref<40x128xi32, #tpu.memory_space<hbm>>
      tpu.enqueue_dma source(%dma_start3A_37 : memref<40x128xi32, #tpu.memory_space<hbm>>) target(%arg7 : memref<40x128xi32, #tpu.memory_space<vmem>>) target_semaphore(%run_scoped3A : memref<!tpu.dma_semaphore, #tpu.memory_space<semaphore_mem>>)
      %dma_wait3A = arith.constant 0 : i32
      %dma_wait3A_38 = arith.constant 0 : i32
      %dma_wait3A_39 = tpu.memref_slice %arg3[%arg0, %arg1, %dma_wait3A, %dma_wait3A_38] : memref<2x16x80x128xi32, #tpu.memory_space<hbm>> -> memref<1x1x40x128xi32, #tpu.memory_space<hbm>>
      %dma_wait3A_40 = tpu.memref_squeeze %dma_wait3A_39 : memref<1x1x40x128xi32, #tpu.memory_space<hbm>> -> memref<40x128xi32, #tpu.memory_space<hbm>>
      %dma_wait3A_41 = arith.constant 0 : i32
      %dma_wait3A_42 = arith.constant 0 : i32
      %dma_wait3A_43 = tpu.memref_slice %arg3[%arg0, %arg1, %dma_wait3A_41, %dma_wait3A_42] : memref<2x16x80x128xi32, #tpu.memory_space<hbm>> -> memref<1x1x40x128xi32, #tpu.memory_space<hbm>>
      %dma_wait3A_44 = tpu.memref_squeeze %dma_wait3A_43 : memref<1x1x40x128xi32, #tpu.memory_space<hbm>> -> memref<40x128xi32, #tpu.memory_space<hbm>>
      tpu.wait_dma2 semaphore(%run_scoped3A : memref<!tpu.dma_semaphore, #tpu.memory_space<semaphore_mem>>) src(%dma_wait3A_44 : memref<40x128xi32, #tpu.memory_space<hbm>>) dst(%arg7 : memref<40x128xi32, #tpu.memory_space<vmem>>)
      tpu.yield
    }) : () -> ()
    "tpu.region"() ({
      %run_scoped3A = tpu.sem_alloc : memref<!tpu.dma_semaphore, #tpu.memory_space<semaphore_mem>>
      %dma_start3A_30 = arith.constant 0 : i32
      %dma_start3A_31 = arith.constant 0 : i32
      %dma_start3A_32 = tpu.memref_slice %arg4[%arg0, %arg1, %dma_start3A_30, %dma_start3A_31] : memref<2x16x80x128xi32, #tpu.memory_space<hbm>> -> memref<1x1x40x128xi32, #tpu.memory_space<hbm>>
      %dma_start3A_33 = tpu.memref_squeeze %dma_start3A_32 : memref<1x1x40x128xi32, #tpu.memory_space<hbm>> -> memref<40x128xi32, #tpu.memory_space<hbm>>
      %dma_start3A_34 = arith.constant 0 : i32
      %dma_start3A_35 = arith.constant 0 : i32
      %dma_start3A_36 = tpu.memref_slice %arg4[%arg0, %arg1, %dma_start3A_34, %dma_start3A_35] : memref<2x16x80x128xi32, #tpu.memory_space<hbm>> -> memref<1x1x40x128xi32, #tpu.memory_space<hbm>>
      %dma_start3A_37 = tpu.memref_squeeze %dma_start3A_36 : memref<1x1x40x128xi32, #tpu.memory_space<hbm>> -> memref<40x128xi32, #tpu.memory_space<hbm>>
      tpu.enqueue_dma source(%dma_start3A_37 : memref<40x128xi32, #tpu.memory_space<hbm>>) target(%arg8 : memref<40x128xi32, #tpu.memory_space<vmem>>) target_semaphore(%run_scoped3A : memref<!tpu.dma_semaphore, #tpu.memory_space<semaphore_mem>>)
      %dma_wait3A = arith.constant 0 : i32
      %dma_wait3A_38 = arith.constant 0 : i32
      %dma_wait3A_39 = tpu.memref_slice %arg4[%arg0, %arg1, %dma_wait3A, %dma_wait3A_38] : memref<2x16x80x128xi32, #tpu.memory_space<hbm>> -> memref<1x1x40x128xi32, #tpu.memory_space<hbm>>
      %dma_wait3A_40 = tpu.memref_squeeze %dma_wait3A_39 : memref<1x1x40x128xi32, #tpu.memory_space<hbm>> -> memref<40x128xi32, #tpu.memory_space<hbm>>
      %dma_wait3A_41 = arith.constant 0 : i32
      %dma_wait3A_42 = arith.constant 0 : i32
      %dma_wait3A_43 = tpu.memref_slice %arg4[%arg0, %arg1, %dma_wait3A_41, %dma_wait3A_42] : memref<2x16x80x128xi32, #tpu.memory_space<hbm>> -> memref<1x1x40x128xi32, #tpu.memory_space<hbm>>
      %dma_wait3A_44 = tpu.memref_squeeze %dma_wait3A_43 : memref<1x1x40x128xi32, #tpu.memory_space<hbm>> -> memref<40x128xi32, #tpu.memory_space<hbm>>
      tpu.wait_dma2 semaphore(%run_scoped3A : memref<!tpu.dma_semaphore, #tpu.memory_space<semaphore_mem>>) src(%dma_wait3A_44 : memref<40x128xi32, #tpu.memory_space<hbm>>) dst(%arg8 : memref<40x128xi32, #tpu.memory_space<vmem>>)
      tpu.yield
    }) : () -> ()
    %dma_start3A = arith.constant 0 : i32
    %dma_start3A_1 = arith.constant 0 : i32
    %dma_start3A_2 = tpu.memref_slice %arg7[%dma_start3A, %dma_start3A_1] : memref<40x128xi32, #tpu.memory_space<vmem>> -> memref<1x128xi32, #tpu.memory_space<vmem>>
    %dma_start3A_3 = tpu.memref_squeeze %dma_start3A_2 : memref<1x128xi32, #tpu.memory_space<vmem>> -> memref<128xi32, #tpu.memory_space<vmem>>
    %dma_start3A_4 = arith.constant 0 : i32
    %dma_start3A_5 = arith.constant 0 : i32
    %dma_start3A_6 = tpu.memref_slice %arg2[%dma_start3A_4, %dma_start3A_5] : memref<40960x128xf32, #tpu.memory_space<hbm>> -> memref<40960x128xf32, #tpu.memory_space<hbm>>
    tpu.enqueue_indirect_dma source(%dma_start3A_6 : memref<40960x128xf32, #tpu.memory_space<hbm>>) target(%arg9 : memref<128x128xf32, #tpu.memory_space<vmem>>) offsets(%dma_start3A_3 : memref<128xi32, #tpu.memory_space<vmem>>) semaphore(%arg11 : memref<!tpu.dma_semaphore, #tpu.memory_space<semaphore_mem>>)
    %scan3A = arith.constant 0 : i32
    %scan3A_7 = arith.constant 0 : i32
    %scan3A_8 = arith.constant 20 : i32
    %scan3A_9 = arith.addi %scan3A_7, %scan3A_8 : i32
    %scan3A_10 = arith.constant 1 : i32
    scf.for %scan3A_30 = %scan3A_7 to %scan3A_9 step %scan3A_10  : i32 {
      %mul3A_31 = arith.constant 2 : i32
      %mul3A_32 = arith.muli %mul3A_31, %scan3A_30 : i32
      %add3A = arith.constant 1 : i32
      %add3A_33 = arith.addi %mul3A_32, %add3A : i32
      %dma_start3A_34 = arith.constant 0 : i32
      %dma_start3A_35 = tpu.memref_slice %arg7[%add3A_33, %dma_start3A_34] : memref<40x128xi32, #tpu.memory_space<vmem>> -> memref<1x128xi32, #tpu.memory_space<vmem>>
      %dma_start3A_36 = tpu.memref_squeeze %dma_start3A_35 : memref<1x128xi32, #tpu.memory_space<vmem>> -> memref<128xi32, #tpu.memory_space<vmem>>
      %dma_start3A_37 = arith.constant 0 : i32
      %dma_start3A_38 = arith.constant 0 : i32
      %dma_start3A_39 = tpu.memref_slice %arg2[%dma_start3A_37, %dma_start3A_38] : memref<40960x128xf32, #tpu.memory_space<hbm>> -> memref<40960x128xf32, #tpu.memory_space<hbm>>
      tpu.enqueue_indirect_dma source(%dma_start3A_39 : memref<40960x128xf32, #tpu.memory_space<hbm>>) target(%arg10 : memref<128x128xf32, #tpu.memory_space<vmem>>) offsets(%dma_start3A_36 : memref<128xi32, #tpu.memory_space<vmem>>) semaphore(%arg12 : memref<!tpu.dma_semaphore, #tpu.memory_space<semaphore_mem>>)
      %dma_wait3A = arith.constant 0 : i32
      %dma_wait3A_40 = tpu.memref_slice %arg7[%mul3A_32, %dma_wait3A] : memref<40x128xi32, #tpu.memory_space<vmem>> -> memref<1x128xi32, #tpu.memory_space<vmem>>
      %dma_wait3A_41 = tpu.memref_squeeze %dma_wait3A_40 : memref<1x128xi32, #tpu.memory_space<vmem>> -> memref<128xi32, #tpu.memory_space<vmem>>
      %dma_wait3A_42 = arith.constant 0 : i32
      %dma_wait3A_43 = arith.constant 0 : i32
      %dma_wait3A_44 = tpu.memref_slice %arg2[%dma_wait3A_42, %dma_wait3A_43] : memref<40960x128xf32, #tpu.memory_space<hbm>> -> memref<40960x128xf32, #tpu.memory_space<hbm>>
      tpu.wait_indirect_dma semaphore(%arg11 : memref<!tpu.dma_semaphore, #tpu.memory_space<semaphore_mem>>) src(%dma_wait3A_44 : memref<40960x128xf32, #tpu.memory_space<hbm>>) dst(%arg9 : memref<128x128xf32, #tpu.memory_space<vmem>>)
      "tpu.region"() ({
        %run_scoped3A = tpu.sem_alloc : memref<!tpu.dma_semaphore, #tpu.memory_space<semaphore_mem>>
        %dma_start3A_59 = arith.constant 0 : i32
        %dma_start3A_60 = tpu.memref_slice %arg8[%mul3A_32, %dma_start3A_59] : memref<40x128xi32, #tpu.memory_space<vmem>> -> memref<1x128xi32, #tpu.memory_space<vmem>>
        %dma_start3A_61 = tpu.memref_squeeze %dma_start3A_60 : memref<1x128xi32, #tpu.memory_space<vmem>> -> memref<128xi32, #tpu.memory_space<vmem>>
        %dma_start3A_62 = arith.constant 0 : i32
        %dma_start3A_63 = arith.constant 0 : i32
        %dma_start3A_64 = tpu.memref_slice %arg13[%dma_start3A_62, %dma_start3A_63] : memref<10112x128xf32, #tpu.memory_space<vmem_shared>> -> memref<10112x128xf32, #tpu.memory_space<vmem_shared>>
        tpu.enqueue_indirect_dma source(%arg9 : memref<128x128xf32, #tpu.memory_space<vmem>>) target(%dma_start3A_64 : memref<10112x128xf32, #tpu.memory_space<vmem_shared>>) offsets(%dma_start3A_61 : memref<128xi32, #tpu.memory_space<vmem>>) semaphore(%run_scoped3A : memref<!tpu.dma_semaphore, #tpu.memory_space<semaphore_mem>>) {add = true}
        %dma_wait3A_65 = arith.constant 0 : i32
        %dma_wait3A_66 = tpu.memref_slice %arg8[%mul3A_32, %dma_wait3A_65] : memref<40x128xi32, #tpu.memory_space<vmem>> -> memref<1x128xi32, #tpu.memory_space<vmem>>
        %dma_wait3A_67 = tpu.memref_squeeze %dma_wait3A_66 : memref<1x128xi32, #tpu.memory_space<vmem>> -> memref<128xi32, #tpu.memory_space<vmem>>
        %dma_wait3A_68 = arith.constant 0 : i32
        %dma_wait3A_69 = arith.constant 0 : i32
        %dma_wait3A_70 = tpu.memref_slice %arg13[%dma_wait3A_68, %dma_wait3A_69] : memref<10112x128xf32, #tpu.memory_space<vmem_shared>> -> memref<10112x128xf32, #tpu.memory_space<vmem_shared>>
        tpu.wait_indirect_dma semaphore(%run_scoped3A : memref<!tpu.dma_semaphore, #tpu.memory_space<semaphore_mem>>) src(%arg9 : memref<128x128xf32, #tpu.memory_space<vmem>>) dst(%dma_wait3A_70 : memref<10112x128xf32, #tpu.memory_space<vmem_shared>>)
        tpu.yield
      }) : () -> ()
      %add3A_45 = arith.constant 2 : i32
      %add3A_46 = arith.addi %mul3A_32, %add3A_45 : i32
      %lt3A = arith.constant 40 : i32
      %lt3A_47 = arith.cmpi slt, %add3A_46, %lt3A : i32
      %convert_element_type3A = arith.extui %lt3A_47 : i1 to i32
      %cond3A = arith.constant 0 : i32
      %cond3A_48 = arith.cmpi ne, %convert_element_type3A, %cond3A : i32
      scf.if %cond3A_48 {
        %add3A_59 = arith.constant 2 : i32
        %add3A_60 = arith.addi %mul3A_32, %add3A_59 : i32
        %dma_start3A_61 = arith.constant 0 : i32
        %dma_start3A_62 = tpu.memref_slice %arg7[%add3A_60, %dma_start3A_61] : memref<40x128xi32, #tpu.memory_space<vmem>> -> memref<1x128xi32, #tpu.memory_space<vmem>>
        %dma_start3A_63 = tpu.memref_squeeze %dma_start3A_62 : memref<1x128xi32, #tpu.memory_space<vmem>> -> memref<128xi32, #tpu.memory_space<vmem>>
        %dma_start3A_64 = arith.constant 0 : i32
        %dma_start3A_65 = arith.constant 0 : i32
        %dma_start3A_66 = tpu.memref_slice %arg2[%dma_start3A_64, %dma_start3A_65] : memref<40960x128xf32, #tpu.memory_space<hbm>> -> memref<40960x128xf32, #tpu.memory_space<hbm>>
        tpu.enqueue_indirect_dma source(%dma_start3A_66 : memref<40960x128xf32, #tpu.memory_space<hbm>>) target(%arg9 : memref<128x128xf32, #tpu.memory_space<vmem>>) offsets(%dma_start3A_63 : memref<128xi32, #tpu.memory_space<vmem>>) semaphore(%arg11 : memref<!tpu.dma_semaphore, #tpu.memory_space<semaphore_mem>>)
      } else {
      }
      %add3A_49 = arith.constant 1 : i32
      %add3A_50 = arith.addi %mul3A_32, %add3A_49 : i32
      %dma_wait3A_51 = arith.constant 0 : i32
      %dma_wait3A_52 = tpu.memref_slice %arg7[%add3A_50, %dma_wait3A_51] : memref<40x128xi32, #tpu.memory_space<vmem>> -> memref<1x128xi32, #tpu.memory_space<vmem>>
      %dma_wait3A_53 = tpu.memref_squeeze %dma_wait3A_52 : memref<1x128xi32, #tpu.memory_space<vmem>> -> memref<128xi32, #tpu.memory_space<vmem>>
      %dma_wait3A_54 = arith.constant 0 : i32
      %dma_wait3A_55 = arith.constant 0 : i32
      %dma_wait3A_56 = tpu.memref_slice %arg2[%dma_wait3A_54, %dma_wait3A_55] : memref<40960x128xf32, #tpu.memory_space<hbm>> -> memref<40960x128xf32, #tpu.memory_space<hbm>>
      tpu.wait_indirect_dma semaphore(%arg12 : memref<!tpu.dma_semaphore, #tpu.memory_space<semaphore_mem>>) src(%dma_wait3A_56 : memref<40960x128xf32, #tpu.memory_space<hbm>>) dst(%arg10 : memref<128x128xf32, #tpu.memory_space<vmem>>)
      %add3A_57 = arith.constant 1 : i32
      %add3A_58 = arith.addi %mul3A_32, %add3A_57 : i32
      "tpu.region"() ({
        %run_scoped3A = tpu.sem_alloc : memref<!tpu.dma_semaphore, #tpu.memory_space<semaphore_mem>>
        %dma_start3A_59 = arith.constant 0 : i32
        %dma_start3A_60 = tpu.memref_slice %arg8[%add3A_58, %dma_start3A_59] : memref<40x128xi32, #tpu.memory_space<vmem>> -> memref<1x128xi32, #tpu.memory_space<vmem>>
        %dma_start3A_61 = tpu.memref_squeeze %dma_start3A_60 : memref<1x128xi32, #tpu.memory_space<vmem>> -> memref<128xi32, #tpu.memory_space<vmem>>
        %dma_start3A_62 = arith.constant 0 : i32
        %dma_start3A_63 = arith.constant 0 : i32
        %dma_start3A_64 = tpu.memref_slice %arg13[%dma_start3A_62, %dma_start3A_63] : memref<10112x128xf32, #tpu.memory_space<vmem_shared>> -> memref<10112x128xf32, #tpu.memory_space<vmem_shared>>
        tpu.enqueue_indirect_dma source(%arg10 : memref<128x128xf32, #tpu.memory_space<vmem>>) target(%dma_start3A_64 : memref<10112x128xf32, #tpu.memory_space<vmem_shared>>) offsets(%dma_start3A_61 : memref<128xi32, #tpu.memory_space<vmem>>) semaphore(%run_scoped3A : memref<!tpu.dma_semaphore, #tpu.memory_space<semaphore_mem>>) {add = true}
        %dma_wait3A_65 = arith.constant 0 : i32
        %dma_wait3A_66 = tpu.memref_slice %arg8[%add3A_58, %dma_wait3A_65] : memref<40x128xi32, #tpu.memory_space<vmem>> -> memref<1x128xi32, #tpu.memory_space<vmem>>
        %dma_wait3A_67 = tpu.memref_squeeze %dma_wait3A_66 : memref<1x128xi32, #tpu.memory_space<vmem>> -> memref<128xi32, #tpu.memory_space<vmem>>
        %dma_wait3A_68 = arith.constant 0 : i32
        %dma_wait3A_69 = arith.constant 0 : i32
        %dma_wait3A_70 = tpu.memref_slice %arg13[%dma_wait3A_68, %dma_wait3A_69] : memref<10112x128xf32, #tpu.memory_space<vmem_shared>> -> memref<10112x128xf32, #tpu.memory_space<vmem_shared>>
        tpu.wait_indirect_dma semaphore(%run_scoped3A : memref<!tpu.dma_semaphore, #tpu.memory_space<semaphore_mem>>) src(%arg10 : memref<128x128xf32, #tpu.memory_space<vmem>>) dst(%dma_wait3A_70 : memref<10112x128xf32, #tpu.memory_space<vmem_shared>>)
        tpu.yield
      }) : () -> ()
    }
    %scan3A_11 = arith.constant 20 : i32
    "tpu.region"() ({
      %run_scoped3A = tpu.sem_alloc : memref<!tpu.dma_semaphore, #tpu.memory_space<semaphore_mem>>
      %dma_start3A_30 = arith.constant 40 : i32
      %dma_start3A_31 = arith.constant 0 : i32
      %dma_start3A_32 = tpu.memref_slice %arg3[%arg0, %arg1, %dma_start3A_30, %dma_start3A_31] : memref<2x16x80x128xi32, #tpu.memory_space<hbm>> -> memref<1x1x40x128xi32, #tpu.memory_space<hbm>>
      %dma_start3A_33 = tpu.memref_squeeze %dma_start3A_32 : memref<1x1x40x128xi32, #tpu.memory_space<hbm>> -> memref<40x128xi32, #tpu.memory_space<hbm>>
      %dma_start3A_34 = arith.constant 40 : i32
      %dma_start3A_35 = arith.constant 0 : i32
      %dma_start3A_36 = tpu.memref_slice %arg3[%arg0, %arg1, %dma_start3A_34, %dma_start3A_35] : memref<2x16x80x128xi32, #tpu.memory_space<hbm>> -> memref<1x1x40x128xi32, #tpu.memory_space<hbm>>
      %dma_start3A_37 = tpu.memref_squeeze %dma_start3A_36 : memref<1x1x40x128xi32, #tpu.memory_space<hbm>> -> memref<40x128xi32, #tpu.memory_space<hbm>>
      tpu.enqueue_dma source(%dma_start3A_37 : memref<40x128xi32, #tpu.memory_space<hbm>>) target(%arg7 : memref<40x128xi32, #tpu.memory_space<vmem>>) target_semaphore(%run_scoped3A : memref<!tpu.dma_semaphore, #tpu.memory_space<semaphore_mem>>)
      %dma_wait3A = arith.constant 40 : i32
      %dma_wait3A_38 = arith.constant 0 : i32
      %dma_wait3A_39 = tpu.memref_slice %arg3[%arg0, %arg1, %dma_wait3A, %dma_wait3A_38] : memref<2x16x80x128xi32, #tpu.memory_space<hbm>> -> memref<1x1x40x128xi32, #tpu.memory_space<hbm>>
      %dma_wait3A_40 = tpu.memref_squeeze %dma_wait3A_39 : memref<1x1x40x128xi32, #tpu.memory_space<hbm>> -> memref<40x128xi32, #tpu.memory_space<hbm>>
      %dma_wait3A_41 = arith.constant 40 : i32
      %dma_wait3A_42 = arith.constant 0 : i32
      %dma_wait3A_43 = tpu.memref_slice %arg3[%arg0, %arg1, %dma_wait3A_41, %dma_wait3A_42] : memref<2x16x80x128xi32, #tpu.memory_space<hbm>> -> memref<1x1x40x128xi32, #tpu.memory_space<hbm>>
      %dma_wait3A_44 = tpu.memref_squeeze %dma_wait3A_43 : memref<1x1x40x128xi32, #tpu.memory_space<hbm>> -> memref<40x128xi32, #tpu.memory_space<hbm>>
      tpu.wait_dma2 semaphore(%run_scoped3A : memref<!tpu.dma_semaphore, #tpu.memory_space<semaphore_mem>>) src(%dma_wait3A_44 : memref<40x128xi32, #tpu.memory_space<hbm>>) dst(%arg7 : memref<40x128xi32, #tpu.memory_space<vmem>>)
      tpu.yield
    }) : () -> ()
    "tpu.region"() ({
      %run_scoped3A = tpu.sem_alloc : memref<!tpu.dma_semaphore, #tpu.memory_space<semaphore_mem>>
      %dma_start3A_30 = arith.constant 40 : i32
      %dma_start3A_31 = arith.constant 0 : i32
      %dma_start3A_32 = tpu.memref_slice %arg4[%arg0, %arg1, %dma_start3A_30, %dma_start3A_31] : memref<2x16x80x128xi32, #tpu.memory_space<hbm>> -> memref<1x1x40x128xi32, #tpu.memory_space<hbm>>
      %dma_start3A_33 = tpu.memref_squeeze %dma_start3A_32 : memref<1x1x40x128xi32, #tpu.memory_space<hbm>> -> memref<40x128xi32, #tpu.memory_space<hbm>>
      %dma_start3A_34 = arith.constant 40 : i32
      %dma_start3A_35 = arith.constant 0 : i32
      %dma_start3A_36 = tpu.memref_slice %arg4[%arg0, %arg1, %dma_start3A_34, %dma_start3A_35] : memref<2x16x80x128xi32, #tpu.memory_space<hbm>> -> memref<1x1x40x128xi32, #tpu.memory_space<hbm>>
      %dma_start3A_37 = tpu.memref_squeeze %dma_start3A_36 : memref<1x1x40x128xi32, #tpu.memory_space<hbm>> -> memref<40x128xi32, #tpu.memory_space<hbm>>
      tpu.enqueue_dma source(%dma_start3A_37 : memref<40x128xi32, #tpu.memory_space<hbm>>) target(%arg8 : memref<40x128xi32, #tpu.memory_space<vmem>>) target_semaphore(%run_scoped3A : memref<!tpu.dma_semaphore, #tpu.memory_space<semaphore_mem>>)
      %dma_wait3A = arith.constant 40 : i32
      %dma_wait3A_38 = arith.constant 0 : i32
      %dma_wait3A_39 = tpu.memref_slice %arg4[%arg0, %arg1, %dma_wait3A, %dma_wait3A_38] : memref<2x16x80x128xi32, #tpu.memory_space<hbm>> -> memref<1x1x40x128xi32, #tpu.memory_space<hbm>>
      %dma_wait3A_40 = tpu.memref_squeeze %dma_wait3A_39 : memref<1x1x40x128xi32, #tpu.memory_space<hbm>> -> memref<40x128xi32, #tpu.memory_space<hbm>>
      %dma_wait3A_41 = arith.constant 40 : i32
      %dma_wait3A_42 = arith.constant 0 : i32
      %dma_wait3A_43 = tpu.memref_slice %arg4[%arg0, %arg1, %dma_wait3A_41, %dma_wait3A_42] : memref<2x16x80x128xi32, #tpu.memory_space<hbm>> -> memref<1x1x40x128xi32, #tpu.memory_space<hbm>>
      %dma_wait3A_44 = tpu.memref_squeeze %dma_wait3A_43 : memref<1x1x40x128xi32, #tpu.memory_space<hbm>> -> memref<40x128xi32, #tpu.memory_space<hbm>>
      tpu.wait_dma2 semaphore(%run_scoped3A : memref<!tpu.dma_semaphore, #tpu.memory_space<semaphore_mem>>) src(%dma_wait3A_44 : memref<40x128xi32, #tpu.memory_space<hbm>>) dst(%arg8 : memref<40x128xi32, #tpu.memory_space<vmem>>)
      tpu.yield
    }) : () -> ()
    %dma_start3A_12 = arith.constant 0 : i32
    %dma_start3A_13 = arith.constant 0 : i32
    %dma_start3A_14 = tpu.memref_slice %arg7[%dma_start3A_12, %dma_start3A_13] : memref<40x128xi32, #tpu.memory_space<vmem>> -> memref<1x128xi32, #tpu.memory_space<vmem>>
    %dma_start3A_15 = tpu.memref_squeeze %dma_start3A_14 : memref<1x128xi32, #tpu.memory_space<vmem>> -> memref<128xi32, #tpu.memory_space<vmem>>
    %dma_start3A_16 = arith.constant 0 : i32
    %dma_start3A_17 = arith.constant 0 : i32
    %dma_start3A_18 = tpu.memref_slice %arg2[%dma_start3A_16, %dma_start3A_17] : memref<40960x128xf32, #tpu.memory_space<hbm>> -> memref<40960x128xf32, #tpu.memory_space<hbm>>
    tpu.enqueue_indirect_dma source(%dma_start3A_18 : memref<40960x128xf32, #tpu.memory_space<hbm>>) target(%arg9 : memref<128x128xf32, #tpu.memory_space<vmem>>) offsets(%dma_start3A_15 : memref<128xi32, #tpu.memory_space<vmem>>) semaphore(%arg11 : memref<!tpu.dma_semaphore, #tpu.memory_space<semaphore_mem>>)
    %scan3A_19 = arith.constant 0 : i32
    %scan3A_20 = arith.constant 0 : i32
    %scan3A_21 = arith.constant 20 : i32
    %scan3A_22 = arith.addi %scan3A_20, %scan3A_21 : i32
    %scan3A_23 = arith.constant 1 : i32
    scf.for %scan3A_30 = %scan3A_20 to %scan3A_22 step %scan3A_23  : i32 {
      %mul3A_31 = arith.constant 2 : i32
      %mul3A_32 = arith.muli %mul3A_31, %scan3A_30 : i32
      %add3A = arith.constant 1 : i32
      %add3A_33 = arith.addi %mul3A_32, %add3A : i32
      %dma_start3A_34 = arith.constant 0 : i32
      %dma_start3A_35 = tpu.memref_slice %arg7[%add3A_33, %dma_start3A_34] : memref<40x128xi32, #tpu.memory_space<vmem>> -> memref<1x128xi32, #tpu.memory_space<vmem>>
      %dma_start3A_36 = tpu.memref_squeeze %dma_start3A_35 : memref<1x128xi32, #tpu.memory_space<vmem>> -> memref<128xi32, #tpu.memory_space<vmem>>
      %dma_start3A_37 = arith.constant 0 : i32
      %dma_start3A_38 = arith.constant 0 : i32
      %dma_start3A_39 = tpu.memref_slice %arg2[%dma_start3A_37, %dma_start3A_38] : memref<40960x128xf32, #tpu.memory_space<hbm>> -> memref<40960x128xf32, #tpu.memory_space<hbm>>
      tpu.enqueue_indirect_dma source(%dma_start3A_39 : memref<40960x128xf32, #tpu.memory_space<hbm>>) target(%arg10 : memref<128x128xf32, #tpu.memory_space<vmem>>) offsets(%dma_start3A_36 : memref<128xi32, #tpu.memory_space<vmem>>) semaphore(%arg12 : memref<!tpu.dma_semaphore, #tpu.memory_space<semaphore_mem>>)
      %dma_wait3A = arith.constant 0 : i32
      %dma_wait3A_40 = tpu.memref_slice %arg7[%mul3A_32, %dma_wait3A] : memref<40x128xi32, #tpu.memory_space<vmem>> -> memref<1x128xi32, #tpu.memory_space<vmem>>
      %dma_wait3A_41 = tpu.memref_squeeze %dma_wait3A_40 : memref<1x128xi32, #tpu.memory_space<vmem>> -> memref<128xi32, #tpu.memory_space<vmem>>
      %dma_wait3A_42 = arith.constant 0 : i32
      %dma_wait3A_43 = arith.constant 0 : i32
      %dma_wait3A_44 = tpu.memref_slice %arg2[%dma_wait3A_42, %dma_wait3A_43] : memref<40960x128xf32, #tpu.memory_space<hbm>> -> memref<40960x128xf32, #tpu.memory_space<hbm>>
      tpu.wait_indirect_dma semaphore(%arg11 : memref<!tpu.dma_semaphore, #tpu.memory_space<semaphore_mem>>) src(%dma_wait3A_44 : memref<40960x128xf32, #tpu.memory_space<hbm>>) dst(%arg9 : memref<128x128xf32, #tpu.memory_space<vmem>>)
      "tpu.region"() ({
        %run_scoped3A = tpu.sem_alloc : memref<!tpu.dma_semaphore, #tpu.memory_space<semaphore_mem>>
        %dma_start3A_59 = arith.constant 0 : i32
        %dma_start3A_60 = tpu.memref_slice %arg8[%mul3A_32, %dma_start3A_59] : memref<40x128xi32, #tpu.memory_space<vmem>> -> memref<1x128xi32, #tpu.memory_space<vmem>>
        %dma_start3A_61 = tpu.memref_squeeze %dma_start3A_60 : memref<1x128xi32, #tpu.memory_space<vmem>> -> memref<128xi32, #tpu.memory_space<vmem>>
        %dma_start3A_62 = arith.constant 0 : i32
        %dma_start3A_63 = arith.constant 0 : i32
        %dma_start3A_64 = tpu.memref_slice %arg13[%dma_start3A_62, %dma_start3A_63] : memref<10112x128xf32, #tpu.memory_space<vmem_shared>> -> memref<10112x128xf32, #tpu.memory_space<vmem_shared>>
        tpu.enqueue_indirect_dma source(%arg9 : memref<128x128xf32, #tpu.memory_space<vmem>>) target(%dma_start3A_64 : memref<10112x128xf32, #tpu.memory_space<vmem_shared>>) offsets(%dma_start3A_61 : memref<128xi32, #tpu.memory_space<vmem>>) semaphore(%run_scoped3A : memref<!tpu.dma_semaphore, #tpu.memory_space<semaphore_mem>>) {add = true}
        %dma_wait3A_65 = arith.constant 0 : i32
        %dma_wait3A_66 = tpu.memref_slice %arg8[%mul3A_32, %dma_wait3A_65] : memref<40x128xi32, #tpu.memory_space<vmem>> -> memref<1x128xi32, #tpu.memory_space<vmem>>
        %dma_wait3A_67 = tpu.memref_squeeze %dma_wait3A_66 : memref<1x128xi32, #tpu.memory_space<vmem>> -> memref<128xi32, #tpu.memory_space<vmem>>
        %dma_wait3A_68 = arith.constant 0 : i32
        %dma_wait3A_69 = arith.constant 0 : i32
        %dma_wait3A_70 = tpu.memref_slice %arg13[%dma_wait3A_68, %dma_wait3A_69] : memref<10112x128xf32, #tpu.memory_space<vmem_shared>> -> memref<10112x128xf32, #tpu.memory_space<vmem_shared>>
        tpu.wait_indirect_dma semaphore(%run_scoped3A : memref<!tpu.dma_semaphore, #tpu.memory_space<semaphore_mem>>) src(%arg9 : memref<128x128xf32, #tpu.memory_space<vmem>>) dst(%dma_wait3A_70 : memref<10112x128xf32, #tpu.memory_space<vmem_shared>>)
        tpu.yield
      }) : () -> ()
      %add3A_45 = arith.constant 2 : i32
      %add3A_46 = arith.addi %mul3A_32, %add3A_45 : i32
      %lt3A = arith.constant 40 : i32
      %lt3A_47 = arith.cmpi slt, %add3A_46, %lt3A : i32
      %convert_element_type3A = arith.extui %lt3A_47 : i1 to i32
      %cond3A = arith.constant 0 : i32
      %cond3A_48 = arith.cmpi ne, %convert_element_type3A, %cond3A : i32
      scf.if %cond3A_48 {
        %add3A_59 = arith.constant 2 : i32
        %add3A_60 = arith.addi %mul3A_32, %add3A_59 : i32
        %dma_start3A_61 = arith.constant 0 : i32
        %dma_start3A_62 = tpu.memref_slice %arg7[%add3A_60, %dma_start3A_61] : memref<40x128xi32, #tpu.memory_space<vmem>> -> memref<1x128xi32, #tpu.memory_space<vmem>>
        %dma_start3A_63 = tpu.memref_squeeze %dma_start3A_62 : memref<1x128xi32, #tpu.memory_space<vmem>> -> memref<128xi32, #tpu.memory_space<vmem>>
        %dma_start3A_64 = arith.constant 0 : i32
        %dma_start3A_65 = arith.constant 0 : i32
        %dma_start3A_66 = tpu.memref_slice %arg2[%dma_start3A_64, %dma_start3A_65] : memref<40960x128xf32, #tpu.memory_space<hbm>> -> memref<40960x128xf32, #tpu.memory_space<hbm>>
        tpu.enqueue_indirect_dma source(%dma_start3A_66 : memref<40960x128xf32, #tpu.memory_space<hbm>>) target(%arg9 : memref<128x128xf32, #tpu.memory_space<vmem>>) offsets(%dma_start3A_63 : memref<128xi32, #tpu.memory_space<vmem>>) semaphore(%arg11 : memref<!tpu.dma_semaphore, #tpu.memory_space<semaphore_mem>>)
      } else {
      }
      %add3A_49 = arith.constant 1 : i32
      %add3A_50 = arith.addi %mul3A_32, %add3A_49 : i32
      %dma_wait3A_51 = arith.constant 0 : i32
      %dma_wait3A_52 = tpu.memref_slice %arg7[%add3A_50, %dma_wait3A_51] : memref<40x128xi32, #tpu.memory_space<vmem>> -> memref<1x128xi32, #tpu.memory_space<vmem>>
      %dma_wait3A_53 = tpu.memref_squeeze %dma_wait3A_52 : memref<1x128xi32, #tpu.memory_space<vmem>> -> memref<128xi32, #tpu.memory_space<vmem>>
      %dma_wait3A_54 = arith.constant 0 : i32
      %dma_wait3A_55 = arith.constant 0 : i32
      %dma_wait3A_56 = tpu.memref_slice %arg2[%dma_wait3A_54, %dma_wait3A_55] : memref<40960x128xf32, #tpu.memory_space<hbm>> -> memref<40960x128xf32, #tpu.memory_space<hbm>>
      tpu.wait_indirect_dma semaphore(%arg12 : memref<!tpu.dma_semaphore, #tpu.memory_space<semaphore_mem>>) src(%dma_wait3A_56 : memref<40960x128xf32, #tpu.memory_space<hbm>>) dst(%arg10 : memref<128x128xf32, #tpu.memory_space<vmem>>)
      %add3A_57 = arith.constant 1 : i32
      %add3A_58 = arith.addi %mul3A_32, %add3A_57 : i32
      "tpu.region"() ({
        %run_scoped3A = tpu.sem_alloc : memref<!tpu.dma_semaphore, #tpu.memory_space<semaphore_mem>>
        %dma_start3A_59 = arith.constant 0 : i32
        %dma_start3A_60 = tpu.memref_slice %arg8[%add3A_58, %dma_start3A_59] : memref<40x128xi32, #tpu.memory_space<vmem>> -> memref<1x128xi32, #tpu.memory_space<vmem>>
        %dma_start3A_61 = tpu.memref_squeeze %dma_start3A_60 : memref<1x128xi32, #tpu.memory_space<vmem>> -> memref<128xi32, #tpu.memory_space<vmem>>
        %dma_start3A_62 = arith.constant 0 : i32
        %dma_start3A_63 = arith.constant 0 : i32
        %dma_start3A_64 = tpu.memref_slice %arg13[%dma_start3A_62, %dma_start3A_63] : memref<10112x128xf32, #tpu.memory_space<vmem_shared>> -> memref<10112x128xf32, #tpu.memory_space<vmem_shared>>
        tpu.enqueue_indirect_dma source(%arg10 : memref<128x128xf32, #tpu.memory_space<vmem>>) target(%dma_start3A_64 : memref<10112x128xf32, #tpu.memory_space<vmem_shared>>) offsets(%dma_start3A_61 : memref<128xi32, #tpu.memory_space<vmem>>) semaphore(%run_scoped3A : memref<!tpu.dma_semaphore, #tpu.memory_space<semaphore_mem>>) {add = true}
        %dma_wait3A_65 = arith.constant 0 : i32
        %dma_wait3A_66 = tpu.memref_slice %arg8[%add3A_58, %dma_wait3A_65] : memref<40x128xi32, #tpu.memory_space<vmem>> -> memref<1x128xi32, #tpu.memory_space<vmem>>
        %dma_wait3A_67 = tpu.memref_squeeze %dma_wait3A_66 : memref<1x128xi32, #tpu.memory_space<vmem>> -> memref<128xi32, #tpu.memory_space<vmem>>
        %dma_wait3A_68 = arith.constant 0 : i32
        %dma_wait3A_69 = arith.constant 0 : i32
        %dma_wait3A_70 = tpu.memref_slice %arg13[%dma_wait3A_68, %dma_wait3A_69] : memref<10112x128xf32, #tpu.memory_space<vmem_shared>> -> memref<10112x128xf32, #tpu.memory_space<vmem_shared>>
        tpu.wait_indirect_dma semaphore(%run_scoped3A : memref<!tpu.dma_semaphore, #tpu.memory_space<semaphore_mem>>) src(%arg10 : memref<128x128xf32, #tpu.memory_space<vmem>>) dst(%dma_wait3A_70 : memref<10112x128xf32, #tpu.memory_space<vmem_shared>>)
        tpu.yield
      }) : () -> ()
    }
    %scan3A_24 = arith.constant 20 : i32
    %barrier3A_25 = arith.constant 0 : index
    tpu.barrier barrier_id(%barrier3A_25)
    %mul3A_26 = arith.constant 632 : i32
    %mul3A_27 = arith.muli %arg1, %mul3A_26 : i32
    %mul3A_28 = arith.constant 632 : i32
    %mul3A_29 = arith.muli %arg1, %mul3A_28 : i32
    "tpu.region"() ({
      %run_scoped3A = tpu.sem_alloc : memref<!tpu.dma_semaphore, #tpu.memory_space<semaphore_mem>>
      %dma_start3A_30 = arith.constant 0 : i32
      %dma_start3A_31 = tpu.memref_slice %arg6[%arg0, %mul3A_29, %dma_start3A_30] : memref<2x10240x128xf32, #tpu.memory_space<hbm>> -> memref<1x632x128xf32, #tpu.memory_space<hbm>>
      %dma_start3A_32 = tpu.memref_squeeze %dma_start3A_31 : memref<1x632x128xf32, #tpu.memory_space<hbm>> -> memref<632x128xf32, #tpu.memory_space<hbm>>
      %dma_start3A_33 = arith.constant 0 : i32
      %dma_start3A_34 = tpu.memref_slice %arg13[%mul3A_27, %dma_start3A_33] : memref<10112x128xf32, #tpu.memory_space<vmem_shared>> -> memref<632x128xf32, #tpu.memory_space<vmem_shared>>
      tpu.enqueue_dma source(%dma_start3A_34 : memref<632x128xf32, #tpu.memory_space<vmem_shared>>) target(%dma_start3A_32 : memref<632x128xf32, #tpu.memory_space<hbm>>) target_semaphore(%run_scoped3A : memref<!tpu.dma_semaphore, #tpu.memory_space<semaphore_mem>>)
      %dma_wait3A = arith.constant 0 : i32
      %dma_wait3A_35 = tpu.memref_slice %arg6[%arg0, %mul3A_29, %dma_wait3A] : memref<2x10240x128xf32, #tpu.memory_space<hbm>> -> memref<1x632x128xf32, #tpu.memory_space<hbm>>
      %dma_wait3A_36 = tpu.memref_squeeze %dma_wait3A_35 : memref<1x632x128xf32, #tpu.memory_space<hbm>> -> memref<632x128xf32, #tpu.memory_space<hbm>>
      %dma_wait3A_37 = arith.constant 0 : i32
      %dma_wait3A_38 = tpu.memref_slice %arg13[%mul3A_27, %dma_wait3A_37] : memref<10112x128xf32, #tpu.memory_space<vmem_shared>> -> memref<632x128xf32, #tpu.memory_space<vmem_shared>>
      tpu.wait_dma2 semaphore(%run_scoped3A : memref<!tpu.dma_semaphore, #tpu.memory_space<semaphore_mem>>) src(%dma_wait3A_38 : memref<632x128xf32, #tpu.memory_space<vmem_shared>>) dst(%dma_wait3A_36 : memref<632x128xf32, #tpu.memory_space<hbm>>)
      tpu.yield
    }) : () -> ()
    return
  }
}

#map = affine_map<(d0, d1) -> (0, 0)>
#map1 = affine_map<(d0, d1) -> (0, 0, 0, 0)>
#map2 = affine_map<(d0, d1) -> (0, 0, 0)>
module attributes {stable_mosaic.version = 14 : i64} {
  func.func @_sc_edge_body(%arg0: i32, %arg1: i32, %arg2: memref<40960x128xf32, #tpu.memory_space<hbm>>, %arg3: memref<2x16x80x128xi32, #tpu.memory_space<hbm>>, %arg4: memref<2x16x80x128xi32, #tpu.memory_space<hbm>>, %arg5: memref<632x128xf32, #tpu.memory_space<hbm>>, %arg6: memref<2x10240x128xf32, #tpu.memory_space<hbm>>, %arg7: memref<40x128xi32, #tpu.memory_space<vmem>>, %arg8: memref<40x128xi32, #tpu.memory_space<vmem>>, %arg9: memref<128x128xf32, #tpu.memory_space<vmem>>, %arg10: memref<128x128xf32, #tpu.memory_space<vmem>>, %arg11: memref<!tpu.dma_semaphore, #tpu.memory_space<semaphore_mem>>, %arg12: memref<!tpu.dma_semaphore, #tpu.memory_space<semaphore_mem>>, %arg13: memref<10112x128xf32, #tpu.memory_space<vmem_shared>>) attributes {dimension_semantics = [#tpu.dimension_semantics<core_parallel>, #tpu.dimension_semantics<subcore_parallel>], iteration_bounds = array<i64: 2, 16>, scalar_prefetch = 0 : i64, scratch_operands = 7 : i64, tpu.core_type = #tpu.core_type<sc_vector_subcore>, window_params = [{transform_indices = #map}, {transform_indices = #map1}, {transform_indices = #map1}, {transform_indices = #map}, {transform_indices = #map2}]} {
    %mul3A = arith.constant 632 : i32
    %mul3A_0 = arith.muli %arg1, %mul3A : i32
    "tpu.region"() ({
      %run_scoped3A = tpu.sem_alloc : memref<!tpu.dma_semaphore, #tpu.memory_space<semaphore_mem>>
      %dma_start3A_30 = arith.constant 0 : i32
      %dma_start3A_31 = tpu.memref_slice %arg13[%mul3A_0, %dma_start3A_30] : memref<10112x128xf32, #tpu.memory_space<vmem_shared>> -> memref<632x128xf32, #tpu.memory_space<vmem_shared>>
      tpu.enqueue_dma source(%arg5 : memref<632x128xf32, #tpu.memory_space<hbm>>) target(%dma_start3A_31 : memref<632x128xf32, #tpu.memory_space<vmem_shared>>) target_semaphore(%run_scoped3A : memref<!tpu.dma_semaphore, #tpu.memory_space<semaphore_mem>>)
      %dma_wait3A = arith.constant 0 : i32
      %dma_wait3A_32 = tpu.memref_slice %arg13[%mul3A_0, %dma_wait3A] : memref<10112x128xf32, #tpu.memory_space<vmem_shared>> -> memref<632x128xf32, #tpu.memory_space<vmem_shared>>
      tpu.wait_dma2 semaphore(%run_scoped3A : memref<!tpu.dma_semaphore, #tpu.memory_space<semaphore_mem>>) src(%arg5 : memref<632x128xf32, #tpu.memory_space<hbm>>) dst(%dma_wait3A_32 : memref<632x128xf32, #tpu.memory_space<vmem_shared>>)
      tpu.yield
    }) : () -> ()
    %barrier3A = arith.constant 0 : index
    tpu.barrier barrier_id(%barrier3A)
    "tpu.region"() ({
      %run_scoped3A = tpu.sem_alloc : memref<!tpu.dma_semaphore, #tpu.memory_space<semaphore_mem>>
      %dma_start3A_30 = arith.constant 0 : i32
      %dma_start3A_31 = arith.constant 0 : i32
      %dma_start3A_32 = tpu.memref_slice %arg3[%arg0, %arg1, %dma_start3A_30, %dma_start3A_31] : memref<2x16x80x128xi32, #tpu.memory_space<hbm>> -> memref<1x1x40x128xi32, #tpu.memory_space<hbm>>
      %dma_start3A_33 = tpu.memref_squeeze %dma_start3A_32 : memref<1x1x40x128xi32, #tpu.memory_space<hbm>> -> memref<40x128xi32, #tpu.memory_space<hbm>>
      %dma_start3A_34 = arith.constant 0 : i32
      %dma_start3A_35 = arith.constant 0 : i32
      %dma_start3A_36 = tpu.memref_slice %arg3[%arg0, %arg1, %dma_start3A_34, %dma_start3A_35] : memref<2x16x80x128xi32, #tpu.memory_space<hbm>> -> memref<1x1x40x128xi32, #tpu.memory_space<hbm>>
      %dma_start3A_37 = tpu.memref_squeeze %dma_start3A_36 : memref<1x1x40x128xi32, #tpu.memory_space<hbm>> -> memref<40x128xi32, #tpu.memory_space<hbm>>
      tpu.enqueue_dma source(%dma_start3A_37 : memref<40x128xi32, #tpu.memory_space<hbm>>) target(%arg7 : memref<40x128xi32, #tpu.memory_space<vmem>>) target_semaphore(%run_scoped3A : memref<!tpu.dma_semaphore, #tpu.memory_space<semaphore_mem>>)
      %dma_wait3A = arith.constant 0 : i32
      %dma_wait3A_38 = arith.constant 0 : i32
      %dma_wait3A_39 = tpu.memref_slice %arg3[%arg0, %arg1, %dma_wait3A, %dma_wait3A_38] : memref<2x16x80x128xi32, #tpu.memory_space<hbm>> -> memref<1x1x40x128xi32, #tpu.memory_space<hbm>>
      %dma_wait3A_40 = tpu.memref_squeeze %dma_wait3A_39 : memref<1x1x40x128xi32, #tpu.memory_space<hbm>> -> memref<40x128xi32, #tpu.memory_space<hbm>>
      %dma_wait3A_41 = arith.constant 0 : i32
      %dma_wait3A_42 = arith.constant 0 : i32
      %dma_wait3A_43 = tpu.memref_slice %arg3[%arg0, %arg1, %dma_wait3A_41, %dma_wait3A_42] : memref<2x16x80x128xi32, #tpu.memory_space<hbm>> -> memref<1x1x40x128xi32, #tpu.memory_space<hbm>>
      %dma_wait3A_44 = tpu.memref_squeeze %dma_wait3A_43 : memref<1x1x40x128xi32, #tpu.memory_space<hbm>> -> memref<40x128xi32, #tpu.memory_space<hbm>>
      tpu.wait_dma2 semaphore(%run_scoped3A : memref<!tpu.dma_semaphore, #tpu.memory_space<semaphore_mem>>) src(%dma_wait3A_44 : memref<40x128xi32, #tpu.memory_space<hbm>>) dst(%arg7 : memref<40x128xi32, #tpu.memory_space<vmem>>)
      tpu.yield
    }) : () -> ()
    "tpu.region"() ({
      %run_scoped3A = tpu.sem_alloc : memref<!tpu.dma_semaphore, #tpu.memory_space<semaphore_mem>>
      %dma_start3A_30 = arith.constant 0 : i32
      %dma_start3A_31 = arith.constant 0 : i32
      %dma_start3A_32 = tpu.memref_slice %arg4[%arg0, %arg1, %dma_start3A_30, %dma_start3A_31] : memref<2x16x80x128xi32, #tpu.memory_space<hbm>> -> memref<1x1x40x128xi32, #tpu.memory_space<hbm>>
      %dma_start3A_33 = tpu.memref_squeeze %dma_start3A_32 : memref<1x1x40x128xi32, #tpu.memory_space<hbm>> -> memref<40x128xi32, #tpu.memory_space<hbm>>
      %dma_start3A_34 = arith.constant 0 : i32
      %dma_start3A_35 = arith.constant 0 : i32
      %dma_start3A_36 = tpu.memref_slice %arg4[%arg0, %arg1, %dma_start3A_34, %dma_start3A_35] : memref<2x16x80x128xi32, #tpu.memory_space<hbm>> -> memref<1x1x40x128xi32, #tpu.memory_space<hbm>>
      %dma_start3A_37 = tpu.memref_squeeze %dma_start3A_36 : memref<1x1x40x128xi32, #tpu.memory_space<hbm>> -> memref<40x128xi32, #tpu.memory_space<hbm>>
      tpu.enqueue_dma source(%dma_start3A_37 : memref<40x128xi32, #tpu.memory_space<hbm>>) target(%arg8 : memref<40x128xi32, #tpu.memory_space<vmem>>) target_semaphore(%run_scoped3A : memref<!tpu.dma_semaphore, #tpu.memory_space<semaphore_mem>>)
      %dma_wait3A = arith.constant 0 : i32
      %dma_wait3A_38 = arith.constant 0 : i32
      %dma_wait3A_39 = tpu.memref_slice %arg4[%arg0, %arg1, %dma_wait3A, %dma_wait3A_38] : memref<2x16x80x128xi32, #tpu.memory_space<hbm>> -> memref<1x1x40x128xi32, #tpu.memory_space<hbm>>
      %dma_wait3A_40 = tpu.memref_squeeze %dma_wait3A_39 : memref<1x1x40x128xi32, #tpu.memory_space<hbm>> -> memref<40x128xi32, #tpu.memory_space<hbm>>
      %dma_wait3A_41 = arith.constant 0 : i32
      %dma_wait3A_42 = arith.constant 0 : i32
      %dma_wait3A_43 = tpu.memref_slice %arg4[%arg0, %arg1, %dma_wait3A_41, %dma_wait3A_42] : memref<2x16x80x128xi32, #tpu.memory_space<hbm>> -> memref<1x1x40x128xi32, #tpu.memory_space<hbm>>
      %dma_wait3A_44 = tpu.memref_squeeze %dma_wait3A_43 : memref<1x1x40x128xi32, #tpu.memory_space<hbm>> -> memref<40x128xi32, #tpu.memory_space<hbm>>
      tpu.wait_dma2 semaphore(%run_scoped3A : memref<!tpu.dma_semaphore, #tpu.memory_space<semaphore_mem>>) src(%dma_wait3A_44 : memref<40x128xi32, #tpu.memory_space<hbm>>) dst(%arg8 : memref<40x128xi32, #tpu.memory_space<vmem>>)
      tpu.yield
    }) : () -> ()
    %dma_start3A = arith.constant 0 : i32
    %dma_start3A_1 = arith.constant 0 : i32
    %dma_start3A_2 = tpu.memref_slice %arg7[%dma_start3A, %dma_start3A_1] : memref<40x128xi32, #tpu.memory_space<vmem>> -> memref<1x128xi32, #tpu.memory_space<vmem>>
    %dma_start3A_3 = tpu.memref_squeeze %dma_start3A_2 : memref<1x128xi32, #tpu.memory_space<vmem>> -> memref<128xi32, #tpu.memory_space<vmem>>
    %dma_start3A_4 = arith.constant 0 : i32
    %dma_start3A_5 = arith.constant 0 : i32
    %dma_start3A_6 = tpu.memref_slice %arg2[%dma_start3A_4, %dma_start3A_5] : memref<40960x128xf32, #tpu.memory_space<hbm>> -> memref<40960x128xf32, #tpu.memory_space<hbm>>
    tpu.enqueue_indirect_dma source(%dma_start3A_6 : memref<40960x128xf32, #tpu.memory_space<hbm>>) target(%arg9 : memref<128x128xf32, #tpu.memory_space<vmem>>) offsets(%dma_start3A_3 : memref<128xi32, #tpu.memory_space<vmem>>) semaphore(%arg11 : memref<!tpu.dma_semaphore, #tpu.memory_space<semaphore_mem>>)
    %scan3A = arith.constant 0 : i32
    %scan3A_7 = arith.constant 0 : i32
    %scan3A_8 = arith.constant 20 : i32
    %scan3A_9 = arith.addi %scan3A_7, %scan3A_8 : i32
    %scan3A_10 = arith.constant 1 : i32
    scf.for %scan3A_30 = %scan3A_7 to %scan3A_9 step %scan3A_10  : i32 {
      %mul3A_31 = arith.constant 2 : i32
      %mul3A_32 = arith.muli %mul3A_31, %scan3A_30 : i32
      %add3A = arith.constant 1 : i32
      %add3A_33 = arith.addi %mul3A_32, %add3A : i32
      %dma_start3A_34 = arith.constant 0 : i32
      %dma_start3A_35 = tpu.memref_slice %arg7[%add3A_33, %dma_start3A_34] : memref<40x128xi32, #tpu.memory_space<vmem>> -> memref<1x128xi32, #tpu.memory_space<vmem>>
      %dma_start3A_36 = tpu.memref_squeeze %dma_start3A_35 : memref<1x128xi32, #tpu.memory_space<vmem>> -> memref<128xi32, #tpu.memory_space<vmem>>
      %dma_start3A_37 = arith.constant 0 : i32
      %dma_start3A_38 = arith.constant 0 : i32
      %dma_start3A_39 = tpu.memref_slice %arg2[%dma_start3A_37, %dma_start3A_38] : memref<40960x128xf32, #tpu.memory_space<hbm>> -> memref<40960x128xf32, #tpu.memory_space<hbm>>
      tpu.enqueue_indirect_dma source(%dma_start3A_39 : memref<40960x128xf32, #tpu.memory_space<hbm>>) target(%arg10 : memref<128x128xf32, #tpu.memory_space<vmem>>) offsets(%dma_start3A_36 : memref<128xi32, #tpu.memory_space<vmem>>) semaphore(%arg12 : memref<!tpu.dma_semaphore, #tpu.memory_space<semaphore_mem>>)
      %dma_wait3A = arith.constant 0 : i32
      %dma_wait3A_40 = tpu.memref_slice %arg7[%mul3A_32, %dma_wait3A] : memref<40x128xi32, #tpu.memory_space<vmem>> -> memref<1x128xi32, #tpu.memory_space<vmem>>
      %dma_wait3A_41 = tpu.memref_squeeze %dma_wait3A_40 : memref<1x128xi32, #tpu.memory_space<vmem>> -> memref<128xi32, #tpu.memory_space<vmem>>
      %dma_wait3A_42 = arith.constant 0 : i32
      %dma_wait3A_43 = arith.constant 0 : i32
      %dma_wait3A_44 = tpu.memref_slice %arg2[%dma_wait3A_42, %dma_wait3A_43] : memref<40960x128xf32, #tpu.memory_space<hbm>> -> memref<40960x128xf32, #tpu.memory_space<hbm>>
      tpu.wait_indirect_dma semaphore(%arg11 : memref<!tpu.dma_semaphore, #tpu.memory_space<semaphore_mem>>) src(%dma_wait3A_44 : memref<40960x128xf32, #tpu.memory_space<hbm>>) dst(%arg9 : memref<128x128xf32, #tpu.memory_space<vmem>>)
      "tpu.region"() ({
        %run_scoped3A = tpu.sem_alloc : memref<!tpu.dma_semaphore, #tpu.memory_space<semaphore_mem>>
        %dma_start3A_59 = arith.constant 0 : i32
        %dma_start3A_60 = tpu.memref_slice %arg8[%mul3A_32, %dma_start3A_59] : memref<40x128xi32, #tpu.memory_space<vmem>> -> memref<1x128xi32, #tpu.memory_space<vmem>>
        %dma_start3A_61 = tpu.memref_squeeze %dma_start3A_60 : memref<1x128xi32, #tpu.memory_space<vmem>> -> memref<128xi32, #tpu.memory_space<vmem>>
        %dma_start3A_62 = arith.constant 0 : i32
        %dma_start3A_63 = arith.constant 0 : i32
        %dma_start3A_64 = tpu.memref_slice %arg13[%dma_start3A_62, %dma_start3A_63] : memref<10112x128xf32, #tpu.memory_space<vmem_shared>> -> memref<10112x128xf32, #tpu.memory_space<vmem_shared>>
        tpu.enqueue_indirect_dma source(%arg9 : memref<128x128xf32, #tpu.memory_space<vmem>>) target(%dma_start3A_64 : memref<10112x128xf32, #tpu.memory_space<vmem_shared>>) offsets(%dma_start3A_61 : memref<128xi32, #tpu.memory_space<vmem>>) semaphore(%run_scoped3A : memref<!tpu.dma_semaphore, #tpu.memory_space<semaphore_mem>>) {add = true}
        %dma_wait3A_65 = arith.constant 0 : i32
        %dma_wait3A_66 = tpu.memref_slice %arg8[%mul3A_32, %dma_wait3A_65] : memref<40x128xi32, #tpu.memory_space<vmem>> -> memref<1x128xi32, #tpu.memory_space<vmem>>
        %dma_wait3A_67 = tpu.memref_squeeze %dma_wait3A_66 : memref<1x128xi32, #tpu.memory_space<vmem>> -> memref<128xi32, #tpu.memory_space<vmem>>
        %dma_wait3A_68 = arith.constant 0 : i32
        %dma_wait3A_69 = arith.constant 0 : i32
        %dma_wait3A_70 = tpu.memref_slice %arg13[%dma_wait3A_68, %dma_wait3A_69] : memref<10112x128xf32, #tpu.memory_space<vmem_shared>> -> memref<10112x128xf32, #tpu.memory_space<vmem_shared>>
        tpu.wait_indirect_dma semaphore(%run_scoped3A : memref<!tpu.dma_semaphore, #tpu.memory_space<semaphore_mem>>) src(%arg9 : memref<128x128xf32, #tpu.memory_space<vmem>>) dst(%dma_wait3A_70 : memref<10112x128xf32, #tpu.memory_space<vmem_shared>>)
        tpu.yield
      }) : () -> ()
      %add3A_45 = arith.constant 2 : i32
      %add3A_46 = arith.addi %mul3A_32, %add3A_45 : i32
      %lt3A = arith.constant 40 : i32
      %lt3A_47 = arith.cmpi slt, %add3A_46, %lt3A : i32
      %convert_element_type3A = arith.extui %lt3A_47 : i1 to i32
      %cond3A = arith.constant 0 : i32
      %cond3A_48 = arith.cmpi ne, %convert_element_type3A, %cond3A : i32
      scf.if %cond3A_48 {
        %add3A_59 = arith.constant 2 : i32
        %add3A_60 = arith.addi %mul3A_32, %add3A_59 : i32
        %dma_start3A_61 = arith.constant 0 : i32
        %dma_start3A_62 = tpu.memref_slice %arg7[%add3A_60, %dma_start3A_61] : memref<40x128xi32, #tpu.memory_space<vmem>> -> memref<1x128xi32, #tpu.memory_space<vmem>>
        %dma_start3A_63 = tpu.memref_squeeze %dma_start3A_62 : memref<1x128xi32, #tpu.memory_space<vmem>> -> memref<128xi32, #tpu.memory_space<vmem>>
        %dma_start3A_64 = arith.constant 0 : i32
        %dma_start3A_65 = arith.constant 0 : i32
        %dma_start3A_66 = tpu.memref_slice %arg2[%dma_start3A_64, %dma_start3A_65] : memref<40960x128xf32, #tpu.memory_space<hbm>> -> memref<40960x128xf32, #tpu.memory_space<hbm>>
        tpu.enqueue_indirect_dma source(%dma_start3A_66 : memref<40960x128xf32, #tpu.memory_space<hbm>>) target(%arg9 : memref<128x128xf32, #tpu.memory_space<vmem>>) offsets(%dma_start3A_63 : memref<128xi32, #tpu.memory_space<vmem>>) semaphore(%arg11 : memref<!tpu.dma_semaphore, #tpu.memory_space<semaphore_mem>>)
      } else {
      }
      %add3A_49 = arith.constant 1 : i32
      %add3A_50 = arith.addi %mul3A_32, %add3A_49 : i32
      %dma_wait3A_51 = arith.constant 0 : i32
      %dma_wait3A_52 = tpu.memref_slice %arg7[%add3A_50, %dma_wait3A_51] : memref<40x128xi32, #tpu.memory_space<vmem>> -> memref<1x128xi32, #tpu.memory_space<vmem>>
      %dma_wait3A_53 = tpu.memref_squeeze %dma_wait3A_52 : memref<1x128xi32, #tpu.memory_space<vmem>> -> memref<128xi32, #tpu.memory_space<vmem>>
      %dma_wait3A_54 = arith.constant 0 : i32
      %dma_wait3A_55 = arith.constant 0 : i32
      %dma_wait3A_56 = tpu.memref_slice %arg2[%dma_wait3A_54, %dma_wait3A_55] : memref<40960x128xf32, #tpu.memory_space<hbm>> -> memref<40960x128xf32, #tpu.memory_space<hbm>>
      tpu.wait_indirect_dma semaphore(%arg12 : memref<!tpu.dma_semaphore, #tpu.memory_space<semaphore_mem>>) src(%dma_wait3A_56 : memref<40960x128xf32, #tpu.memory_space<hbm>>) dst(%arg10 : memref<128x128xf32, #tpu.memory_space<vmem>>)
      %add3A_57 = arith.constant 1 : i32
      %add3A_58 = arith.addi %mul3A_32, %add3A_57 : i32
      "tpu.region"() ({
        %run_scoped3A = tpu.sem_alloc : memref<!tpu.dma_semaphore, #tpu.memory_space<semaphore_mem>>
        %dma_start3A_59 = arith.constant 0 : i32
        %dma_start3A_60 = tpu.memref_slice %arg8[%add3A_58, %dma_start3A_59] : memref<40x128xi32, #tpu.memory_space<vmem>> -> memref<1x128xi32, #tpu.memory_space<vmem>>
        %dma_start3A_61 = tpu.memref_squeeze %dma_start3A_60 : memref<1x128xi32, #tpu.memory_space<vmem>> -> memref<128xi32, #tpu.memory_space<vmem>>
        %dma_start3A_62 = arith.constant 0 : i32
        %dma_start3A_63 = arith.constant 0 : i32
        %dma_start3A_64 = tpu.memref_slice %arg13[%dma_start3A_62, %dma_start3A_63] : memref<10112x128xf32, #tpu.memory_space<vmem_shared>> -> memref<10112x128xf32, #tpu.memory_space<vmem_shared>>
        tpu.enqueue_indirect_dma source(%arg10 : memref<128x128xf32, #tpu.memory_space<vmem>>) target(%dma_start3A_64 : memref<10112x128xf32, #tpu.memory_space<vmem_shared>>) offsets(%dma_start3A_61 : memref<128xi32, #tpu.memory_space<vmem>>) semaphore(%run_scoped3A : memref<!tpu.dma_semaphore, #tpu.memory_space<semaphore_mem>>) {add = true}
        %dma_wait3A_65 = arith.constant 0 : i32
        %dma_wait3A_66 = tpu.memref_slice %arg8[%add3A_58, %dma_wait3A_65] : memref<40x128xi32, #tpu.memory_space<vmem>> -> memref<1x128xi32, #tpu.memory_space<vmem>>
        %dma_wait3A_67 = tpu.memref_squeeze %dma_wait3A_66 : memref<1x128xi32, #tpu.memory_space<vmem>> -> memref<128xi32, #tpu.memory_space<vmem>>
        %dma_wait3A_68 = arith.constant 0 : i32
        %dma_wait3A_69 = arith.constant 0 : i32
        %dma_wait3A_70 = tpu.memref_slice %arg13[%dma_wait3A_68, %dma_wait3A_69] : memref<10112x128xf32, #tpu.memory_space<vmem_shared>> -> memref<10112x128xf32, #tpu.memory_space<vmem_shared>>
        tpu.wait_indirect_dma semaphore(%run_scoped3A : memref<!tpu.dma_semaphore, #tpu.memory_space<semaphore_mem>>) src(%arg10 : memref<128x128xf32, #tpu.memory_space<vmem>>) dst(%dma_wait3A_70 : memref<10112x128xf32, #tpu.memory_space<vmem_shared>>)
        tpu.yield
      }) : () -> ()
    }
    %scan3A_11 = arith.constant 20 : i32
    "tpu.region"() ({
      %run_scoped3A = tpu.sem_alloc : memref<!tpu.dma_semaphore, #tpu.memory_space<semaphore_mem>>
      %dma_start3A_30 = arith.constant 40 : i32
      %dma_start3A_31 = arith.constant 0 : i32
      %dma_start3A_32 = tpu.memref_slice %arg3[%arg0, %arg1, %dma_start3A_30, %dma_start3A_31] : memref<2x16x80x128xi32, #tpu.memory_space<hbm>> -> memref<1x1x40x128xi32, #tpu.memory_space<hbm>>
      %dma_start3A_33 = tpu.memref_squeeze %dma_start3A_32 : memref<1x1x40x128xi32, #tpu.memory_space<hbm>> -> memref<40x128xi32, #tpu.memory_space<hbm>>
      %dma_start3A_34 = arith.constant 40 : i32
      %dma_start3A_35 = arith.constant 0 : i32
      %dma_start3A_36 = tpu.memref_slice %arg3[%arg0, %arg1, %dma_start3A_34, %dma_start3A_35] : memref<2x16x80x128xi32, #tpu.memory_space<hbm>> -> memref<1x1x40x128xi32, #tpu.memory_space<hbm>>
      %dma_start3A_37 = tpu.memref_squeeze %dma_start3A_36 : memref<1x1x40x128xi32, #tpu.memory_space<hbm>> -> memref<40x128xi32, #tpu.memory_space<hbm>>
      tpu.enqueue_dma source(%dma_start3A_37 : memref<40x128xi32, #tpu.memory_space<hbm>>) target(%arg7 : memref<40x128xi32, #tpu.memory_space<vmem>>) target_semaphore(%run_scoped3A : memref<!tpu.dma_semaphore, #tpu.memory_space<semaphore_mem>>)
      %dma_wait3A = arith.constant 40 : i32
      %dma_wait3A_38 = arith.constant 0 : i32
      %dma_wait3A_39 = tpu.memref_slice %arg3[%arg0, %arg1, %dma_wait3A, %dma_wait3A_38] : memref<2x16x80x128xi32, #tpu.memory_space<hbm>> -> memref<1x1x40x128xi32, #tpu.memory_space<hbm>>
      %dma_wait3A_40 = tpu.memref_squeeze %dma_wait3A_39 : memref<1x1x40x128xi32, #tpu.memory_space<hbm>> -> memref<40x128xi32, #tpu.memory_space<hbm>>
      %dma_wait3A_41 = arith.constant 40 : i32
      %dma_wait3A_42 = arith.constant 0 : i32
      %dma_wait3A_43 = tpu.memref_slice %arg3[%arg0, %arg1, %dma_wait3A_41, %dma_wait3A_42] : memref<2x16x80x128xi32, #tpu.memory_space<hbm>> -> memref<1x1x40x128xi32, #tpu.memory_space<hbm>>
      %dma_wait3A_44 = tpu.memref_squeeze %dma_wait3A_43 : memref<1x1x40x128xi32, #tpu.memory_space<hbm>> -> memref<40x128xi32, #tpu.memory_space<hbm>>
      tpu.wait_dma2 semaphore(%run_scoped3A : memref<!tpu.dma_semaphore, #tpu.memory_space<semaphore_mem>>) src(%dma_wait3A_44 : memref<40x128xi32, #tpu.memory_space<hbm>>) dst(%arg7 : memref<40x128xi32, #tpu.memory_space<vmem>>)
      tpu.yield
    }) : () -> ()
    "tpu.region"() ({
      %run_scoped3A = tpu.sem_alloc : memref<!tpu.dma_semaphore, #tpu.memory_space<semaphore_mem>>
      %dma_start3A_30 = arith.constant 40 : i32
      %dma_start3A_31 = arith.constant 0 : i32
      %dma_start3A_32 = tpu.memref_slice %arg4[%arg0, %arg1, %dma_start3A_30, %dma_start3A_31] : memref<2x16x80x128xi32, #tpu.memory_space<hbm>> -> memref<1x1x40x128xi32, #tpu.memory_space<hbm>>
      %dma_start3A_33 = tpu.memref_squeeze %dma_start3A_32 : memref<1x1x40x128xi32, #tpu.memory_space<hbm>> -> memref<40x128xi32, #tpu.memory_space<hbm>>
      %dma_start3A_34 = arith.constant 40 : i32
      %dma_start3A_35 = arith.constant 0 : i32
      %dma_start3A_36 = tpu.memref_slice %arg4[%arg0, %arg1, %dma_start3A_34, %dma_start3A_35] : memref<2x16x80x128xi32, #tpu.memory_space<hbm>> -> memref<1x1x40x128xi32, #tpu.memory_space<hbm>>
      %dma_start3A_37 = tpu.memref_squeeze %dma_start3A_36 : memref<1x1x40x128xi32, #tpu.memory_space<hbm>> -> memref<40x128xi32, #tpu.memory_space<hbm>>
      tpu.enqueue_dma source(%dma_start3A_37 : memref<40x128xi32, #tpu.memory_space<hbm>>) target(%arg8 : memref<40x128xi32, #tpu.memory_space<vmem>>) target_semaphore(%run_scoped3A : memref<!tpu.dma_semaphore, #tpu.memory_space<semaphore_mem>>)
      %dma_wait3A = arith.constant 40 : i32
      %dma_wait3A_38 = arith.constant 0 : i32
      %dma_wait3A_39 = tpu.memref_slice %arg4[%arg0, %arg1, %dma_wait3A, %dma_wait3A_38] : memref<2x16x80x128xi32, #tpu.memory_space<hbm>> -> memref<1x1x40x128xi32, #tpu.memory_space<hbm>>
      %dma_wait3A_40 = tpu.memref_squeeze %dma_wait3A_39 : memref<1x1x40x128xi32, #tpu.memory_space<hbm>> -> memref<40x128xi32, #tpu.memory_space<hbm>>
      %dma_wait3A_41 = arith.constant 40 : i32
      %dma_wait3A_42 = arith.constant 0 : i32
      %dma_wait3A_43 = tpu.memref_slice %arg4[%arg0, %arg1, %dma_wait3A_41, %dma_wait3A_42] : memref<2x16x80x128xi32, #tpu.memory_space<hbm>> -> memref<1x1x40x128xi32, #tpu.memory_space<hbm>>
      %dma_wait3A_44 = tpu.memref_squeeze %dma_wait3A_43 : memref<1x1x40x128xi32, #tpu.memory_space<hbm>> -> memref<40x128xi32, #tpu.memory_space<hbm>>
      tpu.wait_dma2 semaphore(%run_scoped3A : memref<!tpu.dma_semaphore, #tpu.memory_space<semaphore_mem>>) src(%dma_wait3A_44 : memref<40x128xi32, #tpu.memory_space<hbm>>) dst(%arg8 : memref<40x128xi32, #tpu.memory_space<vmem>>)
      tpu.yield
    }) : () -> ()
    %dma_start3A_12 = arith.constant 0 : i32
    %dma_start3A_13 = arith.constant 0 : i32
    %dma_start3A_14 = tpu.memref_slice %arg7[%dma_start3A_12, %dma_start3A_13] : memref<40x128xi32, #tpu.memory_space<vmem>> -> memref<1x128xi32, #tpu.memory_space<vmem>>
    %dma_start3A_15 = tpu.memref_squeeze %dma_start3A_14 : memref<1x128xi32, #tpu.memory_space<vmem>> -> memref<128xi32, #tpu.memory_space<vmem>>
    %dma_start3A_16 = arith.constant 0 : i32
    %dma_start3A_17 = arith.constant 0 : i32
    %dma_start3A_18 = tpu.memref_slice %arg2[%dma_start3A_16, %dma_start3A_17] : memref<40960x128xf32, #tpu.memory_space<hbm>> -> memref<40960x128xf32, #tpu.memory_space<hbm>>
    tpu.enqueue_indirect_dma source(%dma_start3A_18 : memref<40960x128xf32, #tpu.memory_space<hbm>>) target(%arg9 : memref<128x128xf32, #tpu.memory_space<vmem>>) offsets(%dma_start3A_15 : memref<128xi32, #tpu.memory_space<vmem>>) semaphore(%arg11 : memref<!tpu.dma_semaphore, #tpu.memory_space<semaphore_mem>>)
    %scan3A_19 = arith.constant 0 : i32
    %scan3A_20 = arith.constant 0 : i32
    %scan3A_21 = arith.constant 20 : i32
    %scan3A_22 = arith.addi %scan3A_20, %scan3A_21 : i32
    %scan3A_23 = arith.constant 1 : i32
    scf.for %scan3A_30 = %scan3A_20 to %scan3A_22 step %scan3A_23  : i32 {
      %mul3A_31 = arith.constant 2 : i32
      %mul3A_32 = arith.muli %mul3A_31, %scan3A_30 : i32
      %add3A = arith.constant 1 : i32
      %add3A_33 = arith.addi %mul3A_32, %add3A : i32
      %dma_start3A_34 = arith.constant 0 : i32
      %dma_start3A_35 = tpu.memref_slice %arg7[%add3A_33, %dma_start3A_34] : memref<40x128xi32, #tpu.memory_space<vmem>> -> memref<1x128xi32, #tpu.memory_space<vmem>>
      %dma_start3A_36 = tpu.memref_squeeze %dma_start3A_35 : memref<1x128xi32, #tpu.memory_space<vmem>> -> memref<128xi32, #tpu.memory_space<vmem>>
      %dma_start3A_37 = arith.constant 0 : i32
      %dma_start3A_38 = arith.constant 0 : i32
      %dma_start3A_39 = tpu.memref_slice %arg2[%dma_start3A_37, %dma_start3A_38] : memref<40960x128xf32, #tpu.memory_space<hbm>> -> memref<40960x128xf32, #tpu.memory_space<hbm>>
      tpu.enqueue_indirect_dma source(%dma_start3A_39 : memref<40960x128xf32, #tpu.memory_space<hbm>>) target(%arg10 : memref<128x128xf32, #tpu.memory_space<vmem>>) offsets(%dma_start3A_36 : memref<128xi32, #tpu.memory_space<vmem>>) semaphore(%arg12 : memref<!tpu.dma_semaphore, #tpu.memory_space<semaphore_mem>>)
      %dma_wait3A = arith.constant 0 : i32
      %dma_wait3A_40 = tpu.memref_slice %arg7[%mul3A_32, %dma_wait3A] : memref<40x128xi32, #tpu.memory_space<vmem>> -> memref<1x128xi32, #tpu.memory_space<vmem>>
      %dma_wait3A_41 = tpu.memref_squeeze %dma_wait3A_40 : memref<1x128xi32, #tpu.memory_space<vmem>> -> memref<128xi32, #tpu.memory_space<vmem>>
      %dma_wait3A_42 = arith.constant 0 : i32
      %dma_wait3A_43 = arith.constant 0 : i32
      %dma_wait3A_44 = tpu.memref_slice %arg2[%dma_wait3A_42, %dma_wait3A_43] : memref<40960x128xf32, #tpu.memory_space<hbm>> -> memref<40960x128xf32, #tpu.memory_space<hbm>>
      tpu.wait_indirect_dma semaphore(%arg11 : memref<!tpu.dma_semaphore, #tpu.memory_space<semaphore_mem>>) src(%dma_wait3A_44 : memref<40960x128xf32, #tpu.memory_space<hbm>>) dst(%arg9 : memref<128x128xf32, #tpu.memory_space<vmem>>)
      "tpu.region"() ({
        %run_scoped3A = tpu.sem_alloc : memref<!tpu.dma_semaphore, #tpu.memory_space<semaphore_mem>>
        %dma_start3A_59 = arith.constant 0 : i32
        %dma_start3A_60 = tpu.memref_slice %arg8[%mul3A_32, %dma_start3A_59] : memref<40x128xi32, #tpu.memory_space<vmem>> -> memref<1x128xi32, #tpu.memory_space<vmem>>
        %dma_start3A_61 = tpu.memref_squeeze %dma_start3A_60 : memref<1x128xi32, #tpu.memory_space<vmem>> -> memref<128xi32, #tpu.memory_space<vmem>>
        %dma_start3A_62 = arith.constant 0 : i32
        %dma_start3A_63 = arith.constant 0 : i32
        %dma_start3A_64 = tpu.memref_slice %arg13[%dma_start3A_62, %dma_start3A_63] : memref<10112x128xf32, #tpu.memory_space<vmem_shared>> -> memref<10112x128xf32, #tpu.memory_space<vmem_shared>>
        tpu.enqueue_indirect_dma source(%arg9 : memref<128x128xf32, #tpu.memory_space<vmem>>) target(%dma_start3A_64 : memref<10112x128xf32, #tpu.memory_space<vmem_shared>>) offsets(%dma_start3A_61 : memref<128xi32, #tpu.memory_space<vmem>>) semaphore(%run_scoped3A : memref<!tpu.dma_semaphore, #tpu.memory_space<semaphore_mem>>) {add = true}
        %dma_wait3A_65 = arith.constant 0 : i32
        %dma_wait3A_66 = tpu.memref_slice %arg8[%mul3A_32, %dma_wait3A_65] : memref<40x128xi32, #tpu.memory_space<vmem>> -> memref<1x128xi32, #tpu.memory_space<vmem>>
        %dma_wait3A_67 = tpu.memref_squeeze %dma_wait3A_66 : memref<1x128xi32, #tpu.memory_space<vmem>> -> memref<128xi32, #tpu.memory_space<vmem>>
        %dma_wait3A_68 = arith.constant 0 : i32
        %dma_wait3A_69 = arith.constant 0 : i32
        %dma_wait3A_70 = tpu.memref_slice %arg13[%dma_wait3A_68, %dma_wait3A_69] : memref<10112x128xf32, #tpu.memory_space<vmem_shared>> -> memref<10112x128xf32, #tpu.memory_space<vmem_shared>>
        tpu.wait_indirect_dma semaphore(%run_scoped3A : memref<!tpu.dma_semaphore, #tpu.memory_space<semaphore_mem>>) src(%arg9 : memref<128x128xf32, #tpu.memory_space<vmem>>) dst(%dma_wait3A_70 : memref<10112x128xf32, #tpu.memory_space<vmem_shared>>)
        tpu.yield
      }) : () -> ()
      %add3A_45 = arith.constant 2 : i32
      %add3A_46 = arith.addi %mul3A_32, %add3A_45 : i32
      %lt3A = arith.constant 40 : i32
      %lt3A_47 = arith.cmpi slt, %add3A_46, %lt3A : i32
      %convert_element_type3A = arith.extui %lt3A_47 : i1 to i32
      %cond3A = arith.constant 0 : i32
      %cond3A_48 = arith.cmpi ne, %convert_element_type3A, %cond3A : i32
      scf.if %cond3A_48 {
        %add3A_59 = arith.constant 2 : i32
        %add3A_60 = arith.addi %mul3A_32, %add3A_59 : i32
        %dma_start3A_61 = arith.constant 0 : i32
        %dma_start3A_62 = tpu.memref_slice %arg7[%add3A_60, %dma_start3A_61] : memref<40x128xi32, #tpu.memory_space<vmem>> -> memref<1x128xi32, #tpu.memory_space<vmem>>
        %dma_start3A_63 = tpu.memref_squeeze %dma_start3A_62 : memref<1x128xi32, #tpu.memory_space<vmem>> -> memref<128xi32, #tpu.memory_space<vmem>>
        %dma_start3A_64 = arith.constant 0 : i32
        %dma_start3A_65 = arith.constant 0 : i32
        %dma_start3A_66 = tpu.memref_slice %arg2[%dma_start3A_64, %dma_start3A_65] : memref<40960x128xf32, #tpu.memory_space<hbm>> -> memref<40960x128xf32, #tpu.memory_space<hbm>>
        tpu.enqueue_indirect_dma source(%dma_start3A_66 : memref<40960x128xf32, #tpu.memory_space<hbm>>) target(%arg9 : memref<128x128xf32, #tpu.memory_space<vmem>>) offsets(%dma_start3A_63 : memref<128xi32, #tpu.memory_space<vmem>>) semaphore(%arg11 : memref<!tpu.dma_semaphore, #tpu.memory_space<semaphore_mem>>)
      } else {
      }
      %add3A_49 = arith.constant 1 : i32
      %add3A_50 = arith.addi %mul3A_32, %add3A_49 : i32
      %dma_wait3A_51 = arith.constant 0 : i32
      %dma_wait3A_52 = tpu.memref_slice %arg7[%add3A_50, %dma_wait3A_51] : memref<40x128xi32, #tpu.memory_space<vmem>> -> memref<1x128xi32, #tpu.memory_space<vmem>>
      %dma_wait3A_53 = tpu.memref_squeeze %dma_wait3A_52 : memref<1x128xi32, #tpu.memory_space<vmem>> -> memref<128xi32, #tpu.memory_space<vmem>>
      %dma_wait3A_54 = arith.constant 0 : i32
      %dma_wait3A_55 = arith.constant 0 : i32
      %dma_wait3A_56 = tpu.memref_slice %arg2[%dma_wait3A_54, %dma_wait3A_55] : memref<40960x128xf32, #tpu.memory_space<hbm>> -> memref<40960x128xf32, #tpu.memory_space<hbm>>
      tpu.wait_indirect_dma semaphore(%arg12 : memref<!tpu.dma_semaphore, #tpu.memory_space<semaphore_mem>>) src(%dma_wait3A_56 : memref<40960x128xf32, #tpu.memory_space<hbm>>) dst(%arg10 : memref<128x128xf32, #tpu.memory_space<vmem>>)
      %add3A_57 = arith.constant 1 : i32
      %add3A_58 = arith.addi %mul3A_32, %add3A_57 : i32
      "tpu.region"() ({
        %run_scoped3A = tpu.sem_alloc : memref<!tpu.dma_semaphore, #tpu.memory_space<semaphore_mem>>
        %dma_start3A_59 = arith.constant 0 : i32
        %dma_start3A_60 = tpu.memref_slice %arg8[%add3A_58, %dma_start3A_59] : memref<40x128xi32, #tpu.memory_space<vmem>> -> memref<1x128xi32, #tpu.memory_space<vmem>>
        %dma_start3A_61 = tpu.memref_squeeze %dma_start3A_60 : memref<1x128xi32, #tpu.memory_space<vmem>> -> memref<128xi32, #tpu.memory_space<vmem>>
        %dma_start3A_62 = arith.constant 0 : i32
        %dma_start3A_63 = arith.constant 0 : i32
        %dma_start3A_64 = tpu.memref_slice %arg13[%dma_start3A_62, %dma_start3A_63] : memref<10112x128xf32, #tpu.memory_space<vmem_shared>> -> memref<10112x128xf32, #tpu.memory_space<vmem_shared>>
        tpu.enqueue_indirect_dma source(%arg10 : memref<128x128xf32, #tpu.memory_space<vmem>>) target(%dma_start3A_64 : memref<10112x128xf32, #tpu.memory_space<vmem_shared>>) offsets(%dma_start3A_61 : memref<128xi32, #tpu.memory_space<vmem>>) semaphore(%run_scoped3A : memref<!tpu.dma_semaphore, #tpu.memory_space<semaphore_mem>>) {add = true}
        %dma_wait3A_65 = arith.constant 0 : i32
        %dma_wait3A_66 = tpu.memref_slice %arg8[%add3A_58, %dma_wait3A_65] : memref<40x128xi32, #tpu.memory_space<vmem>> -> memref<1x128xi32, #tpu.memory_space<vmem>>
        %dma_wait3A_67 = tpu.memref_squeeze %dma_wait3A_66 : memref<1x128xi32, #tpu.memory_space<vmem>> -> memref<128xi32, #tpu.memory_space<vmem>>
        %dma_wait3A_68 = arith.constant 0 : i32
        %dma_wait3A_69 = arith.constant 0 : i32
        %dma_wait3A_70 = tpu.memref_slice %arg13[%dma_wait3A_68, %dma_wait3A_69] : memref<10112x128xf32, #tpu.memory_space<vmem_shared>> -> memref<10112x128xf32, #tpu.memory_space<vmem_shared>>
        tpu.wait_indirect_dma semaphore(%run_scoped3A : memref<!tpu.dma_semaphore, #tpu.memory_space<semaphore_mem>>) src(%arg10 : memref<128x128xf32, #tpu.memory_space<vmem>>) dst(%dma_wait3A_70 : memref<10112x128xf32, #tpu.memory_space<vmem_shared>>)
        tpu.yield
      }) : () -> ()
    }
    %scan3A_24 = arith.constant 20 : i32
    %barrier3A_25 = arith.constant 0 : index
    tpu.barrier barrier_id(%barrier3A_25)
    %mul3A_26 = arith.constant 632 : i32
    %mul3A_27 = arith.muli %arg1, %mul3A_26 : i32
    %mul3A_28 = arith.constant 632 : i32
    %mul3A_29 = arith.muli %arg1, %mul3A_28 : i32
    "tpu.region"() ({
      %run_scoped3A = tpu.sem_alloc : memref<!tpu.dma_semaphore, #tpu.memory_space<semaphore_mem>>
      %dma_start3A_30 = arith.constant 0 : i32
      %dma_start3A_31 = tpu.memref_slice %arg6[%arg0, %mul3A_29, %dma_start3A_30] : memref<2x10240x128xf32, #tpu.memory_space<hbm>> -> memref<1x632x128xf32, #tpu.memory_space<hbm>>
      %dma_start3A_32 = tpu.memref_squeeze %dma_start3A_31 : memref<1x632x128xf32, #tpu.memory_space<hbm>> -> memref<632x128xf32, #tpu.memory_space<hbm>>
      %dma_start3A_33 = arith.constant 0 : i32
      %dma_start3A_34 = tpu.memref_slice %arg13[%mul3A_27, %dma_start3A_33] : memref<10112x128xf32, #tpu.memory_space<vmem_shared>> -> memref<632x128xf32, #tpu.memory_space<vmem_shared>>
      tpu.enqueue_dma source(%dma_start3A_34 : memref<632x128xf32, #tpu.memory_space<vmem_shared>>) target(%dma_start3A_32 : memref<632x128xf32, #tpu.memory_space<hbm>>) target_semaphore(%run_scoped3A : memref<!tpu.dma_semaphore, #tpu.memory_space<semaphore_mem>>)
      %dma_wait3A = arith.constant 0 : i32
      %dma_wait3A_35 = tpu.memref_slice %arg6[%arg0, %mul3A_29, %dma_wait3A] : memref<2x10240x128xf32, #tpu.memory_space<hbm>> -> memref<1x632x128xf32, #tpu.memory_space<hbm>>
      %dma_wait3A_36 = tpu.memref_squeeze %dma_wait3A_35 : memref<1x632x128xf32, #tpu.memory_space<hbm>> -> memref<632x128xf32, #tpu.memory_space<hbm>>
      %dma_wait3A_37 = arith.constant 0 : i32
      %dma_wait3A_38 = tpu.memref_slice %arg13[%mul3A_27, %dma_wait3A_37] : memref<10112x128xf32, #tpu.memory_space<vmem_shared>> -> memref<632x128xf32, #tpu.memory_space<vmem_shared>>
      tpu.wait_dma2 semaphore(%run_scoped3A : memref<!tpu.dma_semaphore, #tpu.memory_space<semaphore_mem>>) src(%dma_wait3A_38 : memref<632x128xf32, #tpu.memory_space<vmem_shared>>) dst(%dma_wait3A_36 : memref<632x128xf32, #tpu.memory_space<hbm>>)
      tpu.yield
    }) : () -> ()
    return
  }
}

#map = affine_map<(d0, d1) -> (0, 0)>
#map1 = affine_map<(d0, d1) -> (0, 0, 0, 0)>
#map2 = affine_map<(d0, d1) -> (0, 0, 0)>
module attributes {stable_mosaic.version = 14 : i64} {
  func.func @_sc_edge_body(%arg0: i32, %arg1: i32, %arg2: memref<40960x128xf32, #tpu.memory_space<hbm>>, %arg3: memref<2x16x80x128xi32, #tpu.memory_space<hbm>>, %arg4: memref<2x16x80x128xi32, #tpu.memory_space<hbm>>, %arg5: memref<632x128xf32, #tpu.memory_space<hbm>>, %arg6: memref<2x10240x128xf32, #tpu.memory_space<hbm>>, %arg7: memref<40x128xi32, #tpu.memory_space<vmem>>, %arg8: memref<40x128xi32, #tpu.memory_space<vmem>>, %arg9: memref<128x128xf32, #tpu.memory_space<vmem>>, %arg10: memref<128x128xf32, #tpu.memory_space<vmem>>, %arg11: memref<!tpu.dma_semaphore, #tpu.memory_space<semaphore_mem>>, %arg12: memref<!tpu.dma_semaphore, #tpu.memory_space<semaphore_mem>>, %arg13: memref<10112x128xf32, #tpu.memory_space<vmem_shared>>) attributes {dimension_semantics = [#tpu.dimension_semantics<core_parallel>, #tpu.dimension_semantics<subcore_parallel>], iteration_bounds = array<i64: 2, 16>, scalar_prefetch = 0 : i64, scratch_operands = 7 : i64, tpu.core_type = #tpu.core_type<sc_vector_subcore>, window_params = [{transform_indices = #map}, {transform_indices = #map1}, {transform_indices = #map1}, {transform_indices = #map}, {transform_indices = #map2}]} {
    %mul3A = arith.constant 632 : i32
    %mul3A_0 = arith.muli %arg1, %mul3A : i32
    "tpu.region"() ({
      %run_scoped3A = tpu.sem_alloc : memref<!tpu.dma_semaphore, #tpu.memory_space<semaphore_mem>>
      %dma_start3A_30 = arith.constant 0 : i32
      %dma_start3A_31 = tpu.memref_slice %arg13[%mul3A_0, %dma_start3A_30] : memref<10112x128xf32, #tpu.memory_space<vmem_shared>> -> memref<632x128xf32, #tpu.memory_space<vmem_shared>>
      tpu.enqueue_dma source(%arg5 : memref<632x128xf32, #tpu.memory_space<hbm>>) target(%dma_start3A_31 : memref<632x128xf32, #tpu.memory_space<vmem_shared>>) target_semaphore(%run_scoped3A : memref<!tpu.dma_semaphore, #tpu.memory_space<semaphore_mem>>)
      %dma_wait3A = arith.constant 0 : i32
      %dma_wait3A_32 = tpu.memref_slice %arg13[%mul3A_0, %dma_wait3A] : memref<10112x128xf32, #tpu.memory_space<vmem_shared>> -> memref<632x128xf32, #tpu.memory_space<vmem_shared>>
      tpu.wait_dma2 semaphore(%run_scoped3A : memref<!tpu.dma_semaphore, #tpu.memory_space<semaphore_mem>>) src(%arg5 : memref<632x128xf32, #tpu.memory_space<hbm>>) dst(%dma_wait3A_32 : memref<632x128xf32, #tpu.memory_space<vmem_shared>>)
      tpu.yield
    }) : () -> ()
    %barrier3A = arith.constant 0 : index
    tpu.barrier barrier_id(%barrier3A)
    "tpu.region"() ({
      %run_scoped3A = tpu.sem_alloc : memref<!tpu.dma_semaphore, #tpu.memory_space<semaphore_mem>>
      %dma_start3A_30 = arith.constant 0 : i32
      %dma_start3A_31 = arith.constant 0 : i32
      %dma_start3A_32 = tpu.memref_slice %arg3[%arg0, %arg1, %dma_start3A_30, %dma_start3A_31] : memref<2x16x80x128xi32, #tpu.memory_space<hbm>> -> memref<1x1x40x128xi32, #tpu.memory_space<hbm>>
      %dma_start3A_33 = tpu.memref_squeeze %dma_start3A_32 : memref<1x1x40x128xi32, #tpu.memory_space<hbm>> -> memref<40x128xi32, #tpu.memory_space<hbm>>
      %dma_start3A_34 = arith.constant 0 : i32
      %dma_start3A_35 = arith.constant 0 : i32
      %dma_start3A_36 = tpu.memref_slice %arg3[%arg0, %arg1, %dma_start3A_34, %dma_start3A_35] : memref<2x16x80x128xi32, #tpu.memory_space<hbm>> -> memref<1x1x40x128xi32, #tpu.memory_space<hbm>>
      %dma_start3A_37 = tpu.memref_squeeze %dma_start3A_36 : memref<1x1x40x128xi32, #tpu.memory_space<hbm>> -> memref<40x128xi32, #tpu.memory_space<hbm>>
      tpu.enqueue_dma source(%dma_start3A_37 : memref<40x128xi32, #tpu.memory_space<hbm>>) target(%arg7 : memref<40x128xi32, #tpu.memory_space<vmem>>) target_semaphore(%run_scoped3A : memref<!tpu.dma_semaphore, #tpu.memory_space<semaphore_mem>>)
      %dma_wait3A = arith.constant 0 : i32
      %dma_wait3A_38 = arith.constant 0 : i32
      %dma_wait3A_39 = tpu.memref_slice %arg3[%arg0, %arg1, %dma_wait3A, %dma_wait3A_38] : memref<2x16x80x128xi32, #tpu.memory_space<hbm>> -> memref<1x1x40x128xi32, #tpu.memory_space<hbm>>
      %dma_wait3A_40 = tpu.memref_squeeze %dma_wait3A_39 : memref<1x1x40x128xi32, #tpu.memory_space<hbm>> -> memref<40x128xi32, #tpu.memory_space<hbm>>
      %dma_wait3A_41 = arith.constant 0 : i32
      %dma_wait3A_42 = arith.constant 0 : i32
      %dma_wait3A_43 = tpu.memref_slice %arg3[%arg0, %arg1, %dma_wait3A_41, %dma_wait3A_42] : memref<2x16x80x128xi32, #tpu.memory_space<hbm>> -> memref<1x1x40x128xi32, #tpu.memory_space<hbm>>
      %dma_wait3A_44 = tpu.memref_squeeze %dma_wait3A_43 : memref<1x1x40x128xi32, #tpu.memory_space<hbm>> -> memref<40x128xi32, #tpu.memory_space<hbm>>
      tpu.wait_dma2 semaphore(%run_scoped3A : memref<!tpu.dma_semaphore, #tpu.memory_space<semaphore_mem>>) src(%dma_wait3A_44 : memref<40x128xi32, #tpu.memory_space<hbm>>) dst(%arg7 : memref<40x128xi32, #tpu.memory_space<vmem>>)
      tpu.yield
    }) : () -> ()
    "tpu.region"() ({
      %run_scoped3A = tpu.sem_alloc : memref<!tpu.dma_semaphore, #tpu.memory_space<semaphore_mem>>
      %dma_start3A_30 = arith.constant 0 : i32
      %dma_start3A_31 = arith.constant 0 : i32
      %dma_start3A_32 = tpu.memref_slice %arg4[%arg0, %arg1, %dma_start3A_30, %dma_start3A_31] : memref<2x16x80x128xi32, #tpu.memory_space<hbm>> -> memref<1x1x40x128xi32, #tpu.memory_space<hbm>>
      %dma_start3A_33 = tpu.memref_squeeze %dma_start3A_32 : memref<1x1x40x128xi32, #tpu.memory_space<hbm>> -> memref<40x128xi32, #tpu.memory_space<hbm>>
      %dma_start3A_34 = arith.constant 0 : i32
      %dma_start3A_35 = arith.constant 0 : i32
      %dma_start3A_36 = tpu.memref_slice %arg4[%arg0, %arg1, %dma_start3A_34, %dma_start3A_35] : memref<2x16x80x128xi32, #tpu.memory_space<hbm>> -> memref<1x1x40x128xi32, #tpu.memory_space<hbm>>
      %dma_start3A_37 = tpu.memref_squeeze %dma_start3A_36 : memref<1x1x40x128xi32, #tpu.memory_space<hbm>> -> memref<40x128xi32, #tpu.memory_space<hbm>>
      tpu.enqueue_dma source(%dma_start3A_37 : memref<40x128xi32, #tpu.memory_space<hbm>>) target(%arg8 : memref<40x128xi32, #tpu.memory_space<vmem>>) target_semaphore(%run_scoped3A : memref<!tpu.dma_semaphore, #tpu.memory_space<semaphore_mem>>)
      %dma_wait3A = arith.constant 0 : i32
      %dma_wait3A_38 = arith.constant 0 : i32
      %dma_wait3A_39 = tpu.memref_slice %arg4[%arg0, %arg1, %dma_wait3A, %dma_wait3A_38] : memref<2x16x80x128xi32, #tpu.memory_space<hbm>> -> memref<1x1x40x128xi32, #tpu.memory_space<hbm>>
      %dma_wait3A_40 = tpu.memref_squeeze %dma_wait3A_39 : memref<1x1x40x128xi32, #tpu.memory_space<hbm>> -> memref<40x128xi32, #tpu.memory_space<hbm>>
      %dma_wait3A_41 = arith.constant 0 : i32
      %dma_wait3A_42 = arith.constant 0 : i32
      %dma_wait3A_43 = tpu.memref_slice %arg4[%arg0, %arg1, %dma_wait3A_41, %dma_wait3A_42] : memref<2x16x80x128xi32, #tpu.memory_space<hbm>> -> memref<1x1x40x128xi32, #tpu.memory_space<hbm>>
      %dma_wait3A_44 = tpu.memref_squeeze %dma_wait3A_43 : memref<1x1x40x128xi32, #tpu.memory_space<hbm>> -> memref<40x128xi32, #tpu.memory_space<hbm>>
      tpu.wait_dma2 semaphore(%run_scoped3A : memref<!tpu.dma_semaphore, #tpu.memory_space<semaphore_mem>>) src(%dma_wait3A_44 : memref<40x128xi32, #tpu.memory_space<hbm>>) dst(%arg8 : memref<40x128xi32, #tpu.memory_space<vmem>>)
      tpu.yield
    }) : () -> ()
    %dma_start3A = arith.constant 0 : i32
    %dma_start3A_1 = arith.constant 0 : i32
    %dma_start3A_2 = tpu.memref_slice %arg7[%dma_start3A, %dma_start3A_1] : memref<40x128xi32, #tpu.memory_space<vmem>> -> memref<1x128xi32, #tpu.memory_space<vmem>>
    %dma_start3A_3 = tpu.memref_squeeze %dma_start3A_2 : memref<1x128xi32, #tpu.memory_space<vmem>> -> memref<128xi32, #tpu.memory_space<vmem>>
    %dma_start3A_4 = arith.constant 0 : i32
    %dma_start3A_5 = arith.constant 0 : i32
    %dma_start3A_6 = tpu.memref_slice %arg2[%dma_start3A_4, %dma_start3A_5] : memref<40960x128xf32, #tpu.memory_space<hbm>> -> memref<40960x128xf32, #tpu.memory_space<hbm>>
    tpu.enqueue_indirect_dma source(%dma_start3A_6 : memref<40960x128xf32, #tpu.memory_space<hbm>>) target(%arg9 : memref<128x128xf32, #tpu.memory_space<vmem>>) offsets(%dma_start3A_3 : memref<128xi32, #tpu.memory_space<vmem>>) semaphore(%arg11 : memref<!tpu.dma_semaphore, #tpu.memory_space<semaphore_mem>>)
    %scan3A = arith.constant 0 : i32
    %scan3A_7 = arith.constant 0 : i32
    %scan3A_8 = arith.constant 20 : i32
    %scan3A_9 = arith.addi %scan3A_7, %scan3A_8 : i32
    %scan3A_10 = arith.constant 1 : i32
    scf.for %scan3A_30 = %scan3A_7 to %scan3A_9 step %scan3A_10  : i32 {
      %mul3A_31 = arith.constant 2 : i32
      %mul3A_32 = arith.muli %mul3A_31, %scan3A_30 : i32
      %add3A = arith.constant 1 : i32
      %add3A_33 = arith.addi %mul3A_32, %add3A : i32
      %dma_start3A_34 = arith.constant 0 : i32
      %dma_start3A_35 = tpu.memref_slice %arg7[%add3A_33, %dma_start3A_34] : memref<40x128xi32, #tpu.memory_space<vmem>> -> memref<1x128xi32, #tpu.memory_space<vmem>>
      %dma_start3A_36 = tpu.memref_squeeze %dma_start3A_35 : memref<1x128xi32, #tpu.memory_space<vmem>> -> memref<128xi32, #tpu.memory_space<vmem>>
      %dma_start3A_37 = arith.constant 0 : i32
      %dma_start3A_38 = arith.constant 0 : i32
      %dma_start3A_39 = tpu.memref_slice %arg2[%dma_start3A_37, %dma_start3A_38] : memref<40960x128xf32, #tpu.memory_space<hbm>> -> memref<40960x128xf32, #tpu.memory_space<hbm>>
      tpu.enqueue_indirect_dma source(%dma_start3A_39 : memref<40960x128xf32, #tpu.memory_space<hbm>>) target(%arg10 : memref<128x128xf32, #tpu.memory_space<vmem>>) offsets(%dma_start3A_36 : memref<128xi32, #tpu.memory_space<vmem>>) semaphore(%arg12 : memref<!tpu.dma_semaphore, #tpu.memory_space<semaphore_mem>>)
      %dma_wait3A = arith.constant 0 : i32
      %dma_wait3A_40 = tpu.memref_slice %arg7[%mul3A_32, %dma_wait3A] : memref<40x128xi32, #tpu.memory_space<vmem>> -> memref<1x128xi32, #tpu.memory_space<vmem>>
      %dma_wait3A_41 = tpu.memref_squeeze %dma_wait3A_40 : memref<1x128xi32, #tpu.memory_space<vmem>> -> memref<128xi32, #tpu.memory_space<vmem>>
      %dma_wait3A_42 = arith.constant 0 : i32
      %dma_wait3A_43 = arith.constant 0 : i32
      %dma_wait3A_44 = tpu.memref_slice %arg2[%dma_wait3A_42, %dma_wait3A_43] : memref<40960x128xf32, #tpu.memory_space<hbm>> -> memref<40960x128xf32, #tpu.memory_space<hbm>>
      tpu.wait_indirect_dma semaphore(%arg11 : memref<!tpu.dma_semaphore, #tpu.memory_space<semaphore_mem>>) src(%dma_wait3A_44 : memref<40960x128xf32, #tpu.memory_space<hbm>>) dst(%arg9 : memref<128x128xf32, #tpu.memory_space<vmem>>)
      "tpu.region"() ({
        %run_scoped3A = tpu.sem_alloc : memref<!tpu.dma_semaphore, #tpu.memory_space<semaphore_mem>>
        %dma_start3A_59 = arith.constant 0 : i32
        %dma_start3A_60 = tpu.memref_slice %arg8[%mul3A_32, %dma_start3A_59] : memref<40x128xi32, #tpu.memory_space<vmem>> -> memref<1x128xi32, #tpu.memory_space<vmem>>
        %dma_start3A_61 = tpu.memref_squeeze %dma_start3A_60 : memref<1x128xi32, #tpu.memory_space<vmem>> -> memref<128xi32, #tpu.memory_space<vmem>>
        %dma_start3A_62 = arith.constant 0 : i32
        %dma_start3A_63 = arith.constant 0 : i32
        %dma_start3A_64 = tpu.memref_slice %arg13[%dma_start3A_62, %dma_start3A_63] : memref<10112x128xf32, #tpu.memory_space<vmem_shared>> -> memref<10112x128xf32, #tpu.memory_space<vmem_shared>>
        tpu.enqueue_indirect_dma source(%arg9 : memref<128x128xf32, #tpu.memory_space<vmem>>) target(%dma_start3A_64 : memref<10112x128xf32, #tpu.memory_space<vmem_shared>>) offsets(%dma_start3A_61 : memref<128xi32, #tpu.memory_space<vmem>>) semaphore(%run_scoped3A : memref<!tpu.dma_semaphore, #tpu.memory_space<semaphore_mem>>) {add = true}
        %dma_wait3A_65 = arith.constant 0 : i32
        %dma_wait3A_66 = tpu.memref_slice %arg8[%mul3A_32, %dma_wait3A_65] : memref<40x128xi32, #tpu.memory_space<vmem>> -> memref<1x128xi32, #tpu.memory_space<vmem>>
        %dma_wait3A_67 = tpu.memref_squeeze %dma_wait3A_66 : memref<1x128xi32, #tpu.memory_space<vmem>> -> memref<128xi32, #tpu.memory_space<vmem>>
        %dma_wait3A_68 = arith.constant 0 : i32
        %dma_wait3A_69 = arith.constant 0 : i32
        %dma_wait3A_70 = tpu.memref_slice %arg13[%dma_wait3A_68, %dma_wait3A_69] : memref<10112x128xf32, #tpu.memory_space<vmem_shared>> -> memref<10112x128xf32, #tpu.memory_space<vmem_shared>>
        tpu.wait_indirect_dma semaphore(%run_scoped3A : memref<!tpu.dma_semaphore, #tpu.memory_space<semaphore_mem>>) src(%arg9 : memref<128x128xf32, #tpu.memory_space<vmem>>) dst(%dma_wait3A_70 : memref<10112x128xf32, #tpu.memory_space<vmem_shared>>)
        tpu.yield
      }) : () -> ()
      %add3A_45 = arith.constant 2 : i32
      %add3A_46 = arith.addi %mul3A_32, %add3A_45 : i32
      %lt3A = arith.constant 40 : i32
      %lt3A_47 = arith.cmpi slt, %add3A_46, %lt3A : i32
      %convert_element_type3A = arith.extui %lt3A_47 : i1 to i32
      %cond3A = arith.constant 0 : i32
      %cond3A_48 = arith.cmpi ne, %convert_element_type3A, %cond3A : i32
      scf.if %cond3A_48 {
        %add3A_59 = arith.constant 2 : i32
        %add3A_60 = arith.addi %mul3A_32, %add3A_59 : i32
        %dma_start3A_61 = arith.constant 0 : i32
        %dma_start3A_62 = tpu.memref_slice %arg7[%add3A_60, %dma_start3A_61] : memref<40x128xi32, #tpu.memory_space<vmem>> -> memref<1x128xi32, #tpu.memory_space<vmem>>
        %dma_start3A_63 = tpu.memref_squeeze %dma_start3A_62 : memref<1x128xi32, #tpu.memory_space<vmem>> -> memref<128xi32, #tpu.memory_space<vmem>>
        %dma_start3A_64 = arith.constant 0 : i32
        %dma_start3A_65 = arith.constant 0 : i32
        %dma_start3A_66 = tpu.memref_slice %arg2[%dma_start3A_64, %dma_start3A_65] : memref<40960x128xf32, #tpu.memory_space<hbm>> -> memref<40960x128xf32, #tpu.memory_space<hbm>>
        tpu.enqueue_indirect_dma source(%dma_start3A_66 : memref<40960x128xf32, #tpu.memory_space<hbm>>) target(%arg9 : memref<128x128xf32, #tpu.memory_space<vmem>>) offsets(%dma_start3A_63 : memref<128xi32, #tpu.memory_space<vmem>>) semaphore(%arg11 : memref<!tpu.dma_semaphore, #tpu.memory_space<semaphore_mem>>)
      } else {
      }
      %add3A_49 = arith.constant 1 : i32
      %add3A_50 = arith.addi %mul3A_32, %add3A_49 : i32
      %dma_wait3A_51 = arith.constant 0 : i32
      %dma_wait3A_52 = tpu.memref_slice %arg7[%add3A_50, %dma_wait3A_51] : memref<40x128xi32, #tpu.memory_space<vmem>> -> memref<1x128xi32, #tpu.memory_space<vmem>>
      %dma_wait3A_53 = tpu.memref_squeeze %dma_wait3A_52 : memref<1x128xi32, #tpu.memory_space<vmem>> -> memref<128xi32, #tpu.memory_space<vmem>>
      %dma_wait3A_54 = arith.constant 0 : i32
      %dma_wait3A_55 = arith.constant 0 : i32
      %dma_wait3A_56 = tpu.memref_slice %arg2[%dma_wait3A_54, %dma_wait3A_55] : memref<40960x128xf32, #tpu.memory_space<hbm>> -> memref<40960x128xf32, #tpu.memory_space<hbm>>
      tpu.wait_indirect_dma semaphore(%arg12 : memref<!tpu.dma_semaphore, #tpu.memory_space<semaphore_mem>>) src(%dma_wait3A_56 : memref<40960x128xf32, #tpu.memory_space<hbm>>) dst(%arg10 : memref<128x128xf32, #tpu.memory_space<vmem>>)
      %add3A_57 = arith.constant 1 : i32
      %add3A_58 = arith.addi %mul3A_32, %add3A_57 : i32
      "tpu.region"() ({
        %run_scoped3A = tpu.sem_alloc : memref<!tpu.dma_semaphore, #tpu.memory_space<semaphore_mem>>
        %dma_start3A_59 = arith.constant 0 : i32
        %dma_start3A_60 = tpu.memref_slice %arg8[%add3A_58, %dma_start3A_59] : memref<40x128xi32, #tpu.memory_space<vmem>> -> memref<1x128xi32, #tpu.memory_space<vmem>>
        %dma_start3A_61 = tpu.memref_squeeze %dma_start3A_60 : memref<1x128xi32, #tpu.memory_space<vmem>> -> memref<128xi32, #tpu.memory_space<vmem>>
        %dma_start3A_62 = arith.constant 0 : i32
        %dma_start3A_63 = arith.constant 0 : i32
        %dma_start3A_64 = tpu.memref_slice %arg13[%dma_start3A_62, %dma_start3A_63] : memref<10112x128xf32, #tpu.memory_space<vmem_shared>> -> memref<10112x128xf32, #tpu.memory_space<vmem_shared>>
        tpu.enqueue_indirect_dma source(%arg10 : memref<128x128xf32, #tpu.memory_space<vmem>>) target(%dma_start3A_64 : memref<10112x128xf32, #tpu.memory_space<vmem_shared>>) offsets(%dma_start3A_61 : memref<128xi32, #tpu.memory_space<vmem>>) semaphore(%run_scoped3A : memref<!tpu.dma_semaphore, #tpu.memory_space<semaphore_mem>>) {add = true}
        %dma_wait3A_65 = arith.constant 0 : i32
        %dma_wait3A_66 = tpu.memref_slice %arg8[%add3A_58, %dma_wait3A_65] : memref<40x128xi32, #tpu.memory_space<vmem>> -> memref<1x128xi32, #tpu.memory_space<vmem>>
        %dma_wait3A_67 = tpu.memref_squeeze %dma_wait3A_66 : memref<1x128xi32, #tpu.memory_space<vmem>> -> memref<128xi32, #tpu.memory_space<vmem>>
        %dma_wait3A_68 = arith.constant 0 : i32
        %dma_wait3A_69 = arith.constant 0 : i32
        %dma_wait3A_70 = tpu.memref_slice %arg13[%dma_wait3A_68, %dma_wait3A_69] : memref<10112x128xf32, #tpu.memory_space<vmem_shared>> -> memref<10112x128xf32, #tpu.memory_space<vmem_shared>>
        tpu.wait_indirect_dma semaphore(%run_scoped3A : memref<!tpu.dma_semaphore, #tpu.memory_space<semaphore_mem>>) src(%arg10 : memref<128x128xf32, #tpu.memory_space<vmem>>) dst(%dma_wait3A_70 : memref<10112x128xf32, #tpu.memory_space<vmem_shared>>)
        tpu.yield
      }) : () -> ()
    }
    %scan3A_11 = arith.constant 20 : i32
    "tpu.region"() ({
      %run_scoped3A = tpu.sem_alloc : memref<!tpu.dma_semaphore, #tpu.memory_space<semaphore_mem>>
      %dma_start3A_30 = arith.constant 40 : i32
      %dma_start3A_31 = arith.constant 0 : i32
      %dma_start3A_32 = tpu.memref_slice %arg3[%arg0, %arg1, %dma_start3A_30, %dma_start3A_31] : memref<2x16x80x128xi32, #tpu.memory_space<hbm>> -> memref<1x1x40x128xi32, #tpu.memory_space<hbm>>
      %dma_start3A_33 = tpu.memref_squeeze %dma_start3A_32 : memref<1x1x40x128xi32, #tpu.memory_space<hbm>> -> memref<40x128xi32, #tpu.memory_space<hbm>>
      %dma_start3A_34 = arith.constant 40 : i32
      %dma_start3A_35 = arith.constant 0 : i32
      %dma_start3A_36 = tpu.memref_slice %arg3[%arg0, %arg1, %dma_start3A_34, %dma_start3A_35] : memref<2x16x80x128xi32, #tpu.memory_space<hbm>> -> memref<1x1x40x128xi32, #tpu.memory_space<hbm>>
      %dma_start3A_37 = tpu.memref_squeeze %dma_start3A_36 : memref<1x1x40x128xi32, #tpu.memory_space<hbm>> -> memref<40x128xi32, #tpu.memory_space<hbm>>
      tpu.enqueue_dma source(%dma_start3A_37 : memref<40x128xi32, #tpu.memory_space<hbm>>) target(%arg7 : memref<40x128xi32, #tpu.memory_space<vmem>>) target_semaphore(%run_scoped3A : memref<!tpu.dma_semaphore, #tpu.memory_space<semaphore_mem>>)
      %dma_wait3A = arith.constant 40 : i32
      %dma_wait3A_38 = arith.constant 0 : i32
      %dma_wait3A_39 = tpu.memref_slice %arg3[%arg0, %arg1, %dma_wait3A, %dma_wait3A_38] : memref<2x16x80x128xi32, #tpu.memory_space<hbm>> -> memref<1x1x40x128xi32, #tpu.memory_space<hbm>>
      %dma_wait3A_40 = tpu.memref_squeeze %dma_wait3A_39 : memref<1x1x40x128xi32, #tpu.memory_space<hbm>> -> memref<40x128xi32, #tpu.memory_space<hbm>>
      %dma_wait3A_41 = arith.constant 40 : i32
      %dma_wait3A_42 = arith.constant 0 : i32
      %dma_wait3A_43 = tpu.memref_slice %arg3[%arg0, %arg1, %dma_wait3A_41, %dma_wait3A_42] : memref<2x16x80x128xi32, #tpu.memory_space<hbm>> -> memref<1x1x40x128xi32, #tpu.memory_space<hbm>>
      %dma_wait3A_44 = tpu.memref_squeeze %dma_wait3A_43 : memref<1x1x40x128xi32, #tpu.memory_space<hbm>> -> memref<40x128xi32, #tpu.memory_space<hbm>>
      tpu.wait_dma2 semaphore(%run_scoped3A : memref<!tpu.dma_semaphore, #tpu.memory_space<semaphore_mem>>) src(%dma_wait3A_44 : memref<40x128xi32, #tpu.memory_space<hbm>>) dst(%arg7 : memref<40x128xi32, #tpu.memory_space<vmem>>)
      tpu.yield
    }) : () -> ()
    "tpu.region"() ({
      %run_scoped3A = tpu.sem_alloc : memref<!tpu.dma_semaphore, #tpu.memory_space<semaphore_mem>>
      %dma_start3A_30 = arith.constant 40 : i32
      %dma_start3A_31 = arith.constant 0 : i32
      %dma_start3A_32 = tpu.memref_slice %arg4[%arg0, %arg1, %dma_start3A_30, %dma_start3A_31] : memref<2x16x80x128xi32, #tpu.memory_space<hbm>> -> memref<1x1x40x128xi32, #tpu.memory_space<hbm>>
      %dma_start3A_33 = tpu.memref_squeeze %dma_start3A_32 : memref<1x1x40x128xi32, #tpu.memory_space<hbm>> -> memref<40x128xi32, #tpu.memory_space<hbm>>
      %dma_start3A_34 = arith.constant 40 : i32
      %dma_start3A_35 = arith.constant 0 : i32
      %dma_start3A_36 = tpu.memref_slice %arg4[%arg0, %arg1, %dma_start3A_34, %dma_start3A_35] : memref<2x16x80x128xi32, #tpu.memory_space<hbm>> -> memref<1x1x40x128xi32, #tpu.memory_space<hbm>>
      %dma_start3A_37 = tpu.memref_squeeze %dma_start3A_36 : memref<1x1x40x128xi32, #tpu.memory_space<hbm>> -> memref<40x128xi32, #tpu.memory_space<hbm>>
      tpu.enqueue_dma source(%dma_start3A_37 : memref<40x128xi32, #tpu.memory_space<hbm>>) target(%arg8 : memref<40x128xi32, #tpu.memory_space<vmem>>) target_semaphore(%run_scoped3A : memref<!tpu.dma_semaphore, #tpu.memory_space<semaphore_mem>>)
      %dma_wait3A = arith.constant 40 : i32
      %dma_wait3A_38 = arith.constant 0 : i32
      %dma_wait3A_39 = tpu.memref_slice %arg4[%arg0, %arg1, %dma_wait3A, %dma_wait3A_38] : memref<2x16x80x128xi32, #tpu.memory_space<hbm>> -> memref<1x1x40x128xi32, #tpu.memory_space<hbm>>
      %dma_wait3A_40 = tpu.memref_squeeze %dma_wait3A_39 : memref<1x1x40x128xi32, #tpu.memory_space<hbm>> -> memref<40x128xi32, #tpu.memory_space<hbm>>
      %dma_wait3A_41 = arith.constant 40 : i32
      %dma_wait3A_42 = arith.constant 0 : i32
      %dma_wait3A_43 = tpu.memref_slice %arg4[%arg0, %arg1, %dma_wait3A_41, %dma_wait3A_42] : memref<2x16x80x128xi32, #tpu.memory_space<hbm>> -> memref<1x1x40x128xi32, #tpu.memory_space<hbm>>
      %dma_wait3A_44 = tpu.memref_squeeze %dma_wait3A_43 : memref<1x1x40x128xi32, #tpu.memory_space<hbm>> -> memref<40x128xi32, #tpu.memory_space<hbm>>
      tpu.wait_dma2 semaphore(%run_scoped3A : memref<!tpu.dma_semaphore, #tpu.memory_space<semaphore_mem>>) src(%dma_wait3A_44 : memref<40x128xi32, #tpu.memory_space<hbm>>) dst(%arg8 : memref<40x128xi32, #tpu.memory_space<vmem>>)
      tpu.yield
    }) : () -> ()
    %dma_start3A_12 = arith.constant 0 : i32
    %dma_start3A_13 = arith.constant 0 : i32
    %dma_start3A_14 = tpu.memref_slice %arg7[%dma_start3A_12, %dma_start3A_13] : memref<40x128xi32, #tpu.memory_space<vmem>> -> memref<1x128xi32, #tpu.memory_space<vmem>>
    %dma_start3A_15 = tpu.memref_squeeze %dma_start3A_14 : memref<1x128xi32, #tpu.memory_space<vmem>> -> memref<128xi32, #tpu.memory_space<vmem>>
    %dma_start3A_16 = arith.constant 0 : i32
    %dma_start3A_17 = arith.constant 0 : i32
    %dma_start3A_18 = tpu.memref_slice %arg2[%dma_start3A_16, %dma_start3A_17] : memref<40960x128xf32, #tpu.memory_space<hbm>> -> memref<40960x128xf32, #tpu.memory_space<hbm>>
    tpu.enqueue_indirect_dma source(%dma_start3A_18 : memref<40960x128xf32, #tpu.memory_space<hbm>>) target(%arg9 : memref<128x128xf32, #tpu.memory_space<vmem>>) offsets(%dma_start3A_15 : memref<128xi32, #tpu.memory_space<vmem>>) semaphore(%arg11 : memref<!tpu.dma_semaphore, #tpu.memory_space<semaphore_mem>>)
    %scan3A_19 = arith.constant 0 : i32
    %scan3A_20 = arith.constant 0 : i32
    %scan3A_21 = arith.constant 20 : i32
    %scan3A_22 = arith.addi %scan3A_20, %scan3A_21 : i32
    %scan3A_23 = arith.constant 1 : i32
    scf.for %scan3A_30 = %scan3A_20 to %scan3A_22 step %scan3A_23  : i32 {
      %mul3A_31 = arith.constant 2 : i32
      %mul3A_32 = arith.muli %mul3A_31, %scan3A_30 : i32
      %add3A = arith.constant 1 : i32
      %add3A_33 = arith.addi %mul3A_32, %add3A : i32
      %dma_start3A_34 = arith.constant 0 : i32
      %dma_start3A_35 = tpu.memref_slice %arg7[%add3A_33, %dma_start3A_34] : memref<40x128xi32, #tpu.memory_space<vmem>> -> memref<1x128xi32, #tpu.memory_space<vmem>>
      %dma_start3A_36 = tpu.memref_squeeze %dma_start3A_35 : memref<1x128xi32, #tpu.memory_space<vmem>> -> memref<128xi32, #tpu.memory_space<vmem>>
      %dma_start3A_37 = arith.constant 0 : i32
      %dma_start3A_38 = arith.constant 0 : i32
      %dma_start3A_39 = tpu.memref_slice %arg2[%dma_start3A_37, %dma_start3A_38] : memref<40960x128xf32, #tpu.memory_space<hbm>> -> memref<40960x128xf32, #tpu.memory_space<hbm>>
      tpu.enqueue_indirect_dma source(%dma_start3A_39 : memref<40960x128xf32, #tpu.memory_space<hbm>>) target(%arg10 : memref<128x128xf32, #tpu.memory_space<vmem>>) offsets(%dma_start3A_36 : memref<128xi32, #tpu.memory_space<vmem>>) semaphore(%arg12 : memref<!tpu.dma_semaphore, #tpu.memory_space<semaphore_mem>>)
      %dma_wait3A = arith.constant 0 : i32
      %dma_wait3A_40 = tpu.memref_slice %arg7[%mul3A_32, %dma_wait3A] : memref<40x128xi32, #tpu.memory_space<vmem>> -> memref<1x128xi32, #tpu.memory_space<vmem>>
      %dma_wait3A_41 = tpu.memref_squeeze %dma_wait3A_40 : memref<1x128xi32, #tpu.memory_space<vmem>> -> memref<128xi32, #tpu.memory_space<vmem>>
      %dma_wait3A_42 = arith.constant 0 : i32
      %dma_wait3A_43 = arith.constant 0 : i32
      %dma_wait3A_44 = tpu.memref_slice %arg2[%dma_wait3A_42, %dma_wait3A_43] : memref<40960x128xf32, #tpu.memory_space<hbm>> -> memref<40960x128xf32, #tpu.memory_space<hbm>>
      tpu.wait_indirect_dma semaphore(%arg11 : memref<!tpu.dma_semaphore, #tpu.memory_space<semaphore_mem>>) src(%dma_wait3A_44 : memref<40960x128xf32, #tpu.memory_space<hbm>>) dst(%arg9 : memref<128x128xf32, #tpu.memory_space<vmem>>)
      "tpu.region"() ({
        %run_scoped3A = tpu.sem_alloc : memref<!tpu.dma_semaphore, #tpu.memory_space<semaphore_mem>>
        %dma_start3A_59 = arith.constant 0 : i32
        %dma_start3A_60 = tpu.memref_slice %arg8[%mul3A_32, %dma_start3A_59] : memref<40x128xi32, #tpu.memory_space<vmem>> -> memref<1x128xi32, #tpu.memory_space<vmem>>
        %dma_start3A_61 = tpu.memref_squeeze %dma_start3A_60 : memref<1x128xi32, #tpu.memory_space<vmem>> -> memref<128xi32, #tpu.memory_space<vmem>>
        %dma_start3A_62 = arith.constant 0 : i32
        %dma_start3A_63 = arith.constant 0 : i32
        %dma_start3A_64 = tpu.memref_slice %arg13[%dma_start3A_62, %dma_start3A_63] : memref<10112x128xf32, #tpu.memory_space<vmem_shared>> -> memref<10112x128xf32, #tpu.memory_space<vmem_shared>>
        tpu.enqueue_indirect_dma source(%arg9 : memref<128x128xf32, #tpu.memory_space<vmem>>) target(%dma_start3A_64 : memref<10112x128xf32, #tpu.memory_space<vmem_shared>>) offsets(%dma_start3A_61 : memref<128xi32, #tpu.memory_space<vmem>>) semaphore(%run_scoped3A : memref<!tpu.dma_semaphore, #tpu.memory_space<semaphore_mem>>) {add = true}
        %dma_wait3A_65 = arith.constant 0 : i32
        %dma_wait3A_66 = tpu.memref_slice %arg8[%mul3A_32, %dma_wait3A_65] : memref<40x128xi32, #tpu.memory_space<vmem>> -> memref<1x128xi32, #tpu.memory_space<vmem>>
        %dma_wait3A_67 = tpu.memref_squeeze %dma_wait3A_66 : memref<1x128xi32, #tpu.memory_space<vmem>> -> memref<128xi32, #tpu.memory_space<vmem>>
        %dma_wait3A_68 = arith.constant 0 : i32
        %dma_wait3A_69 = arith.constant 0 : i32
        %dma_wait3A_70 = tpu.memref_slice %arg13[%dma_wait3A_68, %dma_wait3A_69] : memref<10112x128xf32, #tpu.memory_space<vmem_shared>> -> memref<10112x128xf32, #tpu.memory_space<vmem_shared>>
        tpu.wait_indirect_dma semaphore(%run_scoped3A : memref<!tpu.dma_semaphore, #tpu.memory_space<semaphore_mem>>) src(%arg9 : memref<128x128xf32, #tpu.memory_space<vmem>>) dst(%dma_wait3A_70 : memref<10112x128xf32, #tpu.memory_space<vmem_shared>>)
        tpu.yield
      }) : () -> ()
      %add3A_45 = arith.constant 2 : i32
      %add3A_46 = arith.addi %mul3A_32, %add3A_45 : i32
      %lt3A = arith.constant 40 : i32
      %lt3A_47 = arith.cmpi slt, %add3A_46, %lt3A : i32
      %convert_element_type3A = arith.extui %lt3A_47 : i1 to i32
      %cond3A = arith.constant 0 : i32
      %cond3A_48 = arith.cmpi ne, %convert_element_type3A, %cond3A : i32
      scf.if %cond3A_48 {
        %add3A_59 = arith.constant 2 : i32
        %add3A_60 = arith.addi %mul3A_32, %add3A_59 : i32
        %dma_start3A_61 = arith.constant 0 : i32
        %dma_start3A_62 = tpu.memref_slice %arg7[%add3A_60, %dma_start3A_61] : memref<40x128xi32, #tpu.memory_space<vmem>> -> memref<1x128xi32, #tpu.memory_space<vmem>>
        %dma_start3A_63 = tpu.memref_squeeze %dma_start3A_62 : memref<1x128xi32, #tpu.memory_space<vmem>> -> memref<128xi32, #tpu.memory_space<vmem>>
        %dma_start3A_64 = arith.constant 0 : i32
        %dma_start3A_65 = arith.constant 0 : i32
        %dma_start3A_66 = tpu.memref_slice %arg2[%dma_start3A_64, %dma_start3A_65] : memref<40960x128xf32, #tpu.memory_space<hbm>> -> memref<40960x128xf32, #tpu.memory_space<hbm>>
        tpu.enqueue_indirect_dma source(%dma_start3A_66 : memref<40960x128xf32, #tpu.memory_space<hbm>>) target(%arg9 : memref<128x128xf32, #tpu.memory_space<vmem>>) offsets(%dma_start3A_63 : memref<128xi32, #tpu.memory_space<vmem>>) semaphore(%arg11 : memref<!tpu.dma_semaphore, #tpu.memory_space<semaphore_mem>>)
      } else {
      }
      %add3A_49 = arith.constant 1 : i32
      %add3A_50 = arith.addi %mul3A_32, %add3A_49 : i32
      %dma_wait3A_51 = arith.constant 0 : i32
      %dma_wait3A_52 = tpu.memref_slice %arg7[%add3A_50, %dma_wait3A_51] : memref<40x128xi32, #tpu.memory_space<vmem>> -> memref<1x128xi32, #tpu.memory_space<vmem>>
      %dma_wait3A_53 = tpu.memref_squeeze %dma_wait3A_52 : memref<1x128xi32, #tpu.memory_space<vmem>> -> memref<128xi32, #tpu.memory_space<vmem>>
      %dma_wait3A_54 = arith.constant 0 : i32
      %dma_wait3A_55 = arith.constant 0 : i32
      %dma_wait3A_56 = tpu.memref_slice %arg2[%dma_wait3A_54, %dma_wait3A_55] : memref<40960x128xf32, #tpu.memory_space<hbm>> -> memref<40960x128xf32, #tpu.memory_space<hbm>>
      tpu.wait_indirect_dma semaphore(%arg12 : memref<!tpu.dma_semaphore, #tpu.memory_space<semaphore_mem>>) src(%dma_wait3A_56 : memref<40960x128xf32, #tpu.memory_space<hbm>>) dst(%arg10 : memref<128x128xf32, #tpu.memory_space<vmem>>)
      %add3A_57 = arith.constant 1 : i32
      %add3A_58 = arith.addi %mul3A_32, %add3A_57 : i32
      "tpu.region"() ({
        %run_scoped3A = tpu.sem_alloc : memref<!tpu.dma_semaphore, #tpu.memory_space<semaphore_mem>>
        %dma_start3A_59 = arith.constant 0 : i32
        %dma_start3A_60 = tpu.memref_slice %arg8[%add3A_58, %dma_start3A_59] : memref<40x128xi32, #tpu.memory_space<vmem>> -> memref<1x128xi32, #tpu.memory_space<vmem>>
        %dma_start3A_61 = tpu.memref_squeeze %dma_start3A_60 : memref<1x128xi32, #tpu.memory_space<vmem>> -> memref<128xi32, #tpu.memory_space<vmem>>
        %dma_start3A_62 = arith.constant 0 : i32
        %dma_start3A_63 = arith.constant 0 : i32
        %dma_start3A_64 = tpu.memref_slice %arg13[%dma_start3A_62, %dma_start3A_63] : memref<10112x128xf32, #tpu.memory_space<vmem_shared>> -> memref<10112x128xf32, #tpu.memory_space<vmem_shared>>
        tpu.enqueue_indirect_dma source(%arg10 : memref<128x128xf32, #tpu.memory_space<vmem>>) target(%dma_start3A_64 : memref<10112x128xf32, #tpu.memory_space<vmem_shared>>) offsets(%dma_start3A_61 : memref<128xi32, #tpu.memory_space<vmem>>) semaphore(%run_scoped3A : memref<!tpu.dma_semaphore, #tpu.memory_space<semaphore_mem>>) {add = true}
        %dma_wait3A_65 = arith.constant 0 : i32
        %dma_wait3A_66 = tpu.memref_slice %arg8[%add3A_58, %dma_wait3A_65] : memref<40x128xi32, #tpu.memory_space<vmem>> -> memref<1x128xi32, #tpu.memory_space<vmem>>
        %dma_wait3A_67 = tpu.memref_squeeze %dma_wait3A_66 : memref<1x128xi32, #tpu.memory_space<vmem>> -> memref<128xi32, #tpu.memory_space<vmem>>
        %dma_wait3A_68 = arith.constant 0 : i32
        %dma_wait3A_69 = arith.constant 0 : i32
        %dma_wait3A_70 = tpu.memref_slice %arg13[%dma_wait3A_68, %dma_wait3A_69] : memref<10112x128xf32, #tpu.memory_space<vmem_shared>> -> memref<10112x128xf32, #tpu.memory_space<vmem_shared>>
        tpu.wait_indirect_dma semaphore(%run_scoped3A : memref<!tpu.dma_semaphore, #tpu.memory_space<semaphore_mem>>) src(%arg10 : memref<128x128xf32, #tpu.memory_space<vmem>>) dst(%dma_wait3A_70 : memref<10112x128xf32, #tpu.memory_space<vmem_shared>>)
        tpu.yield
      }) : () -> ()
    }
    %scan3A_24 = arith.constant 20 : i32
    %barrier3A_25 = arith.constant 0 : index
    tpu.barrier barrier_id(%barrier3A_25)
    %mul3A_26 = arith.constant 632 : i32
    %mul3A_27 = arith.muli %arg1, %mul3A_26 : i32
    %mul3A_28 = arith.constant 632 : i32
    %mul3A_29 = arith.muli %arg1, %mul3A_28 : i32
    "tpu.region"() ({
      %run_scoped3A = tpu.sem_alloc : memref<!tpu.dma_semaphore, #tpu.memory_space<semaphore_mem>>
      %dma_start3A_30 = arith.constant 0 : i32
      %dma_start3A_31 = tpu.memref_slice %arg6[%arg0, %mul3A_29, %dma_start3A_30] : memref<2x10240x128xf32, #tpu.memory_space<hbm>> -> memref<1x632x128xf32, #tpu.memory_space<hbm>>
      %dma_start3A_32 = tpu.memref_squeeze %dma_start3A_31 : memref<1x632x128xf32, #tpu.memory_space<hbm>> -> memref<632x128xf32, #tpu.memory_space<hbm>>
      %dma_start3A_33 = arith.constant 0 : i32
      %dma_start3A_34 = tpu.memref_slice %arg13[%mul3A_27, %dma_start3A_33] : memref<10112x128xf32, #tpu.memory_space<vmem_shared>> -> memref<632x128xf32, #tpu.memory_space<vmem_shared>>
      tpu.enqueue_dma source(%dma_start3A_34 : memref<632x128xf32, #tpu.memory_space<vmem_shared>>) target(%dma_start3A_32 : memref<632x128xf32, #tpu.memory_space<hbm>>) target_semaphore(%run_scoped3A : memref<!tpu.dma_semaphore, #tpu.memory_space<semaphore_mem>>)
      %dma_wait3A = arith.constant 0 : i32
      %dma_wait3A_35 = tpu.memref_slice %arg6[%arg0, %mul3A_29, %dma_wait3A] : memref<2x10240x128xf32, #tpu.memory_space<hbm>> -> memref<1x632x128xf32, #tpu.memory_space<hbm>>
      %dma_wait3A_36 = tpu.memref_squeeze %dma_wait3A_35 : memref<1x632x128xf32, #tpu.memory_space<hbm>> -> memref<632x128xf32, #tpu.memory_space<hbm>>
      %dma_wait3A_37 = arith.constant 0 : i32
      %dma_wait3A_38 = tpu.memref_slice %arg13[%mul3A_27, %dma_wait3A_37] : memref<10112x128xf32, #tpu.memory_space<vmem_shared>> -> memref<632x128xf32, #tpu.memory_space<vmem_shared>>
      tpu.wait_dma2 semaphore(%run_scoped3A : memref<!tpu.dma_semaphore, #tpu.memory_space<semaphore_mem>>) src(%dma_wait3A_38 : memref<632x128xf32, #tpu.memory_space<vmem_shared>>) dst(%dma_wait3A_36 : memref<632x128xf32, #tpu.memory_space<hbm>>)
      tpu.yield
    }) : () -> ()
    return
  }
}

#map = affine_map<(d0, d1) -> (0, 0)>
#map1 = affine_map<(d0, d1) -> (0, 0, 0, 0)>
#map2 = affine_map<(d0, d1) -> (0, 0, 0)>
module attributes {stable_mosaic.version = 14 : i64} {
  func.func @_sc_edge_body(%arg0: i32, %arg1: i32, %arg2: memref<40960x128xf32, #tpu.memory_space<hbm>>, %arg3: memref<2x16x80x128xi32, #tpu.memory_space<hbm>>, %arg4: memref<2x16x80x128xi32, #tpu.memory_space<hbm>>, %arg5: memref<632x128xf32, #tpu.memory_space<hbm>>, %arg6: memref<2x10240x128xf32, #tpu.memory_space<hbm>>, %arg7: memref<40x128xi32, #tpu.memory_space<vmem>>, %arg8: memref<40x128xi32, #tpu.memory_space<vmem>>, %arg9: memref<128x128xf32, #tpu.memory_space<vmem>>, %arg10: memref<128x128xf32, #tpu.memory_space<vmem>>, %arg11: memref<!tpu.dma_semaphore, #tpu.memory_space<semaphore_mem>>, %arg12: memref<!tpu.dma_semaphore, #tpu.memory_space<semaphore_mem>>, %arg13: memref<10112x128xf32, #tpu.memory_space<vmem_shared>>) attributes {dimension_semantics = [#tpu.dimension_semantics<core_parallel>, #tpu.dimension_semantics<subcore_parallel>], iteration_bounds = array<i64: 2, 16>, scalar_prefetch = 0 : i64, scratch_operands = 7 : i64, tpu.core_type = #tpu.core_type<sc_vector_subcore>, window_params = [{transform_indices = #map}, {transform_indices = #map1}, {transform_indices = #map1}, {transform_indices = #map}, {transform_indices = #map2}]} {
    %mul3A = arith.constant 632 : i32
    %mul3A_0 = arith.muli %arg1, %mul3A : i32
    "tpu.region"() ({
      %run_scoped3A = tpu.sem_alloc : memref<!tpu.dma_semaphore, #tpu.memory_space<semaphore_mem>>
      %dma_start3A_30 = arith.constant 0 : i32
      %dma_start3A_31 = tpu.memref_slice %arg13[%mul3A_0, %dma_start3A_30] : memref<10112x128xf32, #tpu.memory_space<vmem_shared>> -> memref<632x128xf32, #tpu.memory_space<vmem_shared>>
      tpu.enqueue_dma source(%arg5 : memref<632x128xf32, #tpu.memory_space<hbm>>) target(%dma_start3A_31 : memref<632x128xf32, #tpu.memory_space<vmem_shared>>) target_semaphore(%run_scoped3A : memref<!tpu.dma_semaphore, #tpu.memory_space<semaphore_mem>>)
      %dma_wait3A = arith.constant 0 : i32
      %dma_wait3A_32 = tpu.memref_slice %arg13[%mul3A_0, %dma_wait3A] : memref<10112x128xf32, #tpu.memory_space<vmem_shared>> -> memref<632x128xf32, #tpu.memory_space<vmem_shared>>
      tpu.wait_dma2 semaphore(%run_scoped3A : memref<!tpu.dma_semaphore, #tpu.memory_space<semaphore_mem>>) src(%arg5 : memref<632x128xf32, #tpu.memory_space<hbm>>) dst(%dma_wait3A_32 : memref<632x128xf32, #tpu.memory_space<vmem_shared>>)
      tpu.yield
    }) : () -> ()
    %barrier3A = arith.constant 0 : index
    tpu.barrier barrier_id(%barrier3A)
    "tpu.region"() ({
      %run_scoped3A = tpu.sem_alloc : memref<!tpu.dma_semaphore, #tpu.memory_space<semaphore_mem>>
      %dma_start3A_30 = arith.constant 0 : i32
      %dma_start3A_31 = arith.constant 0 : i32
      %dma_start3A_32 = tpu.memref_slice %arg3[%arg0, %arg1, %dma_start3A_30, %dma_start3A_31] : memref<2x16x80x128xi32, #tpu.memory_space<hbm>> -> memref<1x1x40x128xi32, #tpu.memory_space<hbm>>
      %dma_start3A_33 = tpu.memref_squeeze %dma_start3A_32 : memref<1x1x40x128xi32, #tpu.memory_space<hbm>> -> memref<40x128xi32, #tpu.memory_space<hbm>>
      %dma_start3A_34 = arith.constant 0 : i32
      %dma_start3A_35 = arith.constant 0 : i32
      %dma_start3A_36 = tpu.memref_slice %arg3[%arg0, %arg1, %dma_start3A_34, %dma_start3A_35] : memref<2x16x80x128xi32, #tpu.memory_space<hbm>> -> memref<1x1x40x128xi32, #tpu.memory_space<hbm>>
      %dma_start3A_37 = tpu.memref_squeeze %dma_start3A_36 : memref<1x1x40x128xi32, #tpu.memory_space<hbm>> -> memref<40x128xi32, #tpu.memory_space<hbm>>
      tpu.enqueue_dma source(%dma_start3A_37 : memref<40x128xi32, #tpu.memory_space<hbm>>) target(%arg7 : memref<40x128xi32, #tpu.memory_space<vmem>>) target_semaphore(%run_scoped3A : memref<!tpu.dma_semaphore, #tpu.memory_space<semaphore_mem>>)
      %dma_wait3A = arith.constant 0 : i32
      %dma_wait3A_38 = arith.constant 0 : i32
      %dma_wait3A_39 = tpu.memref_slice %arg3[%arg0, %arg1, %dma_wait3A, %dma_wait3A_38] : memref<2x16x80x128xi32, #tpu.memory_space<hbm>> -> memref<1x1x40x128xi32, #tpu.memory_space<hbm>>
      %dma_wait3A_40 = tpu.memref_squeeze %dma_wait3A_39 : memref<1x1x40x128xi32, #tpu.memory_space<hbm>> -> memref<40x128xi32, #tpu.memory_space<hbm>>
      %dma_wait3A_41 = arith.constant 0 : i32
      %dma_wait3A_42 = arith.constant 0 : i32
      %dma_wait3A_43 = tpu.memref_slice %arg3[%arg0, %arg1, %dma_wait3A_41, %dma_wait3A_42] : memref<2x16x80x128xi32, #tpu.memory_space<hbm>> -> memref<1x1x40x128xi32, #tpu.memory_space<hbm>>
      %dma_wait3A_44 = tpu.memref_squeeze %dma_wait3A_43 : memref<1x1x40x128xi32, #tpu.memory_space<hbm>> -> memref<40x128xi32, #tpu.memory_space<hbm>>
      tpu.wait_dma2 semaphore(%run_scoped3A : memref<!tpu.dma_semaphore, #tpu.memory_space<semaphore_mem>>) src(%dma_wait3A_44 : memref<40x128xi32, #tpu.memory_space<hbm>>) dst(%arg7 : memref<40x128xi32, #tpu.memory_space<vmem>>)
      tpu.yield
    }) : () -> ()
    "tpu.region"() ({
      %run_scoped3A = tpu.sem_alloc : memref<!tpu.dma_semaphore, #tpu.memory_space<semaphore_mem>>
      %dma_start3A_30 = arith.constant 0 : i32
      %dma_start3A_31 = arith.constant 0 : i32
      %dma_start3A_32 = tpu.memref_slice %arg4[%arg0, %arg1, %dma_start3A_30, %dma_start3A_31] : memref<2x16x80x128xi32, #tpu.memory_space<hbm>> -> memref<1x1x40x128xi32, #tpu.memory_space<hbm>>
      %dma_start3A_33 = tpu.memref_squeeze %dma_start3A_32 : memref<1x1x40x128xi32, #tpu.memory_space<hbm>> -> memref<40x128xi32, #tpu.memory_space<hbm>>
      %dma_start3A_34 = arith.constant 0 : i32
      %dma_start3A_35 = arith.constant 0 : i32
      %dma_start3A_36 = tpu.memref_slice %arg4[%arg0, %arg1, %dma_start3A_34, %dma_start3A_35] : memref<2x16x80x128xi32, #tpu.memory_space<hbm>> -> memref<1x1x40x128xi32, #tpu.memory_space<hbm>>
      %dma_start3A_37 = tpu.memref_squeeze %dma_start3A_36 : memref<1x1x40x128xi32, #tpu.memory_space<hbm>> -> memref<40x128xi32, #tpu.memory_space<hbm>>
      tpu.enqueue_dma source(%dma_start3A_37 : memref<40x128xi32, #tpu.memory_space<hbm>>) target(%arg8 : memref<40x128xi32, #tpu.memory_space<vmem>>) target_semaphore(%run_scoped3A : memref<!tpu.dma_semaphore, #tpu.memory_space<semaphore_mem>>)
      %dma_wait3A = arith.constant 0 : i32
      %dma_wait3A_38 = arith.constant 0 : i32
      %dma_wait3A_39 = tpu.memref_slice %arg4[%arg0, %arg1, %dma_wait3A, %dma_wait3A_38] : memref<2x16x80x128xi32, #tpu.memory_space<hbm>> -> memref<1x1x40x128xi32, #tpu.memory_space<hbm>>
      %dma_wait3A_40 = tpu.memref_squeeze %dma_wait3A_39 : memref<1x1x40x128xi32, #tpu.memory_space<hbm>> -> memref<40x128xi32, #tpu.memory_space<hbm>>
      %dma_wait3A_41 = arith.constant 0 : i32
      %dma_wait3A_42 = arith.constant 0 : i32
      %dma_wait3A_43 = tpu.memref_slice %arg4[%arg0, %arg1, %dma_wait3A_41, %dma_wait3A_42] : memref<2x16x80x128xi32, #tpu.memory_space<hbm>> -> memref<1x1x40x128xi32, #tpu.memory_space<hbm>>
      %dma_wait3A_44 = tpu.memref_squeeze %dma_wait3A_43 : memref<1x1x40x128xi32, #tpu.memory_space<hbm>> -> memref<40x128xi32, #tpu.memory_space<hbm>>
      tpu.wait_dma2 semaphore(%run_scoped3A : memref<!tpu.dma_semaphore, #tpu.memory_space<semaphore_mem>>) src(%dma_wait3A_44 : memref<40x128xi32, #tpu.memory_space<hbm>>) dst(%arg8 : memref<40x128xi32, #tpu.memory_space<vmem>>)
      tpu.yield
    }) : () -> ()
    %dma_start3A = arith.constant 0 : i32
    %dma_start3A_1 = arith.constant 0 : i32
    %dma_start3A_2 = tpu.memref_slice %arg7[%dma_start3A, %dma_start3A_1] : memref<40x128xi32, #tpu.memory_space<vmem>> -> memref<1x128xi32, #tpu.memory_space<vmem>>
    %dma_start3A_3 = tpu.memref_squeeze %dma_start3A_2 : memref<1x128xi32, #tpu.memory_space<vmem>> -> memref<128xi32, #tpu.memory_space<vmem>>
    %dma_start3A_4 = arith.constant 0 : i32
    %dma_start3A_5 = arith.constant 0 : i32
    %dma_start3A_6 = tpu.memref_slice %arg2[%dma_start3A_4, %dma_start3A_5] : memref<40960x128xf32, #tpu.memory_space<hbm>> -> memref<40960x128xf32, #tpu.memory_space<hbm>>
    tpu.enqueue_indirect_dma source(%dma_start3A_6 : memref<40960x128xf32, #tpu.memory_space<hbm>>) target(%arg9 : memref<128x128xf32, #tpu.memory_space<vmem>>) offsets(%dma_start3A_3 : memref<128xi32, #tpu.memory_space<vmem>>) semaphore(%arg11 : memref<!tpu.dma_semaphore, #tpu.memory_space<semaphore_mem>>)
    %scan3A = arith.constant 0 : i32
    %scan3A_7 = arith.constant 0 : i32
    %scan3A_8 = arith.constant 20 : i32
    %scan3A_9 = arith.addi %scan3A_7, %scan3A_8 : i32
    %scan3A_10 = arith.constant 1 : i32
    scf.for %scan3A_30 = %scan3A_7 to %scan3A_9 step %scan3A_10  : i32 {
      %mul3A_31 = arith.constant 2 : i32
      %mul3A_32 = arith.muli %mul3A_31, %scan3A_30 : i32
      %add3A = arith.constant 1 : i32
      %add3A_33 = arith.addi %mul3A_32, %add3A : i32
      %dma_start3A_34 = arith.constant 0 : i32
      %dma_start3A_35 = tpu.memref_slice %arg7[%add3A_33, %dma_start3A_34] : memref<40x128xi32, #tpu.memory_space<vmem>> -> memref<1x128xi32, #tpu.memory_space<vmem>>
      %dma_start3A_36 = tpu.memref_squeeze %dma_start3A_35 : memref<1x128xi32, #tpu.memory_space<vmem>> -> memref<128xi32, #tpu.memory_space<vmem>>
      %dma_start3A_37 = arith.constant 0 : i32
      %dma_start3A_38 = arith.constant 0 : i32
      %dma_start3A_39 = tpu.memref_slice %arg2[%dma_start3A_37, %dma_start3A_38] : memref<40960x128xf32, #tpu.memory_space<hbm>> -> memref<40960x128xf32, #tpu.memory_space<hbm>>
      tpu.enqueue_indirect_dma source(%dma_start3A_39 : memref<40960x128xf32, #tpu.memory_space<hbm>>) target(%arg10 : memref<128x128xf32, #tpu.memory_space<vmem>>) offsets(%dma_start3A_36 : memref<128xi32, #tpu.memory_space<vmem>>) semaphore(%arg12 : memref<!tpu.dma_semaphore, #tpu.memory_space<semaphore_mem>>)
      %dma_wait3A = arith.constant 0 : i32
      %dma_wait3A_40 = tpu.memref_slice %arg7[%mul3A_32, %dma_wait3A] : memref<40x128xi32, #tpu.memory_space<vmem>> -> memref<1x128xi32, #tpu.memory_space<vmem>>
      %dma_wait3A_41 = tpu.memref_squeeze %dma_wait3A_40 : memref<1x128xi32, #tpu.memory_space<vmem>> -> memref<128xi32, #tpu.memory_space<vmem>>
      %dma_wait3A_42 = arith.constant 0 : i32
      %dma_wait3A_43 = arith.constant 0 : i32
      %dma_wait3A_44 = tpu.memref_slice %arg2[%dma_wait3A_42, %dma_wait3A_43] : memref<40960x128xf32, #tpu.memory_space<hbm>> -> memref<40960x128xf32, #tpu.memory_space<hbm>>
      tpu.wait_indirect_dma semaphore(%arg11 : memref<!tpu.dma_semaphore, #tpu.memory_space<semaphore_mem>>) src(%dma_wait3A_44 : memref<40960x128xf32, #tpu.memory_space<hbm>>) dst(%arg9 : memref<128x128xf32, #tpu.memory_space<vmem>>)
      "tpu.region"() ({
        %run_scoped3A = tpu.sem_alloc : memref<!tpu.dma_semaphore, #tpu.memory_space<semaphore_mem>>
        %dma_start3A_59 = arith.constant 0 : i32
        %dma_start3A_60 = tpu.memref_slice %arg8[%mul3A_32, %dma_start3A_59] : memref<40x128xi32, #tpu.memory_space<vmem>> -> memref<1x128xi32, #tpu.memory_space<vmem>>
        %dma_start3A_61 = tpu.memref_squeeze %dma_start3A_60 : memref<1x128xi32, #tpu.memory_space<vmem>> -> memref<128xi32, #tpu.memory_space<vmem>>
        %dma_start3A_62 = arith.constant 0 : i32
        %dma_start3A_63 = arith.constant 0 : i32
        %dma_start3A_64 = tpu.memref_slice %arg13[%dma_start3A_62, %dma_start3A_63] : memref<10112x128xf32, #tpu.memory_space<vmem_shared>> -> memref<10112x128xf32, #tpu.memory_space<vmem_shared>>
        tpu.enqueue_indirect_dma source(%arg9 : memref<128x128xf32, #tpu.memory_space<vmem>>) target(%dma_start3A_64 : memref<10112x128xf32, #tpu.memory_space<vmem_shared>>) offsets(%dma_start3A_61 : memref<128xi32, #tpu.memory_space<vmem>>) semaphore(%run_scoped3A : memref<!tpu.dma_semaphore, #tpu.memory_space<semaphore_mem>>) {add = true}
        %dma_wait3A_65 = arith.constant 0 : i32
        %dma_wait3A_66 = tpu.memref_slice %arg8[%mul3A_32, %dma_wait3A_65] : memref<40x128xi32, #tpu.memory_space<vmem>> -> memref<1x128xi32, #tpu.memory_space<vmem>>
        %dma_wait3A_67 = tpu.memref_squeeze %dma_wait3A_66 : memref<1x128xi32, #tpu.memory_space<vmem>> -> memref<128xi32, #tpu.memory_space<vmem>>
        %dma_wait3A_68 = arith.constant 0 : i32
        %dma_wait3A_69 = arith.constant 0 : i32
        %dma_wait3A_70 = tpu.memref_slice %arg13[%dma_wait3A_68, %dma_wait3A_69] : memref<10112x128xf32, #tpu.memory_space<vmem_shared>> -> memref<10112x128xf32, #tpu.memory_space<vmem_shared>>
        tpu.wait_indirect_dma semaphore(%run_scoped3A : memref<!tpu.dma_semaphore, #tpu.memory_space<semaphore_mem>>) src(%arg9 : memref<128x128xf32, #tpu.memory_space<vmem>>) dst(%dma_wait3A_70 : memref<10112x128xf32, #tpu.memory_space<vmem_shared>>)
        tpu.yield
      }) : () -> ()
      %add3A_45 = arith.constant 2 : i32
      %add3A_46 = arith.addi %mul3A_32, %add3A_45 : i32
      %lt3A = arith.constant 40 : i32
      %lt3A_47 = arith.cmpi slt, %add3A_46, %lt3A : i32
      %convert_element_type3A = arith.extui %lt3A_47 : i1 to i32
      %cond3A = arith.constant 0 : i32
      %cond3A_48 = arith.cmpi ne, %convert_element_type3A, %cond3A : i32
      scf.if %cond3A_48 {
        %add3A_59 = arith.constant 2 : i32
        %add3A_60 = arith.addi %mul3A_32, %add3A_59 : i32
        %dma_start3A_61 = arith.constant 0 : i32
        %dma_start3A_62 = tpu.memref_slice %arg7[%add3A_60, %dma_start3A_61] : memref<40x128xi32, #tpu.memory_space<vmem>> -> memref<1x128xi32, #tpu.memory_space<vmem>>
        %dma_start3A_63 = tpu.memref_squeeze %dma_start3A_62 : memref<1x128xi32, #tpu.memory_space<vmem>> -> memref<128xi32, #tpu.memory_space<vmem>>
        %dma_start3A_64 = arith.constant 0 : i32
        %dma_start3A_65 = arith.constant 0 : i32
        %dma_start3A_66 = tpu.memref_slice %arg2[%dma_start3A_64, %dma_start3A_65] : memref<40960x128xf32, #tpu.memory_space<hbm>> -> memref<40960x128xf32, #tpu.memory_space<hbm>>
        tpu.enqueue_indirect_dma source(%dma_start3A_66 : memref<40960x128xf32, #tpu.memory_space<hbm>>) target(%arg9 : memref<128x128xf32, #tpu.memory_space<vmem>>) offsets(%dma_start3A_63 : memref<128xi32, #tpu.memory_space<vmem>>) semaphore(%arg11 : memref<!tpu.dma_semaphore, #tpu.memory_space<semaphore_mem>>)
      } else {
      }
      %add3A_49 = arith.constant 1 : i32
      %add3A_50 = arith.addi %mul3A_32, %add3A_49 : i32
      %dma_wait3A_51 = arith.constant 0 : i32
      %dma_wait3A_52 = tpu.memref_slice %arg7[%add3A_50, %dma_wait3A_51] : memref<40x128xi32, #tpu.memory_space<vmem>> -> memref<1x128xi32, #tpu.memory_space<vmem>>
      %dma_wait3A_53 = tpu.memref_squeeze %dma_wait3A_52 : memref<1x128xi32, #tpu.memory_space<vmem>> -> memref<128xi32, #tpu.memory_space<vmem>>
      %dma_wait3A_54 = arith.constant 0 : i32
      %dma_wait3A_55 = arith.constant 0 : i32
      %dma_wait3A_56 = tpu.memref_slice %arg2[%dma_wait3A_54, %dma_wait3A_55] : memref<40960x128xf32, #tpu.memory_space<hbm>> -> memref<40960x128xf32, #tpu.memory_space<hbm>>
      tpu.wait_indirect_dma semaphore(%arg12 : memref<!tpu.dma_semaphore, #tpu.memory_space<semaphore_mem>>) src(%dma_wait3A_56 : memref<40960x128xf32, #tpu.memory_space<hbm>>) dst(%arg10 : memref<128x128xf32, #tpu.memory_space<vmem>>)
      %add3A_57 = arith.constant 1 : i32
      %add3A_58 = arith.addi %mul3A_32, %add3A_57 : i32
      "tpu.region"() ({
        %run_scoped3A = tpu.sem_alloc : memref<!tpu.dma_semaphore, #tpu.memory_space<semaphore_mem>>
        %dma_start3A_59 = arith.constant 0 : i32
        %dma_start3A_60 = tpu.memref_slice %arg8[%add3A_58, %dma_start3A_59] : memref<40x128xi32, #tpu.memory_space<vmem>> -> memref<1x128xi32, #tpu.memory_space<vmem>>
        %dma_start3A_61 = tpu.memref_squeeze %dma_start3A_60 : memref<1x128xi32, #tpu.memory_space<vmem>> -> memref<128xi32, #tpu.memory_space<vmem>>
        %dma_start3A_62 = arith.constant 0 : i32
        %dma_start3A_63 = arith.constant 0 : i32
        %dma_start3A_64 = tpu.memref_slice %arg13[%dma_start3A_62, %dma_start3A_63] : memref<10112x128xf32, #tpu.memory_space<vmem_shared>> -> memref<10112x128xf32, #tpu.memory_space<vmem_shared>>
        tpu.enqueue_indirect_dma source(%arg10 : memref<128x128xf32, #tpu.memory_space<vmem>>) target(%dma_start3A_64 : memref<10112x128xf32, #tpu.memory_space<vmem_shared>>) offsets(%dma_start3A_61 : memref<128xi32, #tpu.memory_space<vmem>>) semaphore(%run_scoped3A : memref<!tpu.dma_semaphore, #tpu.memory_space<semaphore_mem>>) {add = true}
        %dma_wait3A_65 = arith.constant 0 : i32
        %dma_wait3A_66 = tpu.memref_slice %arg8[%add3A_58, %dma_wait3A_65] : memref<40x128xi32, #tpu.memory_space<vmem>> -> memref<1x128xi32, #tpu.memory_space<vmem>>
        %dma_wait3A_67 = tpu.memref_squeeze %dma_wait3A_66 : memref<1x128xi32, #tpu.memory_space<vmem>> -> memref<128xi32, #tpu.memory_space<vmem>>
        %dma_wait3A_68 = arith.constant 0 : i32
        %dma_wait3A_69 = arith.constant 0 : i32
        %dma_wait3A_70 = tpu.memref_slice %arg13[%dma_wait3A_68, %dma_wait3A_69] : memref<10112x128xf32, #tpu.memory_space<vmem_shared>> -> memref<10112x128xf32, #tpu.memory_space<vmem_shared>>
        tpu.wait_indirect_dma semaphore(%run_scoped3A : memref<!tpu.dma_semaphore, #tpu.memory_space<semaphore_mem>>) src(%arg10 : memref<128x128xf32, #tpu.memory_space<vmem>>) dst(%dma_wait3A_70 : memref<10112x128xf32, #tpu.memory_space<vmem_shared>>)
        tpu.yield
      }) : () -> ()
    }
    %scan3A_11 = arith.constant 20 : i32
    "tpu.region"() ({
      %run_scoped3A = tpu.sem_alloc : memref<!tpu.dma_semaphore, #tpu.memory_space<semaphore_mem>>
      %dma_start3A_30 = arith.constant 40 : i32
      %dma_start3A_31 = arith.constant 0 : i32
      %dma_start3A_32 = tpu.memref_slice %arg3[%arg0, %arg1, %dma_start3A_30, %dma_start3A_31] : memref<2x16x80x128xi32, #tpu.memory_space<hbm>> -> memref<1x1x40x128xi32, #tpu.memory_space<hbm>>
      %dma_start3A_33 = tpu.memref_squeeze %dma_start3A_32 : memref<1x1x40x128xi32, #tpu.memory_space<hbm>> -> memref<40x128xi32, #tpu.memory_space<hbm>>
      %dma_start3A_34 = arith.constant 40 : i32
      %dma_start3A_35 = arith.constant 0 : i32
      %dma_start3A_36 = tpu.memref_slice %arg3[%arg0, %arg1, %dma_start3A_34, %dma_start3A_35] : memref<2x16x80x128xi32, #tpu.memory_space<hbm>> -> memref<1x1x40x128xi32, #tpu.memory_space<hbm>>
      %dma_start3A_37 = tpu.memref_squeeze %dma_start3A_36 : memref<1x1x40x128xi32, #tpu.memory_space<hbm>> -> memref<40x128xi32, #tpu.memory_space<hbm>>
      tpu.enqueue_dma source(%dma_start3A_37 : memref<40x128xi32, #tpu.memory_space<hbm>>) target(%arg7 : memref<40x128xi32, #tpu.memory_space<vmem>>) target_semaphore(%run_scoped3A : memref<!tpu.dma_semaphore, #tpu.memory_space<semaphore_mem>>)
      %dma_wait3A = arith.constant 40 : i32
      %dma_wait3A_38 = arith.constant 0 : i32
      %dma_wait3A_39 = tpu.memref_slice %arg3[%arg0, %arg1, %dma_wait3A, %dma_wait3A_38] : memref<2x16x80x128xi32, #tpu.memory_space<hbm>> -> memref<1x1x40x128xi32, #tpu.memory_space<hbm>>
      %dma_wait3A_40 = tpu.memref_squeeze %dma_wait3A_39 : memref<1x1x40x128xi32, #tpu.memory_space<hbm>> -> memref<40x128xi32, #tpu.memory_space<hbm>>
      %dma_wait3A_41 = arith.constant 40 : i32
      %dma_wait3A_42 = arith.constant 0 : i32
      %dma_wait3A_43 = tpu.memref_slice %arg3[%arg0, %arg1, %dma_wait3A_41, %dma_wait3A_42] : memref<2x16x80x128xi32, #tpu.memory_space<hbm>> -> memref<1x1x40x128xi32, #tpu.memory_space<hbm>>
      %dma_wait3A_44 = tpu.memref_squeeze %dma_wait3A_43 : memref<1x1x40x128xi32, #tpu.memory_space<hbm>> -> memref<40x128xi32, #tpu.memory_space<hbm>>
      tpu.wait_dma2 semaphore(%run_scoped3A : memref<!tpu.dma_semaphore, #tpu.memory_space<semaphore_mem>>) src(%dma_wait3A_44 : memref<40x128xi32, #tpu.memory_space<hbm>>) dst(%arg7 : memref<40x128xi32, #tpu.memory_space<vmem>>)
      tpu.yield
    }) : () -> ()
    "tpu.region"() ({
      %run_scoped3A = tpu.sem_alloc : memref<!tpu.dma_semaphore, #tpu.memory_space<semaphore_mem>>
      %dma_start3A_30 = arith.constant 40 : i32
      %dma_start3A_31 = arith.constant 0 : i32
      %dma_start3A_32 = tpu.memref_slice %arg4[%arg0, %arg1, %dma_start3A_30, %dma_start3A_31] : memref<2x16x80x128xi32, #tpu.memory_space<hbm>> -> memref<1x1x40x128xi32, #tpu.memory_space<hbm>>
      %dma_start3A_33 = tpu.memref_squeeze %dma_start3A_32 : memref<1x1x40x128xi32, #tpu.memory_space<hbm>> -> memref<40x128xi32, #tpu.memory_space<hbm>>
      %dma_start3A_34 = arith.constant 40 : i32
      %dma_start3A_35 = arith.constant 0 : i32
      %dma_start3A_36 = tpu.memref_slice %arg4[%arg0, %arg1, %dma_start3A_34, %dma_start3A_35] : memref<2x16x80x128xi32, #tpu.memory_space<hbm>> -> memref<1x1x40x128xi32, #tpu.memory_space<hbm>>
      %dma_start3A_37 = tpu.memref_squeeze %dma_start3A_36 : memref<1x1x40x128xi32, #tpu.memory_space<hbm>> -> memref<40x128xi32, #tpu.memory_space<hbm>>
      tpu.enqueue_dma source(%dma_start3A_37 : memref<40x128xi32, #tpu.memory_space<hbm>>) target(%arg8 : memref<40x128xi32, #tpu.memory_space<vmem>>) target_semaphore(%run_scoped3A : memref<!tpu.dma_semaphore, #tpu.memory_space<semaphore_mem>>)
      %dma_wait3A = arith.constant 40 : i32
      %dma_wait3A_38 = arith.constant 0 : i32
      %dma_wait3A_39 = tpu.memref_slice %arg4[%arg0, %arg1, %dma_wait3A, %dma_wait3A_38] : memref<2x16x80x128xi32, #tpu.memory_space<hbm>> -> memref<1x1x40x128xi32, #tpu.memory_space<hbm>>
      %dma_wait3A_40 = tpu.memref_squeeze %dma_wait3A_39 : memref<1x1x40x128xi32, #tpu.memory_space<hbm>> -> memref<40x128xi32, #tpu.memory_space<hbm>>
      %dma_wait3A_41 = arith.constant 40 : i32
      %dma_wait3A_42 = arith.constant 0 : i32
      %dma_wait3A_43 = tpu.memref_slice %arg4[%arg0, %arg1, %dma_wait3A_41, %dma_wait3A_42] : memref<2x16x80x128xi32, #tpu.memory_space<hbm>> -> memref<1x1x40x128xi32, #tpu.memory_space<hbm>>
      %dma_wait3A_44 = tpu.memref_squeeze %dma_wait3A_43 : memref<1x1x40x128xi32, #tpu.memory_space<hbm>> -> memref<40x128xi32, #tpu.memory_space<hbm>>
      tpu.wait_dma2 semaphore(%run_scoped3A : memref<!tpu.dma_semaphore, #tpu.memory_space<semaphore_mem>>) src(%dma_wait3A_44 : memref<40x128xi32, #tpu.memory_space<hbm>>) dst(%arg8 : memref<40x128xi32, #tpu.memory_space<vmem>>)
      tpu.yield
    }) : () -> ()
    %dma_start3A_12 = arith.constant 0 : i32
    %dma_start3A_13 = arith.constant 0 : i32
    %dma_start3A_14 = tpu.memref_slice %arg7[%dma_start3A_12, %dma_start3A_13] : memref<40x128xi32, #tpu.memory_space<vmem>> -> memref<1x128xi32, #tpu.memory_space<vmem>>
    %dma_start3A_15 = tpu.memref_squeeze %dma_start3A_14 : memref<1x128xi32, #tpu.memory_space<vmem>> -> memref<128xi32, #tpu.memory_space<vmem>>
    %dma_start3A_16 = arith.constant 0 : i32
    %dma_start3A_17 = arith.constant 0 : i32
    %dma_start3A_18 = tpu.memref_slice %arg2[%dma_start3A_16, %dma_start3A_17] : memref<40960x128xf32, #tpu.memory_space<hbm>> -> memref<40960x128xf32, #tpu.memory_space<hbm>>
    tpu.enqueue_indirect_dma source(%dma_start3A_18 : memref<40960x128xf32, #tpu.memory_space<hbm>>) target(%arg9 : memref<128x128xf32, #tpu.memory_space<vmem>>) offsets(%dma_start3A_15 : memref<128xi32, #tpu.memory_space<vmem>>) semaphore(%arg11 : memref<!tpu.dma_semaphore, #tpu.memory_space<semaphore_mem>>)
    %scan3A_19 = arith.constant 0 : i32
    %scan3A_20 = arith.constant 0 : i32
    %scan3A_21 = arith.constant 20 : i32
    %scan3A_22 = arith.addi %scan3A_20, %scan3A_21 : i32
    %scan3A_23 = arith.constant 1 : i32
    scf.for %scan3A_30 = %scan3A_20 to %scan3A_22 step %scan3A_23  : i32 {
      %mul3A_31 = arith.constant 2 : i32
      %mul3A_32 = arith.muli %mul3A_31, %scan3A_30 : i32
      %add3A = arith.constant 1 : i32
      %add3A_33 = arith.addi %mul3A_32, %add3A : i32
      %dma_start3A_34 = arith.constant 0 : i32
      %dma_start3A_35 = tpu.memref_slice %arg7[%add3A_33, %dma_start3A_34] : memref<40x128xi32, #tpu.memory_space<vmem>> -> memref<1x128xi32, #tpu.memory_space<vmem>>
      %dma_start3A_36 = tpu.memref_squeeze %dma_start3A_35 : memref<1x128xi32, #tpu.memory_space<vmem>> -> memref<128xi32, #tpu.memory_space<vmem>>
      %dma_start3A_37 = arith.constant 0 : i32
      %dma_start3A_38 = arith.constant 0 : i32
      %dma_start3A_39 = tpu.memref_slice %arg2[%dma_start3A_37, %dma_start3A_38] : memref<40960x128xf32, #tpu.memory_space<hbm>> -> memref<40960x128xf32, #tpu.memory_space<hbm>>
      tpu.enqueue_indirect_dma source(%dma_start3A_39 : memref<40960x128xf32, #tpu.memory_space<hbm>>) target(%arg10 : memref<128x128xf32, #tpu.memory_space<vmem>>) offsets(%dma_start3A_36 : memref<128xi32, #tpu.memory_space<vmem>>) semaphore(%arg12 : memref<!tpu.dma_semaphore, #tpu.memory_space<semaphore_mem>>)
      %dma_wait3A = arith.constant 0 : i32
      %dma_wait3A_40 = tpu.memref_slice %arg7[%mul3A_32, %dma_wait3A] : memref<40x128xi32, #tpu.memory_space<vmem>> -> memref<1x128xi32, #tpu.memory_space<vmem>>
      %dma_wait3A_41 = tpu.memref_squeeze %dma_wait3A_40 : memref<1x128xi32, #tpu.memory_space<vmem>> -> memref<128xi32, #tpu.memory_space<vmem>>
      %dma_wait3A_42 = arith.constant 0 : i32
      %dma_wait3A_43 = arith.constant 0 : i32
      %dma_wait3A_44 = tpu.memref_slice %arg2[%dma_wait3A_42, %dma_wait3A_43] : memref<40960x128xf32, #tpu.memory_space<hbm>> -> memref<40960x128xf32, #tpu.memory_space<hbm>>
      tpu.wait_indirect_dma semaphore(%arg11 : memref<!tpu.dma_semaphore, #tpu.memory_space<semaphore_mem>>) src(%dma_wait3A_44 : memref<40960x128xf32, #tpu.memory_space<hbm>>) dst(%arg9 : memref<128x128xf32, #tpu.memory_space<vmem>>)
      "tpu.region"() ({
        %run_scoped3A = tpu.sem_alloc : memref<!tpu.dma_semaphore, #tpu.memory_space<semaphore_mem>>
        %dma_start3A_59 = arith.constant 0 : i32
        %dma_start3A_60 = tpu.memref_slice %arg8[%mul3A_32, %dma_start3A_59] : memref<40x128xi32, #tpu.memory_space<vmem>> -> memref<1x128xi32, #tpu.memory_space<vmem>>
        %dma_start3A_61 = tpu.memref_squeeze %dma_start3A_60 : memref<1x128xi32, #tpu.memory_space<vmem>> -> memref<128xi32, #tpu.memory_space<vmem>>
        %dma_start3A_62 = arith.constant 0 : i32
        %dma_start3A_63 = arith.constant 0 : i32
        %dma_start3A_64 = tpu.memref_slice %arg13[%dma_start3A_62, %dma_start3A_63] : memref<10112x128xf32, #tpu.memory_space<vmem_shared>> -> memref<10112x128xf32, #tpu.memory_space<vmem_shared>>
        tpu.enqueue_indirect_dma source(%arg9 : memref<128x128xf32, #tpu.memory_space<vmem>>) target(%dma_start3A_64 : memref<10112x128xf32, #tpu.memory_space<vmem_shared>>) offsets(%dma_start3A_61 : memref<128xi32, #tpu.memory_space<vmem>>) semaphore(%run_scoped3A : memref<!tpu.dma_semaphore, #tpu.memory_space<semaphore_mem>>) {add = true}
        %dma_wait3A_65 = arith.constant 0 : i32
        %dma_wait3A_66 = tpu.memref_slice %arg8[%mul3A_32, %dma_wait3A_65] : memref<40x128xi32, #tpu.memory_space<vmem>> -> memref<1x128xi32, #tpu.memory_space<vmem>>
        %dma_wait3A_67 = tpu.memref_squeeze %dma_wait3A_66 : memref<1x128xi32, #tpu.memory_space<vmem>> -> memref<128xi32, #tpu.memory_space<vmem>>
        %dma_wait3A_68 = arith.constant 0 : i32
        %dma_wait3A_69 = arith.constant 0 : i32
        %dma_wait3A_70 = tpu.memref_slice %arg13[%dma_wait3A_68, %dma_wait3A_69] : memref<10112x128xf32, #tpu.memory_space<vmem_shared>> -> memref<10112x128xf32, #tpu.memory_space<vmem_shared>>
        tpu.wait_indirect_dma semaphore(%run_scoped3A : memref<!tpu.dma_semaphore, #tpu.memory_space<semaphore_mem>>) src(%arg9 : memref<128x128xf32, #tpu.memory_space<vmem>>) dst(%dma_wait3A_70 : memref<10112x128xf32, #tpu.memory_space<vmem_shared>>)
        tpu.yield
      }) : () -> ()
      %add3A_45 = arith.constant 2 : i32
      %add3A_46 = arith.addi %mul3A_32, %add3A_45 : i32
      %lt3A = arith.constant 40 : i32
      %lt3A_47 = arith.cmpi slt, %add3A_46, %lt3A : i32
      %convert_element_type3A = arith.extui %lt3A_47 : i1 to i32
      %cond3A = arith.constant 0 : i32
      %cond3A_48 = arith.cmpi ne, %convert_element_type3A, %cond3A : i32
      scf.if %cond3A_48 {
        %add3A_59 = arith.constant 2 : i32
        %add3A_60 = arith.addi %mul3A_32, %add3A_59 : i32
        %dma_start3A_61 = arith.constant 0 : i32
        %dma_start3A_62 = tpu.memref_slice %arg7[%add3A_60, %dma_start3A_61] : memref<40x128xi32, #tpu.memory_space<vmem>> -> memref<1x128xi32, #tpu.memory_space<vmem>>
        %dma_start3A_63 = tpu.memref_squeeze %dma_start3A_62 : memref<1x128xi32, #tpu.memory_space<vmem>> -> memref<128xi32, #tpu.memory_space<vmem>>
        %dma_start3A_64 = arith.constant 0 : i32
        %dma_start3A_65 = arith.constant 0 : i32
        %dma_start3A_66 = tpu.memref_slice %arg2[%dma_start3A_64, %dma_start3A_65] : memref<40960x128xf32, #tpu.memory_space<hbm>> -> memref<40960x128xf32, #tpu.memory_space<hbm>>
        tpu.enqueue_indirect_dma source(%dma_start3A_66 : memref<40960x128xf32, #tpu.memory_space<hbm>>) target(%arg9 : memref<128x128xf32, #tpu.memory_space<vmem>>) offsets(%dma_start3A_63 : memref<128xi32, #tpu.memory_space<vmem>>) semaphore(%arg11 : memref<!tpu.dma_semaphore, #tpu.memory_space<semaphore_mem>>)
      } else {
      }
      %add3A_49 = arith.constant 1 : i32
      %add3A_50 = arith.addi %mul3A_32, %add3A_49 : i32
      %dma_wait3A_51 = arith.constant 0 : i32
      %dma_wait3A_52 = tpu.memref_slice %arg7[%add3A_50, %dma_wait3A_51] : memref<40x128xi32, #tpu.memory_space<vmem>> -> memref<1x128xi32, #tpu.memory_space<vmem>>
      %dma_wait3A_53 = tpu.memref_squeeze %dma_wait3A_52 : memref<1x128xi32, #tpu.memory_space<vmem>> -> memref<128xi32, #tpu.memory_space<vmem>>
      %dma_wait3A_54 = arith.constant 0 : i32
      %dma_wait3A_55 = arith.constant 0 : i32
      %dma_wait3A_56 = tpu.memref_slice %arg2[%dma_wait3A_54, %dma_wait3A_55] : memref<40960x128xf32, #tpu.memory_space<hbm>> -> memref<40960x128xf32, #tpu.memory_space<hbm>>
      tpu.wait_indirect_dma semaphore(%arg12 : memref<!tpu.dma_semaphore, #tpu.memory_space<semaphore_mem>>) src(%dma_wait3A_56 : memref<40960x128xf32, #tpu.memory_space<hbm>>) dst(%arg10 : memref<128x128xf32, #tpu.memory_space<vmem>>)
      %add3A_57 = arith.constant 1 : i32
      %add3A_58 = arith.addi %mul3A_32, %add3A_57 : i32
      "tpu.region"() ({
        %run_scoped3A = tpu.sem_alloc : memref<!tpu.dma_semaphore, #tpu.memory_space<semaphore_mem>>
        %dma_start3A_59 = arith.constant 0 : i32
        %dma_start3A_60 = tpu.memref_slice %arg8[%add3A_58, %dma_start3A_59] : memref<40x128xi32, #tpu.memory_space<vmem>> -> memref<1x128xi32, #tpu.memory_space<vmem>>
        %dma_start3A_61 = tpu.memref_squeeze %dma_start3A_60 : memref<1x128xi32, #tpu.memory_space<vmem>> -> memref<128xi32, #tpu.memory_space<vmem>>
        %dma_start3A_62 = arith.constant 0 : i32
        %dma_start3A_63 = arith.constant 0 : i32
        %dma_start3A_64 = tpu.memref_slice %arg13[%dma_start3A_62, %dma_start3A_63] : memref<10112x128xf32, #tpu.memory_space<vmem_shared>> -> memref<10112x128xf32, #tpu.memory_space<vmem_shared>>
        tpu.enqueue_indirect_dma source(%arg10 : memref<128x128xf32, #tpu.memory_space<vmem>>) target(%dma_start3A_64 : memref<10112x128xf32, #tpu.memory_space<vmem_shared>>) offsets(%dma_start3A_61 : memref<128xi32, #tpu.memory_space<vmem>>) semaphore(%run_scoped3A : memref<!tpu.dma_semaphore, #tpu.memory_space<semaphore_mem>>) {add = true}
        %dma_wait3A_65 = arith.constant 0 : i32
        %dma_wait3A_66 = tpu.memref_slice %arg8[%add3A_58, %dma_wait3A_65] : memref<40x128xi32, #tpu.memory_space<vmem>> -> memref<1x128xi32, #tpu.memory_space<vmem>>
        %dma_wait3A_67 = tpu.memref_squeeze %dma_wait3A_66 : memref<1x128xi32, #tpu.memory_space<vmem>> -> memref<128xi32, #tpu.memory_space<vmem>>
        %dma_wait3A_68 = arith.constant 0 : i32
        %dma_wait3A_69 = arith.constant 0 : i32
        %dma_wait3A_70 = tpu.memref_slice %arg13[%dma_wait3A_68, %dma_wait3A_69] : memref<10112x128xf32, #tpu.memory_space<vmem_shared>> -> memref<10112x128xf32, #tpu.memory_space<vmem_shared>>
        tpu.wait_indirect_dma semaphore(%run_scoped3A : memref<!tpu.dma_semaphore, #tpu.memory_space<semaphore_mem>>) src(%arg10 : memref<128x128xf32, #tpu.memory_space<vmem>>) dst(%dma_wait3A_70 : memref<10112x128xf32, #tpu.memory_space<vmem_shared>>)
        tpu.yield
      }) : () -> ()
    }
    %scan3A_24 = arith.constant 20 : i32
    %barrier3A_25 = arith.constant 0 : index
    tpu.barrier barrier_id(%barrier3A_25)
    %mul3A_26 = arith.constant 632 : i32
    %mul3A_27 = arith.muli %arg1, %mul3A_26 : i32
    %mul3A_28 = arith.constant 632 : i32
    %mul3A_29 = arith.muli %arg1, %mul3A_28 : i32
    "tpu.region"() ({
      %run_scoped3A = tpu.sem_alloc : memref<!tpu.dma_semaphore, #tpu.memory_space<semaphore_mem>>
      %dma_start3A_30 = arith.constant 0 : i32
      %dma_start3A_31 = tpu.memref_slice %arg6[%arg0, %mul3A_29, %dma_start3A_30] : memref<2x10240x128xf32, #tpu.memory_space<hbm>> -> memref<1x632x128xf32, #tpu.memory_space<hbm>>
      %dma_start3A_32 = tpu.memref_squeeze %dma_start3A_31 : memref<1x632x128xf32, #tpu.memory_space<hbm>> -> memref<632x128xf32, #tpu.memory_space<hbm>>
      %dma_start3A_33 = arith.constant 0 : i32
      %dma_start3A_34 = tpu.memref_slice %arg13[%mul3A_27, %dma_start3A_33] : memref<10112x128xf32, #tpu.memory_space<vmem_shared>> -> memref<632x128xf32, #tpu.memory_space<vmem_shared>>
      tpu.enqueue_dma source(%dma_start3A_34 : memref<632x128xf32, #tpu.memory_space<vmem_shared>>) target(%dma_start3A_32 : memref<632x128xf32, #tpu.memory_space<hbm>>) target_semaphore(%run_scoped3A : memref<!tpu.dma_semaphore, #tpu.memory_space<semaphore_mem>>)
      %dma_wait3A = arith.constant 0 : i32
      %dma_wait3A_35 = tpu.memref_slice %arg6[%arg0, %mul3A_29, %dma_wait3A] : memref<2x10240x128xf32, #tpu.memory_space<hbm>> -> memref<1x632x128xf32, #tpu.memory_space<hbm>>
      %dma_wait3A_36 = tpu.memref_squeeze %dma_wait3A_35 : memref<1x632x128xf32, #tpu.memory_space<hbm>> -> memref<632x128xf32, #tpu.memory_space<hbm>>
      %dma_wait3A_37 = arith.constant 0 : i32
      %dma_wait3A_38 = tpu.memref_slice %arg13[%mul3A_27, %dma_wait3A_37] : memref<10112x128xf32, #tpu.memory_space<vmem_shared>> -> memref<632x128xf32, #tpu.memory_space<vmem_shared>>
      tpu.wait_dma2 semaphore(%run_scoped3A : memref<!tpu.dma_semaphore, #tpu.memory_space<semaphore_mem>>) src(%dma_wait3A_38 : memref<632x128xf32, #tpu.memory_space<vmem_shared>>) dst(%dma_wait3A_36 : memref<632x128xf32, #tpu.memory_space<hbm>>)
      tpu.yield
    }) : () -> ()
    return
  }
}

module attributes {stable_mosaic.version = 14 : i64} {
  func.func @_prep_body(%arg0: i32, %arg1: memref<1024x1xi32, #tpu.memory_space<vmem>>, %arg2: memref<32x128xf32, #tpu.memory_space<vmem>>, %arg3: memref<4x128xf32, #tpu.memory_space<vmem>>, %arg4: memref<1024x128xf32, #tpu.memory_space<vmem>>, %arg5: memref<4x1024x128xf32, #tpu.memory_space<vmem>>) attributes {dimension_semantics = [#tpu.dimension_semantics<arbitrary>], iteration_bounds = array<i64: 10>, scalar_prefetch = 0 : i64, scratch_operands = 0 : i64, tpu.core_type = #tpu.core_type<tc>, window_params = [{transform_indices = @transform_0, window_bounds = array<i64: 1024, 1>}, {pipeline_mode = #tpu.pipeline_mode<synchronous>, transform_indices = @transform_1, window_bounds = array<i64: 32, 128>}, {pipeline_mode = #tpu.pipeline_mode<synchronous>, transform_indices = @transform_2, window_bounds = array<i64: 4, 128>}, {transform_indices = @transform_3, window_bounds = array<i64: 1024, 128>}, {transform_indices = @transform_4, window_bounds = array<i64: 4, 1024, 128>}]} {
    %iota3A = tpu.iota {dimensions = array<i32: 0>} : vector<1024x1xi32>
    %mul3A = arith.constant 1024 : i32
    %mul3A_0 = arith.muli %arg0, %mul3A : i32
    %add3A = vector.broadcast %mul3A_0 : i32 to vector<1024x1xi32>
    %add3A_1 = arith.addi %iota3A, %add3A : vector<1024x1xi32>
    %lt3A = arith.constant 10000 : i32
    %lt3A_2 = vector.broadcast %lt3A : i32 to vector<1024x1xi32>
    %lt3A_3 = arith.cmpi slt, %add3A_1, %lt3A_2 : vector<1024x1xi32>
    %get3A = arith.constant 0 : index
    %get3A_4 = arith.constant 0 : index
    %get3A_5 = vector.load %arg1[%get3A, %get3A_4] : memref<1024x1xi32, #tpu.memory_space<vmem>>, vector<1024x1xi32>
    %iota3A_6 = tpu.iota {dimensions = array<i32: 1>} : vector<1024x32xi32>
    %eq3A = vector.broadcast %get3A_5 : vector<1024x1xi32> to vector<1024x32xi32>
    %eq3A_7 = arith.cmpi eq, %eq3A, %iota3A_6 : vector<1024x32xi32>
    %convert_element_type3A = arith.extui %eq3A_7 : vector<1024x32xi1> to vector<1024x32xi32>
    %convert_element_type3A_8 = arith.sitofp %convert_element_type3A : vector<1024x32xi32> to vector<1024x32xf32>
    %get3A_9 = arith.constant 0 : index
    %get3A_10 = arith.constant 0 : index
    %get3A_11 = vector.load %arg2[%get3A_9, %get3A_10] : memref<32x128xf32, #tpu.memory_space<vmem>>, vector<32x128xf32>
    %dot_general3A = arith.constant dense<0.000000e+00> : vector<1024x128xf32>
    %dot_general3A_12 = tpu.matmul %convert_element_type3A_8, %get3A_11, %dot_general3A {dimension_numbers = #tpu.dot_dimension_numbers<[1], [0], [0], [1], [0, 0, 1, 1], [], []>, precision = #tpu.contract_precision<fp32>, transpose_lhs_hint = false} : vector<1024x32xf32>, vector<32x128xf32>, vector<1024x128xf32> -> vector<1024x128xf32>
    %swap3A = arith.constant 0 : index
    %swap3A_13 = arith.constant 0 : index
    %swap3A_14 = vector.load %arg4[%swap3A, %swap3A_13] : memref<1024x128xf32, #tpu.memory_space<vmem>>, vector<1024x128xf32>
    tpu.vector_store %arg4[%swap3A, %swap3A_13], %dot_general3A_12 {strides = array<i32>} : memref<1024x128xf32, #tpu.memory_space<vmem>>, vector<1024x128xf32>,
    %get3A_15 = arith.constant 0 : index
    %get3A_16 = arith.constant 0 : index
    %get3A_17 = vector.load %arg3[%get3A_15, %get3A_16] : memref<4x128xf32, #tpu.memory_space<vmem>>, vector<1x128xf32>
    %add3A_18 = vector.broadcast %get3A_17 : vector<1x128xf32> to vector<1024x128xf32>
    %add3A_19 = arith.addf %dot_general3A_12, %add3A_18 : vector<1024x128xf32>
    %max3A = arith.constant 0.000000e+00 : f32
    %max3A_20 = vector.broadcast %max3A : f32 to vector<1024x128xf32>
    %max3A_21 = arith.maximumf %add3A_19, %max3A_20 : vector<1024x128xf32>
    %jit3A = arith.constant 0.000000e+00 : f32
    %broadcast_in_dim3A = vector.shape_cast %lt3A_3 : vector<1024x1xi1> to vector<1024x1xi1>
    %broadcast_in_dim3A_22 = vector.broadcast %broadcast_in_dim3A : vector<1024x1xi1> to vector<1024x128xi1>
    %broadcast_in_dim3A_23 = vector.broadcast %jit3A : f32 to vector<1024x128xf32>
    %select_n3A = arith.select %broadcast_in_dim3A_22, %max3A_21, %broadcast_in_dim3A_23 : vector<1024x128xi1>, vector<1024x128xf32>
    %swap3A_24 = arith.constant 0 : index
    %swap3A_25 = arith.constant 0 : index
    %swap3A_26 = arith.constant 0 : index
    %swap3A_27 = vector.load %arg5[%swap3A_24, %swap3A_25, %swap3A_26] : memref<4x1024x128xf32, #tpu.memory_space<vmem>>, vector<1x1024x128xf32>
    %swap3A_28 = vector.shape_cast %swap3A_27 : vector<1x1024x128xf32> to vector<1024x128xf32>
    %swap3A_29 = vector.shape_cast %select_n3A : vector<1024x128xf32> to vector<1x1024x128xf32>
    tpu.vector_store %arg5[%swap3A_24, %swap3A_25, %swap3A_26], %swap3A_29 {strides = array<i32>} : memref<4x1024x128xf32, #tpu.memory_space<vmem>>, vector<1x1024x128xf32>,
    %get3A_30 = arith.constant 1 : index
    %get3A_31 = arith.constant 0 : index
    %get3A_32 = vector.load %arg3[%get3A_30, %get3A_31] : memref<4x128xf32, #tpu.memory_space<vmem>>, vector<1x128xf32>
    %add3A_33 = vector.broadcast %get3A_32 : vector<1x128xf32> to vector<1024x128xf32>
    %add3A_34 = arith.addf %dot_general3A_12, %add3A_33 : vector<1024x128xf32>
    %max3A_35 = arith.constant 0.000000e+00 : f32
    %max3A_36 = vector.broadcast %max3A_35 : f32 to vector<1024x128xf32>
    %max3A_37 = arith.maximumf %add3A_34, %max3A_36 : vector<1024x128xf32>
    %jit3A_38 = arith.constant 0.000000e+00 : f32
    %broadcast_in_dim3A_39 = vector.shape_cast %lt3A_3 : vector<1024x1xi1> to vector<1024x1xi1>
    %broadcast_in_dim3A_40 = vector.broadcast %broadcast_in_dim3A_39 : vector<1024x1xi1> to vector<1024x128xi1>
    %broadcast_in_dim3A_41 = vector.broadcast %jit3A_38 : f32 to vector<1024x128xf32>
    %select_n3A_42 = arith.select %broadcast_in_dim3A_40, %max3A_37, %broadcast_in_dim3A_41 : vector<1024x128xi1>, vector<1024x128xf32>
    %swap3A_43 = arith.constant 1 : index
    %swap3A_44 = arith.constant 0 : index
    %swap3A_45 = arith.constant 0 : index
    %swap3A_46 = vector.load %arg5[%swap3A_43, %swap3A_44, %swap3A_45] : memref<4x1024x128xf32, #tpu.memory_space<vmem>>, vector<1x1024x128xf32>
    %swap3A_47 = vector.shape_cast %swap3A_46 : vector<1x1024x128xf32> to vector<1024x128xf32>
    %swap3A_48 = vector.shape_cast %select_n3A_42 : vector<1024x128xf32> to vector<1x1024x128xf32>
    tpu.vector_store %arg5[%swap3A_43, %swap3A_44, %swap3A_45], %swap3A_48 {strides = array<i32>} : memref<4x1024x128xf32, #tpu.memory_space<vmem>>, vector<1x1024x128xf32>,
    %get3A_49 = arith.constant 2 : index
    %get3A_50 = arith.constant 0 : index
    %get3A_51 = vector.load %arg3[%get3A_49, %get3A_50] : memref<4x128xf32, #tpu.memory_space<vmem>>, vector<1x128xf32>
    %add3A_52 = vector.broadcast %get3A_51 : vector<1x128xf32> to vector<1024x128xf32>
    %add3A_53 = arith.addf %dot_general3A_12, %add3A_52 : vector<1024x128xf32>
    %max3A_54 = arith.constant 0.000000e+00 : f32
    %max3A_55 = vector.broadcast %max3A_54 : f32 to vector<1024x128xf32>
    %max3A_56 = arith.maximumf %add3A_53, %max3A_55 : vector<1024x128xf32>
    %jit3A_57 = arith.constant 0.000000e+00 : f32
    %broadcast_in_dim3A_58 = vector.shape_cast %lt3A_3 : vector<1024x1xi1> to vector<1024x1xi1>
    %broadcast_in_dim3A_59 = vector.broadcast %broadcast_in_dim3A_58 : vector<1024x1xi1> to vector<1024x128xi1>
    %broadcast_in_dim3A_60 = vector.broadcast %jit3A_57 : f32 to vector<1024x128xf32>
    %select_n3A_61 = arith.select %broadcast_in_dim3A_59, %max3A_56, %broadcast_in_dim3A_60 : vector<1024x128xi1>, vector<1024x128xf32>
    %swap3A_62 = arith.constant 2 : index
    %swap3A_63 = arith.constant 0 : index
    %swap3A_64 = arith.constant 0 : index
    %swap3A_65 = vector.load %arg5[%swap3A_62, %swap3A_63, %swap3A_64] : memref<4x1024x128xf32, #tpu.memory_space<vmem>>, vector<1x1024x128xf32>
    %swap3A_66 = vector.shape_cast %swap3A_65 : vector<1x1024x128xf32> to vector<1024x128xf32>
    %swap3A_67 = vector.shape_cast %select_n3A_61 : vector<1024x128xf32> to vector<1x1024x128xf32>
    tpu.vector_store %arg5[%swap3A_62, %swap3A_63, %swap3A_64], %swap3A_67 {strides = array<i32>} : memref<4x1024x128xf32, #tpu.memory_space<vmem>>, vector<1x1024x128xf32>,
    %get3A_68 = arith.constant 3 : index
    %get3A_69 = arith.constant 0 : index
    %get3A_70 = vector.load %arg3[%get3A_68, %get3A_69] : memref<4x128xf32, #tpu.memory_space<vmem>>, vector<1x128xf32>
    %add3A_71 = vector.broadcast %get3A_70 : vector<1x128xf32> to vector<1024x128xf32>
    %add3A_72 = arith.addf %dot_general3A_12, %add3A_71 : vector<1024x128xf32>
    %max3A_73 = arith.constant 0.000000e+00 : f32
    %max3A_74 = vector.broadcast %max3A_73 : f32 to vector<1024x128xf32>
    %max3A_75 = arith.maximumf %add3A_72, %max3A_74 : vector<1024x128xf32>
    %jit3A_76 = arith.constant 0.000000e+00 : f32
    %broadcast_in_dim3A_77 = vector.shape_cast %lt3A_3 : vector<1024x1xi1> to vector<1024x1xi1>
    %broadcast_in_dim3A_78 = vector.broadcast %broadcast_in_dim3A_77 : vector<1024x1xi1> to vector<1024x128xi1>
    %broadcast_in_dim3A_79 = vector.broadcast %jit3A_76 : f32 to vector<1024x128xf32>
    %select_n3A_80 = arith.select %broadcast_in_dim3A_78, %max3A_75, %broadcast_in_dim3A_79 : vector<1024x128xi1>, vector<1024x128xf32>
    %swap3A_81 = arith.constant 3 : index
    %swap3A_82 = arith.constant 0 : index
    %swap3A_83 = arith.constant 0 : index
    %swap3A_84 = vector.load %arg5[%swap3A_81, %swap3A_82, %swap3A_83] : memref<4x1024x128xf32, #tpu.memory_space<vmem>>, vector<1x1024x128xf32>
    %swap3A_85 = vector.shape_cast %swap3A_84 : vector<1x1024x128xf32> to vector<1024x128xf32>
    %swap3A_86 = vector.shape_cast %select_n3A_80 : vector<1024x128xf32> to vector<1x1024x128xf32>
    tpu.vector_store %arg5[%swap3A_81, %swap3A_82, %swap3A_83], %swap3A_86 {strides = array<i32>} : memref<4x1024x128xf32, #tpu.memory_space<vmem>>, vector<1x1024x128xf32>,
    return
  }
  func.func @transform_0(%arg0: i32) -> (i32, i32) {
    %c0_i32 = arith.constant 0 : i32
    %c0_i32_0 = arith.constant 0 : i32
    return %arg0, %c0_i32 : i32, i32
  }
  func.func @transform_1(%arg0: i32) -> (i32, i32) {
    %c0_i32 = arith.constant 0 : i32
    %c0_i32_0 = arith.constant 0 : i32
    %c0_i32_1 = arith.constant 0 : i32
    return %c0_i32, %c0_i32_0 : i32, i32
  }
  func.func @transform_2(%arg0: i32) -> (i32, i32) {
    %c0_i32 = arith.constant 0 : i32
    %c0_i32_0 = arith.constant 0 : i32
    %c0_i32_1 = arith.constant 0 : i32
    return %c0_i32, %c0_i32_0 : i32, i32
  }
  func.func @transform_3(%arg0: i32) -> (i32, i32) {
    %c0_i32 = arith.constant 0 : i32
    %c0_i32_0 = arith.constant 0 : i32
    return %arg0, %c0_i32 : i32, i32
  }
  func.func @transform_4(%arg0: i32) -> (i32, i32, i32) {
    %c0_i32 = arith.constant 0 : i32
    %c0_i32_0 = arith.constant 0 : i32
    %c0_i32_1 = arith.constant 0 : i32
    return %c0_i32, %arg0, %c0_i32_0 : i32, i32, i32
  }
}

module attributes {stable_mosaic.version = 14 : i64} {
  func.func @_layer_body(%arg0: i32, %arg1: i32, %arg2: memref<1024x128xf32, #tpu.memory_space<vmem>>, %arg3: memref<2x1024x128xf32, #tpu.memory_space<vmem>>, %arg4: memref<128x256xf32, #tpu.memory_space<vmem>>, %arg5: memref<1x256xf32, #tpu.memory_space<vmem>>, %arg6: memref<1x256xf32, #tpu.memory_space<vmem>>, %arg7: memref<1x256xf32, #tpu.memory_space<vmem>>, %arg8: memref<256x128xf32, #tpu.memory_space<vmem>>, %arg9: memref<1x128xf32, #tpu.memory_space<vmem>>, %arg10: memref<1x128xf32, #tpu.memory_space<vmem>>, %arg11: memref<1x128xf32, #tpu.memory_space<vmem>>, %arg12: memref<4x128xf32, #tpu.memory_space<vmem>>, %arg13: memref<1024x128xf32, #tpu.memory_space<vmem>>, %arg14: memref<4x1024x128xf32, #tpu.memory_space<vmem>>, %arg15: memref<10240x256xf32, #tpu.memory_space<vmem>>, %arg16: memref<10240x128xf32, #tpu.memory_space<vmem>>, %arg17: memref<8x256xf32, #tpu.memory_space<vmem>>, %arg18: memref<512x128xf32, #tpu.memory_space<vmem>>) attributes {dimension_semantics = [#tpu.dimension_semantics<arbitrary>, #tpu.dimension_semantics<arbitrary>], iteration_bounds = array<i64: 5, 10>, scalar_prefetch = 0 : i64, scratch_operands = 4 : i64, tpu.core_type = #tpu.core_type<tc>, window_params = [{transform_indices = @transform_0, window_bounds = array<i64: 1024, 128>}, {transform_indices = @transform_1, window_bounds = array<i64: 2, 1024, 128>}, {pipeline_mode = #tpu.pipeline_mode<synchronous>, transform_indices = @transform_2, window_bounds = array<i64: 128, 256>}, {pipeline_mode = #tpu.pipeline_mode<synchronous>, transform_indices = @transform_3, window_bounds = array<i64: 1, 256>}, {pipeline_mode = #tpu.pipeline_mode<synchronous>, transform_indices = @transform_4, window_bounds = array<i64: 1, 256>}, {pipeline_mode = #tpu.pipeline_mode<synchronous>, transform_indices = @transform_5, window_bounds = array<i64: 1, 256>}, {pipeline_mode = #tpu.pipeline_mode<synchronous>, transform_indices = @transform_6, window_bounds = array<i64: 256, 128>}, {pipeline_mode = #tpu.pipeline_mode<synchronous>, transform_indices = @transform_7, window_bounds = array<i64: 1, 128>}, {pipeline_mode = #tpu.pipeline_mode<synchronous>, transform_indices = @transform_8, window_bounds = array<i64: 1, 128>}, {pipeline_mode = #tpu.pipeline_mode<synchronous>, transform_indices = @transform_9, window_bounds = array<i64: 1, 128>}, {pipeline_mode = #tpu.pipeline_mode<synchronous>, transform_indices = @transform_10, window_bounds = array<i64: 4, 128>}, {transform_indices = @transform_11, window_bounds = array<i64: 1024, 128>}, {transform_indices = @transform_12, window_bounds = array<i64: 4, 1024, 128>}]} {
    %iota3A = tpu.iota {dimensions = array<i32: 0>} : vector<1024x1xi32>
    %mul3A = arith.constant 1024 : i32
    %mul3A_0 = arith.muli %arg1, %mul3A : i32
    %add3A = vector.broadcast %mul3A_0 : i32 to vector<1024x1xi32>
    %add3A_1 = arith.addi %iota3A, %add3A : vector<1024x1xi32>
    %lt3A = arith.constant 10000 : i32
    %lt3A_2 = vector.broadcast %lt3A : i32 to vector<1024x1xi32>
    %lt3A_3 = arith.cmpi slt, %add3A_1, %lt3A_2 : vector<1024x1xi32>
    %eq3A = arith.constant 0 : i32
    %eq3A_4 = arith.cmpi eq, %arg0, %eq3A : i32
    %convert_element_type3A = arith.extui %eq3A_4 : i1 to i32
    %cond3A = arith.constant 0 : i32
    %cond3A_5 = arith.cmpi ne, %convert_element_type3A, %cond3A : i32
    scf.if %cond3A_5 {
      %get3A = arith.constant 0 : index
      %get3A_26 = arith.constant 0 : index
      %get3A_27 = vector.load %arg2[%get3A, %get3A_26] : memref<1024x128xf32, #tpu.memory_space<vmem>>, vector<1024x128xf32>
      %get3A_28 = arith.constant 0 : index
      %get3A_29 = arith.constant 0 : index
      %get3A_30 = arith.constant 0 : index
      %get3A_31 = vector.load %arg3[%get3A_28, %get3A_29, %get3A_30] : memref<2x1024x128xf32, #tpu.memory_space<vmem>>, vector<1x1024x128xf32>
      %get3A_32 = vector.shape_cast %get3A_31 : vector<1x1024x128xf32> to vector<1024x128xf32>
      %add3A_33 = arith.addf %get3A_27, %get3A_32 : vector<1024x128xf32>
      %get3A_34 = arith.constant 1 : index
      %get3A_35 = arith.constant 0 : index
      %get3A_36 = arith.constant 0 : index
      %get3A_37 = vector.load %arg3[%get3A_34, %get3A_35, %get3A_36] : memref<2x1024x128xf32, #tpu.memory_space<vmem>>, vector<1x1024x128xf32>
      %get3A_38 = vector.shape_cast %get3A_37 : vector<1x1024x128xf32> to vector<1024x128xf32>
      %add3A_39 = arith.addf %add3A_33, %get3A_38 : vector<1024x128xf32>
      %get3A_40 = arith.constant 0 : index
      %get3A_41 = arith.constant 0 : index
      %get3A_42 = vector.load %arg4[%get3A_40, %get3A_41] : memref<128x256xf32, #tpu.memory_space<vmem>>, vector<128x256xf32>
      %dot_general3A = arith.constant dense<0.000000e+00> : vector<1024x256xf32>
      %dot_general3A_43 = tpu.matmul %add3A_39, %get3A_42, %dot_general3A {dimension_numbers = #tpu.dot_dimension_numbers<[1], [0], [0], [1], [0, 0, 1, 1], [], []>, transpose_lhs_hint = false} : vector<1024x128xf32>, vector<128x256xf32>, vector<1024x256xf32> -> vector<1024x256xf32>
      %get3A_44 = arith.constant 0 : index
      %get3A_45 = arith.constant 0 : index
      %get3A_46 = vector.load %arg5[%get3A_44, %get3A_45] : memref<1x256xf32, #tpu.memory_space<vmem>>, vector<1x256xf32>
      %add3A_47 = vector.broadcast %get3A_46 : vector<1x256xf32> to vector<1024x256xf32>
      %add3A_48 = arith.addf %dot_general3A_43, %add3A_47 : vector<1024x256xf32>
      %mul3A_49 = arith.constant 1024 : i32
      %mul3A_50 = arith.muli %arg1, %mul3A_49 : i32
      %swap3A = arith.index_cast %mul3A_50 : i32 to index
      %swap3A_51 = arith.constant 0 : index
      %swap3A_52 = vector.load %arg15[%swap3A, %swap3A_51] : memref<10240x256xf32, #tpu.memory_space<vmem>>, vector<1024x256xf32>
      tpu.vector_store %arg15[%swap3A, %swap3A_51], %add3A_48 {strides = array<i32>} : memref<10240x256xf32, #tpu.memory_space<vmem>>, vector<1024x256xf32>,
      %jit3A = arith.constant 0.000000e+00 : f32
      %broadcast_in_dim3A = vector.shape_cast %lt3A_3 : vector<1024x1xi1> to vector<1024x1xi1>
      %broadcast_in_dim3A_53 = vector.broadcast %broadcast_in_dim3A : vector<1024x1xi1> to vector<1024x256xi1>
      %broadcast_in_dim3A_54 = vector.broadcast %jit3A : f32 to vector<1024x256xf32>
      %select_n3A = arith.select %broadcast_in_dim3A_53, %add3A_48, %broadcast_in_dim3A_54 : vector<1024x256xi1>, vector<1024x256xf32>
      %reduce_sum3A = arith.constant dense<0.000000e+00> : vector<256xf32>
      %reduce_sum3A_55 = vector.multi_reduction <add>, %select_n3A, %reduce_sum3A [0] : vector<1024x256xf32> to vector<256xf32>
      %broadcast_in_dim3A_56 = vector.shape_cast %reduce_sum3A_55 : vector<256xf32> to vector<1x256xf32>
      %eq3A_57 = arith.constant 0 : i32
      %eq3A_58 = arith.cmpi eq, %arg1, %eq3A_57 : i32
      %get3A_59 = arith.constant 0 : index
      %get3A_60 = arith.constant 0 : index
      %get3A_61 = vector.load %arg17[%get3A_59, %get3A_60] : memref<8x256xf32, #tpu.memory_space<vmem>>, vector<1x256xf32>
      %add3A_62 = arith.addf %get3A_61, %broadcast_in_dim3A_56 : vector<1x256xf32>
      %select_n3A_63 = arith.select %eq3A_58, %broadcast_in_dim3A_56, %add3A_62 : vector<1x256xf32>
      %swap3A_64 = arith.constant 0 : index
      %swap3A_65 = arith.constant 0 : index
      %swap3A_66 = vector.load %arg17[%swap3A_64, %swap3A_65] : memref<8x256xf32, #tpu.memory_space<vmem>>, vector<1x256xf32>
      tpu.vector_store %arg17[%swap3A_64, %swap3A_65], %select_n3A_63 {strides = array<i32>} : memref<8x256xf32, #tpu.memory_space<vmem>>, vector<1x256xf32>,
    } else {
    }
    %eq3A_6 = arith.constant 1 : i32
    %eq3A_7 = arith.cmpi eq, %arg0, %eq3A_6 : i32
    %convert_element_type3A_8 = arith.extui %eq3A_7 : i1 to i32
    %cond3A_9 = arith.constant 0 : i32
    %cond3A_10 = arith.cmpi ne, %convert_element_type3A_8, %cond3A_9 : i32
    scf.if %cond3A_10 {
      %eq3A_26 = arith.constant 0 : i32
      %eq3A_27 = arith.cmpi eq, %arg1, %eq3A_26 : i32
      %convert_element_type3A_28 = arith.extui %eq3A_27 : i1 to i32
      %cond3A_29 = arith.constant 0 : i32
      %cond3A_30 = arith.cmpi ne, %convert_element_type3A_28, %cond3A_29 : i32
      scf.if %cond3A_30 {
        %get3A_53 = arith.constant 0 : index
        %get3A_54 = arith.constant 0 : index
        %get3A_55 = vector.load %arg17[%get3A_53, %get3A_54] : memref<8x256xf32, #tpu.memory_space<vmem>>, vector<1x256xf32>
        %div3A = arith.constant 1.000000e+04 : f32
        %div3A_56 = vector.broadcast %div3A : f32 to vector<1x256xf32>
        %div3A_57 = arith.divf %get3A_55, %div3A_56 : vector<1x256xf32>
        %swap3A_58 = arith.constant 2 : index
        %swap3A_59 = arith.constant 0 : index
        %swap3A_60 = vector.load %arg17[%swap3A_58, %swap3A_59] : memref<8x256xf32, #tpu.memory_space<vmem>>, vector<1x256xf32>
        tpu.vector_store %arg17[%swap3A_58, %swap3A_59], %div3A_57 {strides = array<i32>} : memref<8x256xf32, #tpu.memory_space<vmem>>, vector<1x256xf32>,
      } else {
      }
      %get3A = arith.constant 2 : index
      %get3A_31 = arith.constant 0 : index
      %get3A_32 = vector.load %arg17[%get3A, %get3A_31] : memref<8x256xf32, #tpu.memory_space<vmem>>, vector<1x256xf32>
      %mul3A_33 = arith.constant 1024 : i32
      %mul3A_34 = arith.muli %arg1, %mul3A_33 : i32
      %get3A_35 = arith.index_cast %mul3A_34 : i32 to index
      %get3A_36 = arith.constant 0 : index
      %get3A_37 = vector.load %arg15[%get3A_35, %get3A_36] : memref<10240x256xf32, #tpu.memory_space<vmem>>, vector<1024x256xf32>
      %sub3A = vector.broadcast %get3A_32 : vector<1x256xf32> to vector<1024x256xf32>
      %sub3A_38 = arith.subf %get3A_37, %sub3A : vector<1024x256xf32>
      %jit3A = arith.constant 0.000000e+00 : f32
      %broadcast_in_dim3A = vector.shape_cast %lt3A_3 : vector<1024x1xi1> to vector<1024x1xi1>
      %broadcast_in_dim3A_39 = vector.broadcast %broadcast_in_dim3A : vector<1024x1xi1> to vector<1024x256xi1>
      %broadcast_in_dim3A_40 = vector.broadcast %jit3A : f32 to vector<1024x256xf32>
      %select_n3A = arith.select %broadcast_in_dim3A_39, %sub3A_38, %broadcast_in_dim3A_40 : vector<1024x256xi1>, vector<1024x256xf32>
      %mul3A_41 = arith.mulf %select_n3A, %select_n3A : vector<1024x256xf32>
      %reduce_sum3A = arith.constant dense<0.000000e+00> : vector<256xf32>
      %reduce_sum3A_42 = vector.multi_reduction <add>, %mul3A_41, %reduce_sum3A [0] : vector<1024x256xf32> to vector<256xf32>
      %broadcast_in_dim3A_43 = vector.shape_cast %reduce_sum3A_42 : vector<256xf32> to vector<1x256xf32>
      %eq3A_44 = arith.constant 0 : i32
      %eq3A_45 = arith.cmpi eq, %arg1, %eq3A_44 : i32
      %get3A_46 = arith.constant 1 : index
      %get3A_47 = arith.constant 0 : index
      %get3A_48 = vector.load %arg17[%get3A_46, %get3A_47] : memref<8x256xf32, #tpu.memory_space<vmem>>, vector<1x256xf32>
      %add3A_49 = arith.addf %get3A_48, %broadcast_in_dim3A_43 : vector<1x256xf32>
      %select_n3A_50 = arith.select %eq3A_45, %broadcast_in_dim3A_43, %add3A_49 : vector<1x256xf32>
      %swap3A = arith.constant 1 : index
      %swap3A_51 = arith.constant 0 : index
      %swap3A_52 = vector.load %arg17[%swap3A, %swap3A_51] : memref<8x256xf32, #tpu.memory_space<vmem>>, vector<1x256xf32>
      tpu.vector_store %arg17[%swap3A, %swap3A_51], %select_n3A_50 {strides = array<i32>} : memref<8x256xf32, #tpu.memory_space<vmem>>, vector<1x256xf32>,
    } else {
    }
    %eq3A_11 = arith.constant 2 : i32
    %eq3A_12 = arith.cmpi eq, %arg0, %eq3A_11 : i32
    %convert_element_type3A_13 = arith.extui %eq3A_12 : i1 to i32
    %cond3A_14 = arith.constant 0 : i32
    %cond3A_15 = arith.cmpi ne, %convert_element_type3A_13, %cond3A_14 : i32
    scf.if %cond3A_15 {
      %eq3A_26 = arith.constant 0 : i32
      %eq3A_27 = arith.cmpi eq, %arg1, %eq3A_26 : i32
      %convert_element_type3A_28 = arith.extui %eq3A_27 : i1 to i32
      %cond3A_29 = arith.constant 0 : i32
      %cond3A_30 = arith.cmpi ne, %convert_element_type3A_28, %cond3A_29 : i32
      scf.if %cond3A_30 {
        %get3A_82 = arith.constant 1 : index
        %get3A_83 = arith.constant 0 : index
        %get3A_84 = vector.load %arg17[%get3A_82, %get3A_83] : memref<8x256xf32, #tpu.memory_space<vmem>>, vector<1x256xf32>
        %div3A_85 = arith.constant 1.000000e+04 : f32
        %div3A_86 = vector.broadcast %div3A_85 : f32 to vector<1x256xf32>
        %div3A_87 = arith.divf %get3A_84, %div3A_86 : vector<1x256xf32>
        %add3A_88 = arith.constant 9.99999974E-6 : f32
        %add3A_89 = vector.broadcast %add3A_88 : f32 to vector<1x256xf32>
        %add3A_90 = arith.addf %div3A_87, %add3A_89 : vector<1x256xf32>
        %sqrt3A = math.sqrt %add3A_90 : vector<1x256xf32>
        %swap3A_91 = arith.constant 3 : index
        %swap3A_92 = arith.constant 0 : index
        %swap3A_93 = vector.load %arg17[%swap3A_91, %swap3A_92] : memref<8x256xf32, #tpu.memory_space<vmem>>, vector<1x256xf32>
        tpu.vector_store %arg17[%swap3A_91, %swap3A_92], %sqrt3A {strides = array<i32>} : memref<8x256xf32, #tpu.memory_space<vmem>>, vector<1x256xf32>,
      } else {
      }
      %get3A = arith.constant 2 : index
      %get3A_31 = arith.constant 0 : index
      %get3A_32 = vector.load %arg17[%get3A, %get3A_31] : memref<8x256xf32, #tpu.memory_space<vmem>>, vector<1x256xf32>
      %get3A_33 = arith.constant 3 : index
      %get3A_34 = arith.constant 0 : index
      %get3A_35 = vector.load %arg17[%get3A_33, %get3A_34] : memref<8x256xf32, #tpu.memory_space<vmem>>, vector<1x256xf32>
      %mul3A_36 = arith.constant 1024 : i32
      %mul3A_37 = arith.muli %arg1, %mul3A_36 : i32
      %get3A_38 = arith.index_cast %mul3A_37 : i32 to index
      %get3A_39 = arith.constant 0 : index
      %get3A_40 = vector.load %arg15[%get3A_38, %get3A_39] : memref<10240x256xf32, #tpu.memory_space<vmem>>, vector<1024x256xf32>
      %sub3A = vector.broadcast %get3A_32 : vector<1x256xf32> to vector<1024x256xf32>
      %sub3A_41 = arith.subf %get3A_40, %sub3A : vector<1024x256xf32>
      %div3A = vector.broadcast %get3A_35 : vector<1x256xf32> to vector<1024x256xf32>
      %div3A_42 = arith.divf %sub3A_41, %div3A : vector<1024x256xf32>
      %get3A_43 = arith.constant 0 : index
      %get3A_44 = arith.constant 0 : index
      %get3A_45 = vector.load %arg6[%get3A_43, %get3A_44] : memref<1x256xf32, #tpu.memory_space<vmem>>, vector<1x256xf32>
      %mul3A_46 = vector.broadcast %get3A_45 : vector<1x256xf32> to vector<1024x256xf32>
      %mul3A_47 = arith.mulf %div3A_42, %mul3A_46 : vector<1024x256xf32>
      %get3A_48 = arith.constant 0 : index
      %get3A_49 = arith.constant 0 : index
      %get3A_50 = vector.load %arg7[%get3A_48, %get3A_49] : memref<1x256xf32, #tpu.memory_space<vmem>>, vector<1x256xf32>
      %add3A_51 = vector.broadcast %get3A_50 : vector<1x256xf32> to vector<1024x256xf32>
      %add3A_52 = arith.addf %mul3A_47, %add3A_51 : vector<1024x256xf32>
      %max3A = arith.constant 0.000000e+00 : f32
      %max3A_53 = vector.broadcast %max3A : f32 to vector<1024x256xf32>
      %max3A_54 = arith.maximumf %add3A_52, %max3A_53 : vector<1024x256xf32>
      %get3A_55 = arith.constant 0 : index
      %get3A_56 = arith.constant 0 : index
      %get3A_57 = vector.load %arg8[%get3A_55, %get3A_56] : memref<256x128xf32, #tpu.memory_space<vmem>>, vector<256x128xf32>
      %dot_general3A = arith.constant dense<0.000000e+00> : vector<1024x128xf32>
      %dot_general3A_58 = tpu.matmul %max3A_54, %get3A_57, %dot_general3A {dimension_numbers = #tpu.dot_dimension_numbers<[1], [0], [0], [1], [0, 0, 1, 1], [], []>, transpose_lhs_hint = false} : vector<1024x256xf32>, vector<256x128xf32>, vector<1024x128xf32> -> vector<1024x128xf32>
      %get3A_59 = arith.constant 0 : index
      %get3A_60 = arith.constant 0 : index
      %get3A_61 = vector.load %arg9[%get3A_59, %get3A_60] : memref<1x128xf32, #tpu.memory_space<vmem>>, vector<1x128xf32>
      %add3A_62 = vector.broadcast %get3A_61 : vector<1x128xf32> to vector<1024x128xf32>
      %add3A_63 = arith.addf %dot_general3A_58, %add3A_62 : vector<1024x128xf32>
      %mul3A_64 = arith.constant 1024 : i32
      %mul3A_65 = arith.muli %arg1, %mul3A_64 : i32
      %swap3A = arith.index_cast %mul3A_65 : i32 to index
      %swap3A_66 = arith.constant 0 : index
      %swap3A_67 = vector.load %arg16[%swap3A, %swap3A_66] : memref<10240x128xf32, #tpu.memory_space<vmem>>, vector<1024x128xf32>
      tpu.vector_store %arg16[%swap3A, %swap3A_66], %add3A_63 {strides = array<i32>} : memref<10240x128xf32, #tpu.memory_space<vmem>>, vector<1024x128xf32>,
      %jit3A = arith.constant 0.000000e+00 : f32
      %broadcast_in_dim3A = vector.shape_cast %lt3A_3 : vector<1024x1xi1> to vector<1024x1xi1>
      %broadcast_in_dim3A_68 = vector.broadcast %broadcast_in_dim3A : vector<1024x1xi1> to vector<1024x128xi1>
      %broadcast_in_dim3A_69 = vector.broadcast %jit3A : f32 to vector<1024x128xf32>
      %select_n3A = arith.select %broadcast_in_dim3A_68, %add3A_63, %broadcast_in_dim3A_69 : vector<1024x128xi1>, vector<1024x128xf32>
      %reduce_sum3A = arith.constant dense<0.000000e+00> : vector<128xf32>
      %reduce_sum3A_70 = vector.multi_reduction <add>, %select_n3A, %reduce_sum3A [0] : vector<1024x128xf32> to vector<128xf32>
      %broadcast_in_dim3A_71 = vector.shape_cast %reduce_sum3A_70 : vector<128xf32> to vector<1x128xf32>
      %eq3A_72 = arith.constant 0 : i32
      %eq3A_73 = arith.cmpi eq, %arg1, %eq3A_72 : i32
      %get3A_74 = arith.constant 4 : index
      %get3A_75 = arith.constant 0 : index
      %get3A_76 = vector.load %arg17[%get3A_74, %get3A_75] : memref<8x256xf32, #tpu.memory_space<vmem>>, vector<1x128xf32>
      %add3A_77 = arith.addf %get3A_76, %broadcast_in_dim3A_71 : vector<1x128xf32>
      %select_n3A_78 = arith.select %eq3A_73, %broadcast_in_dim3A_71, %add3A_77 : vector<1x128xf32>
      %swap3A_79 = arith.constant 4 : index
      %swap3A_80 = arith.constant 0 : index
      %swap3A_81 = vector.load %arg17[%swap3A_79, %swap3A_80] : memref<8x256xf32, #tpu.memory_space<vmem>>, vector<1x128xf32>
      tpu.vector_store %arg17[%swap3A_79, %swap3A_80], %select_n3A_78 {strides = array<i32>} : memref<8x256xf32, #tpu.memory_space<vmem>>, vector<1x128xf32>,
    } else {
    }
    %eq3A_16 = arith.constant 3 : i32
    %eq3A_17 = arith.cmpi eq, %arg0, %eq3A_16 : i32
    %convert_element_type3A_18 = arith.extui %eq3A_17 : i1 to i32
    %cond3A_19 = arith.constant 0 : i32
    %cond3A_20 = arith.cmpi ne, %convert_element_type3A_18, %cond3A_19 : i32
    scf.if %cond3A_20 {
      %eq3A_26 = arith.constant 0 : i32
      %eq3A_27 = arith.cmpi eq, %arg1, %eq3A_26 : i32
      %convert_element_type3A_28 = arith.extui %eq3A_27 : i1 to i32
      %cond3A_29 = arith.constant 0 : i32
      %cond3A_30 = arith.cmpi ne, %convert_element_type3A_28, %cond3A_29 : i32
      scf.if %cond3A_30 {
        %get3A_53 = arith.constant 4 : index
        %get3A_54 = arith.constant 0 : index
        %get3A_55 = vector.load %arg17[%get3A_53, %get3A_54] : memref<8x256xf32, #tpu.memory_space<vmem>>, vector<1x128xf32>
        %div3A = arith.constant 1.000000e+04 : f32
        %div3A_56 = vector.broadcast %div3A : f32 to vector<1x128xf32>
        %div3A_57 = arith.divf %get3A_55, %div3A_56 : vector<1x128xf32>
        %swap3A_58 = arith.constant 6 : index
        %swap3A_59 = arith.constant 0 : index
        %swap3A_60 = vector.load %arg17[%swap3A_58, %swap3A_59] : memref<8x256xf32, #tpu.memory_space<vmem>>, vector<1x128xf32>
        tpu.vector_store %arg17[%swap3A_58, %swap3A_59], %div3A_57 {strides = array<i32>} : memref<8x256xf32, #tpu.memory_space<vmem>>, vector<1x128xf32>,
      } else {
      }
      %get3A = arith.constant 6 : index
      %get3A_31 = arith.constant 0 : index
      %get3A_32 = vector.load %arg17[%get3A, %get3A_31] : memref<8x256xf32, #tpu.memory_space<vmem>>, vector<1x128xf32>
      %mul3A_33 = arith.constant 1024 : i32
      %mul3A_34 = arith.muli %arg1, %mul3A_33 : i32
      %get3A_35 = arith.index_cast %mul3A_34 : i32 to index
      %get3A_36 = arith.constant 0 : index
      %get3A_37 = vector.load %arg16[%get3A_35, %get3A_36] : memref<10240x128xf32, #tpu.memory_space<vmem>>, vector<1024x128xf32>
      %sub3A = vector.broadcast %get3A_32 : vector<1x128xf32> to vector<1024x128xf32>
      %sub3A_38 = arith.subf %get3A_37, %sub3A : vector<1024x128xf32>
      %jit3A = arith.constant 0.000000e+00 : f32
      %broadcast_in_dim3A = vector.shape_cast %lt3A_3 : vector<1024x1xi1> to vector<1024x1xi1>
      %broadcast_in_dim3A_39 = vector.broadcast %broadcast_in_dim3A : vector<1024x1xi1> to vector<1024x128xi1>
      %broadcast_in_dim3A_40 = vector.broadcast %jit3A : f32 to vector<1024x128xf32>
      %select_n3A = arith.select %broadcast_in_dim3A_39, %sub3A_38, %broadcast_in_dim3A_40 : vector<1024x128xi1>, vector<1024x128xf32>
      %mul3A_41 = arith.mulf %select_n3A, %select_n3A : vector<1024x128xf32>
      %reduce_sum3A = arith.constant dense<0.000000e+00> : vector<128xf32>
      %reduce_sum3A_42 = vector.multi_reduction <add>, %mul3A_41, %reduce_sum3A [0] : vector<1024x128xf32> to vector<128xf32>
      %broadcast_in_dim3A_43 = vector.shape_cast %reduce_sum3A_42 : vector<128xf32> to vector<1x128xf32>
      %eq3A_44 = arith.constant 0 : i32
      %eq3A_45 = arith.cmpi eq, %arg1, %eq3A_44 : i32
      %get3A_46 = arith.constant 5 : index
      %get3A_47 = arith.constant 0 : index
      %get3A_48 = vector.load %arg17[%get3A_46, %get3A_47] : memref<8x256xf32, #tpu.memory_space<vmem>>, vector<1x128xf32>
      %add3A_49 = arith.addf %get3A_48, %broadcast_in_dim3A_43 : vector<1x128xf32>
      %select_n3A_50 = arith.select %eq3A_45, %broadcast_in_dim3A_43, %add3A_49 : vector<1x128xf32>
      %swap3A = arith.constant 5 : index
      %swap3A_51 = arith.constant 0 : index
      %swap3A_52 = vector.load %arg17[%swap3A, %swap3A_51] : memref<8x256xf32, #tpu.memory_space<vmem>>, vector<1x128xf32>
      tpu.vector_store %arg17[%swap3A, %swap3A_51], %select_n3A_50 {strides = array<i32>} : memref<8x256xf32, #tpu.memory_space<vmem>>, vector<1x128xf32>,
    } else {
    }
    %eq3A_21 = arith.constant 4 : i32
    %eq3A_22 = arith.cmpi eq, %arg0, %eq3A_21 : i32
    %convert_element_type3A_23 = arith.extui %eq3A_22 : i1 to i32
    %cond3A_24 = arith.constant 0 : i32
    %cond3A_25 = arith.cmpi ne, %convert_element_type3A_23, %cond3A_24 : i32
    scf.if %cond3A_25 {
      %eq3A_26 = arith.constant 0 : i32
      %eq3A_27 = arith.cmpi eq, %arg1, %eq3A_26 : i32
      %convert_element_type3A_28 = arith.extui %eq3A_27 : i1 to i32
      %cond3A_29 = arith.constant 0 : i32
      %cond3A_30 = arith.cmpi ne, %convert_element_type3A_28, %cond3A_29 : i32
      scf.if %cond3A_30 {
        %get3A_135 = arith.constant 5 : index
        %get3A_136 = arith.constant 0 : index
        %get3A_137 = vector.load %arg17[%get3A_135, %get3A_136] : memref<8x256xf32, #tpu.memory_space<vmem>>, vector<1x128xf32>
        %div3A_138 = arith.constant 1.000000e+04 : f32
        %div3A_139 = vector.broadcast %div3A_138 : f32 to vector<1x128xf32>
        %div3A_140 = arith.divf %get3A_137, %div3A_139 : vector<1x128xf32>
        %add3A_141 = arith.constant 9.99999974E-6 : f32
        %add3A_142 = vector.broadcast %add3A_141 : f32 to vector<1x128xf32>
        %add3A_143 = arith.addf %div3A_140, %add3A_142 : vector<1x128xf32>
        %sqrt3A = math.sqrt %add3A_143 : vector<1x128xf32>
        %swap3A_144 = arith.constant 7 : index
        %swap3A_145 = arith.constant 0 : index
        %swap3A_146 = vector.load %arg17[%swap3A_144, %swap3A_145] : memref<8x256xf32, #tpu.memory_space<vmem>>, vector<1x128xf32>
        tpu.vector_store %arg17[%swap3A_144, %swap3A_145], %sqrt3A {strides = array<i32>} : memref<8x256xf32, #tpu.memory_space<vmem>>, vector<1x128xf32>,
      } else {
      }
      %get3A = arith.constant 6 : index
      %get3A_31 = arith.constant 0 : index
      %get3A_32 = vector.load %arg17[%get3A, %get3A_31] : memref<8x256xf32, #tpu.memory_space<vmem>>, vector<1x128xf32>
      %get3A_33 = arith.constant 7 : index
      %get3A_34 = arith.constant 0 : index
      %get3A_35 = vector.load %arg17[%get3A_33, %get3A_34] : memref<8x256xf32, #tpu.memory_space<vmem>>, vector<1x128xf32>
      %mul3A_36 = arith.constant 1024 : i32
      %mul3A_37 = arith.muli %arg1, %mul3A_36 : i32
      %get3A_38 = arith.index_cast %mul3A_37 : i32 to index
      %get3A_39 = arith.constant 0 : index
      %get3A_40 = vector.load %arg16[%get3A_38, %get3A_39] : memref<10240x128xf32, #tpu.memory_space<vmem>>, vector<1024x128xf32>
      %sub3A = vector.broadcast %get3A_32 : vector<1x128xf32> to vector<1024x128xf32>
      %sub3A_41 = arith.subf %get3A_40, %sub3A : vector<1024x128xf32>
      %div3A = vector.broadcast %get3A_35 : vector<1x128xf32> to vector<1024x128xf32>
      %div3A_42 = arith.divf %sub3A_41, %div3A : vector<1024x128xf32>
      %get3A_43 = arith.constant 0 : index
      %get3A_44 = arith.constant 0 : index
      %get3A_45 = vector.load %arg10[%get3A_43, %get3A_44] : memref<1x128xf32, #tpu.memory_space<vmem>>, vector<1x128xf32>
      %mul3A_46 = vector.broadcast %get3A_45 : vector<1x128xf32> to vector<1024x128xf32>
      %mul3A_47 = arith.mulf %div3A_42, %mul3A_46 : vector<1024x128xf32>
      %get3A_48 = arith.constant 0 : index
      %get3A_49 = arith.constant 0 : index
      %get3A_50 = vector.load %arg11[%get3A_48, %get3A_49] : memref<1x128xf32, #tpu.memory_space<vmem>>, vector<1x128xf32>
      %add3A_51 = vector.broadcast %get3A_50 : vector<1x128xf32> to vector<1024x128xf32>
      %add3A_52 = arith.addf %mul3A_47, %add3A_51 : vector<1024x128xf32>
      %max3A = arith.constant 0.000000e+00 : f32
      %max3A_53 = vector.broadcast %max3A : f32 to vector<1024x128xf32>
      %max3A_54 = arith.maximumf %add3A_52, %max3A_53 : vector<1024x128xf32>
      %jit3A = arith.constant 0.000000e+00 : f32
      %broadcast_in_dim3A = vector.shape_cast %lt3A_3 : vector<1024x1xi1> to vector<1024x1xi1>
      %broadcast_in_dim3A_55 = vector.broadcast %broadcast_in_dim3A : vector<1024x1xi1> to vector<1024x128xi1>
      %broadcast_in_dim3A_56 = vector.broadcast %jit3A : f32 to vector<1024x128xf32>
      %select_n3A = arith.select %broadcast_in_dim3A_55, %max3A_54, %broadcast_in_dim3A_56 : vector<1024x128xi1>, vector<1024x128xf32>
      %swap3A = arith.constant 0 : index
      %swap3A_57 = arith.constant 0 : index
      %swap3A_58 = vector.load %arg13[%swap3A, %swap3A_57] : memref<1024x128xf32, #tpu.memory_space<vmem>>, vector<1024x128xf32>
      tpu.vector_store %arg13[%swap3A, %swap3A_57], %select_n3A {strides = array<i32>} : memref<1024x128xf32, #tpu.memory_space<vmem>>, vector<1024x128xf32>,
      %get3A_59 = arith.constant 0 : index
      %get3A_60 = arith.constant 0 : index
      %get3A_61 = vector.load %arg12[%get3A_59, %get3A_60] : memref<4x128xf32, #tpu.memory_space<vmem>>, vector<1x128xf32>
      %add3A_62 = vector.broadcast %get3A_61 : vector<1x128xf32> to vector<1024x128xf32>
      %add3A_63 = arith.addf %select_n3A, %add3A_62 : vector<1024x128xf32>
      %max3A_64 = arith.constant 0.000000e+00 : f32
      %max3A_65 = vector.broadcast %max3A_64 : f32 to vector<1024x128xf32>
      %max3A_66 = arith.maximumf %add3A_63, %max3A_65 : vector<1024x128xf32>
      %jit3A_67 = arith.constant 0.000000e+00 : f32
      %broadcast_in_dim3A_68 = vector.shape_cast %lt3A_3 : vector<1024x1xi1> to vector<1024x1xi1>
      %broadcast_in_dim3A_69 = vector.broadcast %broadcast_in_dim3A_68 : vector<1024x1xi1> to vector<1024x128xi1>
      %broadcast_in_dim3A_70 = vector.broadcast %jit3A_67 : f32 to vector<1024x128xf32>
      %select_n3A_71 = arith.select %broadcast_in_dim3A_69, %max3A_66, %broadcast_in_dim3A_70 : vector<1024x128xi1>, vector<1024x128xf32>
      %swap3A_72 = arith.constant 0 : index
      %swap3A_73 = arith.constant 0 : index
      %swap3A_74 = arith.constant 0 : index
      %swap3A_75 = vector.load %arg14[%swap3A_72, %swap3A_73, %swap3A_74] : memref<4x1024x128xf32, #tpu.memory_space<vmem>>, vector<1x1024x128xf32>
      %swap3A_76 = vector.shape_cast %swap3A_75 : vector<1x1024x128xf32> to vector<1024x128xf32>
      %swap3A_77 = vector.shape_cast %select_n3A_71 : vector<1024x128xf32> to vector<1x1024x128xf32>
      tpu.vector_store %arg14[%swap3A_72, %swap3A_73, %swap3A_74], %swap3A_77 {strides = array<i32>} : memref<4x1024x128xf32, #tpu.memory_space<vmem>>, vector<1x1024x128xf32>,
      %get3A_78 = arith.constant 1 : index
      %get3A_79 = arith.constant 0 : index
      %get3A_80 = vector.load %arg12[%get3A_78, %get3A_79] : memref<4x128xf32, #tpu.memory_space<vmem>>, vector<1x128xf32>
      %add3A_81 = vector.broadcast %get3A_80 : vector<1x128xf32> to vector<1024x128xf32>
      %add3A_82 = arith.addf %select_n3A, %add3A_81 : vector<1024x128xf32>
      %max3A_83 = arith.constant 0.000000e+00 : f32
      %max3A_84 = vector.broadcast %max3A_83 : f32 to vector<1024x128xf32>
      %max3A_85 = arith.maximumf %add3A_82, %max3A_84 : vector<1024x128xf32>
      %jit3A_86 = arith.constant 0.000000e+00 : f32
      %broadcast_in_dim3A_87 = vector.shape_cast %lt3A_3 : vector<1024x1xi1> to vector<1024x1xi1>
      %broadcast_in_dim3A_88 = vector.broadcast %broadcast_in_dim3A_87 : vector<1024x1xi1> to vector<1024x128xi1>
      %broadcast_in_dim3A_89 = vector.broadcast %jit3A_86 : f32 to vector<1024x128xf32>
      %select_n3A_90 = arith.select %broadcast_in_dim3A_88, %max3A_85, %broadcast_in_dim3A_89 : vector<1024x128xi1>, vector<1024x128xf32>
      %swap3A_91 = arith.constant 1 : index
      %swap3A_92 = arith.constant 0 : index
      %swap3A_93 = arith.constant 0 : index
      %swap3A_94 = vector.load %arg14[%swap3A_91, %swap3A_92, %swap3A_93] : memref<4x1024x128xf32, #tpu.memory_space<vmem>>, vector<1x1024x128xf32>
      %swap3A_95 = vector.shape_cast %swap3A_94 : vector<1x1024x128xf32> to vector<1024x128xf32>
      %swap3A_96 = vector.shape_cast %select_n3A_90 : vector<1024x128xf32> to vector<1x1024x128xf32>
      tpu.vector_store %arg14[%swap3A_91, %swap3A_92, %swap3A_93], %swap3A_96 {strides = array<i32>} : memref<4x1024x128xf32, #tpu.memory_space<vmem>>, vector<1x1024x128xf32>,
      %get3A_97 = arith.constant 2 : index
      %get3A_98 = arith.constant 0 : index
      %get3A_99 = vector.load %arg12[%get3A_97, %get3A_98] : memref<4x128xf32, #tpu.memory_space<vmem>>, vector<1x128xf32>
      %add3A_100 = vector.broadcast %get3A_99 : vector<1x128xf32> to vector<1024x128xf32>
      %add3A_101 = arith.addf %select_n3A, %add3A_100 : vector<1024x128xf32>
      %max3A_102 = arith.constant 0.000000e+00 : f32
      %max3A_103 = vector.broadcast %max3A_102 : f32 to vector<1024x128xf32>
      %max3A_104 = arith.maximumf %add3A_101, %max3A_103 : vector<1024x128xf32>
      %jit3A_105 = arith.constant 0.000000e+00 : f32
      %broadcast_in_dim3A_106 = vector.shape_cast %lt3A_3 : vector<1024x1xi1> to vector<1024x1xi1>
      %broadcast_in_dim3A_107 = vector.broadcast %broadcast_in_dim3A_106 : vector<1024x1xi1> to vector<1024x128xi1>
      %broadcast_in_dim3A_108 = vector.broadcast %jit3A_105 : f32 to vector<1024x128xf32>
      %select_n3A_109 = arith.select %broadcast_in_dim3A_107, %max3A_104, %broadcast_in_dim3A_108 : vector<1024x128xi1>, vector<1024x128xf32>
      %swap3A_110 = arith.constant 2 : index
      %swap3A_111 = arith.constant 0 : index
      %swap3A_112 = arith.constant 0 : index
      %swap3A_113 = vector.load %arg14[%swap3A_110, %swap3A_111, %swap3A_112] : memref<4x1024x128xf32, #tpu.memory_space<vmem>>, vector<1x1024x128xf32>
      %swap3A_114 = vector.shape_cast %swap3A_113 : vector<1x1024x128xf32> to vector<1024x128xf32>
      %swap3A_115 = vector.shape_cast %select_n3A_109 : vector<1024x128xf32> to vector<1x1024x128xf32>
      tpu.vector_store %arg14[%swap3A_110, %swap3A_111, %swap3A_112], %swap3A_115 {strides = array<i32>} : memref<4x1024x128xf32, #tpu.memory_space<vmem>>, vector<1x1024x128xf32>,
      %get3A_116 = arith.constant 3 : index
      %get3A_117 = arith.constant 0 : index
      %get3A_118 = vector.load %arg12[%get3A_116, %get3A_117] : memref<4x128xf32, #tpu.memory_space<vmem>>, vector<1x128xf32>
      %add3A_119 = vector.broadcast %get3A_118 : vector<1x128xf32> to vector<1024x128xf32>
      %add3A_120 = arith.addf %select_n3A, %add3A_119 : vector<1024x128xf32>
      %max3A_121 = arith.constant 0.000000e+00 : f32
      %max3A_122 = vector.broadcast %max3A_121 : f32 to vector<1024x128xf32>
      %max3A_123 = arith.maximumf %add3A_120, %max3A_122 : vector<1024x128xf32>
      %jit3A_124 = arith.constant 0.000000e+00 : f32
      %broadcast_in_dim3A_125 = vector.shape_cast %lt3A_3 : vector<1024x1xi1> to vector<1024x1xi1>
      %broadcast_in_dim3A_126 = vector.broadcast %broadcast_in_dim3A_125 : vector<1024x1xi1> to vector<1024x128xi1>
      %broadcast_in_dim3A_127 = vector.broadcast %jit3A_124 : f32 to vector<1024x128xf32>
      %select_n3A_128 = arith.select %broadcast_in_dim3A_126, %max3A_123, %broadcast_in_dim3A_127 : vector<1024x128xi1>, vector<1024x128xf32>
      %swap3A_129 = arith.constant 3 : index
      %swap3A_130 = arith.constant 0 : index
      %swap3A_131 = arith.constant 0 : index
      %swap3A_132 = vector.load %arg14[%swap3A_129, %swap3A_130, %swap3A_131] : memref<4x1024x128xf32, #tpu.memory_space<vmem>>, vector<1x1024x128xf32>
      %swap3A_133 = vector.shape_cast %swap3A_132 : vector<1x1024x128xf32> to vector<1024x128xf32>
      %swap3A_134 = vector.shape_cast %select_n3A_128 : vector<1024x128xf32> to vector<1x1024x128xf32>
      tpu.vector_store %arg14[%swap3A_129, %swap3A_130, %swap3A_131], %swap3A_134 {strides = array<i32>} : memref<4x1024x128xf32, #tpu.memory_space<vmem>>, vector<1x1024x128xf32>,
    } else {
    }
    return
  }
  func.func @transform_0(%arg0: i32, %arg1: i32) -> (i32, i32) {
    %eq3A = arith.constant 0 : i32
    %eq3A_0 = arith.cmpi eq, %arg0, %eq3A : i32
    %jit3A = arith.constant 0 : i32
    %select_n3A = arith.select %eq3A_0, %arg1, %jit3A : i32
    %c0_i32 = arith.constant 0 : i32
    %c0_i32_1 = arith.constant 0 : i32
    return %select_n3A, %c0_i32 : i32, i32
  }
  func.func @transform_1(%arg0: i32, %arg1: i32) -> (i32, i32, i32) {
    %eq3A = arith.constant 0 : i32
    %eq3A_0 = arith.cmpi eq, %arg0, %eq3A : i32
    %jit3A = arith.constant 0 : i32
    %select_n3A = arith.select %eq3A_0, %arg1, %jit3A : i32
    %c0_i32 = arith.constant 0 : i32
    %c0_i32_1 = arith.constant 0 : i32
    %c0_i32_2 = arith.constant 0 : i32
    return %c0_i32, %select_n3A, %c0_i32_1 : i32, i32, i32
  }
  func.func @transform_2(%arg0: i32, %arg1: i32) -> (i32, i32) {
    %c0_i32 = arith.constant 0 : i32
    %c0_i32_0 = arith.constant 0 : i32
    %c0_i32_1 = arith.constant 0 : i32
    return %c0_i32, %c0_i32_0 : i32, i32
  }
  func.func @transform_3(%arg0: i32, %arg1: i32) -> (i32, i32) {
    %c0_i32 = arith.constant 0 : i32
    %c0_i32_0 = arith.constant 0 : i32
    %c0_i32_1 = arith.constant 0 : i32
    return %c0_i32, %c0_i32_0 : i32, i32
  }
  func.func @transform_4(%arg0: i32, %arg1: i32) -> (i32, i32) {
    %c0_i32 = arith.constant 0 : i32
    %c0_i32_0 = arith.constant 0 : i32
    %c0_i32_1 = arith.constant 0 : i32
    return %c0_i32, %c0_i32_0 : i32, i32
  }
  func.func @transform_5(%arg0: i32, %arg1: i32) -> (i32, i32) {
    %c0_i32 = arith.constant 0 : i32
    %c0_i32_0 = arith.constant 0 : i32
    %c0_i32_1 = arith.constant 0 : i32
    return %c0_i32, %c0_i32_0 : i32, i32
  }
  func.func @transform_6(%arg0: i32, %arg1: i32) -> (i32, i32) {
    %c0_i32 = arith.constant 0 : i32
    %c0_i32_0 = arith.constant 0 : i32
    %c0_i32_1 = arith.constant 0 : i32
    return %c0_i32, %c0_i32_0 : i32, i32
  }
  func.func @transform_7(%arg0: i32, %arg1: i32) -> (i32, i32) {
    %c0_i32 = arith.constant 0 : i32
    %c0_i32_0 = arith.constant 0 : i32
    %c0_i32_1 = arith.constant 0 : i32
    return %c0_i32, %c0_i32_0 : i32, i32
  }
  func.func @transform_8(%arg0: i32, %arg1: i32) -> (i32, i32) {
    %c0_i32 = arith.constant 0 : i32
    %c0_i32_0 = arith.constant 0 : i32
    %c0_i32_1 = arith.constant 0 : i32
    return %c0_i32, %c0_i32_0 : i32, i32
  }
  func.func @transform_9(%arg0: i32, %arg1: i32) -> (i32, i32) {
    %c0_i32 = arith.constant 0 : i32
    %c0_i32_0 = arith.constant 0 : i32
    %c0_i32_1 = arith.constant 0 : i32
    return %c0_i32, %c0_i32_0 : i32, i32
  }
  func.func @transform_10(%arg0: i32, %arg1: i32) -> (i32, i32) {
    %c0_i32 = arith.constant 0 : i32
    %c0_i32_0 = arith.constant 0 : i32
    %c0_i32_1 = arith.constant 0 : i32
    return %c0_i32, %c0_i32_0 : i32, i32
  }
  func.func @transform_11(%arg0: i32, %arg1: i32) -> (i32, i32) {
    %eq3A = arith.constant 4 : i32
    %eq3A_0 = arith.cmpi eq, %arg0, %eq3A : i32
    %jit3A = arith.constant 0 : i32
    %select_n3A = arith.select %eq3A_0, %arg1, %jit3A : i32
    %c0_i32 = arith.constant 0 : i32
    %c0_i32_1 = arith.constant 0 : i32
    return %select_n3A, %c0_i32 : i32, i32
  }
  func.func @transform_12(%arg0: i32, %arg1: i32) -> (i32, i32, i32) {
    %eq3A = arith.constant 4 : i32
    %eq3A_0 = arith.cmpi eq, %arg0, %eq3A : i32
    %jit3A = arith.constant 0 : i32
    %select_n3A = arith.select %eq3A_0, %arg1, %jit3A : i32
    %c0_i32 = arith.constant 0 : i32
    %c0_i32_1 = arith.constant 0 : i32
    %c0_i32_2 = arith.constant 0 : i32
    return %c0_i32, %select_n3A, %c0_i32_1 : i32, i32, i32
  }
}

module attributes {stable_mosaic.version = 14 : i64} {
  func.func @_layer_body(%arg0: i32, %arg1: i32, %arg2: memref<1024x128xf32, #tpu.memory_space<vmem>>, %arg3: memref<2x1024x128xf32, #tpu.memory_space<vmem>>, %arg4: memref<128x256xf32, #tpu.memory_space<vmem>>, %arg5: memref<1x256xf32, #tpu.memory_space<vmem>>, %arg6: memref<1x256xf32, #tpu.memory_space<vmem>>, %arg7: memref<1x256xf32, #tpu.memory_space<vmem>>, %arg8: memref<256x128xf32, #tpu.memory_space<vmem>>, %arg9: memref<1x128xf32, #tpu.memory_space<vmem>>, %arg10: memref<1x128xf32, #tpu.memory_space<vmem>>, %arg11: memref<1x128xf32, #tpu.memory_space<vmem>>, %arg12: memref<1024x1xi32, #tpu.memory_space<vmem>>, %arg13: memref<1024x128xf32, #tpu.memory_space<vmem>>, %arg14: memref<512x128xf32, #tpu.memory_space<vmem>>, %arg15: memref<10240x256xf32, #tpu.memory_space<vmem>>, %arg16: memref<10240x128xf32, #tpu.memory_space<vmem>>, %arg17: memref<8x256xf32, #tpu.memory_space<vmem>>, %arg18: memref<512x128xf32, #tpu.memory_space<vmem>>) attributes {dimension_semantics = [#tpu.dimension_semantics<arbitrary>, #tpu.dimension_semantics<arbitrary>], iteration_bounds = array<i64: 5, 10>, scalar_prefetch = 0 : i64, scratch_operands = 4 : i64, tpu.core_type = #tpu.core_type<tc>, window_params = [{transform_indices = @transform_0, window_bounds = array<i64: 1024, 128>}, {transform_indices = @transform_1, window_bounds = array<i64: 2, 1024, 128>}, {pipeline_mode = #tpu.pipeline_mode<synchronous>, transform_indices = @transform_2, window_bounds = array<i64: 128, 256>}, {pipeline_mode = #tpu.pipeline_mode<synchronous>, transform_indices = @transform_3, window_bounds = array<i64: 1, 256>}, {pipeline_mode = #tpu.pipeline_mode<synchronous>, transform_indices = @transform_4, window_bounds = array<i64: 1, 256>}, {pipeline_mode = #tpu.pipeline_mode<synchronous>, transform_indices = @transform_5, window_bounds = array<i64: 1, 256>}, {pipeline_mode = #tpu.pipeline_mode<synchronous>, transform_indices = @transform_6, window_bounds = array<i64: 256, 128>}, {pipeline_mode = #tpu.pipeline_mode<synchronous>, transform_indices = @transform_7, window_bounds = array<i64: 1, 128>}, {pipeline_mode = #tpu.pipeline_mode<synchronous>, transform_indices = @transform_8, window_bounds = array<i64: 1, 128>}, {pipeline_mode = #tpu.pipeline_mode<synchronous>, transform_indices = @transform_9, window_bounds = array<i64: 1, 128>}, {transform_indices = @transform_10, window_bounds = array<i64: 1024, 1>}, {transform_indices = @transform_11, window_bounds = array<i64: 1024, 128>}, {pipeline_mode = #tpu.pipeline_mode<synchronous>, transform_indices = @transform_12, window_bounds = array<i64: 512, 128>}]} {
    %iota3A = tpu.iota {dimensions = array<i32: 0>} : vector<1024x1xi32>
    %mul3A = arith.constant 1024 : i32
    %mul3A_0 = arith.muli %arg1, %mul3A : i32
    %add3A = vector.broadcast %mul3A_0 : i32 to vector<1024x1xi32>
    %add3A_1 = arith.addi %iota3A, %add3A : vector<1024x1xi32>
    %lt3A = arith.constant 10000 : i32
    %lt3A_2 = vector.broadcast %lt3A : i32 to vector<1024x1xi32>
    %lt3A_3 = arith.cmpi slt, %add3A_1, %lt3A_2 : vector<1024x1xi32>
    %eq3A = arith.constant 0 : i32
    %eq3A_4 = arith.cmpi eq, %arg0, %eq3A : i32
    %convert_element_type3A = arith.extui %eq3A_4 : i1 to i32
    %cond3A = arith.constant 0 : i32
    %cond3A_5 = arith.cmpi ne, %convert_element_type3A, %cond3A : i32
    scf.if %cond3A_5 {
      %get3A = arith.constant 0 : index
      %get3A_26 = arith.constant 0 : index
      %get3A_27 = vector.load %arg2[%get3A, %get3A_26] : memref<1024x128xf32, #tpu.memory_space<vmem>>, vector<1024x128xf32>
      %get3A_28 = arith.constant 0 : index
      %get3A_29 = arith.constant 0 : index
      %get3A_30 = arith.constant 0 : index
      %get3A_31 = vector.load %arg3[%get3A_28, %get3A_29, %get3A_30] : memref<2x1024x128xf32, #tpu.memory_space<vmem>>, vector<1x1024x128xf32>
      %get3A_32 = vector.shape_cast %get3A_31 : vector<1x1024x128xf32> to vector<1024x128xf32>
      %add3A_33 = arith.addf %get3A_27, %get3A_32 : vector<1024x128xf32>
      %get3A_34 = arith.constant 1 : index
      %get3A_35 = arith.constant 0 : index
      %get3A_36 = arith.constant 0 : index
      %get3A_37 = vector.load %arg3[%get3A_34, %get3A_35, %get3A_36] : memref<2x1024x128xf32, #tpu.memory_space<vmem>>, vector<1x1024x128xf32>
      %get3A_38 = vector.shape_cast %get3A_37 : vector<1x1024x128xf32> to vector<1024x128xf32>
      %add3A_39 = arith.addf %add3A_33, %get3A_38 : vector<1024x128xf32>
      %get3A_40 = arith.constant 0 : index
      %get3A_41 = arith.constant 0 : index
      %get3A_42 = vector.load %arg4[%get3A_40, %get3A_41] : memref<128x256xf32, #tpu.memory_space<vmem>>, vector<128x256xf32>
      %dot_general3A = arith.constant dense<0.000000e+00> : vector<1024x256xf32>
      %dot_general3A_43 = tpu.matmul %add3A_39, %get3A_42, %dot_general3A {dimension_numbers = #tpu.dot_dimension_numbers<[1], [0], [0], [1], [0, 0, 1, 1], [], []>, transpose_lhs_hint = false} : vector<1024x128xf32>, vector<128x256xf32>, vector<1024x256xf32> -> vector<1024x256xf32>
      %get3A_44 = arith.constant 0 : index
      %get3A_45 = arith.constant 0 : index
      %get3A_46 = vector.load %arg5[%get3A_44, %get3A_45] : memref<1x256xf32, #tpu.memory_space<vmem>>, vector<1x256xf32>
      %add3A_47 = vector.broadcast %get3A_46 : vector<1x256xf32> to vector<1024x256xf32>
      %add3A_48 = arith.addf %dot_general3A_43, %add3A_47 : vector<1024x256xf32>
      %mul3A_49 = arith.constant 1024 : i32
      %mul3A_50 = arith.muli %arg1, %mul3A_49 : i32
      %swap3A = arith.index_cast %mul3A_50 : i32 to index
      %swap3A_51 = arith.constant 0 : index
      %swap3A_52 = vector.load %arg15[%swap3A, %swap3A_51] : memref<10240x256xf32, #tpu.memory_space<vmem>>, vector<1024x256xf32>
      tpu.vector_store %arg15[%swap3A, %swap3A_51], %add3A_48 {strides = array<i32>} : memref<10240x256xf32, #tpu.memory_space<vmem>>, vector<1024x256xf32>,
      %jit3A = arith.constant 0.000000e+00 : f32
      %broadcast_in_dim3A = vector.shape_cast %lt3A_3 : vector<1024x1xi1> to vector<1024x1xi1>
      %broadcast_in_dim3A_53 = vector.broadcast %broadcast_in_dim3A : vector<1024x1xi1> to vector<1024x256xi1>
      %broadcast_in_dim3A_54 = vector.broadcast %jit3A : f32 to vector<1024x256xf32>
      %select_n3A = arith.select %broadcast_in_dim3A_53, %add3A_48, %broadcast_in_dim3A_54 : vector<1024x256xi1>, vector<1024x256xf32>
      %reduce_sum3A = arith.constant dense<0.000000e+00> : vector<256xf32>
      %reduce_sum3A_55 = vector.multi_reduction <add>, %select_n3A, %reduce_sum3A [0] : vector<1024x256xf32> to vector<256xf32>
      %broadcast_in_dim3A_56 = vector.shape_cast %reduce_sum3A_55 : vector<256xf32> to vector<1x256xf32>
      %eq3A_57 = arith.constant 0 : i32
      %eq3A_58 = arith.cmpi eq, %arg1, %eq3A_57 : i32
      %get3A_59 = arith.constant 0 : index
      %get3A_60 = arith.constant 0 : index
      %get3A_61 = vector.load %arg17[%get3A_59, %get3A_60] : memref<8x256xf32, #tpu.memory_space<vmem>>, vector<1x256xf32>
      %add3A_62 = arith.addf %get3A_61, %broadcast_in_dim3A_56 : vector<1x256xf32>
      %select_n3A_63 = arith.select %eq3A_58, %broadcast_in_dim3A_56, %add3A_62 : vector<1x256xf32>
      %swap3A_64 = arith.constant 0 : index
      %swap3A_65 = arith.constant 0 : index
      %swap3A_66 = vector.load %arg17[%swap3A_64, %swap3A_65] : memref<8x256xf32, #tpu.memory_space<vmem>>, vector<1x256xf32>
      tpu.vector_store %arg17[%swap3A_64, %swap3A_65], %select_n3A_63 {strides = array<i32>} : memref<8x256xf32, #tpu.memory_space<vmem>>, vector<1x256xf32>,
    } else {
    }
    %eq3A_6 = arith.constant 1 : i32
    %eq3A_7 = arith.cmpi eq, %arg0, %eq3A_6 : i32
    %convert_element_type3A_8 = arith.extui %eq3A_7 : i1 to i32
    %cond3A_9 = arith.constant 0 : i32
    %cond3A_10 = arith.cmpi ne, %convert_element_type3A_8, %cond3A_9 : i32
    scf.if %cond3A_10 {
      %eq3A_26 = arith.constant 0 : i32
      %eq3A_27 = arith.cmpi eq, %arg1, %eq3A_26 : i32
      %convert_element_type3A_28 = arith.extui %eq3A_27 : i1 to i32
      %cond3A_29 = arith.constant 0 : i32
      %cond3A_30 = arith.cmpi ne, %convert_element_type3A_28, %cond3A_29 : i32
      scf.if %cond3A_30 {
        %get3A_53 = arith.constant 0 : index
        %get3A_54 = arith.constant 0 : index
        %get3A_55 = vector.load %arg17[%get3A_53, %get3A_54] : memref<8x256xf32, #tpu.memory_space<vmem>>, vector<1x256xf32>
        %div3A = arith.constant 1.000000e+04 : f32
        %div3A_56 = vector.broadcast %div3A : f32 to vector<1x256xf32>
        %div3A_57 = arith.divf %get3A_55, %div3A_56 : vector<1x256xf32>
        %swap3A_58 = arith.constant 2 : index
        %swap3A_59 = arith.constant 0 : index
        %swap3A_60 = vector.load %arg17[%swap3A_58, %swap3A_59] : memref<8x256xf32, #tpu.memory_space<vmem>>, vector<1x256xf32>
        tpu.vector_store %arg17[%swap3A_58, %swap3A_59], %div3A_57 {strides = array<i32>} : memref<8x256xf32, #tpu.memory_space<vmem>>, vector<1x256xf32>,
      } else {
      }
      %get3A = arith.constant 2 : index
      %get3A_31 = arith.constant 0 : index
      %get3A_32 = vector.load %arg17[%get3A, %get3A_31] : memref<8x256xf32, #tpu.memory_space<vmem>>, vector<1x256xf32>
      %mul3A_33 = arith.constant 1024 : i32
      %mul3A_34 = arith.muli %arg1, %mul3A_33 : i32
      %get3A_35 = arith.index_cast %mul3A_34 : i32 to index
      %get3A_36 = arith.constant 0 : index
      %get3A_37 = vector.load %arg15[%get3A_35, %get3A_36] : memref<10240x256xf32, #tpu.memory_space<vmem>>, vector<1024x256xf32>
      %sub3A = vector.broadcast %get3A_32 : vector<1x256xf32> to vector<1024x256xf32>
      %sub3A_38 = arith.subf %get3A_37, %sub3A : vector<1024x256xf32>
      %jit3A = arith.constant 0.000000e+00 : f32
      %broadcast_in_dim3A = vector.shape_cast %lt3A_3 : vector<1024x1xi1> to vector<1024x1xi1>
      %broadcast_in_dim3A_39 = vector.broadcast %broadcast_in_dim3A : vector<1024x1xi1> to vector<1024x256xi1>
      %broadcast_in_dim3A_40 = vector.broadcast %jit3A : f32 to vector<1024x256xf32>
      %select_n3A = arith.select %broadcast_in_dim3A_39, %sub3A_38, %broadcast_in_dim3A_40 : vector<1024x256xi1>, vector<1024x256xf32>
      %mul3A_41 = arith.mulf %select_n3A, %select_n3A : vector<1024x256xf32>
      %reduce_sum3A = arith.constant dense<0.000000e+00> : vector<256xf32>
      %reduce_sum3A_42 = vector.multi_reduction <add>, %mul3A_41, %reduce_sum3A [0] : vector<1024x256xf32> to vector<256xf32>
      %broadcast_in_dim3A_43 = vector.shape_cast %reduce_sum3A_42 : vector<256xf32> to vector<1x256xf32>
      %eq3A_44 = arith.constant 0 : i32
      %eq3A_45 = arith.cmpi eq, %arg1, %eq3A_44 : i32
      %get3A_46 = arith.constant 1 : index
      %get3A_47 = arith.constant 0 : index
      %get3A_48 = vector.load %arg17[%get3A_46, %get3A_47] : memref<8x256xf32, #tpu.memory_space<vmem>>, vector<1x256xf32>
      %add3A_49 = arith.addf %get3A_48, %broadcast_in_dim3A_43 : vector<1x256xf32>
      %select_n3A_50 = arith.select %eq3A_45, %broadcast_in_dim3A_43, %add3A_49 : vector<1x256xf32>
      %swap3A = arith.constant 1 : index
      %swap3A_51 = arith.constant 0 : index
      %swap3A_52 = vector.load %arg17[%swap3A, %swap3A_51] : memref<8x256xf32, #tpu.memory_space<vmem>>, vector<1x256xf32>
      tpu.vector_store %arg17[%swap3A, %swap3A_51], %select_n3A_50 {strides = array<i32>} : memref<8x256xf32, #tpu.memory_space<vmem>>, vector<1x256xf32>,
    } else {
    }
    %eq3A_11 = arith.constant 2 : i32
    %eq3A_12 = arith.cmpi eq, %arg0, %eq3A_11 : i32
    %convert_element_type3A_13 = arith.extui %eq3A_12 : i1 to i32
    %cond3A_14 = arith.constant 0 : i32
    %cond3A_15 = arith.cmpi ne, %convert_element_type3A_13, %cond3A_14 : i32
    scf.if %cond3A_15 {
      %eq3A_26 = arith.constant 0 : i32
      %eq3A_27 = arith.cmpi eq, %arg1, %eq3A_26 : i32
      %convert_element_type3A_28 = arith.extui %eq3A_27 : i1 to i32
      %cond3A_29 = arith.constant 0 : i32
      %cond3A_30 = arith.cmpi ne, %convert_element_type3A_28, %cond3A_29 : i32
      scf.if %cond3A_30 {
        %get3A_82 = arith.constant 1 : index
        %get3A_83 = arith.constant 0 : index
        %get3A_84 = vector.load %arg17[%get3A_82, %get3A_83] : memref<8x256xf32, #tpu.memory_space<vmem>>, vector<1x256xf32>
        %div3A_85 = arith.constant 1.000000e+04 : f32
        %div3A_86 = vector.broadcast %div3A_85 : f32 to vector<1x256xf32>
        %div3A_87 = arith.divf %get3A_84, %div3A_86 : vector<1x256xf32>
        %add3A_88 = arith.constant 9.99999974E-6 : f32
        %add3A_89 = vector.broadcast %add3A_88 : f32 to vector<1x256xf32>
        %add3A_90 = arith.addf %div3A_87, %add3A_89 : vector<1x256xf32>
        %sqrt3A = math.sqrt %add3A_90 : vector<1x256xf32>
        %swap3A_91 = arith.constant 3 : index
        %swap3A_92 = arith.constant 0 : index
        %swap3A_93 = vector.load %arg17[%swap3A_91, %swap3A_92] : memref<8x256xf32, #tpu.memory_space<vmem>>, vector<1x256xf32>
        tpu.vector_store %arg17[%swap3A_91, %swap3A_92], %sqrt3A {strides = array<i32>} : memref<8x256xf32, #tpu.memory_space<vmem>>, vector<1x256xf32>,
      } else {
      }
      %get3A = arith.constant 2 : index
      %get3A_31 = arith.constant 0 : index
      %get3A_32 = vector.load %arg17[%get3A, %get3A_31] : memref<8x256xf32, #tpu.memory_space<vmem>>, vector<1x256xf32>
      %get3A_33 = arith.constant 3 : index
      %get3A_34 = arith.constant 0 : index
      %get3A_35 = vector.load %arg17[%get3A_33, %get3A_34] : memref<8x256xf32, #tpu.memory_space<vmem>>, vector<1x256xf32>
      %mul3A_36 = arith.constant 1024 : i32
      %mul3A_37 = arith.muli %arg1, %mul3A_36 : i32
      %get3A_38 = arith.index_cast %mul3A_37 : i32 to index
      %get3A_39 = arith.constant 0 : index
      %get3A_40 = vector.load %arg15[%get3A_38, %get3A_39] : memref<10240x256xf32, #tpu.memory_space<vmem>>, vector<1024x256xf32>
      %sub3A = vector.broadcast %get3A_32 : vector<1x256xf32> to vector<1024x256xf32>
      %sub3A_41 = arith.subf %get3A_40, %sub3A : vector<1024x256xf32>
      %div3A = vector.broadcast %get3A_35 : vector<1x256xf32> to vector<1024x256xf32>
      %div3A_42 = arith.divf %sub3A_41, %div3A : vector<1024x256xf32>
      %get3A_43 = arith.constant 0 : index
      %get3A_44 = arith.constant 0 : index
      %get3A_45 = vector.load %arg6[%get3A_43, %get3A_44] : memref<1x256xf32, #tpu.memory_space<vmem>>, vector<1x256xf32>
      %mul3A_46 = vector.broadcast %get3A_45 : vector<1x256xf32> to vector<1024x256xf32>
      %mul3A_47 = arith.mulf %div3A_42, %mul3A_46 : vector<1024x256xf32>
      %get3A_48 = arith.constant 0 : index
      %get3A_49 = arith.constant 0 : index
      %get3A_50 = vector.load %arg7[%get3A_48, %get3A_49] : memref<1x256xf32, #tpu.memory_space<vmem>>, vector<1x256xf32>
      %add3A_51 = vector.broadcast %get3A_50 : vector<1x256xf32> to vector<1024x256xf32>
      %add3A_52 = arith.addf %mul3A_47, %add3A_51 : vector<1024x256xf32>
      %max3A = arith.constant 0.000000e+00 : f32
      %max3A_53 = vector.broadcast %max3A : f32 to vector<1024x256xf32>
      %max3A_54 = arith.maximumf %add3A_52, %max3A_53 : vector<1024x256xf32>
      %get3A_55 = arith.constant 0 : index
      %get3A_56 = arith.constant 0 : index
      %get3A_57 = vector.load %arg8[%get3A_55, %get3A_56] : memref<256x128xf32, #tpu.memory_space<vmem>>, vector<256x128xf32>
      %dot_general3A = arith.constant dense<0.000000e+00> : vector<1024x128xf32>
      %dot_general3A_58 = tpu.matmul %max3A_54, %get3A_57, %dot_general3A {dimension_numbers = #tpu.dot_dimension_numbers<[1], [0], [0], [1], [0, 0, 1, 1], [], []>, transpose_lhs_hint = false} : vector<1024x256xf32>, vector<256x128xf32>, vector<1024x128xf32> -> vector<1024x128xf32>
      %get3A_59 = arith.constant 0 : index
      %get3A_60 = arith.constant 0 : index
      %get3A_61 = vector.load %arg9[%get3A_59, %get3A_60] : memref<1x128xf32, #tpu.memory_space<vmem>>, vector<1x128xf32>
      %add3A_62 = vector.broadcast %get3A_61 : vector<1x128xf32> to vector<1024x128xf32>
      %add3A_63 = arith.addf %dot_general3A_58, %add3A_62 : vector<1024x128xf32>
      %mul3A_64 = arith.constant 1024 : i32
      %mul3A_65 = arith.muli %arg1, %mul3A_64 : i32
      %swap3A = arith.index_cast %mul3A_65 : i32 to index
      %swap3A_66 = arith.constant 0 : index
      %swap3A_67 = vector.load %arg16[%swap3A, %swap3A_66] : memref<10240x128xf32, #tpu.memory_space<vmem>>, vector<1024x128xf32>
      tpu.vector_store %arg16[%swap3A, %swap3A_66], %add3A_63 {strides = array<i32>} : memref<10240x128xf32, #tpu.memory_space<vmem>>, vector<1024x128xf32>,
      %jit3A = arith.constant 0.000000e+00 : f32
      %broadcast_in_dim3A = vector.shape_cast %lt3A_3 : vector<1024x1xi1> to vector<1024x1xi1>
      %broadcast_in_dim3A_68 = vector.broadcast %broadcast_in_dim3A : vector<1024x1xi1> to vector<1024x128xi1>
      %broadcast_in_dim3A_69 = vector.broadcast %jit3A : f32 to vector<1024x128xf32>
      %select_n3A = arith.select %broadcast_in_dim3A_68, %add3A_63, %broadcast_in_dim3A_69 : vector<1024x128xi1>, vector<1024x128xf32>
      %reduce_sum3A = arith.constant dense<0.000000e+00> : vector<128xf32>
      %reduce_sum3A_70 = vector.multi_reduction <add>, %select_n3A, %reduce_sum3A [0] : vector<1024x128xf32> to vector<128xf32>
      %broadcast_in_dim3A_71 = vector.shape_cast %reduce_sum3A_70 : vector<128xf32> to vector<1x128xf32>
      %eq3A_72 = arith.constant 0 : i32
      %eq3A_73 = arith.cmpi eq, %arg1, %eq3A_72 : i32
      %get3A_74 = arith.constant 4 : index
      %get3A_75 = arith.constant 0 : index
      %get3A_76 = vector.load %arg17[%get3A_74, %get3A_75] : memref<8x256xf32, #tpu.memory_space<vmem>>, vector<1x128xf32>
      %add3A_77 = arith.addf %get3A_76, %broadcast_in_dim3A_71 : vector<1x128xf32>
      %select_n3A_78 = arith.select %eq3A_73, %broadcast_in_dim3A_71, %add3A_77 : vector<1x128xf32>
      %swap3A_79 = arith.constant 4 : index
      %swap3A_80 = arith.constant 0 : index
      %swap3A_81 = vector.load %arg17[%swap3A_79, %swap3A_80] : memref<8x256xf32, #tpu.memory_space<vmem>>, vector<1x128xf32>
      tpu.vector_store %arg17[%swap3A_79, %swap3A_80], %select_n3A_78 {strides = array<i32>} : memref<8x256xf32, #tpu.memory_space<vmem>>, vector<1x128xf32>,
    } else {
    }
    %eq3A_16 = arith.constant 3 : i32
    %eq3A_17 = arith.cmpi eq, %arg0, %eq3A_16 : i32
    %convert_element_type3A_18 = arith.extui %eq3A_17 : i1 to i32
    %cond3A_19 = arith.constant 0 : i32
    %cond3A_20 = arith.cmpi ne, %convert_element_type3A_18, %cond3A_19 : i32
    scf.if %cond3A_20 {
      %eq3A_26 = arith.constant 0 : i32
      %eq3A_27 = arith.cmpi eq, %arg1, %eq3A_26 : i32
      %convert_element_type3A_28 = arith.extui %eq3A_27 : i1 to i32
      %cond3A_29 = arith.constant 0 : i32
      %cond3A_30 = arith.cmpi ne, %convert_element_type3A_28, %cond3A_29 : i32
      scf.if %cond3A_30 {
        %get3A_53 = arith.constant 4 : index
        %get3A_54 = arith.constant 0 : index
        %get3A_55 = vector.load %arg17[%get3A_53, %get3A_54] : memref<8x256xf32, #tpu.memory_space<vmem>>, vector<1x128xf32>
        %div3A = arith.constant 1.000000e+04 : f32
        %div3A_56 = vector.broadcast %div3A : f32 to vector<1x128xf32>
        %div3A_57 = arith.divf %get3A_55, %div3A_56 : vector<1x128xf32>
        %swap3A_58 = arith.constant 6 : index
        %swap3A_59 = arith.constant 0 : index
        %swap3A_60 = vector.load %arg17[%swap3A_58, %swap3A_59] : memref<8x256xf32, #tpu.memory_space<vmem>>, vector<1x128xf32>
        tpu.vector_store %arg17[%swap3A_58, %swap3A_59], %div3A_57 {strides = array<i32>} : memref<8x256xf32, #tpu.memory_space<vmem>>, vector<1x128xf32>,
      } else {
      }
      %get3A = arith.constant 6 : index
      %get3A_31 = arith.constant 0 : index
      %get3A_32 = vector.load %arg17[%get3A, %get3A_31] : memref<8x256xf32, #tpu.memory_space<vmem>>, vector<1x128xf32>
      %mul3A_33 = arith.constant 1024 : i32
      %mul3A_34 = arith.muli %arg1, %mul3A_33 : i32
      %get3A_35 = arith.index_cast %mul3A_34 : i32 to index
      %get3A_36 = arith.constant 0 : index
      %get3A_37 = vector.load %arg16[%get3A_35, %get3A_36] : memref<10240x128xf32, #tpu.memory_space<vmem>>, vector<1024x128xf32>
      %sub3A = vector.broadcast %get3A_32 : vector<1x128xf32> to vector<1024x128xf32>
      %sub3A_38 = arith.subf %get3A_37, %sub3A : vector<1024x128xf32>
      %jit3A = arith.constant 0.000000e+00 : f32
      %broadcast_in_dim3A = vector.shape_cast %lt3A_3 : vector<1024x1xi1> to vector<1024x1xi1>
      %broadcast_in_dim3A_39 = vector.broadcast %broadcast_in_dim3A : vector<1024x1xi1> to vector<1024x128xi1>
      %broadcast_in_dim3A_40 = vector.broadcast %jit3A : f32 to vector<1024x128xf32>
      %select_n3A = arith.select %broadcast_in_dim3A_39, %sub3A_38, %broadcast_in_dim3A_40 : vector<1024x128xi1>, vector<1024x128xf32>
      %mul3A_41 = arith.mulf %select_n3A, %select_n3A : vector<1024x128xf32>
      %reduce_sum3A = arith.constant dense<0.000000e+00> : vector<128xf32>
      %reduce_sum3A_42 = vector.multi_reduction <add>, %mul3A_41, %reduce_sum3A [0] : vector<1024x128xf32> to vector<128xf32>
      %broadcast_in_dim3A_43 = vector.shape_cast %reduce_sum3A_42 : vector<128xf32> to vector<1x128xf32>
      %eq3A_44 = arith.constant 0 : i32
      %eq3A_45 = arith.cmpi eq, %arg1, %eq3A_44 : i32
      %get3A_46 = arith.constant 5 : index
      %get3A_47 = arith.constant 0 : index
      %get3A_48 = vector.load %arg17[%get3A_46, %get3A_47] : memref<8x256xf32, #tpu.memory_space<vmem>>, vector<1x128xf32>
      %add3A_49 = arith.addf %get3A_48, %broadcast_in_dim3A_43 : vector<1x128xf32>
      %select_n3A_50 = arith.select %eq3A_45, %broadcast_in_dim3A_43, %add3A_49 : vector<1x128xf32>
      %swap3A = arith.constant 5 : index
      %swap3A_51 = arith.constant 0 : index
      %swap3A_52 = vector.load %arg17[%swap3A, %swap3A_51] : memref<8x256xf32, #tpu.memory_space<vmem>>, vector<1x128xf32>
      tpu.vector_store %arg17[%swap3A, %swap3A_51], %select_n3A_50 {strides = array<i32>} : memref<8x256xf32, #tpu.memory_space<vmem>>, vector<1x128xf32>,
    } else {
    }
    %eq3A_21 = arith.constant 4 : i32
    %eq3A_22 = arith.cmpi eq, %arg0, %eq3A_21 : i32
    %convert_element_type3A_23 = arith.extui %eq3A_22 : i1 to i32
    %cond3A_24 = arith.constant 0 : i32
    %cond3A_25 = arith.cmpi ne, %convert_element_type3A_23, %cond3A_24 : i32
    scf.if %cond3A_25 {
      %eq3A_26 = arith.constant 0 : i32
      %eq3A_27 = arith.cmpi eq, %arg1, %eq3A_26 : i32
      %convert_element_type3A_28 = arith.extui %eq3A_27 : i1 to i32
      %cond3A_29 = arith.constant 0 : i32
      %cond3A_30 = arith.cmpi ne, %convert_element_type3A_28, %cond3A_29 : i32
      scf.if %cond3A_30 {
        %get3A_82 = arith.constant 5 : index
        %get3A_83 = arith.constant 0 : index
        %get3A_84 = vector.load %arg17[%get3A_82, %get3A_83] : memref<8x256xf32, #tpu.memory_space<vmem>>, vector<1x128xf32>
        %div3A_85 = arith.constant 1.000000e+04 : f32
        %div3A_86 = vector.broadcast %div3A_85 : f32 to vector<1x128xf32>
        %div3A_87 = arith.divf %get3A_84, %div3A_86 : vector<1x128xf32>
        %add3A_88 = arith.constant 9.99999974E-6 : f32
        %add3A_89 = vector.broadcast %add3A_88 : f32 to vector<1x128xf32>
        %add3A_90 = arith.addf %div3A_87, %add3A_89 : vector<1x128xf32>
        %sqrt3A = math.sqrt %add3A_90 : vector<1x128xf32>
        %swap3A_91 = arith.constant 7 : index
        %swap3A_92 = arith.constant 0 : index
        %swap3A_93 = vector.load %arg17[%swap3A_91, %swap3A_92] : memref<8x256xf32, #tpu.memory_space<vmem>>, vector<1x128xf32>
        tpu.vector_store %arg17[%swap3A_91, %swap3A_92], %sqrt3A {strides = array<i32>} : memref<8x256xf32, #tpu.memory_space<vmem>>, vector<1x128xf32>,
      } else {
      }
      %get3A = arith.constant 6 : index
      %get3A_31 = arith.constant 0 : index
      %get3A_32 = vector.load %arg17[%get3A, %get3A_31] : memref<8x256xf32, #tpu.memory_space<vmem>>, vector<1x128xf32>
      %get3A_33 = arith.constant 7 : index
      %get3A_34 = arith.constant 0 : index
      %get3A_35 = vector.load %arg17[%get3A_33, %get3A_34] : memref<8x256xf32, #tpu.memory_space<vmem>>, vector<1x128xf32>
      %mul3A_36 = arith.constant 1024 : i32
      %mul3A_37 = arith.muli %arg1, %mul3A_36 : i32
      %get3A_38 = arith.index_cast %mul3A_37 : i32 to index
      %get3A_39 = arith.constant 0 : index
      %get3A_40 = vector.load %arg16[%get3A_38, %get3A_39] : memref<10240x128xf32, #tpu.memory_space<vmem>>, vector<1024x128xf32>
      %sub3A = vector.broadcast %get3A_32 : vector<1x128xf32> to vector<1024x128xf32>
      %sub3A_41 = arith.subf %get3A_40, %sub3A : vector<1024x128xf32>
      %div3A = vector.broadcast %get3A_35 : vector<1x128xf32> to vector<1024x128xf32>
      %div3A_42 = arith.divf %sub3A_41, %div3A : vector<1024x128xf32>
      %get3A_43 = arith.constant 0 : index
      %get3A_44 = arith.constant 0 : index
      %get3A_45 = vector.load %arg10[%get3A_43, %get3A_44] : memref<1x128xf32, #tpu.memory_space<vmem>>, vector<1x128xf32>
      %mul3A_46 = vector.broadcast %get3A_45 : vector<1x128xf32> to vector<1024x128xf32>
      %mul3A_47 = arith.mulf %div3A_42, %mul3A_46 : vector<1024x128xf32>
      %get3A_48 = arith.constant 0 : index
      %get3A_49 = arith.constant 0 : index
      %get3A_50 = vector.load %arg11[%get3A_48, %get3A_49] : memref<1x128xf32, #tpu.memory_space<vmem>>, vector<1x128xf32>
      %add3A_51 = vector.broadcast %get3A_50 : vector<1x128xf32> to vector<1024x128xf32>
      %add3A_52 = arith.addf %mul3A_47, %add3A_51 : vector<1024x128xf32>
      %jit3A = arith.constant 0.000000e+00 : f32
      %broadcast_in_dim3A = vector.shape_cast %lt3A_3 : vector<1024x1xi1> to vector<1024x1xi1>
      %broadcast_in_dim3A_53 = vector.broadcast %broadcast_in_dim3A : vector<1024x1xi1> to vector<1024x128xi1>
      %broadcast_in_dim3A_54 = vector.broadcast %jit3A : f32 to vector<1024x128xf32>
      %select_n3A = arith.select %broadcast_in_dim3A_53, %add3A_52, %broadcast_in_dim3A_54 : vector<1024x128xi1>, vector<1024x128xf32>
      %swap3A = arith.constant 0 : index
      %swap3A_55 = arith.constant 0 : index
      %swap3A_56 = vector.load %arg13[%swap3A, %swap3A_55] : memref<1024x128xf32, #tpu.memory_space<vmem>>, vector<1024x128xf32>
      tpu.vector_store %arg13[%swap3A, %swap3A_55], %select_n3A {strides = array<i32>} : memref<1024x128xf32, #tpu.memory_space<vmem>>, vector<1024x128xf32>,
      %get3A_57 = arith.constant 0 : index
      %get3A_58 = arith.constant 0 : index
      %get3A_59 = vector.load %arg12[%get3A_57, %get3A_58] : memref<1024x1xi32, #tpu.memory_space<vmem>>, vector<1024x1xi32>
      %iota3A_60 = tpu.iota {dimensions = array<i32: 1>} : vector<1024x512xi32>
      %eq3A_61 = vector.broadcast %get3A_59 : vector<1024x1xi32> to vector<1024x512xi32>
      %eq3A_62 = arith.cmpi eq, %eq3A_61, %iota3A_60 : vector<1024x512xi32>
      %convert_element_type3A_63 = arith.extui %eq3A_62 : vector<1024x512xi1> to vector<1024x512xi32>
      %convert_element_type3A_64 = arith.sitofp %convert_element_type3A_63 : vector<1024x512xi32> to vector<1024x512xf32>
      %dot_general3A = arith.constant dense<0.000000e+00> : vector<512x128xf32>
      %dot_general3A_65 = tpu.matmul %convert_element_type3A_64, %select_n3A, %dot_general3A {dimension_numbers = #tpu.dot_dimension_numbers<[0], [0], [1], [1], [0, 1, 1, 1], [], []>, precision = #tpu.contract_precision<fp32>, transpose_lhs_hint = false} : vector<1024x512xf32>, vector<1024x128xf32>, vector<512x128xf32> -> vector<512x128xf32>
      %eq3A_66 = arith.constant 0 : i32
      %eq3A_67 = arith.cmpi eq, %arg1, %eq3A_66 : i32
      %get3A_68 = arith.constant 0 : index
      %get3A_69 = arith.constant 0 : index
      %get3A_70 = vector.load %arg18[%get3A_68, %get3A_69] : memref<512x128xf32, #tpu.memory_space<vmem>>, vector<512x128xf32>
      %add3A_71 = arith.addf %get3A_70, %dot_general3A_65 : vector<512x128xf32>
      %select_n3A_72 = arith.select %eq3A_67, %dot_general3A_65, %add3A_71 : vector<512x128xf32>
      %swap3A_73 = arith.constant 0 : index
      %swap3A_74 = arith.constant 0 : index
      %swap3A_75 = vector.load %arg18[%swap3A_73, %swap3A_74] : memref<512x128xf32, #tpu.memory_space<vmem>>, vector<512x128xf32>
      tpu.vector_store %arg18[%swap3A_73, %swap3A_74], %select_n3A_72 {strides = array<i32>} : memref<512x128xf32, #tpu.memory_space<vmem>>, vector<512x128xf32>,
      %get3A_76 = arith.constant 0 : index
      %get3A_77 = arith.constant 0 : index
      %get3A_78 = vector.load %arg18[%get3A_76, %get3A_77] : memref<512x128xf32, #tpu.memory_space<vmem>>, vector<512x128xf32>
      %swap3A_79 = arith.constant 0 : index
      %swap3A_80 = arith.constant 0 : index
      %swap3A_81 = vector.load %arg14[%swap3A_79, %swap3A_80] : memref<512x128xf32, #tpu.memory_space<vmem>>, vector<512x128xf32>
      tpu.vector_store %arg14[%swap3A_79, %swap3A_80], %get3A_78 {strides = array<i32>} : memref<512x128xf32, #tpu.memory_space<vmem>>, vector<512x128xf32>,
    } else {
    }
    return
  }
  func.func @transform_0(%arg0: i32, %arg1: i32) -> (i32, i32) {
    %eq3A = arith.constant 0 : i32
    %eq3A_0 = arith.cmpi eq, %arg0, %eq3A : i32
    %jit3A = arith.constant 0 : i32
    %select_n3A = arith.select %eq3A_0, %arg1, %jit3A : i32
    %c0_i32 = arith.constant 0 : i32
    %c0_i32_1 = arith.constant 0 : i32
    return %select_n3A, %c0_i32 : i32, i32
  }
  func.func @transform_1(%arg0: i32, %arg1: i32) -> (i32, i32, i32) {
    %eq3A = arith.constant 0 : i32
    %eq3A_0 = arith.cmpi eq, %arg0, %eq3A : i32
    %jit3A = arith.constant 0 : i32
    %select_n3A = arith.select %eq3A_0, %arg1, %jit3A : i32
    %c0_i32 = arith.constant 0 : i32
    %c0_i32_1 = arith.constant 0 : i32
    %c0_i32_2 = arith.constant 0 : i32
    return %c0_i32, %select_n3A, %c0_i32_1 : i32, i32, i32
  }
  func.func @transform_2(%arg0: i32, %arg1: i32) -> (i32, i32) {
    %c0_i32 = arith.constant 0 : i32
    %c0_i32_0 = arith.constant 0 : i32
    %c0_i32_1 = arith.constant 0 : i32
    return %c0_i32, %c0_i32_0 : i32, i32
  }
  func.func @transform_3(%arg0: i32, %arg1: i32) -> (i32, i32) {
    %c0_i32 = arith.constant 0 : i32
    %c0_i32_0 = arith.constant 0 : i32
    %c0_i32_1 = arith.constant 0 : i32
    return %c0_i32, %c0_i32_0 : i32, i32
  }
  func.func @transform_4(%arg0: i32, %arg1: i32) -> (i32, i32) {
    %c0_i32 = arith.constant 0 : i32
    %c0_i32_0 = arith.constant 0 : i32
    %c0_i32_1 = arith.constant 0 : i32
    return %c0_i32, %c0_i32_0 : i32, i32
  }
  func.func @transform_5(%arg0: i32, %arg1: i32) -> (i32, i32) {
    %c0_i32 = arith.constant 0 : i32
    %c0_i32_0 = arith.constant 0 : i32
    %c0_i32_1 = arith.constant 0 : i32
    return %c0_i32, %c0_i32_0 : i32, i32
  }
  func.func @transform_6(%arg0: i32, %arg1: i32) -> (i32, i32) {
    %c0_i32 = arith.constant 0 : i32
    %c0_i32_0 = arith.constant 0 : i32
    %c0_i32_1 = arith.constant 0 : i32
    return %c0_i32, %c0_i32_0 : i32, i32
  }
  func.func @transform_7(%arg0: i32, %arg1: i32) -> (i32, i32) {
    %c0_i32 = arith.constant 0 : i32
    %c0_i32_0 = arith.constant 0 : i32
    %c0_i32_1 = arith.constant 0 : i32
    return %c0_i32, %c0_i32_0 : i32, i32
  }
  func.func @transform_8(%arg0: i32, %arg1: i32) -> (i32, i32) {
    %c0_i32 = arith.constant 0 : i32
    %c0_i32_0 = arith.constant 0 : i32
    %c0_i32_1 = arith.constant 0 : i32
    return %c0_i32, %c0_i32_0 : i32, i32
  }
  func.func @transform_9(%arg0: i32, %arg1: i32) -> (i32, i32) {
    %c0_i32 = arith.constant 0 : i32
    %c0_i32_0 = arith.constant 0 : i32
    %c0_i32_1 = arith.constant 0 : i32
    return %c0_i32, %c0_i32_0 : i32, i32
  }
  func.func @transform_10(%arg0: i32, %arg1: i32) -> (i32, i32) {
    %eq3A = arith.constant 4 : i32
    %eq3A_0 = arith.cmpi eq, %arg0, %eq3A : i32
    %jit3A = arith.constant 0 : i32
    %select_n3A = arith.select %eq3A_0, %arg1, %jit3A : i32
    %c0_i32 = arith.constant 0 : i32
    %c0_i32_1 = arith.constant 0 : i32
    return %select_n3A, %c0_i32 : i32, i32
  }
  func.func @transform_11(%arg0: i32, %arg1: i32) -> (i32, i32) {
    %eq3A = arith.constant 4 : i32
    %eq3A_0 = arith.cmpi eq, %arg0, %eq3A : i32
    %jit3A = arith.constant 0 : i32
    %select_n3A = arith.select %eq3A_0, %arg1, %jit3A : i32
    %c0_i32 = arith.constant 0 : i32
    %c0_i32_1 = arith.constant 0 : i32
    return %select_n3A, %c0_i32 : i32, i32
  }
  func.func @transform_12(%arg0: i32, %arg1: i32) -> (i32, i32) {
    %c0_i32 = arith.constant 0 : i32
    %c0_i32_0 = arith.constant 0 : i32
    %c0_i32_1 = arith.constant 0 : i32
    return %c0_i32, %c0_i32_0 : i32, i32
  }
}

</mosaic_0001>

<sc_bundles>
// kernel: kernel.13.cloned.1.call-start
scs
__scs_entry_jumppad:
0x0: {  	(pc) =	sbr.rel $0x88, $3  }
0x1: {  	(tag) =	ssettag $0x0;
	lr =	simm.s32 $0x1  }
0x2: {  	[smem:$0x3F93] =	sst lr;
	_ =	strace $0xD0000000  }
0x3: {  	_ = 	snop  }
0x4: {  	_ = 	snop  }
0x5: {  	_ = 	snop  }
0x6: {  	_ = 	snop  }
0x7: {  	_ = 	snop  }
__scs_overlays_trampoline_lowered:
0x8: {  	[smem:$0x3FA2] =	sst s0  }
0x9: {  	[smem:$0x3FA3] =	sst s1  }
0xa: {  	[smem:$0x3FA4] =	sst s2  }
0xb: {  	[smem:$0x3FA5] =	sst s3  }
0xc: {  	[smem:$0x3FA6] =	sst s4  }
0xd: {  	[smem:$0x3FA7] =	sst s5  }
0xe: {  	[smem:$0x3FA8] =	sst s6  }
0xf: {  	[smem:$0x3FA9] =	sst s7  }
0x10: {  	[smem:$0x3FAA] =	sst s8  }
0x11: {  	[smem:$0x3FAB] =	sst s9;
	s0 =	simm.s32 @!p0 $0x0  }
0x12: {  	s1 =	sld [smem:$0x3F91];
	s0 =	simm.s32 @p0 $0x1  }
0x13: {  	[smem:$0x3FAC] =	sst s0;
	s0 =	simm.s32 @!p1 $0x0  }
0x14: {  	s2 =	sld [smem:$0x3F90];
	s0 =	simm.s32 @p1 $0x1  }
0x15: {  	[smem:$0x3FAD] =	sst s0;
	s0 =	simm.s32 @!p2 $0x0  }
0x16: {  	s3 =	sld [smem:$0x3FDB];
	s0 =	simm.s32 @p2 $0x1  }
0x17: {  	s4 =	simm.s32 $0x1BF5;
	[smem:$0x3FAF] =	sst s0  }
0x18: {  	s0 =	sld [smem:$0x3F92];
	_ =	swait.ge [sflag:s4], $0x0  }
0x19: {  	s7 =	sld [smem:$0x3F93]  }
0x1a: {  	s8 =	sadd.s32 $0xFFFFE003, lr  }
0x1b: {  	s9 =	sadd.s32 $0xFFFFFEF7, lr;
	s5 =	simm.s32 $0xFFFFFFFF;
	p2 =	slt.u32 s8, $0xFFFFF086  }
0x1c: {  	p1 =	slt.u32 s9, $0xF7A;
	s5 =	simm.s32 @!p2 $0x0  }
0x1d: {  	s5 =	simm.s32 @p1 $0x1;
	p0 =	seq.s32 s7, s2  }
0x1e: {  	s7 =	smul.u32 @!p0 $0xF7A, s2;
	p2 =	seq.s32 @!p0 s5, $0x0  }
0x1f: {  	s9 =	smul.u32 $0xF7A, s1;
	s8 =	simm.s32 @!p0 $0x1BF5;
	p2 =	por !p2, p0  }
0x20: {  	[sflag:s8] =	ssyncset.s32 @!p0 $0xFFFFF086;
	s6 =	sadd.s32 @!p0 s3, s7;
	s7 =	simm.s32 @!p0 $0x108  }
0x21: {  	s3 =	sadd.s32 s3, s9;
	s6 =	sadd.s32 @!p0 $0x88, s6;
	s7 =	simm.s32 @p2 $0x1082  }
0x22: {  	[simem:s7], [sflag:s8] =	dma.local @!p0 [hbm:s6], $0xF7A  }
0x23: {  	s9 =	sor.u32 $0xD0000000, s2;
	s6 =	simm.s32 $0x108;
	_ =	swait.ge @!p0 [sflag:s8], $0x0  }
0x24: {  	s3 =	sadd.s32 $0x88, s3;
	s6 =	simm.s32 @!p1 $0x1082;
	[sflag:s4] =	ssyncset.s32 $0xFFFFF086  }
0x25: {  	[simem:s6], [sflag:s4] =	dma.local [hbm:s3], $0xF7A  }
0x26: {  	[smem:$0x3F93] =	sst s1;
	(tag) =	ssettag s2;
	_ =	strace s9  }
0x27: {  	s1 =	sld [smem:$0x3FA3]  }
0x28: {  	s2 =	sld [smem:$0x3FA4]  }
0x29: {  	s4 =	sld [smem:$0x3FA6]  }
0x2a: {  	p0 =	seq.s32 s5, $0x0;
	s5 =	sld [smem:$0x3FA7]  }
0x2b: {  	s6 =	sld [smem:$0x3FA8]  }
0x2c: {  	s7 =	sld [smem:$0x3FA9]  }
0x2d: {  	s3 =	simm.s32 $0x108;
	s8 =	sld [smem:$0x3FAA]  }
0x2e: {  	s3 =	simm.s32 @!p0 $0x1082;
	s9 =	sld [smem:$0x3FAB]  }
0x2f: {  	lr =	sadd.s32 s0, s3;
	s0 =	sld [smem:$0x3FA2]  }
0x30: {  	s3 =	sld [smem:$0x3FA5]  }
0x31: {  	[smem:$0x3FAE] =	sst s10  }
0x32: {  	s10 =	sld [smem:$0x3FAC];
	_ =	sdelay $0x3  }
0x33: {  	p0 =	seq.s32 s10, $0x1;
	s10 =	sld [smem:$0x3FAE];
	_ =	sdelay $0x3  }
0x34: {  	[smem:$0x3FAE] =	sst s10  }
0x35: {  	s10 =	sld [smem:$0x3FAD];
	_ =	sdelay $0x3  }
0x36: {  	p1 =	seq.s32 s10, $0x1;
	s10 =	sld [smem:$0x3FAE];
	_ =	sdelay $0x3  }
0x37: {  	[smem:$0x3FAE] =	sst s10  }
0x38: {  	s10 =	sld [smem:$0x3FAF]  }
0x39: {  	_ = 	snop;
	(pc) =	sbr.ind lr, $3  }
0x3a: {  	_ = 	snop  }
0x3b: {  	_ = 	snop  }
0x3c: {  	p2 =	seq.s32 s10, $0x1;
	s10 =	sld [smem:$0x3FAE]  }
0x3d: {  	_ =	shalt  }
0x3e: {  	_ =	shalt  }
0x3f: {  	_ =	shalt  }
0x40: {  	_ =	shalt  }
0x41: {  	_ =	shalt  }
0x42: {  	_ =	shalt  }
0x43: {  	_ =	shalt  }
0x44: {  	_ =	shalt  }
0x45: {  	_ =	shalt  }
0x46: {  	_ =	shalt  }
0x47: {  	_ =	shalt  }
0x48: {  	_ =	shalt  }
0x49: {  	_ =	shalt  }
0x4a: {  	_ =	shalt  }
0x4b: {  	_ =	shalt  }
0x4c: {  	_ =	shalt  }
0x4d: {  	_ =	shalt  }
0x4e: {  	_ =	shalt  }
0x4f: {  	_ =	shalt  }
0x50: {  	_ =	shalt  }
0x51: {  	_ =	shalt  }
0x52: {  	_ =	shalt  }
0x53: {  	_ =	shalt  }
0x54: {  	_ =	shalt  }
0x55: {  	_ =	shalt  }
0x56: {  	_ =	shalt  }
0x57: {  	_ =	shalt  }
0x58: {  	_ =	shalt  }
0x59: {  	_ =	shalt  }
0x5a: {  	_ =	shalt  }
0x5b: {  	_ =	shalt  }
0x5c: {  	_ =	shalt  }
0x5d: {  	_ =	shalt  }
0x5e: {  	_ =	shalt  }
0x5f: {  	_ =	shalt  }
0x60: {  	_ =	shalt  }
0x61: {  	_ =	shalt  }
0x62: {  	_ =	shalt  }
0x63: {  	_ =	shalt  }
0x64: {  	_ =	shalt  }
0x65: {  	_ =	shalt  }
0x66: {  	_ =	shalt  }
0x67: {  	_ =	shalt  }
0x68: {  	_ =	shalt  }
0x69: {  	_ =	shalt  }
0x6a: {  	_ =	shalt  }
0x6b: {  	_ =	shalt  }
0x6c: {  	_ =	shalt  }
0x6d: {  	_ =	shalt  }
0x6e: {  	_ =	shalt  }
0x6f: {  	_ =	shalt  }
0x70: {  	_ =	shalt  }
0x71: {  	_ =	shalt  }
0x72: {  	_ =	shalt  }
0x73: {  	_ =	shalt  }
0x74: {  	_ =	shalt  }
0x75: {  	_ =	shalt  }
0x76: {  	_ =	shalt  }
0x77: {  	_ =	shalt  }
0x78: {  	_ =	shalt  }
0x79: {  	_ =	shalt  }
0x7a: {  	_ =	shalt  }
0x7b: {  	_ =	shalt  }
0x7c: {  	_ =	shalt  }
0x7d: {  	_ =	shalt  }
0x7e: {  	_ =	shalt  }
0x7f: {  	_ =	shalt  }
0x80: {  	_ =	shalt  }
0x81: {  	_ =	shalt  }
0x82: {  	_ =	shalt  }
0x83: {  	_ =	shalt  }
0x84: {  	_ =	shalt  }
0x85: {  	_ =	shalt  }
0x86: {  	_ =	shalt  }
0x87: {  	_ =	shalt  }
.Lfunc_end0:
.L_simem_size_0:
called_computation_lowered:
.L_overlay_start_0:
0x88: {  	s2 =	sld [smem:$0x3FD9]  }
0x89: {  	s3 =	sld [smem:$0x3FFE];
	_ =	sdelay $0x1  }
0x8a: {  	s1 =	srdreg.scid  }
0x8b: {  	s0 =	sand.u32 $0x1, s1  }
0x8c: {  	s14 =	sshll.u32 s0, $0xA;
	s2 =	sadd.s32 s3, s2  }
0x8d: {  	s2 =	sadd.s32 s2, s14  }
0x8e: {  	[smem:$0x3FBA] =	sst s2  }
0x8f: {  	_ = 	snop  }
0x90: {  	s2 =	sld [smem:$0x3FD0];
	_ =	sdelay $0x2  }
0x91: {  	s15 =	simm.s32 $0xA;
	s4 =	simm.s32 $0x10  }
0x92: {  	[smem:s4], [sflag:s15] =	dma.local [hbm:s2], $0x1  }
0x93: {  	_ =	swait.eq [sflag:s15], $0x1  }
0x94: {  	[sflag:s15] =	ssyncset.done $0x0  }
0x95: {  	[sflag:s15] =	ssyncadd.s32 $0xFFFFFFFF  }
0x96: {  	s16 =	sld [smem:$0x11];
	(tm) =	ssettm $0x1  }
0x97: {  	s17 =	sld [smem:$0x3FFB];
	_ =	sdelay $0x3  }
0x98: {  	_ =	strace s17  }
0x99: {  	s3 =	sld [smem:$0x3FFC];
	_ =	sdelay $0x3  }
0x9a: {  	_ =	strace s3  }
0x9b: {  	s3 =	sld [smem:$0x3FFD];
	_ =	sdelay $0x3  }
0x9c: {  	_ =	strace s3  }
0x9d: {  	_ =	strace $0x8FFFFFFF  }
0x9e: {  	s18 =	sld [smem:$0x3FDB];
	_ =	sdelay $0x1  }
0x9f: {  	s19 =	simm.s32 $_scs_section_size  }
0xa0: {  	s5 =	simm.s32 $_size__tile_overlayer_lowered;
	s6 =	simm.s32 $_tile_overlayer_lowered  }
0xa1: {  	s22 =	simm.s32 $0x1BFF;
	s21 =	sshll.u32 s6, $0x1;
	s3 =	sadd.s32 s19, s18  }
0xa2: {  	s7 =	simm.s32 $0x0;
	s20 =	sshll.u32 s5, $0x1;
	s5 =	sadd.s32 s21, s3  }
0xa3: {  	[timem:s7], [sflag:s22] =	dma.local [hbm:s5], s20  }
0xa4: {  	_ =	swait.ge [sflag:s22], s20  }
0xa5: {  	s4 =	ssub.s32 $0x0, s20;
	[sflag:s22] =	ssyncset.done $0x0  }
0xa6: {  	[sflag:s22] =	ssyncadd.s32 s4;
	_ =	sdelay $0x1  }
0xa7: {  	s23 =	simm.s32 $0x1B8B  }
0xa8: {  	_ =	swait.ge [sflag:s23], $0x1  }
0xa9: {  	[sflag:s23] =	ssyncset.done $0x0  }
0xaa: {  	s25 =	simm.s32 $0x1B8E;
	s24 =	sld [smem:$0x3FFE];
	[sflag:s23] =	ssyncadd.s32 $0xFFFFFFFF  }
0xab: {  	s26 =	simm.s32 $execute0_lowered;
	[smem:$0x3FD2] =	sst s25  }
0xac: {  	s5 =	sshll.u32 s26, $0x1;
	_ =	strace $0x80000046;
	[dreg:$0x1] =	wrdreg $0xFFFFFFFF  }
0xad: {  	s28 =	simm.s32 $_size_execute0_lowered;
	s3 =	sadd.s32 s3, s5;
	[dreg:$0x0] =	wrdreg $0x0  }
0xae: {  	s5 =	sshll.u32 s28, $0x1;
	[dreg:$0x2] =	wrdreg s3  }
0xaf: {  	[dreg:$0x3] =	wrdreg s5  }
0xb0: {  	[dreg:$0x4] =	wrdreg $0xC0  }
0xb1: {  	_ =	task [dreg:s7], $0x5FFFF  }
0xb2: {  	[dreg:$0x1] =	wrdreg $0xFFFFFFFF  }
0xb3: {  	[dreg:$0x0] =	wrdreg $0x60  }
0xb4: {  	[dreg:$0x2] =	wrdreg s24  }
0xb5: {  	[dreg:$0x3] =	wrdreg s16  }
0xb6: {  	[dreg:$0x4] =	wrdreg $0xA8000  }
0xb7: {  	[dreg:$0x5] =	wrdreg $0x9  }
0xb8: {  	_ =	task.clear_ibuf [dreg:s7], $0x6FFFF;
	_ =	strace $0x90000046  }
0xb9: {  	s29 =	simm.s32 $0x9;
	_ =	strace $0x80000048  }
0xba: {  	_ =	swait.ge [sflag:s29], $0x1  }
0xbb: {  	[sflag:s29] =	ssyncadd.s32 $0xFFFFFFFF  }
0xbc: {  	_ =	strace $0x90000048  }
0xbd: {  	_ =	sfence  }
0xbe: {  	s30 =	sld [smem:$0x0];
	_ =	sdelay $0x2  }
0xbf: {  	s31 =	sshll.u32 s1, $0xD;
	s1 =	sshrl.u32 s1, $0x2  }
0xc0: {  	s3 =	sand.u32 $0x4000, s31;
	s1 =	sadd.s32 s1, s30  }
0xc1: {  	s0 =	sor.u32 s3, s0;
	s1 =	sshll.u32 s1, $0x11  }
0xc2: {  	s0 =	sor.u32 s1, s0  }
0xc3: {  	s0 =	sadd.s32 $0x8F2B, s0  }
0xc4: {  	[sflag:s0] =	ssyncadd.remote.s32 $0x1  }
0xc5: {  	_ =	sfence.sel $0xFFFF  }
0xc6: {  	[dreg:$0x0] =	wrdreg $0xFFFFFFFF;
	(pc) =	sbr.abs _section_cstart, $3  }
0xc7: {  	[dreg:$0x1] =	wrdreg $0xFFFFFFFF  }
0xc8: {  	_ =	task.clear_ibuf [dreg:s7], $0x2FFFF;
	_ =	strace $0x9FFFFFFF  }
0xc9: {  	(tm) =	ssettm $0x7FFFFFFF  }
tec
execute0_lowered:
.L_overlay_start_1:
0x0: {  	(tag) =	ssettag $0x1  }
0x1: {  	s6 =	rddreg [dreg:$0x0]  }
0x2: {  	s9 =	rddreg [dreg:$0x1]  }
0x3: {  	s1 =	rddreg [dreg:$0x2]  }
0x4: {  	s0 =	rddreg [dreg:$0x3]  }
0x5: {  	s3 =	simm.s32 $0x0;
	s2 =	srdreg.scid;
	s16 =	simm.s32 $0x80  }
0x6: {  	s17 =	simm.s32 $0x2800;
	s18 =	simm.s32 $0x6800;
	s19 =	simm.s32 $0x1  }
0x7: {  	s20 =	simm.s32 $0x2;
	s21 =	simm.s32 $0x1380;
	s7 =	sand.u32 $0x1, s2  }
0x8: {  	s22 =	simm.s32 $0x2700;
	s2 =	stileid.u32;
	s8 =	smul.u32 $0x140000, s7  }
0x9: {  	s23 =	simm.s32 $0x2780;
	s24 =	simm.s32 $0x0;
	s10 =	smul.u32 $0x13C00, s2  }
0xa: {  	[smem:$0x7FF] =	sst s3;
	s4 =	sadd.s32 $0xE600, s6;
	s12 =	smul.u32 $0x28000, s7  }
0xb: {  	s11 =	sadd.s32 $0x4600, s6;
	s5 =	sadd.s32 $0xAE600, s6;
	s26 =	smul.u32 $0x2800, s2  }
0xc: {  	_ =	strace $0x80000047;
	s7 =	ssub.s32 $0x2, s7;
	s14 =	smul.u32 $0x4F000, s2  }
0xd: {  	s30 =	sshll.u32 s2, $0x6;
	s13 =	sshrl.u32 s7, $0x1;
	s8 =	sadd.s32 s10, s8  }
0xe: {  	s13 =	ssub.s32 s7, s13;
	s28 =	sadd.s32 s26, s12;
	s29 =	sshrl.u32 s14, $0x2  }
0xf: {  	s8 =	sshrl.u32 s8, $0x3;
	s10 =	sshrl.u32 s28, $0x3;
	s14 =	sadd.s32 s29, s1  }
0x10: {  	s12 =	smax.u32 s13, $0x1;
	s15 =	sadd.s32 s8, s6;
	s6 =	sor.u32 $0x1C03, s30  }
0x11: {  	s31 =	sadd.s32 $0x280, s10;
	s7 =	sadd.s32 s9, s10;
	s8 =	sadd.s32 s11, s10  }
0x12: {  	s13 =	sshrl.u32 s14, $0x3;
	s14 =	simm.s32 $0x3;
	s9 =	sadd.s32 s9, s31  }
0x13: {  	s10 =	sadd.s32 s11, s31;
	s11 =	sadd.s32 $0xB0E00, s15;
	s15 =	simm.s32 $0x1400  }
.LBB2_1:
0x14: {  	[spmem:s13], [sflag:s6] =	dma.local [hbm:s5], $0x2780  }
0x15: {  	_ =	swait.ge [sflag:s14], $0x2780  }
0x16: {  	[sflag:s14] =	ssyncset.done $0x0  }
0x17: {  	[sflag:s14] =	ssyncadd.s32 $0xFFFFD880  }
0x18: {  	[bflag:$0x0] =	sbarrier.arrive $0xFFFF  }
0x19: {  	[tilespmem:s3], [sflag:$0x3] =	stream.linear.gather [hbm4b:s7+s3], $0x1400, $0x38;
	[tilespmem:$0x1E400] =	vst v63  }
0x1a: {  	_ =	swait.ge [sflag:s14], $0x1400  }
0x1b: {  	[sflag:s14] =	ssyncset.done $0x0  }
0x1c: {  	[sflag:s14] =	ssyncadd.s32 $0xFFFFEC00  }
0x1d: {  	[tilespmem:s15], [sflag:$0x3] =	stream.linear.gather [hbm4b:s8+s3], $0x1400, $0x38;
	[tilespmem:$0x1E400] =	vst v63  }
0x1e: {  	_ =	swait.ge [sflag:s14], $0x1400  }
0x1f: {  	[sflag:s14] =	ssyncset.done $0x0  }
0x20: {  	[sflag:s14] =	ssyncadd.s32 $0xFFFFEC00  }
0x21: {  	[tilespmem:s17], [sflag:$0x1] =	stream.indirect.gather [hbm4b:s4+s16], $0x80, s3, s16, $0xb8;
	[tilespmem:$0x1E400] =	vst v63  }
0x22: {  	s25 =	simm.s32 $0x80  }
0x23: {  	[tilespmem:s18], [sflag:$0x2] =	stream.indirect.gather [hbm4b:s4+s16], $0x80, s25, s16, $0xb8;
	[tilespmem:$0x1E400] =	vst v63  }
0x24: {  	_ =	swait.ge [sflag:s19], $0x4000  }
0x25: {  	[sflag:s19] =	ssyncset.done $0x0  }
0x26: {  	s29 =	simm.s32 $0x1400;
	[sflag:s19] =	ssyncadd.s32 $0xFFFFC000  }
0x27: {  	[spmem:s1] =	stream.indirect.scatter.add.f32 [tilespmem:s17], [sflag:$0x3], $0x80, s29, s16, $0xb8;
	[tilespmem:$0x1E400] =	vst v63  }
0x28: {  	_ =	swait.ge [sflag:s14], $0x4000  }
0x29: {  	[sflag:s14] =	ssyncset.done $0x0  }
0x2a: {  	s30 =	simm.s32 $0x100;
	[sflag:s14] =	ssyncadd.s32 $0xFFFFC000  }
0x2b: {  	[tilespmem:s17], [sflag:$0x1] =	stream.indirect.gather [hbm4b:s4+s16], $0x80, s30, s16, $0xb8;
	[tilespmem:$0x1E400] =	vst v63  }
0x2c: {  	_ =	swait.ge [sflag:s20], $0x4000  }
0x2d: {  	[sflag:s20] =	ssyncset.done $0x0  }
0x2e: {  	s31 =	simm.s32 $0x1480;
	[sflag:s20] =	ssyncadd.s32 $0xFFFFC000  }
0x2f: {  	[spmem:s1] =	stream.indirect.scatter.add.f32 [tilespmem:s18], [sflag:$0x3], $0x80, s31, s16, $0xb8;
	[tilespmem:$0x1E400] =	vst v63  }
0x30: {  	_ =	swait.ge [sflag:s14], $0x4000  }
0x31: {  	s26 =	simm.s32 $0x800;
	s25 =	simm.s32 $0x100;
	[sflag:s14] =	ssyncset.done $0x0  }
.LBB2_2:
0x32: {  	s28 =	sadd.s32 $0x80, s25  }
0x33: {  	[sflag:s14] =	ssyncadd.s32 $0xFFFFC000;
	s29 =	smov.u32 s26;
	s30 =	sadd.s32 $0x400, s26  }
0x34: {  	[tilespmem:s18], [sflag:$0x2] =	stream.indirect.gather [hbm4b:s4+s16], $0x80, s28, s16, $0xb8;
	[tilespmem:$0x1E400] =	vst v63  }
0x35: {  	p0 =	sne.s32 s26, $0x4800;
	_ =	swait.ge [sflag:s19], $0x4000  }
0x36: {  	[sflag:s19] =	ssyncset.done $0x0  }
0x37: {  	s26 =	sadd.s32 $0x1400, s25;
	[sflag:s19] =	ssyncadd.s32 $0xFFFFC000  }
0x38: {  	[spmem:s1] =	stream.indirect.scatter.add.f32 [tilespmem:s17], [sflag:$0x3], $0x80, s26, s16, $0xb8;
	[tilespmem:$0x1E400] =	vst v63  }
0x39: {  	_ =	swait.ge [sflag:s14], $0x4000  }
0x3a: {  	[sflag:s14] =	ssyncset.done $0x0  }
0x3b: {  	s26 =	sadd.s32 $0x100, s25;
	[sflag:s14] =	ssyncadd.s32 $0xFFFFC000  }
0x3c: {  	[tilespmem:s17], [sflag:$0x1] =	stream.indirect.gather [hbm4b:s4+s16], $0x80, s26, s16, $0xb8;
	[tilespmem:$0x1E400] =	vst v63  }
0x3d: {  	_ =	swait.ge [sflag:s20], $0x4000  }
.Ltmp0:
0x3e: {  	[sflag:s20] =	ssyncset.done $0x0;
	(pc) =	sbr.rel @p0 .LBB2_2-.Ltmp0, $4  }
0x3f: {  	s25 =	sadd.s32 $0x1480, s25;
	[sflag:s20] =	ssyncadd.s32 $0xFFFFC000  }
0x40: {  	[spmem:s1] =	stream.indirect.scatter.add.f32 [tilespmem:s18], [sflag:$0x3], $0x80, s25, s16, $0xb8;
	[tilespmem:$0x1E400] =	vst v63  }
0x41: {  	_ =	swait.ge [sflag:s14], $0x4000  }
0x42: {  	s26 =	smov.u32 s30;
	s25 =	sshra.s32 s29, $0x2;
	[sflag:s14] =	ssyncset.done $0x0  }
0x43: {  	s26 =	sadd.s32 $0x80, s25;
	[sflag:s14] =	ssyncadd.s32 $0xFFFFC000  }
0x44: {  	[tilespmem:s18], [sflag:$0x2] =	stream.indirect.gather [hbm4b:s4+s16], $0x80, s26, s16, $0xb8;
	[tilespmem:$0x1E400] =	vst v63  }
0x45: {  	_ =	swait.ge [sflag:s19], $0x4000  }
0x46: {  	[sflag:s19] =	ssyncset.done $0x0  }
0x47: {  	s29 =	sadd.s32 $0x1400, s25;
	[sflag:s19] =	ssyncadd.s32 $0xFFFFC000  }
0x48: {  	[spmem:s1] =	stream.indirect.scatter.add.f32 [tilespmem:s17], [sflag:$0x3], $0x80, s29, s16, $0xb8;
	[tilespmem:$0x1E400] =	vst v63  }
0x49: {  	_ =	swait.ge [sflag:s14], $0x4000  }
0x4a: {  	[sflag:s14] =	ssyncset.done $0x0  }
0x4b: {  	s30 =	sadd.s32 $0x100, s25;
	[sflag:s14] =	ssyncadd.s32 $0xFFFFC000  }
0x4c: {  	[tilespmem:s17], [sflag:$0x1] =	stream.indirect.gather [hbm4b:s4+s16], $0x80, s30, s16, $0xb8;
	[tilespmem:$0x1E400] =	vst v63  }
0x4d: {  	_ =	swait.ge [sflag:s20], $0x4000  }
0x4e: {  	[sflag:s20] =	ssyncset.done $0x0  }
0x4f: {  	s31 =	sadd.s32 $0x1480, s25;
	[sflag:s20] =	ssyncadd.s32 $0xFFFFC000  }
0x50: {  	[spmem:s1] =	stream.indirect.scatter.add.f32 [tilespmem:s18], [sflag:$0x3], $0x80, s31, s16, $0xb8;
	[tilespmem:$0x1E400] =	vst v63  }
0x51: {  	_ =	swait.ge [sflag:s14], $0x4000  }
0x52: {  	[sflag:s14] =	ssyncset.done $0x0  }
0x53: {  	[sflag:s14] =	ssyncadd.s32 $0xFFFFC000  }
0x54: {  	[tilespmem:s18], [sflag:$0x2] =	stream.indirect.gather [hbm4b:s4+s16], $0x80, s21, s16, $0xb8;
	[tilespmem:$0x1E400] =	vst v63  }
0x55: {  	_ =	swait.ge [sflag:s19], $0x4000  }
0x56: {  	[sflag:s19] =	ssyncset.done $0x0  }
0x57: {  	[sflag:s19] =	ssyncadd.s32 $0xFFFFC000  }
0x58: {  	[spmem:s1] =	stream.indirect.scatter.add.f32 [tilespmem:s17], [sflag:$0x3], $0x80, s22, s16, $0xb8;
	[tilespmem:$0x1E400] =	vst v63  }
0x59: {  	_ =	swait.ge [sflag:s14], $0x4000  }
0x5a: {  	[sflag:s14] =	ssyncset.done $0x0  }
0x5b: {  	[sflag:s14] =	ssyncadd.s32 $0xFFFFC000  }
0x5c: {  	_ =	swait.ge [sflag:s20], $0x4000  }
0x5d: {  	[sflag:s20] =	ssyncset.done $0x0  }
0x5e: {  	[sflag:s20] =	ssyncadd.s32 $0xFFFFC000  }
0x5f: {  	[spmem:s1] =	stream.indirect.scatter.add.f32 [tilespmem:s18], [sflag:$0x3], $0x80, s23, s16, $0xb8;
	[tilespmem:$0x1E400] =	vst v63  }
0x60: {  	_ =	swait.ge [sflag:s14], $0x4000  }
0x61: {  	[sflag:s14] =	ssyncset.done $0x0  }
0x62: {  	s26 =	simm.s32 $0x0;
	[sflag:s14] =	ssyncadd.s32 $0xFFFFC000  }
0x63: {  	[tilespmem:s26], [sflag:$0x3] =	stream.linear.gather [hbm4b:s9+s26], $0x1400, $0x38;
	[tilespmem:$0x1E400] =	vst v63  }
0x64: {  	_ =	swait.ge [sflag:s14], $0x1400  }
0x65: {  	[sflag:s14] =	ssyncset.done $0x0  }
0x66: {  	[sflag:s14] =	ssyncadd.s32 $0xFFFFEC00  }
0x67: {  	[tilespmem:s15], [sflag:$0x3] =	stream.linear.gather [hbm4b:s10+s26], $0x1400, $0x38;
	[tilespmem:$0x1E400] =	vst v63  }
0x68: {  	_ =	swait.ge [sflag:s14], $0x1400  }
0x69: {  	[sflag:s14] =	ssyncset.done $0x0  }
0x6a: {  	[sflag:s14] =	ssyncadd.s32 $0xFFFFEC00  }
0x6b: {  	[tilespmem:s17], [sflag:$0x1] =	stream.indirect.gather [hbm4b:s4+s16], $0x80, s26, s16, $0xb8;
	[tilespmem:$0x1E400] =	vst v63  }
0x6c: {  	s28 =	simm.s32 $0x80  }
0x6d: {  	[tilespmem:s18], [sflag:$0x2] =	stream.indirect.gather [hbm4b:s4+s16], $0x80, s28, s16, $0xb8;
	[tilespmem:$0x1E400] =	vst v63  }
0x6e: {  	_ =	swait.ge [sflag:s19], $0x4000  }
0x6f: {  	[sflag:s19] =	ssyncset.done $0x0  }
0x70: {  	s29 =	simm.s32 $0x1400;
	[sflag:s19] =	ssyncadd.s32 $0xFFFFC000  }
0x71: {  	[spmem:s1] =	stream.indirect.scatter.add.f32 [tilespmem:s17], [sflag:$0x3], $0x80, s29, s16, $0xb8;
	[tilespmem:$0x1E400] =	vst v63  }
0x72: {  	_ =	swait.ge [sflag:s14], $0x4000  }
0x73: {  	[sflag:s14] =	ssyncset.done $0x0  }
0x74: {  	s30 =	simm.s32 $0x100;
	[sflag:s14] =	ssyncadd.s32 $0xFFFFC000  }
0x75: {  	[tilespmem:s17], [sflag:$0x1] =	stream.indirect.gather [hbm4b:s4+s16], $0x80, s30, s16, $0xb8;
	[tilespmem:$0x1E400] =	vst v63  }
0x76: {  	_ =	swait.ge [sflag:s20], $0x4000  }
0x77: {  	[sflag:s20] =	ssyncset.done $0x0  }
0x78: {  	s31 =	simm.s32 $0x1480;
	[sflag:s20] =	ssyncadd.s32 $0xFFFFC000  }
0x79: {  	[spmem:s1] =	stream.indirect.scatter.add.f32 [tilespmem:s18], [sflag:$0x3], $0x80, s31, s16, $0xb8;
	[tilespmem:$0x1E400] =	vst v63  }
0x7a: {  	_ =	swait.ge [sflag:s14], $0x4000  }
0x7b: {  	s25 =	simm.s32 $0x100;
	s26 =	simm.s32 $0x800;
	[sflag:s14] =	ssyncset.done $0x0  }
.LBB2_4:
0x7c: {  	s28 =	sadd.s32 $0x80, s25  }
0x7d: {  	[sflag:s14] =	ssyncadd.s32 $0xFFFFC000;
	s29 =	smov.u32 s26;
	s30 =	sadd.s32 $0x400, s26  }
0x7e: {  	[tilespmem:s18], [sflag:$0x2] =	stream.indirect.gather [hbm4b:s4+s16], $0x80, s28, s16, $0xb8;
	[tilespmem:$0x1E400] =	vst v63  }
0x7f: {  	p0 =	sne.s32 s26, $0x4800;
	_ =	swait.ge [sflag:s19], $0x4000  }
0x80: {  	[sflag:s19] =	ssyncset.done $0x0  }
0x81: {  	s26 =	sadd.s32 $0x1400, s25;
	[sflag:s19] =	ssyncadd.s32 $0xFFFFC000  }
0x82: {  	[spmem:s1] =	stream.indirect.scatter.add.f32 [tilespmem:s17], [sflag:$0x3], $0x80, s26, s16, $0xb8;
	[tilespmem:$0x1E400] =	vst v63  }
0x83: {  	_ =	swait.ge [sflag:s14], $0x4000  }
0x84: {  	[sflag:s14] =	ssyncset.done $0x0  }
0x85: {  	s26 =	sadd.s32 $0x100, s25;
	[sflag:s14] =	ssyncadd.s32 $0xFFFFC000  }
0x86: {  	[tilespmem:s17], [sflag:$0x1] =	stream.indirect.gather [hbm4b:s4+s16], $0x80, s26, s16, $0xb8;
	[tilespmem:$0x1E400] =	vst v63  }
0x87: {  	_ =	swait.ge [sflag:s20], $0x4000  }
.Ltmp1:
0x88: {  	[sflag:s20] =	ssyncset.done $0x0;
	(pc) =	sbr.rel @p0 .LBB2_4-.Ltmp1, $4  }
0x89: {  	s25 =	sadd.s32 $0x1480, s25;
	[sflag:s20] =	ssyncadd.s32 $0xFFFFC000  }
0x8a: {  	[spmem:s1] =	stream.indirect.scatter.add.f32 [tilespmem:s18], [sflag:$0x3], $0x80, s25, s16, $0xb8;
	[tilespmem:$0x1E400] =	vst v63  }
0x8b: {  	_ =	swait.ge [sflag:s14], $0x4000  }
0x8c: {  	s26 =	smov.u32 s30;
	s25 =	sshra.s32 s29, $0x2;
	[sflag:s14] =	ssyncset.done $0x0  }
0x8d: {  	s26 =	sadd.s32 $0x80, s25;
	[sflag:s14] =	ssyncadd.s32 $0xFFFFC000  }
0x8e: {  	[tilespmem:s18], [sflag:$0x2] =	stream.indirect.gather [hbm4b:s4+s16], $0x80, s26, s16, $0xb8;
	[tilespmem:$0x1E400] =	vst v63  }
0x8f: {  	_ =	swait.ge [sflag:s19], $0x4000  }
0x90: {  	[sflag:s19] =	ssyncset.done $0x0  }
0x91: {  	s29 =	sadd.s32 $0x1400, s25;
	[sflag:s19] =	ssyncadd.s32 $0xFFFFC000  }
0x92: {  	[spmem:s1] =	stream.indirect.scatter.add.f32 [tilespmem:s17], [sflag:$0x3], $0x80, s29, s16, $0xb8;
	[tilespmem:$0x1E400] =	vst v63  }
0x93: {  	_ =	swait.ge [sflag:s14], $0x4000  }
0x94: {  	[sflag:s14] =	ssyncset.done $0x0  }
0x95: {  	s30 =	sadd.s32 $0x100, s25;
	[sflag:s14] =	ssyncadd.s32 $0xFFFFC000  }
0x96: {  	[tilespmem:s17], [sflag:$0x1] =	stream.indirect.gather [hbm4b:s4+s16], $0x80, s30, s16, $0xb8;
	[tilespmem:$0x1E400] =	vst v63  }
0x97: {  	_ =	swait.ge [sflag:s20], $0x4000  }
0x98: {  	[sflag:s20] =	ssyncset.done $0x0  }
0x99: {  	s31 =	sadd.s32 $0x1480, s25;
	[sflag:s20] =	ssyncadd.s32 $0xFFFFC000  }
0x9a: {  	[spmem:s1] =	stream.indirect.scatter.add.f32 [tilespmem:s18], [sflag:$0x3], $0x80, s31, s16, $0xb8;
	[tilespmem:$0x1E400] =	vst v63  }
0x9b: {  	_ =	swait.ge [sflag:s14], $0x4000  }
0x9c: {  	[sflag:s14] =	ssyncset.done $0x0  }
0x9d: {  	[sflag:s14] =	ssyncadd.s32 $0xFFFFC000  }
0x9e: {  	[tilespmem:s18], [sflag:$0x2] =	stream.indirect.gather [hbm4b:s4+s16], $0x80, s21, s16, $0xb8;
	[tilespmem:$0x1E400] =	vst v63  }
0x9f: {  	_ =	swait.ge [sflag:s19], $0x4000  }
0xa0: {  	[sflag:s19] =	ssyncset.done $0x0  }
0xa1: {  	[sflag:s19] =	ssyncadd.s32 $0xFFFFC000  }
0xa2: {  	[spmem:s1] =	stream.indirect.scatter.add.f32 [tilespmem:s17], [sflag:$0x3], $0x80, s22, s16, $0xb8;
	[tilespmem:$0x1E400] =	vst v63  }
0xa3: {  	_ =	swait.ge [sflag:s14], $0x4000  }
0xa4: {  	[sflag:s14] =	ssyncset.done $0x0  }
0xa5: {  	[sflag:s14] =	ssyncadd.s32 $0xFFFFC000  }
0xa6: {  	_ =	swait.ge [sflag:s20], $0x4000  }
0xa7: {  	[sflag:s20] =	ssyncset.done $0x0  }
0xa8: {  	[sflag:s20] =	ssyncadd.s32 $0xFFFFC000  }
0xa9: {  	[spmem:s1] =	stream.indirect.scatter.add.f32 [tilespmem:s18], [sflag:$0x3], $0x80, s23, s16, $0xb8;
	[tilespmem:$0x1E400] =	vst v63  }
0xaa: {  	_ =	swait.ge [sflag:s14], $0x4000  }
0xab: {  	s24 =	sadd.s32 $0x1, s24;
	[sflag:s14] =	ssyncset.done $0x0  }
0xac: {  	p0 =	sne.s32 s24, s12;
	[sflag:s14] =	ssyncadd.s32 $0xFFFFC000  }
.Ltmp2:
0xad: {  	[bflag:$0x0] =	sbarrier.arrive $0xFFFF;
	(pc) =	sbr.rel @p0 .LBB2_1-.Ltmp2, $4  }
0xae: {  	[hbm:s11], [sflag:s6] =	dma.local [spmem:s13], $0x2780  }
0xaf: {  	_ =	swait.ge [sflag:s14], $0x2780  }
0xb0: {  	[sflag:s14] =	ssyncset.done $0x0  }
0xb1: {  	[sflag:s14] =	ssyncadd.s32 $0xFFFFD880  }
0xb2: {  	_ =	sfence.sel $0x180000  }
0xb3: {  	[bflag:$0x0] =	sbarrier.arrive $0xFFFF  }
0xb4: {  	p0 =	sne.s32 s2, $0x0;
	_ =	strace $0x90000047  }
0xb5: {  	s0 =	sadd.s32 @!p0 $0x100000, s0;
	[bflag:$0x2] =	sbarrier.arrive $0xFFFF  }
0xb6: {  	[sflag:s0] =	ssyncadd.tile.s32 @!p0 $0x1;
	_ =	shalt  }
.Lfunc_end2:
_tile_overlayer_lowered:
.L_overlay_start_2:
0xb7: {  	(tag) =	ssettag $0x2  }
0xb8: {  	s0 =	rddreg [dreg:$0x0];
	s2 =	stileid.u32  }
0xb9: {  	s1 =	rddreg [dreg:$0x1];
	p0 =	sne.s32 s2, $0x0  }
0xba: {  	s3 =	rddreg [dreg:$0x2];
	[bflag:$0x3] =	sbarrier.arrive $0xFFFF;
	s2 =	simm.s32 @!p0 $0x1C03  }
0xbb: {  	[timem:s3], [sflag:s2] =	dma.local @!p0 [hbm:s0], s1  }
0xbc: {  	s0 =	simm.s32 @!p0 $0x3  }
0xbd: {  	_ =	swait.ge @!p0 [sflag:s0], s1  }
0xbe: {  	s1 =	ssub.s32 @!p0 $0x0, s1;
	[sflag:s0] =	ssyncset.done @!p0 $0x0  }
0xbf: {  	[sflag:s0] =	ssyncadd.s32 @!p0 s1  }
0xc0: {  	[bflag:$0x3] =	sbarrier.arrive $0xFFFF  }
0xc1: {  	_ =	shalt  }

// kernel: kernel.16.cloned.1.call-start
scs
__scs_entry_jumppad:
0x0: {  	(pc) =	sbr.rel $0x88, $3  }
0x1: {  	(tag) =	ssettag $0x0;
	lr =	simm.s32 $0x1  }
0x2: {  	[smem:$0x3F93] =	sst lr;
	_ =	strace $0xD0000000  }
0x3: {  	_ = 	snop  }
0x4: {  	_ = 	snop  }
0x5: {  	_ = 	snop  }
0x6: {  	_ = 	snop  }
0x7: {  	_ = 	snop  }
__scs_overlays_trampoline_lowered:
0x8: {  	[smem:$0x3FA2] =	sst s0  }
0x9: {  	[smem:$0x3FA3] =	sst s1  }
0xa: {  	[smem:$0x3FA4] =	sst s2  }
0xb: {  	[smem:$0x3FA5] =	sst s3  }
0xc: {  	[smem:$0x3FA6] =	sst s4  }
0xd: {  	[smem:$0x3FA7] =	sst s5  }
0xe: {  	[smem:$0x3FA8] =	sst s6  }
0xf: {  	[smem:$0x3FA9] =	sst s7  }
0x10: {  	[smem:$0x3FAA] =	sst s8  }
0x11: {  	[smem:$0x3FAB] =	sst s9;
	s0 =	simm.s32 @!p0 $0x0  }
0x12: {  	s1 =	sld [smem:$0x3F91];
	s0 =	simm.s32 @p0 $0x1  }
0x13: {  	[smem:$0x3FAC] =	sst s0;
	s0 =	simm.s32 @!p1 $0x0  }
0x14: {  	s2 =	sld [smem:$0x3F90];
	s0 =	simm.s32 @p1 $0x1  }
0x15: {  	[smem:$0x3FAD] =	sst s0;
	s0 =	simm.s32 @!p2 $0x0  }
0x16: {  	s3 =	sld [smem:$0x3FDB];
	s0 =	simm.s32 @p2 $0x1  }
0x17: {  	s4 =	simm.s32 $0x1BF5;
	[smem:$0x3FAF] =	sst s0  }
0x18: {  	s0 =	sld [smem:$0x3F92];
	_ =	swait.ge [sflag:s4], $0x0  }
0x19: {  	s7 =	sld [smem:$0x3F93]  }
0x1a: {  	s8 =	sadd.s32 $0xFFFFE003, lr  }
0x1b: {  	s9 =	sadd.s32 $0xFFFFFEF7, lr;
	s5 =	simm.s32 $0xFFFFFFFF;
	p2 =	slt.u32 s8, $0xFFFFF086  }
0x1c: {  	p1 =	slt.u32 s9, $0xF7A;
	s5 =	simm.s32 @!p2 $0x0  }
0x1d: {  	s5 =	simm.s32 @p1 $0x1;
	p0 =	seq.s32 s7, s2  }
0x1e: {  	s7 =	smul.u32 @!p0 $0xF7A, s2;
	p2 =	seq.s32 @!p0 s5, $0x0  }
0x1f: {  	s9 =	smul.u32 $0xF7A, s1;
	s8 =	simm.s32 @!p0 $0x1BF5;
	p2 =	por !p2, p0  }
0x20: {  	[sflag:s8] =	ssyncset.s32 @!p0 $0xFFFFF086;
	s6 =	sadd.s32 @!p0 s3, s7;
	s7 =	simm.s32 @!p0 $0x108  }
0x21: {  	s3 =	sadd.s32 s3, s9;
	s6 =	sadd.s32 @!p0 $0x88, s6;
	s7 =	simm.s32 @p2 $0x1082  }
0x22: {  	[simem:s7], [sflag:s8] =	dma.local @!p0 [hbm:s6], $0xF7A  }
0x23: {  	s9 =	sor.u32 $0xD0000000, s2;
	s6 =	simm.s32 $0x108;
	_ =	swait.ge @!p0 [sflag:s8], $0x0  }
0x24: {  	s3 =	sadd.s32 $0x88, s3;
	s6 =	simm.s32 @!p1 $0x1082;
	[sflag:s4] =	ssyncset.s32 $0xFFFFF086  }
0x25: {  	[simem:s6], [sflag:s4] =	dma.local [hbm:s3], $0xF7A  }
0x26: {  	[smem:$0x3F93] =	sst s1;
	(tag) =	ssettag s2;
	_ =	strace s9  }
0x27: {  	s1 =	sld [smem:$0x3FA3]  }
0x28: {  	s2 =	sld [smem:$0x3FA4]  }
0x29: {  	s4 =	sld [smem:$0x3FA6]  }
0x2a: {  	p0 =	seq.s32 s5, $0x0;
	s5 =	sld [smem:$0x3FA7]  }
0x2b: {  	s6 =	sld [smem:$0x3FA8]  }
0x2c: {  	s7 =	sld [smem:$0x3FA9]  }
0x2d: {  	s3 =	simm.s32 $0x108;
	s8 =	sld [smem:$0x3FAA]  }
0x2e: {  	s3 =	simm.s32 @!p0 $0x1082;
	s9 =	sld [smem:$0x3FAB]  }
0x2f: {  	lr =	sadd.s32 s0, s3;
	s0 =	sld [smem:$0x3FA2]  }
0x30: {  	s3 =	sld [smem:$0x3FA5]  }
0x31: {  	[smem:$0x3FAE] =	sst s10  }
0x32: {  	s10 =	sld [smem:$0x3FAC];
	_ =	sdelay $0x3  }
0x33: {  	p0 =	seq.s32 s10, $0x1;
	s10 =	sld [smem:$0x3FAE];
	_ =	sdelay $0x3  }
0x34: {  	[smem:$0x3FAE] =	sst s10  }
0x35: {  	s10 =	sld [smem:$0x3FAD];
	_ =	sdelay $0x3  }
0x36: {  	p1 =	seq.s32 s10, $0x1;
	s10 =	sld [smem:$0x3FAE];
	_ =	sdelay $0x3  }
0x37: {  	[smem:$0x3FAE] =	sst s10  }
0x38: {  	s10 =	sld [smem:$0x3FAF]  }
0x39: {  	_ = 	snop;
	(pc) =	sbr.ind lr, $3  }
0x3a: {  	_ = 	snop  }
0x3b: {  	_ = 	snop  }
0x3c: {  	p2 =	seq.s32 s10, $0x1;
	s10 =	sld [smem:$0x3FAE]  }
0x3d: {  	_ =	shalt  }
0x3e: {  	_ =	shalt  }
0x3f: {  	_ =	shalt  }
0x40: {  	_ =	shalt  }
0x41: {  	_ =	shalt  }
0x42: {  	_ =	shalt  }
0x43: {  	_ =	shalt  }
0x44: {  	_ =	shalt  }
0x45: {  	_ =	shalt  }
0x46: {  	_ =	shalt  }
0x47: {  	_ =	shalt  }
0x48: {  	_ =	shalt  }
0x49: {  	_ =	shalt  }
0x4a: {  	_ =	shalt  }
0x4b: {  	_ =	shalt  }
0x4c: {  	_ =	shalt  }
0x4d: {  	_ =	shalt  }
0x4e: {  	_ =	shalt  }
0x4f: {  	_ =	shalt  }
0x50: {  	_ =	shalt  }
0x51: {  	_ =	shalt  }
0x52: {  	_ =	shalt  }
0x53: {  	_ =	shalt  }
0x54: {  	_ =	shalt  }
0x55: {  	_ =	shalt  }
0x56: {  	_ =	shalt  }
0x57: {  	_ =	shalt  }
0x58: {  	_ =	shalt  }
0x59: {  	_ =	shalt  }
0x5a: {  	_ =	shalt  }
0x5b: {  	_ =	shalt  }
0x5c: {  	_ =	shalt  }
0x5d: {  	_ =	shalt  }
0x5e: {  	_ =	shalt  }
0x5f: {  	_ =	shalt  }
0x60: {  	_ =	shalt  }
0x61: {  	_ =	shalt  }
0x62: {  	_ =	shalt  }
0x63: {  	_ =	shalt  }
0x64: {  	_ =	shalt  }
0x65: {  	_ =	shalt  }
0x66: {  	_ =	shalt  }
0x67: {  	_ =	shalt  }
0x68: {  	_ =	shalt  }
0x69: {  	_ =	shalt  }
0x6a: {  	_ =	shalt  }
0x6b: {  	_ =	shalt  }
0x6c: {  	_ =	shalt  }
0x6d: {  	_ =	shalt  }
0x6e: {  	_ =	shalt  }
0x6f: {  	_ =	shalt  }
0x70: {  	_ =	shalt  }
0x71: {  	_ =	shalt  }
0x72: {  	_ =	shalt  }
0x73: {  	_ =	shalt  }
0x74: {  	_ =	shalt  }
0x75: {  	_ =	shalt  }
0x76: {  	_ =	shalt  }
0x77: {  	_ =	shalt  }
0x78: {  	_ =	shalt  }
0x79: {  	_ =	shalt  }
0x7a: {  	_ =	shalt  }
0x7b: {  	_ =	shalt  }
0x7c: {  	_ =	shalt  }
0x7d: {  	_ =	shalt  }
0x7e: {  	_ =	shalt  }
0x7f: {  	_ =	shalt  }
0x80: {  	_ =	shalt  }
0x81: {  	_ =	shalt  }
0x82: {  	_ =	shalt  }
0x83: {  	_ =	shalt  }
0x84: {  	_ =	shalt  }
0x85: {  	_ =	shalt  }
0x86: {  	_ =	shalt  }
0x87: {  	_ =	shalt  }
.Lfunc_end0:
.L_simem_size_0:
called_computation.1_lowered:
.L_overlay_start_0:
0x88: {  	s2 =	sld [smem:$0x3FD9]  }
0x89: {  	s3 =	sld [smem:$0x3FFE];
	_ =	sdelay $0x1  }
0x8a: {  	s1 =	srdreg.scid  }
0x8b: {  	s0 =	sand.u32 $0x1, s1  }
0x8c: {  	s14 =	sshll.u32 s0, $0xA;
	s2 =	sadd.s32 s3, s2  }
0x8d: {  	s2 =	sadd.s32 s2, s14  }
0x8e: {  	[smem:$0x3FBA] =	sst s2  }
0x8f: {  	_ = 	snop  }
0x90: {  	s2 =	sld [smem:$0x3FD0];
	_ =	sdelay $0x2  }
0x91: {  	s15 =	simm.s32 $0xA;
	s4 =	simm.s32 $0x10  }
0x92: {  	[smem:s4], [sflag:s15] =	dma.local [hbm:s2], $0x1  }
0x93: {  	_ =	swait.eq [sflag:s15], $0x1  }
0x94: {  	[sflag:s15] =	ssyncset.done $0x0  }
0x95: {  	[sflag:s15] =	ssyncadd.s32 $0xFFFFFFFF  }
0x96: {  	s16 =	sld [smem:$0x11];
	(tm) =	ssettm $0x1  }
0x97: {  	s17 =	sld [smem:$0x3FFB];
	_ =	sdelay $0x3  }
0x98: {  	_ =	strace s17  }
0x99: {  	s3 =	sld [smem:$0x3FFC];
	_ =	sdelay $0x3  }
0x9a: {  	_ =	strace s3  }
0x9b: {  	s3 =	sld [smem:$0x3FFD];
	_ =	sdelay $0x3  }
0x9c: {  	_ =	strace s3  }
0x9d: {  	_ =	strace $0x8FFFFFFF  }
0x9e: {  	s18 =	sld [smem:$0x3FDB];
	_ =	sdelay $0x1  }
0x9f: {  	s19 =	simm.s32 $_scs_section_size  }
0xa0: {  	s5 =	simm.s32 $_size__tile_overlayer_lowered;
	s6 =	simm.s32 $_tile_overlayer_lowered  }
0xa1: {  	s22 =	simm.s32 $0x1BFF;
	s21 =	sshll.u32 s6, $0x1;
	s3 =	sadd.s32 s19, s18  }
0xa2: {  	s7 =	simm.s32 $0x0;
	s20 =	sshll.u32 s5, $0x1;
	s5 =	sadd.s32 s21, s3  }
0xa3: {  	[timem:s7], [sflag:s22] =	dma.local [hbm:s5], s20  }
0xa4: {  	_ =	swait.ge [sflag:s22], s20  }
0xa5: {  	s4 =	ssub.s32 $0x0, s20;
	[sflag:s22] =	ssyncset.done $0x0  }
0xa6: {  	[sflag:s22] =	ssyncadd.s32 s4;
	_ =	sdelay $0x1  }
0xa7: {  	s23 =	simm.s32 $0x1B8B  }
0xa8: {  	_ =	swait.ge [sflag:s23], $0x1  }
0xa9: {  	[sflag:s23] =	ssyncset.done $0x0  }
0xaa: {  	s25 =	simm.s32 $0x1B8E;
	s24 =	sld [smem:$0x3FFE];
	[sflag:s23] =	ssyncadd.s32 $0xFFFFFFFF  }
0xab: {  	s26 =	simm.s32 $execute0_lowered;
	[smem:$0x3FD2] =	sst s25  }
0xac: {  	s5 =	sshll.u32 s26, $0x1;
	_ =	strace $0x80000049;
	[dreg:$0x1] =	wrdreg $0xFFFFFFFF  }
0xad: {  	s28 =	simm.s32 $_size_execute0_lowered;
	s3 =	sadd.s32 s3, s5;
	[dreg:$0x0] =	wrdreg $0x0  }
0xae: {  	s5 =	sshll.u32 s28, $0x1;
	[dreg:$0x2] =	wrdreg s3  }
0xaf: {  	[dreg:$0x3] =	wrdreg s5  }
0xb0: {  	[dreg:$0x4] =	wrdreg $0xC0  }
0xb1: {  	_ =	task [dreg:s7], $0x5FFFF  }
0xb2: {  	[dreg:$0x1] =	wrdreg $0xFFFFFFFF  }
0xb3: {  	[dreg:$0x0] =	wrdreg $0x60  }
0xb4: {  	[dreg:$0x2] =	wrdreg s24  }
0xb5: {  	[dreg:$0x3] =	wrdreg s16  }
0xb6: {  	[dreg:$0x4] =	wrdreg $0xA8000  }
0xb7: {  	[dreg:$0x5] =	wrdreg $0x9  }
0xb8: {  	_ =	task.clear_ibuf [dreg:s7], $0x6FFFF;
	_ =	strace $0x90000049  }
0xb9: {  	s29 =	simm.s32 $0x9;
	_ =	strace $0x8000004B  }
0xba: {  	_ =	swait.ge [sflag:s29], $0x1  }
0xbb: {  	[sflag:s29] =	ssyncadd.s32 $0xFFFFFFFF  }
0xbc: {  	_ =	strace $0x9000004B  }
0xbd: {  	_ =	sfence  }
0xbe: {  	s30 =	sld [smem:$0x0];
	_ =	sdelay $0x2  }
0xbf: {  	s31 =	sshll.u32 s1, $0xD;
	s1 =	sshrl.u32 s1, $0x2  }
0xc0: {  	s3 =	sand.u32 $0x4000, s31;
	s1 =	sadd.s32 s1, s30  }
0xc1: {  	s0 =	sor.u32 s3, s0;
	s1 =	sshll.u32 s1, $0x11  }
0xc2: {  	s0 =	sor.u32 s1, s0  }
0xc3: {  	s0 =	sadd.s32 $0x8F2B, s0  }
0xc4: {  	[sflag:s0] =	ssyncadd.remote.s32 $0x1  }
0xc5: {  	_ =	sfence.sel $0xFFFF  }
0xc6: {  	[dreg:$0x0] =	wrdreg $0xFFFFFFFF;
	(pc) =	sbr.abs _section_cstart, $3  }
0xc7: {  	[dreg:$0x1] =	wrdreg $0xFFFFFFFF  }
0xc8: {  	_ =	task.clear_ibuf [dreg:s7], $0x2FFFF;
	_ =	strace $0x9FFFFFFF  }
0xc9: {  	(tm) =	ssettm $0x7FFFFFFF  }
tec
execute0_lowered:
.L_overlay_start_1:
0x0: {  	(tag) =	ssettag $0x1  }
0x1: {  	s6 =	rddreg [dreg:$0x0]  }
0x2: {  	s9 =	rddreg [dreg:$0x1]  }
0x3: {  	s1 =	rddreg [dreg:$0x2]  }
0x4: {  	s0 =	rddreg [dreg:$0x3]  }
0x5: {  	s3 =	simm.s32 $0x0;
	s2 =	srdreg.scid;
	s16 =	simm.s32 $0x80  }
0x6: {  	s17 =	simm.s32 $0x2800;
	s18 =	simm.s32 $0x6800;
	s19 =	simm.s32 $0x1  }
0x7: {  	s20 =	simm.s32 $0x2;
	s21 =	simm.s32 $0x1380;
	s7 =	sand.u32 $0x1, s2  }
0x8: {  	s22 =	simm.s32 $0x2700;
	s2 =	stileid.u32;
	s8 =	smul.u32 $0x140000, s7  }
0x9: {  	s23 =	simm.s32 $0x2780;
	s24 =	simm.s32 $0x0;
	s10 =	smul.u32 $0x13C00, s2  }
0xa: {  	[smem:$0x7FF] =	sst s3;
	s4 =	sadd.s32 $0xE600, s6;
	s12 =	smul.u32 $0x28000, s7  }
0xb: {  	s11 =	sadd.s32 $0x4600, s6;
	s5 =	sadd.s32 $0xAE600, s6;
	s26 =	smul.u32 $0x2800, s2  }
0xc: {  	_ =	strace $0x8000004A;
	s7 =	ssub.s32 $0x2, s7;
	s14 =	smul.u32 $0x4F000, s2  }
0xd: {  	s30 =	sshll.u32 s2, $0x6;
	s13 =	sshrl.u32 s7, $0x1;
	s8 =	sadd.s32 s10, s8  }
0xe: {  	s13 =	ssub.s32 s7, s13;
	s28 =	sadd.s32 s26, s12;
	s29 =	sshrl.u32 s14, $0x2  }
0xf: {  	s8 =	sshrl.u32 s8, $0x3;
	s10 =	sshrl.u32 s28, $0x3;
	s14 =	sadd.s32 s29, s1  }
0x10: {  	s12 =	smax.u32 s13, $0x1;
	s15 =	sadd.s32 s8, s6;
	s6 =	sor.u32 $0x1C03, s30  }
0x11: {  	s31 =	sadd.s32 $0x280, s10;
	s7 =	sadd.s32 s9, s10;
	s8 =	sadd.s32 s11, s10  }
0x12: {  	s13 =	sshrl.u32 s14, $0x3;
	s14 =	simm.s32 $0x3;
	s9 =	sadd.s32 s9, s31  }
0x13: {  	s10 =	sadd.s32 s11, s31;
	s11 =	sadd.s32 $0xB0E00, s15;
	s15 =	simm.s32 $0x1400  }
.LBB2_1:
0x14: {  	[spmem:s13], [sflag:s6] =	dma.local [hbm:s5], $0x2780  }
0x15: {  	_ =	swait.ge [sflag:s14], $0x2780  }
0x16: {  	[sflag:s14] =	ssyncset.done $0x0  }
0x17: {  	[sflag:s14] =	ssyncadd.s32 $0xFFFFD880  }
0x18: {  	[bflag:$0x0] =	sbarrier.arrive $0xFFFF  }
0x19: {  	[tilespmem:s3], [sflag:$0x3] =	stream.linear.gather [hbm4b:s7+s3], $0x1400, $0x38;
	[tilespmem:$0x1E400] =	vst v63  }
0x1a: {  	_ =	swait.ge [sflag:s14], $0x1400  }
0x1b: {  	[sflag:s14] =	ssyncset.done $0x0  }
0x1c: {  	[sflag:s14] =	ssyncadd.s32 $0xFFFFEC00  }
0x1d: {  	[tilespmem:s15], [sflag:$0x3] =	stream.linear.gather [hbm4b:s8+s3], $0x1400, $0x38;
	[tilespmem:$0x1E400] =	vst v63  }
0x1e: {  	_ =	swait.ge [sflag:s14], $0x1400  }
0x1f: {  	[sflag:s14] =	ssyncset.done $0x0  }
0x20: {  	[sflag:s14] =	ssyncadd.s32 $0xFFFFEC00  }
0x21: {  	[tilespmem:s17], [sflag:$0x1] =	stream.indirect.gather [hbm4b:s4+s16], $0x80, s3, s16, $0xb8;
	[tilespmem:$0x1E400] =	vst v63  }
0x22: {  	s25 =	simm.s32 $0x80  }
0x23: {  	[tilespmem:s18], [sflag:$0x2] =	stream.indirect.gather [hbm4b:s4+s16], $0x80, s25, s16, $0xb8;
	[tilespmem:$0x1E400] =	vst v63  }
0x24: {  	_ =	swait.ge [sflag:s19], $0x4000  }
0x25: {  	[sflag:s19] =	ssyncset.done $0x0  }
0x26: {  	s29 =	simm.s32 $0x1400;
	[sflag:s19] =	ssyncadd.s32 $0xFFFFC000  }
0x27: {  	[spmem:s1] =	stream.indirect.scatter.add.f32 [tilespmem:s17], [sflag:$0x3], $0x80, s29, s16, $0xb8;
	[tilespmem:$0x1E400] =	vst v63  }
0x28: {  	_ =	swait.ge [sflag:s14], $0x4000  }
0x29: {  	[sflag:s14] =	ssyncset.done $0x0  }
0x2a: {  	s30 =	simm.s32 $0x100;
	[sflag:s14] =	ssyncadd.s32 $0xFFFFC000  }
0x2b: {  	[tilespmem:s17], [sflag:$0x1] =	stream.indirect.gather [hbm4b:s4+s16], $0x80, s30, s16, $0xb8;
	[tilespmem:$0x1E400] =	vst v63  }
0x2c: {  	_ =	swait.ge [sflag:s20], $0x4000  }
0x2d: {  	[sflag:s20] =	ssyncset.done $0x0  }
0x2e: {  	s31 =	simm.s32 $0x1480;
	[sflag:s20] =	ssyncadd.s32 $0xFFFFC000  }
0x2f: {  	[spmem:s1] =	stream.indirect.scatter.add.f32 [tilespmem:s18], [sflag:$0x3], $0x80, s31, s16, $0xb8;
	[tilespmem:$0x1E400] =	vst v63  }
0x30: {  	_ =	swait.ge [sflag:s14], $0x4000  }
0x31: {  	s26 =	simm.s32 $0x800;
	s25 =	simm.s32 $0x100;
	[sflag:s14] =	ssyncset.done $0x0  }
.LBB2_2:
0x32: {  	s28 =	sadd.s32 $0x80, s25  }
0x33: {  	[sflag:s14] =	ssyncadd.s32 $0xFFFFC000;
	s29 =	smov.u32 s26;
	s30 =	sadd.s32 $0x400, s26  }
0x34: {  	[tilespmem:s18], [sflag:$0x2] =	stream.indirect.gather [hbm4b:s4+s16], $0x80, s28, s16, $0xb8;
	[tilespmem:$0x1E400] =	vst v63  }
0x35: {  	p0 =	sne.s32 s26, $0x4800;
	_ =	swait.ge [sflag:s19], $0x4000  }
0x36: {  	[sflag:s19] =	ssyncset.done $0x0  }
0x37: {  	s26 =	sadd.s32 $0x1400, s25;
	[sflag:s19] =	ssyncadd.s32 $0xFFFFC000  }
0x38: {  	[spmem:s1] =	stream.indirect.scatter.add.f32 [tilespmem:s17], [sflag:$0x3], $0x80, s26, s16, $0xb8;
	[tilespmem:$0x1E400] =	vst v63  }
0x39: {  	_ =	swait.ge [sflag:s14], $0x4000  }
0x3a: {  	[sflag:s14] =	ssyncset.done $0x0  }
0x3b: {  	s26 =	sadd.s32 $0x100, s25;
	[sflag:s14] =	ssyncadd.s32 $0xFFFFC000  }
0x3c: {  	[tilespmem:s17], [sflag:$0x1] =	stream.indirect.gather [hbm4b:s4+s16], $0x80, s26, s16, $0xb8;
	[tilespmem:$0x1E400] =	vst v63  }
0x3d: {  	_ =	swait.ge [sflag:s20], $0x4000  }
.Ltmp0:
0x3e: {  	[sflag:s20] =	ssyncset.done $0x0;
	(pc) =	sbr.rel @p0 .LBB2_2-.Ltmp0, $4  }
0x3f: {  	s25 =	sadd.s32 $0x1480, s25;
	[sflag:s20] =	ssyncadd.s32 $0xFFFFC000  }
0x40: {  	[spmem:s1] =	stream.indirect.scatter.add.f32 [tilespmem:s18], [sflag:$0x3], $0x80, s25, s16, $0xb8;
	[tilespmem:$0x1E400] =	vst v63  }
0x41: {  	_ =	swait.ge [sflag:s14], $0x4000  }
0x42: {  	s26 =	smov.u32 s30;
	s25 =	sshra.s32 s29, $0x2;
	[sflag:s14] =	ssyncset.done $0x0  }
0x43: {  	s26 =	sadd.s32 $0x80, s25;
	[sflag:s14] =	ssyncadd.s32 $0xFFFFC000  }
0x44: {  	[tilespmem:s18], [sflag:$0x2] =	stream.indirect.gather [hbm4b:s4+s16], $0x80, s26, s16, $0xb8;
	[tilespmem:$0x1E400] =	vst v63  }
0x45: {  	_ =	swait.ge [sflag:s19], $0x4000  }
0x46: {  	[sflag:s19] =	ssyncset.done $0x0  }
0x47: {  	s29 =	sadd.s32 $0x1400, s25;
	[sflag:s19] =	ssyncadd.s32 $0xFFFFC000  }
0x48: {  	[spmem:s1] =	stream.indirect.scatter.add.f32 [tilespmem:s17], [sflag:$0x3], $0x80, s29, s16, $0xb8;
	[tilespmem:$0x1E400] =	vst v63  }
0x49: {  	_ =	swait.ge [sflag:s14], $0x4000  }
0x4a: {  	[sflag:s14] =	ssyncset.done $0x0  }
0x4b: {  	s30 =	sadd.s32 $0x100, s25;
	[sflag:s14] =	ssyncadd.s32 $0xFFFFC000  }
0x4c: {  	[tilespmem:s17], [sflag:$0x1] =	stream.indirect.gather [hbm4b:s4+s16], $0x80, s30, s16, $0xb8;
	[tilespmem:$0x1E400] =	vst v63  }
0x4d: {  	_ =	swait.ge [sflag:s20], $0x4000  }
0x4e: {  	[sflag:s20] =	ssyncset.done $0x0  }
0x4f: {  	s31 =	sadd.s32 $0x1480, s25;
	[sflag:s20] =	ssyncadd.s32 $0xFFFFC000  }
0x50: {  	[spmem:s1] =	stream.indirect.scatter.add.f32 [tilespmem:s18], [sflag:$0x3], $0x80, s31, s16, $0xb8;
	[tilespmem:$0x1E400] =	vst v63  }
0x51: {  	_ =	swait.ge [sflag:s14], $0x4000  }
0x52: {  	[sflag:s14] =	ssyncset.done $0x0  }
0x53: {  	[sflag:s14] =	ssyncadd.s32 $0xFFFFC000  }
0x54: {  	[tilespmem:s18], [sflag:$0x2] =	stream.indirect.gather [hbm4b:s4+s16], $0x80, s21, s16, $0xb8;
	[tilespmem:$0x1E400] =	vst v63  }
0x55: {  	_ =	swait.ge [sflag:s19], $0x4000  }
0x56: {  	[sflag:s19] =	ssyncset.done $0x0  }
0x57: {  	[sflag:s19] =	ssyncadd.s32 $0xFFFFC000  }
0x58: {  	[spmem:s1] =	stream.indirect.scatter.add.f32 [tilespmem:s17], [sflag:$0x3], $0x80, s22, s16, $0xb8;
	[tilespmem:$0x1E400] =	vst v63  }
0x59: {  	_ =	swait.ge [sflag:s14], $0x4000  }
0x5a: {  	[sflag:s14] =	ssyncset.done $0x0  }
0x5b: {  	[sflag:s14] =	ssyncadd.s32 $0xFFFFC000  }
0x5c: {  	_ =	swait.ge [sflag:s20], $0x4000  }
0x5d: {  	[sflag:s20] =	ssyncset.done $0x0  }
0x5e: {  	[sflag:s20] =	ssyncadd.s32 $0xFFFFC000  }
0x5f: {  	[spmem:s1] =	stream.indirect.scatter.add.f32 [tilespmem:s18], [sflag:$0x3], $0x80, s23, s16, $0xb8;
	[tilespmem:$0x1E400] =	vst v63  }
0x60: {  	_ =	swait.ge [sflag:s14], $0x4000  }
0x61: {  	[sflag:s14] =	ssyncset.done $0x0  }
0x62: {  	s26 =	simm.s32 $0x0;
	[sflag:s14] =	ssyncadd.s32 $0xFFFFC000  }
0x63: {  	[tilespmem:s26], [sflag:$0x3] =	stream.linear.gather [hbm4b:s9+s26], $0x1400, $0x38;
	[tilespmem:$0x1E400] =	vst v63  }
0x64: {  	_ =	swait.ge [sflag:s14], $0x1400  }
0x65: {  	[sflag:s14] =	ssyncset.done $0x0  }
0x66: {  	[sflag:s14] =	ssyncadd.s32 $0xFFFFEC00  }
0x67: {  	[tilespmem:s15], [sflag:$0x3] =	stream.linear.gather [hbm4b:s10+s26], $0x1400, $0x38;
	[tilespmem:$0x1E400] =	vst v63  }
0x68: {  	_ =	swait.ge [sflag:s14], $0x1400  }
0x69: {  	[sflag:s14] =	ssyncset.done $0x0  }
0x6a: {  	[sflag:s14] =	ssyncadd.s32 $0xFFFFEC00  }
0x6b: {  	[tilespmem:s17], [sflag:$0x1] =	stream.indirect.gather [hbm4b:s4+s16], $0x80, s26, s16, $0xb8;
	[tilespmem:$0x1E400] =	vst v63  }
0x6c: {  	s28 =	simm.s32 $0x80  }
0x6d: {  	[tilespmem:s18], [sflag:$0x2] =	stream.indirect.gather [hbm4b:s4+s16], $0x80, s28, s16, $0xb8;
	[tilespmem:$0x1E400] =	vst v63  }
0x6e: {  	_ =	swait.ge [sflag:s19], $0x4000  }
0x6f: {  	[sflag:s19] =	ssyncset.done $0x0  }
0x70: {  	s29 =	simm.s32 $0x1400;
	[sflag:s19] =	ssyncadd.s32 $0xFFFFC000  }
0x71: {  	[spmem:s1] =	stream.indirect.scatter.add.f32 [tilespmem:s17], [sflag:$0x3], $0x80, s29, s16, $0xb8;
	[tilespmem:$0x1E400] =	vst v63  }
0x72: {  	_ =	swait.ge [sflag:s14], $0x4000  }
0x73: {  	[sflag:s14] =	ssyncset.done $0x0  }
0x74: {  	s30 =	simm.s32 $0x100;
	[sflag:s14] =	ssyncadd.s32 $0xFFFFC000  }
0x75: {  	[tilespmem:s17], [sflag:$0x1] =	stream.indirect.gather [hbm4b:s4+s16], $0x80, s30, s16, $0xb8;
	[tilespmem:$0x1E400] =	vst v63  }
0x76: {  	_ =	swait.ge [sflag:s20], $0x4000  }
0x77: {  	[sflag:s20] =	ssyncset.done $0x0  }
0x78: {  	s31 =	simm.s32 $0x1480;
	[sflag:s20] =	ssyncadd.s32 $0xFFFFC000  }
0x79: {  	[spmem:s1] =	stream.indirect.scatter.add.f32 [tilespmem:s18], [sflag:$0x3], $0x80, s31, s16, $0xb8;
	[tilespmem:$0x1E400] =	vst v63  }
0x7a: {  	_ =	swait.ge [sflag:s14], $0x4000  }
0x7b: {  	s25 =	simm.s32 $0x100;
	s26 =	simm.s32 $0x800;
	[sflag:s14] =	ssyncset.done $0x0  }
.LBB2_4:
0x7c: {  	s28 =	sadd.s32 $0x80, s25  }
0x7d: {  	[sflag:s14] =	ssyncadd.s32 $0xFFFFC000;
	s29 =	smov.u32 s26;
	s30 =	sadd.s32 $0x400, s26  }
0x7e: {  	[tilespmem:s18], [sflag:$0x2] =	stream.indirect.gather [hbm4b:s4+s16], $0x80, s28, s16, $0xb8;
	[tilespmem:$0x1E400] =	vst v63  }
0x7f: {  	p0 =	sne.s32 s26, $0x4800;
	_ =	swait.ge [sflag:s19], $0x4000  }
0x80: {  	[sflag:s19] =	ssyncset.done $0x0  }
0x81: {  	s26 =	sadd.s32 $0x1400, s25;
	[sflag:s19] =	ssyncadd.s32 $0xFFFFC000  }
0x82: {  	[spmem:s1] =	stream.indirect.scatter.add.f32 [tilespmem:s17], [sflag:$0x3], $0x80, s26, s16, $0xb8;
	[tilespmem:$0x1E400] =	vst v63  }
0x83: {  	_ =	swait.ge [sflag:s14], $0x4000  }
0x84: {  	[sflag:s14] =	ssyncset.done $0x0  }
0x85: {  	s26 =	sadd.s32 $0x100, s25;
	[sflag:s14] =	ssyncadd.s32 $0xFFFFC000  }
0x86: {  	[tilespmem:s17], [sflag:$0x1] =	stream.indirect.gather [hbm4b:s4+s16], $0x80, s26, s16, $0xb8;
	[tilespmem:$0x1E400] =	vst v63  }
0x87: {  	_ =	swait.ge [sflag:s20], $0x4000  }
.Ltmp1:
0x88: {  	[sflag:s20] =	ssyncset.done $0x0;
	(pc) =	sbr.rel @p0 .LBB2_4-.Ltmp1, $4  }
0x89: {  	s25 =	sadd.s32 $0x1480, s25;
	[sflag:s20] =	ssyncadd.s32 $0xFFFFC000  }
0x8a: {  	[spmem:s1] =	stream.indirect.scatter.add.f32 [tilespmem:s18], [sflag:$0x3], $0x80, s25, s16, $0xb8;
	[tilespmem:$0x1E400] =	vst v63  }
0x8b: {  	_ =	swait.ge [sflag:s14], $0x4000  }
0x8c: {  	s26 =	smov.u32 s30;
	s25 =	sshra.s32 s29, $0x2;
	[sflag:s14] =	ssyncset.done $0x0  }
0x8d: {  	s26 =	sadd.s32 $0x80, s25;
	[sflag:s14] =	ssyncadd.s32 $0xFFFFC000  }
0x8e: {  	[tilespmem:s18], [sflag:$0x2] =	stream.indirect.gather [hbm4b:s4+s16], $0x80, s26, s16, $0xb8;
	[tilespmem:$0x1E400] =	vst v63  }
0x8f: {  	_ =	swait.ge [sflag:s19], $0x4000  }
0x90: {  	[sflag:s19] =	ssyncset.done $0x0  }
0x91: {  	s29 =	sadd.s32 $0x1400, s25;
	[sflag:s19] =	ssyncadd.s32 $0xFFFFC000  }
0x92: {  	[spmem:s1] =	stream.indirect.scatter.add.f32 [tilespmem:s17], [sflag:$0x3], $0x80, s29, s16, $0xb8;
	[tilespmem:$0x1E400] =	vst v63  }
0x93: {  	_ =	swait.ge [sflag:s14], $0x4000  }
0x94: {  	[sflag:s14] =	ssyncset.done $0x0  }
0x95: {  	s30 =	sadd.s32 $0x100, s25;
	[sflag:s14] =	ssyncadd.s32 $0xFFFFC000  }
0x96: {  	[tilespmem:s17], [sflag:$0x1] =	stream.indirect.gather [hbm4b:s4+s16], $0x80, s30, s16, $0xb8;
	[tilespmem:$0x1E400] =	vst v63  }
0x97: {  	_ =	swait.ge [sflag:s20], $0x4000  }
0x98: {  	[sflag:s20] =	ssyncset.done $0x0  }
0x99: {  	s31 =	sadd.s32 $0x1480, s25;
	[sflag:s20] =	ssyncadd.s32 $0xFFFFC000  }
0x9a: {  	[spmem:s1] =	stream.indirect.scatter.add.f32 [tilespmem:s18], [sflag:$0x3], $0x80, s31, s16, $0xb8;
	[tilespmem:$0x1E400] =	vst v63  }
0x9b: {  	_ =	swait.ge [sflag:s14], $0x4000  }
0x9c: {  	[sflag:s14] =	ssyncset.done $0x0  }
0x9d: {  	[sflag:s14] =	ssyncadd.s32 $0xFFFFC000  }
0x9e: {  	[tilespmem:s18], [sflag:$0x2] =	stream.indirect.gather [hbm4b:s4+s16], $0x80, s21, s16, $0xb8;
	[tilespmem:$0x1E400] =	vst v63  }
0x9f: {  	_ =	swait.ge [sflag:s19], $0x4000  }
0xa0: {  	[sflag:s19] =	ssyncset.done $0x0  }
0xa1: {  	[sflag:s19] =	ssyncadd.s32 $0xFFFFC000  }
0xa2: {  	[spmem:s1] =	stream.indirect.scatter.add.f32 [tilespmem:s17], [sflag:$0x3], $0x80, s22, s16, $0xb8;
	[tilespmem:$0x1E400] =	vst v63  }
0xa3: {  	_ =	swait.ge [sflag:s14], $0x4000  }
0xa4: {  	[sflag:s14] =	ssyncset.done $0x0  }
0xa5: {  	[sflag:s14] =	ssyncadd.s32 $0xFFFFC000  }
0xa6: {  	_ =	swait.ge [sflag:s20], $0x4000  }
0xa7: {  	[sflag:s20] =	ssyncset.done $0x0  }
0xa8: {  	[sflag:s20] =	ssyncadd.s32 $0xFFFFC000  }
0xa9: {  	[spmem:s1] =	stream.indirect.scatter.add.f32 [tilespmem:s18], [sflag:$0x3], $0x80, s23, s16, $0xb8;
	[tilespmem:$0x1E400] =	vst v63  }
0xaa: {  	_ =	swait.ge [sflag:s14], $0x4000  }
0xab: {  	s24 =	sadd.s32 $0x1, s24;
	[sflag:s14] =	ssyncset.done $0x0  }
0xac: {  	p0 =	sne.s32 s24, s12;
	[sflag:s14] =	ssyncadd.s32 $0xFFFFC000  }
.Ltmp2:
0xad: {  	[bflag:$0x0] =	sbarrier.arrive $0xFFFF;
	(pc) =	sbr.rel @p0 .LBB2_1-.Ltmp2, $4  }
0xae: {  	[hbm:s11], [sflag:s6] =	dma.local [spmem:s13], $0x2780  }
0xaf: {  	_ =	swait.ge [sflag:s14], $0x2780  }
0xb0: {  	[sflag:s14] =	ssyncset.done $0x0  }
0xb1: {  	[sflag:s14] =	ssyncadd.s32 $0xFFFFD880  }
0xb2: {  	_ =	sfence.sel $0x180000  }
0xb3: {  	[bflag:$0x0] =	sbarrier.arrive $0xFFFF  }
0xb4: {  	p0 =	sne.s32 s2, $0x0;
	_ =	strace $0x9000004A  }
0xb5: {  	s0 =	sadd.s32 @!p0 $0x100000, s0;
	[bflag:$0x2] =	sbarrier.arrive $0xFFFF  }
0xb6: {  	[sflag:s0] =	ssyncadd.tile.s32 @!p0 $0x1;
	_ =	shalt  }
.Lfunc_end2:
_tile_overlayer_lowered:
.L_overlay_start_2:
0xb7: {  	(tag) =	ssettag $0x2  }
0xb8: {  	s0 =	rddreg [dreg:$0x0];
	s2 =	stileid.u32  }
0xb9: {  	s1 =	rddreg [dreg:$0x1];
	p0 =	sne.s32 s2, $0x0  }
0xba: {  	s3 =	rddreg [dreg:$0x2];
	[bflag:$0x3] =	sbarrier.arrive $0xFFFF;
	s2 =	simm.s32 @!p0 $0x1C03  }
0xbb: {  	[timem:s3], [sflag:s2] =	dma.local @!p0 [hbm:s0], s1  }
0xbc: {  	s0 =	simm.s32 @!p0 $0x3  }
0xbd: {  	_ =	swait.ge @!p0 [sflag:s0], s1  }
0xbe: {  	s1 =	ssub.s32 @!p0 $0x0, s1;
	[sflag:s0] =	ssyncset.done @!p0 $0x0  }
0xbf: {  	[sflag:s0] =	ssyncadd.s32 @!p0 s1  }
0xc0: {  	[bflag:$0x3] =	sbarrier.arrive $0xFFFF  }
0xc1: {  	_ =	shalt  }

// kernel: kernel.19.cloned.1.call-start
scs
__scs_entry_jumppad:
0x0: {  	(pc) =	sbr.rel $0x88, $3  }
0x1: {  	(tag) =	ssettag $0x0;
	lr =	simm.s32 $0x1  }
0x2: {  	[smem:$0x3F93] =	sst lr;
	_ =	strace $0xD0000000  }
0x3: {  	_ = 	snop  }
0x4: {  	_ = 	snop  }
0x5: {  	_ = 	snop  }
0x6: {  	_ = 	snop  }
0x7: {  	_ = 	snop  }
__scs_overlays_trampoline_lowered:
0x8: {  	[smem:$0x3FA2] =	sst s0  }
0x9: {  	[smem:$0x3FA3] =	sst s1  }
0xa: {  	[smem:$0x3FA4] =	sst s2  }
0xb: {  	[smem:$0x3FA5] =	sst s3  }
0xc: {  	[smem:$0x3FA6] =	sst s4  }
0xd: {  	[smem:$0x3FA7] =	sst s5  }
0xe: {  	[smem:$0x3FA8] =	sst s6  }
0xf: {  	[smem:$0x3FA9] =	sst s7  }
0x10: {  	[smem:$0x3FAA] =	sst s8  }
0x11: {  	[smem:$0x3FAB] =	sst s9;
	s0 =	simm.s32 @!p0 $0x0  }
0x12: {  	s1 =	sld [smem:$0x3F91];
	s0 =	simm.s32 @p0 $0x1  }
0x13: {  	[smem:$0x3FAC] =	sst s0;
	s0 =	simm.s32 @!p1 $0x0  }
0x14: {  	s2 =	sld [smem:$0x3F90];
	s0 =	simm.s32 @p1 $0x1  }
0x15: {  	[smem:$0x3FAD] =	sst s0;
	s0 =	simm.s32 @!p2 $0x0  }
0x16: {  	s3 =	sld [smem:$0x3FDB];
	s0 =	simm.s32 @p2 $0x1  }
0x17: {  	s4 =	simm.s32 $0x1BF5;
	[smem:$0x3FAF] =	sst s0  }
0x18: {  	s0 =	sld [smem:$0x3F92];
	_ =	swait.ge [sflag:s4], $0x0  }
0x19: {  	s7 =	sld [smem:$0x3F93]  }
0x1a: {  	s8 =	sadd.s32 $0xFFFFE003, lr  }
0x1b: {  	s9 =	sadd.s32 $0xFFFFFEF7, lr;
	s5 =	simm.s32 $0xFFFFFFFF;
	p2 =	slt.u32 s8, $0xFFFFF086  }
0x1c: {  	p1 =	slt.u32 s9, $0xF7A;
	s5 =	simm.s32 @!p2 $0x0  }
0x1d: {  	s5 =	simm.s32 @p1 $0x1;
	p0 =	seq.s32 s7, s2  }
0x1e: {  	s7 =	smul.u32 @!p0 $0xF7A, s2;
	p2 =	seq.s32 @!p0 s5, $0x0  }
0x1f: {  	s9 =	smul.u32 $0xF7A, s1;
	s8 =	simm.s32 @!p0 $0x1BF5;
	p2 =	por !p2, p0  }
0x20: {  	[sflag:s8] =	ssyncset.s32 @!p0 $0xFFFFF086;
	s6 =	sadd.s32 @!p0 s3, s7;
	s7 =	simm.s32 @!p0 $0x108  }
0x21: {  	s3 =	sadd.s32 s3, s9;
	s6 =	sadd.s32 @!p0 $0x88, s6;
	s7 =	simm.s32 @p2 $0x1082  }
0x22: {  	[simem:s7], [sflag:s8] =	dma.local @!p0 [hbm:s6], $0xF7A  }
0x23: {  	s9 =	sor.u32 $0xD0000000, s2;
	s6 =	simm.s32 $0x108;
	_ =	swait.ge @!p0 [sflag:s8], $0x0  }
0x24: {  	s3 =	sadd.s32 $0x88, s3;
	s6 =	simm.s32 @!p1 $0x1082;
	[sflag:s4] =	ssyncset.s32 $0xFFFFF086  }
0x25: {  	[simem:s6], [sflag:s4] =	dma.local [hbm:s3], $0xF7A  }
0x26: {  	[smem:$0x3F93] =	sst s1;
	(tag) =	ssettag s2;
	_ =	strace s9  }
0x27: {  	s1 =	sld [smem:$0x3FA3]  }
0x28: {  	s2 =	sld [smem:$0x3FA4]  }
0x29: {  	s4 =	sld [smem:$0x3FA6]  }
0x2a: {  	p0 =	seq.s32 s5, $0x0;
	s5 =	sld [smem:$0x3FA7]  }
0x2b: {  	s6 =	sld [smem:$0x3FA8]  }
0x2c: {  	s7 =	sld [smem:$0x3FA9]  }
0x2d: {  	s3 =	simm.s32 $0x108;
	s8 =	sld [smem:$0x3FAA]  }
0x2e: {  	s3 =	simm.s32 @!p0 $0x1082;
	s9 =	sld [smem:$0x3FAB]  }
0x2f: {  	lr =	sadd.s32 s0, s3;
	s0 =	sld [smem:$0x3FA2]  }
0x30: {  	s3 =	sld [smem:$0x3FA5]  }
0x31: {  	[smem:$0x3FAE] =	sst s10  }
0x32: {  	s10 =	sld [smem:$0x3FAC];
	_ =	sdelay $0x3  }
0x33: {  	p0 =	seq.s32 s10, $0x1;
	s10 =	sld [smem:$0x3FAE];
	_ =	sdelay $0x3  }
0x34: {  	[smem:$0x3FAE] =	sst s10  }
0x35: {  	s10 =	sld [smem:$0x3FAD];
	_ =	sdelay $0x3  }
0x36: {  	p1 =	seq.s32 s10, $0x1;
	s10 =	sld [smem:$0x3FAE];
	_ =	sdelay $0x3  }
0x37: {  	[smem:$0x3FAE] =	sst s10  }
0x38: {  	s10 =	sld [smem:$0x3FAF]  }
0x39: {  	_ = 	snop;
	(pc) =	sbr.ind lr, $3  }
0x3a: {  	_ = 	snop  }
0x3b: {  	_ = 	snop  }
0x3c: {  	p2 =	seq.s32 s10, $0x1;
	s10 =	sld [smem:$0x3FAE]  }
0x3d: {  	_ =	shalt  }
0x3e: {  	_ =	shalt  }
0x3f: {  	_ =	shalt  }
0x40: {  	_ =	shalt  }
0x41: {  	_ =	shalt  }
0x42: {  	_ =	shalt  }
0x43: {  	_ =	shalt  }
0x44: {  	_ =	shalt  }
0x45: {  	_ =	shalt  }
0x46: {  	_ =	shalt  }
0x47: {  	_ =	shalt  }
0x48: {  	_ =	shalt  }
0x49: {  	_ =	shalt  }
0x4a: {  	_ =	shalt  }
0x4b: {  	_ =	shalt  }
0x4c: {  	_ =	shalt  }
0x4d: {  	_ =	shalt  }
0x4e: {  	_ =	shalt  }
0x4f: {  	_ =	shalt  }
0x50: {  	_ =	shalt  }
0x51: {  	_ =	shalt  }
0x52: {  	_ =	shalt  }
0x53: {  	_ =	shalt  }
0x54: {  	_ =	shalt  }
0x55: {  	_ =	shalt  }
0x56: {  	_ =	shalt  }
0x57: {  	_ =	shalt  }
0x58: {  	_ =	shalt  }
0x59: {  	_ =	shalt  }
0x5a: {  	_ =	shalt  }
0x5b: {  	_ =	shalt  }
0x5c: {  	_ =	shalt  }
0x5d: {  	_ =	shalt  }
0x5e: {  	_ =	shalt  }
0x5f: {  	_ =	shalt  }
0x60: {  	_ =	shalt  }
0x61: {  	_ =	shalt  }
0x62: {  	_ =	shalt  }
0x63: {  	_ =	shalt  }
0x64: {  	_ =	shalt  }
0x65: {  	_ =	shalt  }
0x66: {  	_ =	shalt  }
0x67: {  	_ =	shalt  }
0x68: {  	_ =	shalt  }
0x69: {  	_ =	shalt  }
0x6a: {  	_ =	shalt  }
0x6b: {  	_ =	shalt  }
0x6c: {  	_ =	shalt  }
0x6d: {  	_ =	shalt  }
0x6e: {  	_ =	shalt  }
0x6f: {  	_ =	shalt  }
0x70: {  	_ =	shalt  }
0x71: {  	_ =	shalt  }
0x72: {  	_ =	shalt  }
0x73: {  	_ =	shalt  }
0x74: {  	_ =	shalt  }
0x75: {  	_ =	shalt  }
0x76: {  	_ =	shalt  }
0x77: {  	_ =	shalt  }
0x78: {  	_ =	shalt  }
0x79: {  	_ =	shalt  }
0x7a: {  	_ =	shalt  }
0x7b: {  	_ =	shalt  }
0x7c: {  	_ =	shalt  }
0x7d: {  	_ =	shalt  }
0x7e: {  	_ =	shalt  }
0x7f: {  	_ =	shalt  }
0x80: {  	_ =	shalt  }
0x81: {  	_ =	shalt  }
0x82: {  	_ =	shalt  }
0x83: {  	_ =	shalt  }
0x84: {  	_ =	shalt  }
0x85: {  	_ =	shalt  }
0x86: {  	_ =	shalt  }
0x87: {  	_ =	shalt  }
.Lfunc_end0:
.L_simem_size_0:
called_computation.2_lowered:
.L_overlay_start_0:
0x88: {  	s2 =	sld [smem:$0x3FD9]  }
0x89: {  	s3 =	sld [smem:$0x3FFE];
	_ =	sdelay $0x1  }
0x8a: {  	s1 =	srdreg.scid  }
0x8b: {  	s0 =	sand.u32 $0x1, s1  }
0x8c: {  	s14 =	sshll.u32 s0, $0xA;
	s2 =	sadd.s32 s3, s2  }
0x8d: {  	s2 =	sadd.s32 s2, s14  }
0x8e: {  	[smem:$0x3FBA] =	sst s2  }
0x8f: {  	_ = 	snop  }
0x90: {  	s2 =	sld [smem:$0x3FD0];
	_ =	sdelay $0x2  }
0x91: {  	s15 =	simm.s32 $0xA;
	s4 =	simm.s32 $0x10  }
0x92: {  	[smem:s4], [sflag:s15] =	dma.local [hbm:s2], $0x1  }
0x93: {  	_ =	swait.eq [sflag:s15], $0x1  }
0x94: {  	[sflag:s15] =	ssyncset.done $0x0  }
0x95: {  	[sflag:s15] =	ssyncadd.s32 $0xFFFFFFFF  }
0x96: {  	s16 =	sld [smem:$0x11];
	(tm) =	ssettm $0x1  }
0x97: {  	s17 =	sld [smem:$0x3FFB];
	_ =	sdelay $0x3  }
0x98: {  	_ =	strace s17  }
0x99: {  	s3 =	sld [smem:$0x3FFC];
	_ =	sdelay $0x3  }
0x9a: {  	_ =	strace s3  }
0x9b: {  	s3 =	sld [smem:$0x3FFD];
	_ =	sdelay $0x3  }
0x9c: {  	_ =	strace s3  }
0x9d: {  	_ =	strace $0x8FFFFFFF  }
0x9e: {  	s18 =	sld [smem:$0x3FDB];
	_ =	sdelay $0x1  }
0x9f: {  	s19 =	simm.s32 $_scs_section_size  }
0xa0: {  	s5 =	simm.s32 $_size__tile_overlayer_lowered;
	s6 =	simm.s32 $_tile_overlayer_lowered  }
0xa1: {  	s22 =	simm.s32 $0x1BFF;
	s21 =	sshll.u32 s6, $0x1;
	s3 =	sadd.s32 s19, s18  }
0xa2: {  	s7 =	simm.s32 $0x0;
	s20 =	sshll.u32 s5, $0x1;
	s5 =	sadd.s32 s21, s3  }
0xa3: {  	[timem:s7], [sflag:s22] =	dma.local [hbm:s5], s20  }
0xa4: {  	_ =	swait.ge [sflag:s22], s20  }
0xa5: {  	s4 =	ssub.s32 $0x0, s20;
	[sflag:s22] =	ssyncset.done $0x0  }
0xa6: {  	[sflag:s22] =	ssyncadd.s32 s4;
	_ =	sdelay $0x1  }
0xa7: {  	s23 =	simm.s32 $0x1B8B  }
0xa8: {  	_ =	swait.ge [sflag:s23], $0x1  }
0xa9: {  	[sflag:s23] =	ssyncset.done $0x0  }
0xaa: {  	s25 =	simm.s32 $0x1B8E;
	s24 =	sld [smem:$0x3FFE];
	[sflag:s23] =	ssyncadd.s32 $0xFFFFFFFF  }
0xab: {  	s26 =	simm.s32 $execute0_lowered;
	[smem:$0x3FD2] =	sst s25  }
0xac: {  	s5 =	sshll.u32 s26, $0x1;
	_ =	strace $0x8000004C;
	[dreg:$0x1] =	wrdreg $0xFFFFFFFF  }
0xad: {  	s28 =	simm.s32 $_size_execute0_lowered;
	s3 =	sadd.s32 s3, s5;
	[dreg:$0x0] =	wrdreg $0x0  }
0xae: {  	s5 =	sshll.u32 s28, $0x1;
	[dreg:$0x2] =	wrdreg s3  }
0xaf: {  	[dreg:$0x3] =	wrdreg s5  }
0xb0: {  	[dreg:$0x4] =	wrdreg $0xC0  }
0xb1: {  	_ =	task [dreg:s7], $0x5FFFF  }
0xb2: {  	[dreg:$0x1] =	wrdreg $0xFFFFFFFF  }
0xb3: {  	[dreg:$0x0] =	wrdreg $0x60  }
0xb4: {  	[dreg:$0x2] =	wrdreg s24  }
0xb5: {  	[dreg:$0x3] =	wrdreg s16  }
0xb6: {  	[dreg:$0x4] =	wrdreg $0xA8000  }
0xb7: {  	[dreg:$0x5] =	wrdreg $0x9  }
0xb8: {  	_ =	task.clear_ibuf [dreg:s7], $0x6FFFF;
	_ =	strace $0x9000004C  }
0xb9: {  	s29 =	simm.s32 $0x9;
	_ =	strace $0x8000004E  }
0xba: {  	_ =	swait.ge [sflag:s29], $0x1  }
0xbb: {  	[sflag:s29] =	ssyncadd.s32 $0xFFFFFFFF  }
0xbc: {  	_ =	strace $0x9000004E  }
0xbd: {  	_ =	sfence  }
0xbe: {  	s30 =	sld [smem:$0x0];
	_ =	sdelay $0x2  }
0xbf: {  	s31 =	sshll.u32 s1, $0xD;
	s1 =	sshrl.u32 s1, $0x2  }
0xc0: {  	s3 =	sand.u32 $0x4000, s31;
	s1 =	sadd.s32 s1, s30  }
0xc1: {  	s0 =	sor.u32 s3, s0;
	s1 =	sshll.u32 s1, $0x11  }
0xc2: {  	s0 =	sor.u32 s1, s0  }
0xc3: {  	s0 =	sadd.s32 $0x8F2B, s0  }
0xc4: {  	[sflag:s0] =	ssyncadd.remote.s32 $0x1  }
0xc5: {  	_ =	sfence.sel $0xFFFF  }
0xc6: {  	[dreg:$0x0] =	wrdreg $0xFFFFFFFF;
	(pc) =	sbr.abs _section_cstart, $3  }
0xc7: {  	[dreg:$0x1] =	wrdreg $0xFFFFFFFF  }
0xc8: {  	_ =	task.clear_ibuf [dreg:s7], $0x2FFFF;
	_ =	strace $0x9FFFFFFF  }
0xc9: {  	(tm) =	ssettm $0x7FFFFFFF  }
tec
execute0_lowered:
.L_overlay_start_1:
0x0: {  	(tag) =	ssettag $0x1  }
0x1: {  	s6 =	rddreg [dreg:$0x0]  }
0x2: {  	s9 =	rddreg [dreg:$0x1]  }
0x3: {  	s1 =	rddreg [dreg:$0x2]  }
0x4: {  	s0 =	rddreg [dreg:$0x3]  }
0x5: {  	s3 =	simm.s32 $0x0;
	s2 =	srdreg.scid;
	s16 =	simm.s32 $0x80  }
0x6: {  	s17 =	simm.s32 $0x2800;
	s18 =	simm.s32 $0x6800;
	s19 =	simm.s32 $0x1  }
0x7: {  	s20 =	simm.s32 $0x2;
	s21 =	simm.s32 $0x1380;
	s7 =	sand.u32 $0x1, s2  }
0x8: {  	s22 =	simm.s32 $0x2700;
	s2 =	stileid.u32;
	s8 =	smul.u32 $0x140000, s7  }
0x9: {  	s23 =	simm.s32 $0x2780;
	s24 =	simm.s32 $0x0;
	s10 =	smul.u32 $0x13C00, s2  }
0xa: {  	[smem:$0x7FF] =	sst s3;
	s4 =	sadd.s32 $0xE600, s6;
	s12 =	smul.u32 $0x28000, s7  }
0xb: {  	s11 =	sadd.s32 $0x4600, s6;
	s5 =	sadd.s32 $0xAE600, s6;
	s26 =	smul.u32 $0x2800, s2  }
0xc: {  	_ =	strace $0x8000004D;
	s7 =	ssub.s32 $0x2, s7;
	s14 =	smul.u32 $0x4F000, s2  }
0xd: {  	s30 =	sshll.u32 s2, $0x6;
	s13 =	sshrl.u32 s7, $0x1;
	s8 =	sadd.s32 s10, s8  }
0xe: {  	s13 =	ssub.s32 s7, s13;
	s28 =	sadd.s32 s26, s12;
	s29 =	sshrl.u32 s14, $0x2  }
0xf: {  	s8 =	sshrl.u32 s8, $0x3;
	s10 =	sshrl.u32 s28, $0x3;
	s14 =	sadd.s32 s29, s1  }
0x10: {  	s12 =	smax.u32 s13, $0x1;
	s15 =	sadd.s32 s8, s6;
	s6 =	sor.u32 $0x1C03, s30  }
0x11: {  	s31 =	sadd.s32 $0x280, s10;
	s7 =	sadd.s32 s9, s10;
	s8 =	sadd.s32 s11, s10  }
0x12: {  	s13 =	sshrl.u32 s14, $0x3;
	s14 =	simm.s32 $0x3;
	s9 =	sadd.s32 s9, s31  }
0x13: {  	s10 =	sadd.s32 s11, s31;
	s11 =	sadd.s32 $0xB0E00, s15;
	s15 =	simm.s32 $0x1400  }
.LBB2_1:
0x14: {  	[spmem:s13], [sflag:s6] =	dma.local [hbm:s5], $0x2780  }
0x15: {  	_ =	swait.ge [sflag:s14], $0x2780  }
0x16: {  	[sflag:s14] =	ssyncset.done $0x0  }
0x17: {  	[sflag:s14] =	ssyncadd.s32 $0xFFFFD880  }
0x18: {  	[bflag:$0x0] =	sbarrier.arrive $0xFFFF  }
0x19: {  	[tilespmem:s3], [sflag:$0x3] =	stream.linear.gather [hbm4b:s7+s3], $0x1400, $0x38;
	[tilespmem:$0x1E400] =	vst v63  }
0x1a: {  	_ =	swait.ge [sflag:s14], $0x1400  }
0x1b: {  	[sflag:s14] =	ssyncset.done $0x0  }
0x1c: {  	[sflag:s14] =	ssyncadd.s32 $0xFFFFEC00  }
0x1d: {  	[tilespmem:s15], [sflag:$0x3] =	stream.linear.gather [hbm4b:s8+s3], $0x1400, $0x38;
	[tilespmem:$0x1E400] =	vst v63  }
0x1e: {  	_ =	swait.ge [sflag:s14], $0x1400  }
0x1f: {  	[sflag:s14] =	ssyncset.done $0x0  }
0x20: {  	[sflag:s14] =	ssyncadd.s32 $0xFFFFEC00  }
0x21: {  	[tilespmem:s17], [sflag:$0x1] =	stream.indirect.gather [hbm4b:s4+s16], $0x80, s3, s16, $0xb8;
	[tilespmem:$0x1E400] =	vst v63  }
0x22: {  	s25 =	simm.s32 $0x80  }
0x23: {  	[tilespmem:s18], [sflag:$0x2] =	stream.indirect.gather [hbm4b:s4+s16], $0x80, s25, s16, $0xb8;
	[tilespmem:$0x1E400] =	vst v63  }
0x24: {  	_ =	swait.ge [sflag:s19], $0x4000  }
0x25: {  	[sflag:s19] =	ssyncset.done $0x0  }
0x26: {  	s29 =	simm.s32 $0x1400;
	[sflag:s19] =	ssyncadd.s32 $0xFFFFC000  }
0x27: {  	[spmem:s1] =	stream.indirect.scatter.add.f32 [tilespmem:s17], [sflag:$0x3], $0x80, s29, s16, $0xb8;
	[tilespmem:$0x1E400] =	vst v63  }
0x28: {  	_ =	swait.ge [sflag:s14], $0x4000  }
0x29: {  	[sflag:s14] =	ssyncset.done $0x0  }
0x2a: {  	s30 =	simm.s32 $0x100;
	[sflag:s14] =	ssyncadd.s32 $0xFFFFC000  }
0x2b: {  	[tilespmem:s17], [sflag:$0x1] =	stream.indirect.gather [hbm4b:s4+s16], $0x80, s30, s16, $0xb8;
	[tilespmem:$0x1E400] =	vst v63  }
0x2c: {  	_ =	swait.ge [sflag:s20], $0x4000  }
0x2d: {  	[sflag:s20] =	ssyncset.done $0x0  }
0x2e: {  	s31 =	simm.s32 $0x1480;
	[sflag:s20] =	ssyncadd.s32 $0xFFFFC000  }
0x2f: {  	[spmem:s1] =	stream.indirect.scatter.add.f32 [tilespmem:s18], [sflag:$0x3], $0x80, s31, s16, $0xb8;
	[tilespmem:$0x1E400] =	vst v63  }
0x30: {  	_ =	swait.ge [sflag:s14], $0x4000  }
0x31: {  	s26 =	simm.s32 $0x800;
	s25 =	simm.s32 $0x100;
	[sflag:s14] =	ssyncset.done $0x0  }
.LBB2_2:
0x32: {  	s28 =	sadd.s32 $0x80, s25  }
0x33: {  	[sflag:s14] =	ssyncadd.s32 $0xFFFFC000;
	s29 =	smov.u32 s26;
	s30 =	sadd.s32 $0x400, s26  }
0x34: {  	[tilespmem:s18], [sflag:$0x2] =	stream.indirect.gather [hbm4b:s4+s16], $0x80, s28, s16, $0xb8;
	[tilespmem:$0x1E400] =	vst v63  }
0x35: {  	p0 =	sne.s32 s26, $0x4800;
	_ =	swait.ge [sflag:s19], $0x4000  }
0x36: {  	[sflag:s19] =	ssyncset.done $0x0  }
0x37: {  	s26 =	sadd.s32 $0x1400, s25;
	[sflag:s19] =	ssyncadd.s32 $0xFFFFC000  }
0x38: {  	[spmem:s1] =	stream.indirect.scatter.add.f32 [tilespmem:s17], [sflag:$0x3], $0x80, s26, s16, $0xb8;
	[tilespmem:$0x1E400] =	vst v63  }
0x39: {  	_ =	swait.ge [sflag:s14], $0x4000  }
0x3a: {  	[sflag:s14] =	ssyncset.done $0x0  }
0x3b: {  	s26 =	sadd.s32 $0x100, s25;
	[sflag:s14] =	ssyncadd.s32 $0xFFFFC000  }
0x3c: {  	[tilespmem:s17], [sflag:$0x1] =	stream.indirect.gather [hbm4b:s4+s16], $0x80, s26, s16, $0xb8;
	[tilespmem:$0x1E400] =	vst v63  }
0x3d: {  	_ =	swait.ge [sflag:s20], $0x4000  }
.Ltmp0:
0x3e: {  	[sflag:s20] =	ssyncset.done $0x0;
	(pc) =	sbr.rel @p0 .LBB2_2-.Ltmp0, $4  }
0x3f: {  	s25 =	sadd.s32 $0x1480, s25;
	[sflag:s20] =	ssyncadd.s32 $0xFFFFC000  }
0x40: {  	[spmem:s1] =	stream.indirect.scatter.add.f32 [tilespmem:s18], [sflag:$0x3], $0x80, s25, s16, $0xb8;
	[tilespmem:$0x1E400] =	vst v63  }
0x41: {  	_ =	swait.ge [sflag:s14], $0x4000  }
0x42: {  	s26 =	smov.u32 s30;
	s25 =	sshra.s32 s29, $0x2;
	[sflag:s14] =	ssyncset.done $0x0  }
0x43: {  	s26 =	sadd.s32 $0x80, s25;
	[sflag:s14] =	ssyncadd.s32 $0xFFFFC000  }
0x44: {  	[tilespmem:s18], [sflag:$0x2] =	stream.indirect.gather [hbm4b:s4+s16], $0x80, s26, s16, $0xb8;
	[tilespmem:$0x1E400] =	vst v63  }
0x45: {  	_ =	swait.ge [sflag:s19], $0x4000  }
0x46: {  	[sflag:s19] =	ssyncset.done $0x0  }
0x47: {  	s29 =	sadd.s32 $0x1400, s25;
	[sflag:s19] =	ssyncadd.s32 $0xFFFFC000  }
0x48: {  	[spmem:s1] =	stream.indirect.scatter.add.f32 [tilespmem:s17], [sflag:$0x3], $0x80, s29, s16, $0xb8;
	[tilespmem:$0x1E400] =	vst v63  }
0x49: {  	_ =	swait.ge [sflag:s14], $0x4000  }
0x4a: {  	[sflag:s14] =	ssyncset.done $0x0  }
0x4b: {  	s30 =	sadd.s32 $0x100, s25;
	[sflag:s14] =	ssyncadd.s32 $0xFFFFC000  }
0x4c: {  	[tilespmem:s17], [sflag:$0x1] =	stream.indirect.gather [hbm4b:s4+s16], $0x80, s30, s16, $0xb8;
	[tilespmem:$0x1E400] =	vst v63  }
0x4d: {  	_ =	swait.ge [sflag:s20], $0x4000  }
0x4e: {  	[sflag:s20] =	ssyncset.done $0x0  }
0x4f: {  	s31 =	sadd.s32 $0x1480, s25;
	[sflag:s20] =	ssyncadd.s32 $0xFFFFC000  }
0x50: {  	[spmem:s1] =	stream.indirect.scatter.add.f32 [tilespmem:s18], [sflag:$0x3], $0x80, s31, s16, $0xb8;
	[tilespmem:$0x1E400] =	vst v63  }
0x51: {  	_ =	swait.ge [sflag:s14], $0x4000  }
0x52: {  	[sflag:s14] =	ssyncset.done $0x0  }
0x53: {  	[sflag:s14] =	ssyncadd.s32 $0xFFFFC000  }
0x54: {  	[tilespmem:s18], [sflag:$0x2] =	stream.indirect.gather [hbm4b:s4+s16], $0x80, s21, s16, $0xb8;
	[tilespmem:$0x1E400] =	vst v63  }
0x55: {  	_ =	swait.ge [sflag:s19], $0x4000  }
0x56: {  	[sflag:s19] =	ssyncset.done $0x0  }
0x57: {  	[sflag:s19] =	ssyncadd.s32 $0xFFFFC000  }
0x58: {  	[spmem:s1] =	stream.indirect.scatter.add.f32 [tilespmem:s17], [sflag:$0x3], $0x80, s22, s16, $0xb8;
	[tilespmem:$0x1E400] =	vst v63  }
0x59: {  	_ =	swait.ge [sflag:s14], $0x4000  }
0x5a: {  	[sflag:s14] =	ssyncset.done $0x0  }
0x5b: {  	[sflag:s14] =	ssyncadd.s32 $0xFFFFC000  }
0x5c: {  	_ =	swait.ge [sflag:s20], $0x4000  }
0x5d: {  	[sflag:s20] =	ssyncset.done $0x0  }
0x5e: {  	[sflag:s20] =	ssyncadd.s32 $0xFFFFC000  }
0x5f: {  	[spmem:s1] =	stream.indirect.scatter.add.f32 [tilespmem:s18], [sflag:$0x3], $0x80, s23, s16, $0xb8;
	[tilespmem:$0x1E400] =	vst v63  }
0x60: {  	_ =	swait.ge [sflag:s14], $0x4000  }
0x61: {  	[sflag:s14] =	ssyncset.done $0x0  }
0x62: {  	s26 =	simm.s32 $0x0;
	[sflag:s14] =	ssyncadd.s32 $0xFFFFC000  }
0x63: {  	[tilespmem:s26], [sflag:$0x3] =	stream.linear.gather [hbm4b:s9+s26], $0x1400, $0x38;
	[tilespmem:$0x1E400] =	vst v63  }
0x64: {  	_ =	swait.ge [sflag:s14], $0x1400  }
0x65: {  	[sflag:s14] =	ssyncset.done $0x0  }
0x66: {  	[sflag:s14] =	ssyncadd.s32 $0xFFFFEC00  }
0x67: {  	[tilespmem:s15], [sflag:$0x3] =	stream.linear.gather [hbm4b:s10+s26], $0x1400, $0x38;
	[tilespmem:$0x1E400] =	vst v63  }
0x68: {  	_ =	swait.ge [sflag:s14], $0x1400  }
0x69: {  	[sflag:s14] =	ssyncset.done $0x0  }
0x6a: {  	[sflag:s14] =	ssyncadd.s32 $0xFFFFEC00  }
0x6b: {  	[tilespmem:s17], [sflag:$0x1] =	stream.indirect.gather [hbm4b:s4+s16], $0x80, s26, s16, $0xb8;
	[tilespmem:$0x1E400] =	vst v63  }
0x6c: {  	s28 =	simm.s32 $0x80  }
0x6d: {  	[tilespmem:s18], [sflag:$0x2] =	stream.indirect.gather [hbm4b:s4+s16], $0x80, s28, s16, $0xb8;
	[tilespmem:$0x1E400] =	vst v63  }
0x6e: {  	_ =	swait.ge [sflag:s19], $0x4000  }
0x6f: {  	[sflag:s19] =	ssyncset.done $0x0  }
0x70: {  	s29 =	simm.s32 $0x1400;
	[sflag:s19] =	ssyncadd.s32 $0xFFFFC000  }
0x71: {  	[spmem:s1] =	stream.indirect.scatter.add.f32 [tilespmem:s17], [sflag:$0x3], $0x80, s29, s16, $0xb8;
	[tilespmem:$0x1E400] =	vst v63  }
0x72: {  	_ =	swait.ge [sflag:s14], $0x4000  }
0x73: {  	[sflag:s14] =	ssyncset.done $0x0  }
0x74: {  	s30 =	simm.s32 $0x100;
	[sflag:s14] =	ssyncadd.s32 $0xFFFFC000  }
0x75: {  	[tilespmem:s17], [sflag:$0x1] =	stream.indirect.gather [hbm4b:s4+s16], $0x80, s30, s16, $0xb8;
	[tilespmem:$0x1E400] =	vst v63  }
0x76: {  	_ =	swait.ge [sflag:s20], $0x4000  }
0x77: {  	[sflag:s20] =	ssyncset.done $0x0  }
0x78: {  	s31 =	simm.s32 $0x1480;
	[sflag:s20] =	ssyncadd.s32 $0xFFFFC000  }
0x79: {  	[spmem:s1] =	stream.indirect.scatter.add.f32 [tilespmem:s18], [sflag:$0x3], $0x80, s31, s16, $0xb8;
	[tilespmem:$0x1E400] =	vst v63  }
0x7a: {  	_ =	swait.ge [sflag:s14], $0x4000  }
0x7b: {  	s25 =	simm.s32 $0x100;
	s26 =	simm.s32 $0x800;
	[sflag:s14] =	ssyncset.done $0x0  }
.LBB2_4:
0x7c: {  	s28 =	sadd.s32 $0x80, s25  }
0x7d: {  	[sflag:s14] =	ssyncadd.s32 $0xFFFFC000;
	s29 =	smov.u32 s26;
	s30 =	sadd.s32 $0x400, s26  }
0x7e: {  	[tilespmem:s18], [sflag:$0x2] =	stream.indirect.gather [hbm4b:s4+s16], $0x80, s28, s16, $0xb8;
	[tilespmem:$0x1E400] =	vst v63  }
0x7f: {  	p0 =	sne.s32 s26, $0x4800;
	_ =	swait.ge [sflag:s19], $0x4000  }
0x80: {  	[sflag:s19] =	ssyncset.done $0x0  }
0x81: {  	s26 =	sadd.s32 $0x1400, s25;
	[sflag:s19] =	ssyncadd.s32 $0xFFFFC000  }
0x82: {  	[spmem:s1] =	stream.indirect.scatter.add.f32 [tilespmem:s17], [sflag:$0x3], $0x80, s26, s16, $0xb8;
	[tilespmem:$0x1E400] =	vst v63  }
0x83: {  	_ =	swait.ge [sflag:s14], $0x4000  }
0x84: {  	[sflag:s14] =	ssyncset.done $0x0  }
0x85: {  	s26 =	sadd.s32 $0x100, s25;
	[sflag:s14] =	ssyncadd.s32 $0xFFFFC000  }
0x86: {  	[tilespmem:s17], [sflag:$0x1] =	stream.indirect.gather [hbm4b:s4+s16], $0x80, s26, s16, $0xb8;
	[tilespmem:$0x1E400] =	vst v63  }
0x87: {  	_ =	swait.ge [sflag:s20], $0x4000  }
.Ltmp1:
0x88: {  	[sflag:s20] =	ssyncset.done $0x0;
	(pc) =	sbr.rel @p0 .LBB2_4-.Ltmp1, $4  }
0x89: {  	s25 =	sadd.s32 $0x1480, s25;
	[sflag:s20] =	ssyncadd.s32 $0xFFFFC000  }
0x8a: {  	[spmem:s1] =	stream.indirect.scatter.add.f32 [tilespmem:s18], [sflag:$0x3], $0x80, s25, s16, $0xb8;
	[tilespmem:$0x1E400] =	vst v63  }
0x8b: {  	_ =	swait.ge [sflag:s14], $0x4000  }
0x8c: {  	s26 =	smov.u32 s30;
	s25 =	sshra.s32 s29, $0x2;
	[sflag:s14] =	ssyncset.done $0x0  }
0x8d: {  	s26 =	sadd.s32 $0x80, s25;
	[sflag:s14] =	ssyncadd.s32 $0xFFFFC000  }
0x8e: {  	[tilespmem:s18], [sflag:$0x2] =	stream.indirect.gather [hbm4b:s4+s16], $0x80, s26, s16, $0xb8;
	[tilespmem:$0x1E400] =	vst v63  }
0x8f: {  	_ =	swait.ge [sflag:s19], $0x4000  }
0x90: {  	[sflag:s19] =	ssyncset.done $0x0  }
0x91: {  	s29 =	sadd.s32 $0x1400, s25;
	[sflag:s19] =	ssyncadd.s32 $0xFFFFC000  }
0x92: {  	[spmem:s1] =	stream.indirect.scatter.add.f32 [tilespmem:s17], [sflag:$0x3], $0x80, s29, s16, $0xb8;
	[tilespmem:$0x1E400] =	vst v63  }
0x93: {  	_ =	swait.ge [sflag:s14], $0x4000  }
0x94: {  	[sflag:s14] =	ssyncset.done $0x0  }
0x95: {  	s30 =	sadd.s32 $0x100, s25;
	[sflag:s14] =	ssyncadd.s32 $0xFFFFC000  }
0x96: {  	[tilespmem:s17], [sflag:$0x1] =	stream.indirect.gather [hbm4b:s4+s16], $0x80, s30, s16, $0xb8;
	[tilespmem:$0x1E400] =	vst v63  }
0x97: {  	_ =	swait.ge [sflag:s20], $0x4000  }
0x98: {  	[sflag:s20] =	ssyncset.done $0x0  }
0x99: {  	s31 =	sadd.s32 $0x1480, s25;
	[sflag:s20] =	ssyncadd.s32 $0xFFFFC000  }
0x9a: {  	[spmem:s1] =	stream.indirect.scatter.add.f32 [tilespmem:s18], [sflag:$0x3], $0x80, s31, s16, $0xb8;
	[tilespmem:$0x1E400] =	vst v63  }
0x9b: {  	_ =	swait.ge [sflag:s14], $0x4000  }
0x9c: {  	[sflag:s14] =	ssyncset.done $0x0  }
0x9d: {  	[sflag:s14] =	ssyncadd.s32 $0xFFFFC000  }
0x9e: {  	[tilespmem:s18], [sflag:$0x2] =	stream.indirect.gather [hbm4b:s4+s16], $0x80, s21, s16, $0xb8;
	[tilespmem:$0x1E400] =	vst v63  }
0x9f: {  	_ =	swait.ge [sflag:s19], $0x4000  }
0xa0: {  	[sflag:s19] =	ssyncset.done $0x0  }
0xa1: {  	[sflag:s19] =	ssyncadd.s32 $0xFFFFC000  }
0xa2: {  	[spmem:s1] =	stream.indirect.scatter.add.f32 [tilespmem:s17], [sflag:$0x3], $0x80, s22, s16, $0xb8;
	[tilespmem:$0x1E400] =	vst v63  }
0xa3: {  	_ =	swait.ge [sflag:s14], $0x4000  }
0xa4: {  	[sflag:s14] =	ssyncset.done $0x0  }
0xa5: {  	[sflag:s14] =	ssyncadd.s32 $0xFFFFC000  }
0xa6: {  	_ =	swait.ge [sflag:s20], $0x4000  }
0xa7: {  	[sflag:s20] =	ssyncset.done $0x0  }
0xa8: {  	[sflag:s20] =	ssyncadd.s32 $0xFFFFC000  }
0xa9: {  	[spmem:s1] =	stream.indirect.scatter.add.f32 [tilespmem:s18], [sflag:$0x3], $0x80, s23, s16, $0xb8;
	[tilespmem:$0x1E400] =	vst v63  }
0xaa: {  	_ =	swait.ge [sflag:s14], $0x4000  }
0xab: {  	s24 =	sadd.s32 $0x1, s24;
	[sflag:s14] =	ssyncset.done $0x0  }
0xac: {  	p0 =	sne.s32 s24, s12;
	[sflag:s14] =	ssyncadd.s32 $0xFFFFC000  }
.Ltmp2:
0xad: {  	[bflag:$0x0] =	sbarrier.arrive $0xFFFF;
	(pc) =	sbr.rel @p0 .LBB2_1-.Ltmp2, $4  }
0xae: {  	[hbm:s11], [sflag:s6] =	dma.local [spmem:s13], $0x2780  }
0xaf: {  	_ =	swait.ge [sflag:s14], $0x2780  }
0xb0: {  	[sflag:s14] =	ssyncset.done $0x0  }
0xb1: {  	[sflag:s14] =	ssyncadd.s32 $0xFFFFD880  }
0xb2: {  	_ =	sfence.sel $0x180000  }
0xb3: {  	[bflag:$0x0] =	sbarrier.arrive $0xFFFF  }
0xb4: {  	p0 =	sne.s32 s2, $0x0;
	_ =	strace $0x9000004D  }
0xb5: {  	s0 =	sadd.s32 @!p0 $0x100000, s0;
	[bflag:$0x2] =	sbarrier.arrive $0xFFFF  }
0xb6: {  	[sflag:s0] =	ssyncadd.tile.s32 @!p0 $0x1;
	_ =	shalt  }
.Lfunc_end2:
_tile_overlayer_lowered:
.L_overlay_start_2:
0xb7: {  	(tag) =	ssettag $0x2  }
0xb8: {  	s0 =	rddreg [dreg:$0x0];
	s2 =	stileid.u32  }
0xb9: {  	s1 =	rddreg [dreg:$0x1];
	p0 =	sne.s32 s2, $0x0  }
0xba: {  	s3 =	rddreg [dreg:$0x2];
	[bflag:$0x3] =	sbarrier.arrive $0xFFFF;
	s2 =	simm.s32 @!p0 $0x1C03  }
0xbb: {  	[timem:s3], [sflag:s2] =	dma.local @!p0 [hbm:s0], s1  }
0xbc: {  	s0 =	simm.s32 @!p0 $0x3  }
0xbd: {  	_ =	swait.ge @!p0 [sflag:s0], s1  }
0xbe: {  	s1 =	ssub.s32 @!p0 $0x0, s1;
	[sflag:s0] =	ssyncset.done @!p0 $0x0  }
0xbf: {  	[sflag:s0] =	ssyncadd.s32 @!p0 s1  }
0xc0: {  	[bflag:$0x3] =	sbarrier.arrive $0xFFFF  }
0xc1: {  	_ =	shalt  }

// kernel: kernel.22.cloned.1.call-start
scs
__scs_entry_jumppad:
0x0: {  	(pc) =	sbr.rel $0x88, $3  }
0x1: {  	(tag) =	ssettag $0x0;
	lr =	simm.s32 $0x1  }
0x2: {  	[smem:$0x3F93] =	sst lr;
	_ =	strace $0xD0000000  }
0x3: {  	_ = 	snop  }
0x4: {  	_ = 	snop  }
0x5: {  	_ = 	snop  }
0x6: {  	_ = 	snop  }
0x7: {  	_ = 	snop  }
__scs_overlays_trampoline_lowered:
0x8: {  	[smem:$0x3FA2] =	sst s0  }
0x9: {  	[smem:$0x3FA3] =	sst s1  }
0xa: {  	[smem:$0x3FA4] =	sst s2  }
0xb: {  	[smem:$0x3FA5] =	sst s3  }
0xc: {  	[smem:$0x3FA6] =	sst s4  }
0xd: {  	[smem:$0x3FA7] =	sst s5  }
0xe: {  	[smem:$0x3FA8] =	sst s6  }
0xf: {  	[smem:$0x3FA9] =	sst s7  }
0x10: {  	[smem:$0x3FAA] =	sst s8  }
0x11: {  	[smem:$0x3FAB] =	sst s9;
	s0 =	simm.s32 @!p0 $0x0  }
0x12: {  	s1 =	sld [smem:$0x3F91];
	s0 =	simm.s32 @p0 $0x1  }
0x13: {  	[smem:$0x3FAC] =	sst s0;
	s0 =	simm.s32 @!p1 $0x0  }
0x14: {  	s2 =	sld [smem:$0x3F90];
	s0 =	simm.s32 @p1 $0x1  }
0x15: {  	[smem:$0x3FAD] =	sst s0;
	s0 =	simm.s32 @!p2 $0x0  }
0x16: {  	s3 =	sld [smem:$0x3FDB];
	s0 =	simm.s32 @p2 $0x1  }
0x17: {  	s4 =	simm.s32 $0x1BF5;
	[smem:$0x3FAF] =	sst s0  }
0x18: {  	s0 =	sld [smem:$0x3F92];
	_ =	swait.ge [sflag:s4], $0x0  }
0x19: {  	s7 =	sld [smem:$0x3F93]  }
0x1a: {  	s8 =	sadd.s32 $0xFFFFE003, lr  }
0x1b: {  	s9 =	sadd.s32 $0xFFFFFEF7, lr;
	s5 =	simm.s32 $0xFFFFFFFF;
	p2 =	slt.u32 s8, $0xFFFFF086  }
0x1c: {  	p1 =	slt.u32 s9, $0xF7A;
	s5 =	simm.s32 @!p2 $0x0  }
0x1d: {  	s5 =	simm.s32 @p1 $0x1;
	p0 =	seq.s32 s7, s2  }
0x1e: {  	s7 =	smul.u32 @!p0 $0xF7A, s2;
	p2 =	seq.s32 @!p0 s5, $0x0  }
0x1f: {  	s9 =	smul.u32 $0xF7A, s1;
	s8 =	simm.s32 @!p0 $0x1BF5;
	p2 =	por !p2, p0  }
0x20: {  	[sflag:s8] =	ssyncset.s32 @!p0 $0xFFFFF086;
	s6 =	sadd.s32 @!p0 s3, s7;
	s7 =	simm.s32 @!p0 $0x108  }
0x21: {  	s3 =	sadd.s32 s3, s9;
	s6 =	sadd.s32 @!p0 $0x88, s6;
	s7 =	simm.s32 @p2 $0x1082  }
0x22: {  	[simem:s7], [sflag:s8] =	dma.local @!p0 [hbm:s6], $0xF7A  }
0x23: {  	s9 =	sor.u32 $0xD0000000, s2;
	s6 =	simm.s32 $0x108;
	_ =	swait.ge @!p0 [sflag:s8], $0x0  }
0x24: {  	s3 =	sadd.s32 $0x88, s3;
	s6 =	simm.s32 @!p1 $0x1082;
	[sflag:s4] =	ssyncset.s32 $0xFFFFF086  }
0x25: {  	[simem:s6], [sflag:s4] =	dma.local [hbm:s3], $0xF7A  }
0x26: {  	[smem:$0x3F93] =	sst s1;
	(tag) =	ssettag s2;
	_ =	strace s9  }
0x27: {  	s1 =	sld [smem:$0x3FA3]  }
0x28: {  	s2 =	sld [smem:$0x3FA4]  }
0x29: {  	s4 =	sld [smem:$0x3FA6]  }
0x2a: {  	p0 =	seq.s32 s5, $0x0;
	s5 =	sld [smem:$0x3FA7]  }
0x2b: {  	s6 =	sld [smem:$0x3FA8]  }
0x2c: {  	s7 =	sld [smem:$0x3FA9]  }
0x2d: {  	s3 =	simm.s32 $0x108;
	s8 =	sld [smem:$0x3FAA]  }
0x2e: {  	s3 =	simm.s32 @!p0 $0x1082;
	s9 =	sld [smem:$0x3FAB]  }
0x2f: {  	lr =	sadd.s32 s0, s3;
	s0 =	sld [smem:$0x3FA2]  }
0x30: {  	s3 =	sld [smem:$0x3FA5]  }
0x31: {  	[smem:$0x3FAE] =	sst s10  }
0x32: {  	s10 =	sld [smem:$0x3FAC];
	_ =	sdelay $0x3  }
0x33: {  	p0 =	seq.s32 s10, $0x1;
	s10 =	sld [smem:$0x3FAE];
	_ =	sdelay $0x3  }
0x34: {  	[smem:$0x3FAE] =	sst s10  }
0x35: {  	s10 =	sld [smem:$0x3FAD];
	_ =	sdelay $0x3  }
0x36: {  	p1 =	seq.s32 s10, $0x1;
	s10 =	sld [smem:$0x3FAE];
	_ =	sdelay $0x3  }
0x37: {  	[smem:$0x3FAE] =	sst s10  }
0x38: {  	s10 =	sld [smem:$0x3FAF]  }
0x39: {  	_ = 	snop;
	(pc) =	sbr.ind lr, $3  }
0x3a: {  	_ = 	snop  }
0x3b: {  	_ = 	snop  }
0x3c: {  	p2 =	seq.s32 s10, $0x1;
	s10 =	sld [smem:$0x3FAE]  }
0x3d: {  	_ =	shalt  }
0x3e: {  	_ =	shalt  }
0x3f: {  	_ =	shalt  }
0x40: {  	_ =	shalt  }
0x41: {  	_ =	shalt  }
0x42: {  	_ =	shalt  }
0x43: {  	_ =	shalt  }
0x44: {  	_ =	shalt  }
0x45: {  	_ =	shalt  }
0x46: {  	_ =	shalt  }
0x47: {  	_ =	shalt  }
0x48: {  	_ =	shalt  }
0x49: {  	_ =	shalt  }
0x4a: {  	_ =	shalt  }
0x4b: {  	_ =	shalt  }
0x4c: {  	_ =	shalt  }
0x4d: {  	_ =	shalt  }
0x4e: {  	_ =	shalt  }
0x4f: {  	_ =	shalt  }
0x50: {  	_ =	shalt  }
0x51: {  	_ =	shalt  }
0x52: {  	_ =	shalt  }
0x53: {  	_ =	shalt  }
0x54: {  	_ =	shalt  }
0x55: {  	_ =	shalt  }
0x56: {  	_ =	shalt  }
0x57: {  	_ =	shalt  }
0x58: {  	_ =	shalt  }
0x59: {  	_ =	shalt  }
0x5a: {  	_ =	shalt  }
0x5b: {  	_ =	shalt  }
0x5c: {  	_ =	shalt  }
0x5d: {  	_ =	shalt  }
0x5e: {  	_ =	shalt  }
0x5f: {  	_ =	shalt  }
0x60: {  	_ =	shalt  }
0x61: {  	_ =	shalt  }
0x62: {  	_ =	shalt  }
0x63: {  	_ =	shalt  }
0x64: {  	_ =	shalt  }
0x65: {  	_ =	shalt  }
0x66: {  	_ =	shalt  }
0x67: {  	_ =	shalt  }
0x68: {  	_ =	shalt  }
0x69: {  	_ =	shalt  }
0x6a: {  	_ =	shalt  }
0x6b: {  	_ =	shalt  }
0x6c: {  	_ =	shalt  }
0x6d: {  	_ =	shalt  }
0x6e: {  	_ =	shalt  }
0x6f: {  	_ =	shalt  }
0x70: {  	_ =	shalt  }
0x71: {  	_ =	shalt  }
0x72: {  	_ =	shalt  }
0x73: {  	_ =	shalt  }
0x74: {  	_ =	shalt  }
0x75: {  	_ =	shalt  }
0x76: {  	_ =	shalt  }
0x77: {  	_ =	shalt  }
0x78: {  	_ =	shalt  }
0x79: {  	_ =	shalt  }
0x7a: {  	_ =	shalt  }
0x7b: {  	_ =	shalt  }
0x7c: {  	_ =	shalt  }
0x7d: {  	_ =	shalt  }
0x7e: {  	_ =	shalt  }
0x7f: {  	_ =	shalt  }
0x80: {  	_ =	shalt  }
0x81: {  	_ =	shalt  }
0x82: {  	_ =	shalt  }
0x83: {  	_ =	shalt  }
0x84: {  	_ =	shalt  }
0x85: {  	_ =	shalt  }
0x86: {  	_ =	shalt  }
0x87: {  	_ =	shalt  }
.Lfunc_end0:
.L_simem_size_0:
called_computation.3_lowered:
.L_overlay_start_0:
0x88: {  	s2 =	sld [smem:$0x3FD9]  }
0x89: {  	s3 =	sld [smem:$0x3FFE];
	_ =	sdelay $0x1  }
0x8a: {  	s1 =	srdreg.scid  }
0x8b: {  	s0 =	sand.u32 $0x1, s1  }
0x8c: {  	s14 =	sshll.u32 s0, $0xA;
	s2 =	sadd.s32 s3, s2  }
0x8d: {  	s2 =	sadd.s32 s2, s14  }
0x8e: {  	[smem:$0x3FBA] =	sst s2  }
0x8f: {  	_ = 	snop  }
0x90: {  	s2 =	sld [smem:$0x3FD0];
	_ =	sdelay $0x2  }
0x91: {  	s15 =	simm.s32 $0xA;
	s4 =	simm.s32 $0x10  }
0x92: {  	[smem:s4], [sflag:s15] =	dma.local [hbm:s2], $0x1  }
0x93: {  	_ =	swait.eq [sflag:s15], $0x1  }
0x94: {  	[sflag:s15] =	ssyncset.done $0x0  }
0x95: {  	[sflag:s15] =	ssyncadd.s32 $0xFFFFFFFF  }
0x96: {  	s16 =	sld [smem:$0x11];
	(tm) =	ssettm $0x1  }
0x97: {  	s17 =	sld [smem:$0x3FFB];
	_ =	sdelay $0x3  }
0x98: {  	_ =	strace s17  }
0x99: {  	s3 =	sld [smem:$0x3FFC];
	_ =	sdelay $0x3  }
0x9a: {  	_ =	strace s3  }
0x9b: {  	s3 =	sld [smem:$0x3FFD];
	_ =	sdelay $0x3  }
0x9c: {  	_ =	strace s3  }
0x9d: {  	_ =	strace $0x8FFFFFFF  }
0x9e: {  	s18 =	sld [smem:$0x3FDB];
	_ =	sdelay $0x1  }
0x9f: {  	s19 =	simm.s32 $_scs_section_size  }
0xa0: {  	s5 =	simm.s32 $_size__tile_overlayer_lowered;
	s6 =	simm.s32 $_tile_overlayer_lowered  }
0xa1: {  	s22 =	simm.s32 $0x1BFF;
	s21 =	sshll.u32 s6, $0x1;
	s3 =	sadd.s32 s19, s18  }
0xa2: {  	s7 =	simm.s32 $0x0;
	s20 =	sshll.u32 s5, $0x1;
	s5 =	sadd.s32 s21, s3  }
0xa3: {  	[timem:s7], [sflag:s22] =	dma.local [hbm:s5], s20  }
0xa4: {  	_ =	swait.ge [sflag:s22], s20  }
0xa5: {  	s4 =	ssub.s32 $0x0, s20;
	[sflag:s22] =	ssyncset.done $0x0  }
0xa6: {  	[sflag:s22] =	ssyncadd.s32 s4;
	_ =	sdelay $0x1  }
0xa7: {  	s23 =	simm.s32 $0x1B8B  }
0xa8: {  	_ =	swait.ge [sflag:s23], $0x1  }
0xa9: {  	[sflag:s23] =	ssyncset.done $0x0  }
0xaa: {  	s25 =	simm.s32 $0x1B8E;
	s24 =	sld [smem:$0x3FFE];
	[sflag:s23] =	ssyncadd.s32 $0xFFFFFFFF  }
0xab: {  	s26 =	simm.s32 $execute0_lowered;
	[smem:$0x3FD2] =	sst s25  }
0xac: {  	s5 =	sshll.u32 s26, $0x1;
	_ =	strace $0x8000004F;
	[dreg:$0x1] =	wrdreg $0xFFFFFFFF  }
0xad: {  	s28 =	simm.s32 $_size_execute0_lowered;
	s3 =	sadd.s32 s3, s5;
	[dreg:$0x0] =	wrdreg $0x0  }
0xae: {  	s5 =	sshll.u32 s28, $0x1;
	[dreg:$0x2] =	wrdreg s3  }
0xaf: {  	[dreg:$0x3] =	wrdreg s5  }
0xb0: {  	[dreg:$0x4] =	wrdreg $0xC0  }
0xb1: {  	_ =	task [dreg:s7], $0x5FFFF  }
0xb2: {  	[dreg:$0x1] =	wrdreg $0xFFFFFFFF  }
0xb3: {  	[dreg:$0x0] =	wrdreg $0x60  }
0xb4: {  	[dreg:$0x2] =	wrdreg s24  }
0xb5: {  	[dreg:$0x3] =	wrdreg s16  }
0xb6: {  	[dreg:$0x4] =	wrdreg $0xA8000  }
0xb7: {  	[dreg:$0x5] =	wrdreg $0x9  }
0xb8: {  	_ =	task.clear_ibuf [dreg:s7], $0x6FFFF;
	_ =	strace $0x9000004F  }
0xb9: {  	s29 =	simm.s32 $0x9;
	_ =	strace $0x80000051  }
0xba: {  	_ =	swait.ge [sflag:s29], $0x1  }
0xbb: {  	[sflag:s29] =	ssyncadd.s32 $0xFFFFFFFF  }
0xbc: {  	_ =	strace $0x90000051  }
0xbd: {  	_ =	sfence  }
0xbe: {  	s30 =	sld [smem:$0x0];
	_ =	sdelay $0x2  }
0xbf: {  	s31 =	sshll.u32 s1, $0xD;
	s1 =	sshrl.u32 s1, $0x2  }
0xc0: {  	s3 =	sand.u32 $0x4000, s31;
	s1 =	sadd.s32 s1, s30  }
0xc1: {  	s0 =	sor.u32 s3, s0;
	s1 =	sshll.u32 s1, $0x11  }
0xc2: {  	s0 =	sor.u32 s1, s0  }
0xc3: {  	s0 =	sadd.s32 $0x8F2B, s0  }
0xc4: {  	[sflag:s0] =	ssyncadd.remote.s32 $0x1  }
0xc5: {  	_ =	sfence.sel $0xFFFF  }
0xc6: {  	[dreg:$0x0] =	wrdreg $0xFFFFFFFF;
	(pc) =	sbr.abs _section_cstart, $3  }
0xc7: {  	[dreg:$0x1] =	wrdreg $0xFFFFFFFF  }
0xc8: {  	_ =	task.clear_ibuf [dreg:s7], $0x2FFFF;
	_ =	strace $0x9FFFFFFF  }
0xc9: {  	(tm) =	ssettm $0x7FFFFFFF  }
tec
execute0_lowered:
.L_overlay_start_1:
0x0: {  	(tag) =	ssettag $0x1  }
0x1: {  	s6 =	rddreg [dreg:$0x0]  }
0x2: {  	s9 =	rddreg [dreg:$0x1]  }
0x3: {  	s1 =	rddreg [dreg:$0x2]  }
0x4: {  	s0 =	rddreg [dreg:$0x3]  }
0x5: {  	s3 =	simm.s32 $0x0;
	s2 =	srdreg.scid;
	s16 =	simm.s32 $0x80  }
0x6: {  	s17 =	simm.s32 $0x2800;
	s18 =	simm.s32 $0x6800;
	s19 =	simm.s32 $0x1  }
0x7: {  	s20 =	simm.s32 $0x2;
	s21 =	simm.s32 $0x1380;
	s7 =	sand.u32 $0x1, s2  }
0x8: {  	s22 =	simm.s32 $0x2700;
	s2 =	stileid.u32;
	s8 =	smul.u32 $0x140000, s7  }
0x9: {  	s23 =	simm.s32 $0x2780;
	s24 =	simm.s32 $0x0;
	s10 =	smul.u32 $0x13C00, s2  }
0xa: {  	[smem:$0x7FF] =	sst s3;
	s4 =	sadd.s32 $0xE600, s6;
	s12 =	smul.u32 $0x28000, s7  }
0xb: {  	s11 =	sadd.s32 $0x4600, s6;
	s5 =	sadd.s32 $0xAE600, s6;
	s26 =	smul.u32 $0x2800, s2  }
0xc: {  	_ =	strace $0x80000050;
	s7 =	ssub.s32 $0x2, s7;
	s14 =	smul.u32 $0x4F000, s2  }
0xd: {  	s30 =	sshll.u32 s2, $0x6;
	s13 =	sshrl.u32 s7, $0x1;
	s8 =	sadd.s32 s10, s8  }
0xe: {  	s13 =	ssub.s32 s7, s13;
	s28 =	sadd.s32 s26, s12;
	s29 =	sshrl.u32 s14, $0x2  }
0xf: {  	s8 =	sshrl.u32 s8, $0x3;
	s10 =	sshrl.u32 s28, $0x3;
	s14 =	sadd.s32 s29, s1  }
0x10: {  	s12 =	smax.u32 s13, $0x1;
	s15 =	sadd.s32 s8, s6;
	s6 =	sor.u32 $0x1C03, s30  }
0x11: {  	s31 =	sadd.s32 $0x280, s10;
	s7 =	sadd.s32 s9, s10;
	s8 =	sadd.s32 s11, s10  }
0x12: {  	s13 =	sshrl.u32 s14, $0x3;
	s14 =	simm.s32 $0x3;
	s9 =	sadd.s32 s9, s31  }
0x13: {  	s10 =	sadd.s32 s11, s31;
	s11 =	sadd.s32 $0xB0E00, s15;
	s15 =	simm.s32 $0x1400  }
.LBB2_1:
0x14: {  	[spmem:s13], [sflag:s6] =	dma.local [hbm:s5], $0x2780  }
0x15: {  	_ =	swait.ge [sflag:s14], $0x2780  }
0x16: {  	[sflag:s14] =	ssyncset.done $0x0  }
0x17: {  	[sflag:s14] =	ssyncadd.s32 $0xFFFFD880  }
0x18: {  	[bflag:$0x0] =	sbarrier.arrive $0xFFFF  }
0x19: {  	[tilespmem:s3], [sflag:$0x3] =	stream.linear.gather [hbm4b:s7+s3], $0x1400, $0x38;
	[tilespmem:$0x1E400] =	vst v63  }
0x1a: {  	_ =	swait.ge [sflag:s14], $0x1400  }
0x1b: {  	[sflag:s14] =	ssyncset.done $0x0  }
0x1c: {  	[sflag:s14] =	ssyncadd.s32 $0xFFFFEC00  }
0x1d: {  	[tilespmem:s15], [sflag:$0x3] =	stream.linear.gather [hbm4b:s8+s3], $0x1400, $0x38;
	[tilespmem:$0x1E400] =	vst v63  }
0x1e: {  	_ =	swait.ge [sflag:s14], $0x1400  }
0x1f: {  	[sflag:s14] =	ssyncset.done $0x0  }
0x20: {  	[sflag:s14] =	ssyncadd.s32 $0xFFFFEC00  }
0x21: {  	[tilespmem:s17], [sflag:$0x1] =	stream.indirect.gather [hbm4b:s4+s16], $0x80, s3, s16, $0xb8;
	[tilespmem:$0x1E400] =	vst v63  }
0x22: {  	s25 =	simm.s32 $0x80  }
0x23: {  	[tilespmem:s18], [sflag:$0x2] =	stream.indirect.gather [hbm4b:s4+s16], $0x80, s25, s16, $0xb8;
	[tilespmem:$0x1E400] =	vst v63  }
0x24: {  	_ =	swait.ge [sflag:s19], $0x4000  }
0x25: {  	[sflag:s19] =	ssyncset.done $0x0  }
0x26: {  	s29 =	simm.s32 $0x1400;
	[sflag:s19] =	ssyncadd.s32 $0xFFFFC000  }
0x27: {  	[spmem:s1] =	stream.indirect.scatter.add.f32 [tilespmem:s17], [sflag:$0x3], $0x80, s29, s16, $0xb8;
	[tilespmem:$0x1E400] =	vst v63  }
0x28: {  	_ =	swait.ge [sflag:s14], $0x4000  }
0x29: {  	[sflag:s14] =	ssyncset.done $0x0  }
0x2a: {  	s30 =	simm.s32 $0x100;
	[sflag:s14] =	ssyncadd.s32 $0xFFFFC000  }
0x2b: {  	[tilespmem:s17], [sflag:$0x1] =	stream.indirect.gather [hbm4b:s4+s16], $0x80, s30, s16, $0xb8;
	[tilespmem:$0x1E400] =	vst v63  }
0x2c: {  	_ =	swait.ge [sflag:s20], $0x4000  }
0x2d: {  	[sflag:s20] =	ssyncset.done $0x0  }
0x2e: {  	s31 =	simm.s32 $0x1480;
	[sflag:s20] =	ssyncadd.s32 $0xFFFFC000  }
0x2f: {  	[spmem:s1] =	stream.indirect.scatter.add.f32 [tilespmem:s18], [sflag:$0x3], $0x80, s31, s16, $0xb8;
	[tilespmem:$0x1E400] =	vst v63  }
0x30: {  	_ =	swait.ge [sflag:s14], $0x4000  }
0x31: {  	s26 =	simm.s32 $0x800;
	s25 =	simm.s32 $0x100;
	[sflag:s14] =	ssyncset.done $0x0  }
.LBB2_2:
0x32: {  	s28 =	sadd.s32 $0x80, s25  }
0x33: {  	[sflag:s14] =	ssyncadd.s32 $0xFFFFC000;
	s29 =	smov.u32 s26;
	s30 =	sadd.s32 $0x400, s26  }
0x34: {  	[tilespmem:s18], [sflag:$0x2] =	stream.indirect.gather [hbm4b:s4+s16], $0x80, s28, s16, $0xb8;
	[tilespmem:$0x1E400] =	vst v63  }
0x35: {  	p0 =	sne.s32 s26, $0x4800;
	_ =	swait.ge [sflag:s19], $0x4000  }
0x36: {  	[sflag:s19] =	ssyncset.done $0x0  }
0x37: {  	s26 =	sadd.s32 $0x1400, s25;
	[sflag:s19] =	ssyncadd.s32 $0xFFFFC000  }
0x38: {  	[spmem:s1] =	stream.indirect.scatter.add.f32 [tilespmem:s17], [sflag:$0x3], $0x80, s26, s16, $0xb8;
	[tilespmem:$0x1E400] =	vst v63  }
0x39: {  	_ =	swait.ge [sflag:s14], $0x4000  }
0x3a: {  	[sflag:s14] =	ssyncset.done $0x0  }
0x3b: {  	s26 =	sadd.s32 $0x100, s25;
	[sflag:s14] =	ssyncadd.s32 $0xFFFFC000  }
0x3c: {  	[tilespmem:s17], [sflag:$0x1] =	stream.indirect.gather [hbm4b:s4+s16], $0x80, s26, s16, $0xb8;
	[tilespmem:$0x1E400] =	vst v63  }
0x3d: {  	_ =	swait.ge [sflag:s20], $0x4000  }
.Ltmp0:
0x3e: {  	[sflag:s20] =	ssyncset.done $0x0;
	(pc) =	sbr.rel @p0 .LBB2_2-.Ltmp0, $4  }
0x3f: {  	s25 =	sadd.s32 $0x1480, s25;
	[sflag:s20] =	ssyncadd.s32 $0xFFFFC000  }
0x40: {  	[spmem:s1] =	stream.indirect.scatter.add.f32 [tilespmem:s18], [sflag:$0x3], $0x80, s25, s16, $0xb8;
	[tilespmem:$0x1E400] =	vst v63  }
0x41: {  	_ =	swait.ge [sflag:s14], $0x4000  }
0x42: {  	s26 =	smov.u32 s30;
	s25 =	sshra.s32 s29, $0x2;
	[sflag:s14] =	ssyncset.done $0x0  }
0x43: {  	s26 =	sadd.s32 $0x80, s25;
	[sflag:s14] =	ssyncadd.s32 $0xFFFFC000  }
0x44: {  	[tilespmem:s18], [sflag:$0x2] =	stream.indirect.gather [hbm4b:s4+s16], $0x80, s26, s16, $0xb8;
	[tilespmem:$0x1E400] =	vst v63  }
0x45: {  	_ =	swait.ge [sflag:s19], $0x4000  }
0x46: {  	[sflag:s19] =	ssyncset.done $0x0  }
0x47: {  	s29 =	sadd.s32 $0x1400, s25;
	[sflag:s19] =	ssyncadd.s32 $0xFFFFC000  }
0x48: {  	[spmem:s1] =	stream.indirect.scatter.add.f32 [tilespmem:s17], [sflag:$0x3], $0x80, s29, s16, $0xb8;
	[tilespmem:$0x1E400] =	vst v63  }
0x49: {  	_ =	swait.ge [sflag:s14], $0x4000  }
0x4a: {  	[sflag:s14] =	ssyncset.done $0x0  }
0x4b: {  	s30 =	sadd.s32 $0x100, s25;
	[sflag:s14] =	ssyncadd.s32 $0xFFFFC000  }
0x4c: {  	[tilespmem:s17], [sflag:$0x1] =	stream.indirect.gather [hbm4b:s4+s16], $0x80, s30, s16, $0xb8;
	[tilespmem:$0x1E400] =	vst v63  }
0x4d: {  	_ =	swait.ge [sflag:s20], $0x4000  }
0x4e: {  	[sflag:s20] =	ssyncset.done $0x0  }
0x4f: {  	s31 =	sadd.s32 $0x1480, s25;
	[sflag:s20] =	ssyncadd.s32 $0xFFFFC000  }
0x50: {  	[spmem:s1] =	stream.indirect.scatter.add.f32 [tilespmem:s18], [sflag:$0x3], $0x80, s31, s16, $0xb8;
	[tilespmem:$0x1E400] =	vst v63  }
0x51: {  	_ =	swait.ge [sflag:s14], $0x4000  }
0x52: {  	[sflag:s14] =	ssyncset.done $0x0  }
0x53: {  	[sflag:s14] =	ssyncadd.s32 $0xFFFFC000  }
0x54: {  	[tilespmem:s18], [sflag:$0x2] =	stream.indirect.gather [hbm4b:s4+s16], $0x80, s21, s16, $0xb8;
	[tilespmem:$0x1E400] =	vst v63  }
0x55: {  	_ =	swait.ge [sflag:s19], $0x4000  }
0x56: {  	[sflag:s19] =	ssyncset.done $0x0  }
0x57: {  	[sflag:s19] =	ssyncadd.s32 $0xFFFFC000  }
0x58: {  	[spmem:s1] =	stream.indirect.scatter.add.f32 [tilespmem:s17], [sflag:$0x3], $0x80, s22, s16, $0xb8;
	[tilespmem:$0x1E400] =	vst v63  }
0x59: {  	_ =	swait.ge [sflag:s14], $0x4000  }
0x5a: {  	[sflag:s14] =	ssyncset.done $0x0  }
0x5b: {  	[sflag:s14] =	ssyncadd.s32 $0xFFFFC000  }
0x5c: {  	_ =	swait.ge [sflag:s20], $0x4000  }
0x5d: {  	[sflag:s20] =	ssyncset.done $0x0  }
0x5e: {  	[sflag:s20] =	ssyncadd.s32 $0xFFFFC000  }
0x5f: {  	[spmem:s1] =	stream.indirect.scatter.add.f32 [tilespmem:s18], [sflag:$0x3], $0x80, s23, s16, $0xb8;
	[tilespmem:$0x1E400] =	vst v63  }
0x60: {  	_ =	swait.ge [sflag:s14], $0x4000  }
0x61: {  	[sflag:s14] =	ssyncset.done $0x0  }
0x62: {  	s26 =	simm.s32 $0x0;
	[sflag:s14] =	ssyncadd.s32 $0xFFFFC000  }
0x63: {  	[tilespmem:s26], [sflag:$0x3] =	stream.linear.gather [hbm4b:s9+s26], $0x1400, $0x38;
	[tilespmem:$0x1E400] =	vst v63  }
0x64: {  	_ =	swait.ge [sflag:s14], $0x1400  }
0x65: {  	[sflag:s14] =	ssyncset.done $0x0  }
0x66: {  	[sflag:s14] =	ssyncadd.s32 $0xFFFFEC00  }
0x67: {  	[tilespmem:s15], [sflag:$0x3] =	stream.linear.gather [hbm4b:s10+s26], $0x1400, $0x38;
	[tilespmem:$0x1E400] =	vst v63  }
0x68: {  	_ =	swait.ge [sflag:s14], $0x1400  }
0x69: {  	[sflag:s14] =	ssyncset.done $0x0  }
0x6a: {  	[sflag:s14] =	ssyncadd.s32 $0xFFFFEC00  }
0x6b: {  	[tilespmem:s17], [sflag:$0x1] =	stream.indirect.gather [hbm4b:s4+s16], $0x80, s26, s16, $0xb8;
	[tilespmem:$0x1E400] =	vst v63  }
0x6c: {  	s28 =	simm.s32 $0x80  }
0x6d: {  	[tilespmem:s18], [sflag:$0x2] =	stream.indirect.gather [hbm4b:s4+s16], $0x80, s28, s16, $0xb8;
	[tilespmem:$0x1E400] =	vst v63  }
0x6e: {  	_ =	swait.ge [sflag:s19], $0x4000  }
0x6f: {  	[sflag:s19] =	ssyncset.done $0x0  }
0x70: {  	s29 =	simm.s32 $0x1400;
	[sflag:s19] =	ssyncadd.s32 $0xFFFFC000  }
0x71: {  	[spmem:s1] =	stream.indirect.scatter.add.f32 [tilespmem:s17], [sflag:$0x3], $0x80, s29, s16, $0xb8;
	[tilespmem:$0x1E400] =	vst v63  }
0x72: {  	_ =	swait.ge [sflag:s14], $0x4000  }
0x73: {  	[sflag:s14] =	ssyncset.done $0x0  }
0x74: {  	s30 =	simm.s32 $0x100;
	[sflag:s14] =	ssyncadd.s32 $0xFFFFC000  }
0x75: {  	[tilespmem:s17], [sflag:$0x1] =	stream.indirect.gather [hbm4b:s4+s16], $0x80, s30, s16, $0xb8;
	[tilespmem:$0x1E400] =	vst v63  }
0x76: {  	_ =	swait.ge [sflag:s20], $0x4000  }
0x77: {  	[sflag:s20] =	ssyncset.done $0x0  }
0x78: {  	s31 =	simm.s32 $0x1480;
	[sflag:s20] =	ssyncadd.s32 $0xFFFFC000  }
0x79: {  	[spmem:s1] =	stream.indirect.scatter.add.f32 [tilespmem:s18], [sflag:$0x3], $0x80, s31, s16, $0xb8;
	[tilespmem:$0x1E400] =	vst v63  }
0x7a: {  	_ =	swait.ge [sflag:s14], $0x4000  }
0x7b: {  	s25 =	simm.s32 $0x100;
	s26 =	simm.s32 $0x800;
	[sflag:s14] =	ssyncset.done $0x0  }
.LBB2_4:
0x7c: {  	s28 =	sadd.s32 $0x80, s25  }
0x7d: {  	[sflag:s14] =	ssyncadd.s32 $0xFFFFC000;
	s29 =	smov.u32 s26;
	s30 =	sadd.s32 $0x400, s26  }
0x7e: {  	[tilespmem:s18], [sflag:$0x2] =	stream.indirect.gather [hbm4b:s4+s16], $0x80, s28, s16, $0xb8;
	[tilespmem:$0x1E400] =	vst v63  }
0x7f: {  	p0 =	sne.s32 s26, $0x4800;
	_ =	swait.ge [sflag:s19], $0x4000  }
0x80: {  	[sflag:s19] =	ssyncset.done $0x0  }
0x81: {  	s26 =	sadd.s32 $0x1400, s25;
	[sflag:s19] =	ssyncadd.s32 $0xFFFFC000  }
0x82: {  	[spmem:s1] =	stream.indirect.scatter.add.f32 [tilespmem:s17], [sflag:$0x3], $0x80, s26, s16, $0xb8;
	[tilespmem:$0x1E400] =	vst v63  }
0x83: {  	_ =	swait.ge [sflag:s14], $0x4000  }
0x84: {  	[sflag:s14] =	ssyncset.done $0x0  }
0x85: {  	s26 =	sadd.s32 $0x100, s25;
	[sflag:s14] =	ssyncadd.s32 $0xFFFFC000  }
0x86: {  	[tilespmem:s17], [sflag:$0x1] =	stream.indirect.gather [hbm4b:s4+s16], $0x80, s26, s16, $0xb8;
	[tilespmem:$0x1E400] =	vst v63  }
0x87: {  	_ =	swait.ge [sflag:s20], $0x4000  }
.Ltmp1:
0x88: {  	[sflag:s20] =	ssyncset.done $0x0;
	(pc) =	sbr.rel @p0 .LBB2_4-.Ltmp1, $4  }
0x89: {  	s25 =	sadd.s32 $0x1480, s25;
	[sflag:s20] =	ssyncadd.s32 $0xFFFFC000  }
0x8a: {  	[spmem:s1] =	stream.indirect.scatter.add.f32 [tilespmem:s18], [sflag:$0x3], $0x80, s25, s16, $0xb8;
	[tilespmem:$0x1E400] =	vst v63  }
0x8b: {  	_ =	swait.ge [sflag:s14], $0x4000  }
0x8c: {  	s26 =	smov.u32 s30;
	s25 =	sshra.s32 s29, $0x2;
	[sflag:s14] =	ssyncset.done $0x0  }
0x8d: {  	s26 =	sadd.s32 $0x80, s25;
	[sflag:s14] =	ssyncadd.s32 $0xFFFFC000  }
0x8e: {  	[tilespmem:s18], [sflag:$0x2] =	stream.indirect.gather [hbm4b:s4+s16], $0x80, s26, s16, $0xb8;
	[tilespmem:$0x1E400] =	vst v63  }
0x8f: {  	_ =	swait.ge [sflag:s19], $0x4000  }
0x90: {  	[sflag:s19] =	ssyncset.done $0x0  }
0x91: {  	s29 =	sadd.s32 $0x1400, s25;
	[sflag:s19] =	ssyncadd.s32 $0xFFFFC000  }
0x92: {  	[spmem:s1] =	stream.indirect.scatter.add.f32 [tilespmem:s17], [sflag:$0x3], $0x80, s29, s16, $0xb8;
	[tilespmem:$0x1E400] =	vst v63  }
0x93: {  	_ =	swait.ge [sflag:s14], $0x4000  }
0x94: {  	[sflag:s14] =	ssyncset.done $0x0  }
0x95: {  	s30 =	sadd.s32 $0x100, s25;
	[sflag:s14] =	ssyncadd.s32 $0xFFFFC000  }
0x96: {  	[tilespmem:s17], [sflag:$0x1] =	stream.indirect.gather [hbm4b:s4+s16], $0x80, s30, s16, $0xb8;
	[tilespmem:$0x1E400] =	vst v63  }
0x97: {  	_ =	swait.ge [sflag:s20], $0x4000  }
0x98: {  	[sflag:s20] =	ssyncset.done $0x0  }
0x99: {  	s31 =	sadd.s32 $0x1480, s25;
	[sflag:s20] =	ssyncadd.s32 $0xFFFFC000  }
0x9a: {  	[spmem:s1] =	stream.indirect.scatter.add.f32 [tilespmem:s18], [sflag:$0x3], $0x80, s31, s16, $0xb8;
	[tilespmem:$0x1E400] =	vst v63  }
0x9b: {  	_ =	swait.ge [sflag:s14], $0x4000  }
0x9c: {  	[sflag:s14] =	ssyncset.done $0x0  }
0x9d: {  	[sflag:s14] =	ssyncadd.s32 $0xFFFFC000  }
0x9e: {  	[tilespmem:s18], [sflag:$0x2] =	stream.indirect.gather [hbm4b:s4+s16], $0x80, s21, s16, $0xb8;
	[tilespmem:$0x1E400] =	vst v63  }
0x9f: {  	_ =	swait.ge [sflag:s19], $0x4000  }
0xa0: {  	[sflag:s19] =	ssyncset.done $0x0  }
0xa1: {  	[sflag:s19] =	ssyncadd.s32 $0xFFFFC000  }
0xa2: {  	[spmem:s1] =	stream.indirect.scatter.add.f32 [tilespmem:s17], [sflag:$0x3], $0x80, s22, s16, $0xb8;
	[tilespmem:$0x1E400] =	vst v63  }
0xa3: {  	_ =	swait.ge [sflag:s14], $0x4000  }
0xa4: {  	[sflag:s14] =	ssyncset.done $0x0  }
0xa5: {  	[sflag:s14] =	ssyncadd.s32 $0xFFFFC000  }
0xa6: {  	_ =	swait.ge [sflag:s20], $0x4000  }
0xa7: {  	[sflag:s20] =	ssyncset.done $0x0  }
0xa8: {  	[sflag:s20] =	ssyncadd.s32 $0xFFFFC000  }
0xa9: {  	[spmem:s1] =	stream.indirect.scatter.add.f32 [tilespmem:s18], [sflag:$0x3], $0x80, s23, s16, $0xb8;
	[tilespmem:$0x1E400] =	vst v63  }
0xaa: {  	_ =	swait.ge [sflag:s14], $0x4000  }
0xab: {  	s24 =	sadd.s32 $0x1, s24;
	[sflag:s14] =	ssyncset.done $0x0  }
0xac: {  	p0 =	sne.s32 s24, s12;
	[sflag:s14] =	ssyncadd.s32 $0xFFFFC000  }
.Ltmp2:
0xad: {  	[bflag:$0x0] =	sbarrier.arrive $0xFFFF;
	(pc) =	sbr.rel @p0 .LBB2_1-.Ltmp2, $4  }
0xae: {  	[hbm:s11], [sflag:s6] =	dma.local [spmem:s13], $0x2780  }
0xaf: {  	_ =	swait.ge [sflag:s14], $0x2780  }
0xb0: {  	[sflag:s14] =	ssyncset.done $0x0  }
0xb1: {  	[sflag:s14] =	ssyncadd.s32 $0xFFFFD880  }
0xb2: {  	_ =	sfence.sel $0x180000  }
0xb3: {  	[bflag:$0x0] =	sbarrier.arrive $0xFFFF  }
0xb4: {  	p0 =	sne.s32 s2, $0x0;
	_ =	strace $0x90000050  }
0xb5: {  	s0 =	sadd.s32 @!p0 $0x100000, s0;
	[bflag:$0x2] =	sbarrier.arrive $0xFFFF  }
0xb6: {  	[sflag:s0] =	ssyncadd.tile.s32 @!p0 $0x1;
	_ =	shalt  }
.Lfunc_end2:
_tile_overlayer_lowered:
.L_overlay_start_2:
0xb7: {  	(tag) =	ssettag $0x2  }
0xb8: {  	s0 =	rddreg [dreg:$0x0];
	s2 =	stileid.u32  }
0xb9: {  	s1 =	rddreg [dreg:$0x1];
	p0 =	sne.s32 s2, $0x0  }
0xba: {  	s3 =	rddreg [dreg:$0x2];
	[bflag:$0x3] =	sbarrier.arrive $0xFFFF;
	s2 =	simm.s32 @!p0 $0x1C03  }
0xbb: {  	[timem:s3], [sflag:s2] =	dma.local @!p0 [hbm:s0], s1  }
0xbc: {  	s0 =	simm.s32 @!p0 $0x3  }
0xbd: {  	_ =	swait.ge @!p0 [sflag:s0], s1  }
0xbe: {  	s1 =	ssub.s32 @!p0 $0x0, s1;
	[sflag:s0] =	ssyncset.done @!p0 $0x0  }
0xbf: {  	[sflag:s0] =	ssyncadd.s32 @!p0 s1  }
0xc0: {  	[bflag:$0x3] =	sbarrier.arrive $0xFFFF  }
0xc1: {  	_ =	shalt  }

// kernel: kernel.25.cloned.1.call-start
scs
__scs_entry_jumppad:
0x0: {  	(pc) =	sbr.rel $0x88, $3  }
0x1: {  	(tag) =	ssettag $0x0;
	lr =	simm.s32 $0x1  }
0x2: {  	[smem:$0x3F93] =	sst lr;
	_ =	strace $0xD0000000  }
0x3: {  	_ = 	snop  }
0x4: {  	_ = 	snop  }
0x5: {  	_ = 	snop  }
0x6: {  	_ = 	snop  }
0x7: {  	_ = 	snop  }
__scs_overlays_trampoline_lowered:
0x8: {  	[smem:$0x3FA2] =	sst s0  }
0x9: {  	[smem:$0x3FA3] =	sst s1  }
0xa: {  	[smem:$0x3FA4] =	sst s2  }
0xb: {  	[smem:$0x3FA5] =	sst s3  }
0xc: {  	[smem:$0x3FA6] =	sst s4  }
0xd: {  	[smem:$0x3FA7] =	sst s5  }
0xe: {  	[smem:$0x3FA8] =	sst s6  }
0xf: {  	[smem:$0x3FA9] =	sst s7  }
0x10: {  	[smem:$0x3FAA] =	sst s8  }
0x11: {  	[smem:$0x3FAB] =	sst s9;
	s0 =	simm.s32 @!p0 $0x0  }
0x12: {  	s1 =	sld [smem:$0x3F91];
	s0 =	simm.s32 @p0 $0x1  }
0x13: {  	[smem:$0x3FAC] =	sst s0;
	s0 =	simm.s32 @!p1 $0x0  }
0x14: {  	s2 =	sld [smem:$0x3F90];
	s0 =	simm.s32 @p1 $0x1  }
0x15: {  	[smem:$0x3FAD] =	sst s0;
	s0 =	simm.s32 @!p2 $0x0  }
0x16: {  	s3 =	sld [smem:$0x3FDB];
	s0 =	simm.s32 @p2 $0x1  }
0x17: {  	s4 =	simm.s32 $0x1BF5;
	[smem:$0x3FAF] =	sst s0  }
0x18: {  	s0 =	sld [smem:$0x3F92];
	_ =	swait.ge [sflag:s4], $0x0  }
0x19: {  	s7 =	sld [smem:$0x3F93]  }
0x1a: {  	s8 =	sadd.s32 $0xFFFFE003, lr  }
0x1b: {  	s9 =	sadd.s32 $0xFFFFFEF7, lr;
	s5 =	simm.s32 $0xFFFFFFFF;
	p2 =	slt.u32 s8, $0xFFFFF086  }
0x1c: {  	p1 =	slt.u32 s9, $0xF7A;
	s5 =	simm.s32 @!p2 $0x0  }
0x1d: {  	s5 =	simm.s32 @p1 $0x1;
	p0 =	seq.s32 s7, s2  }
0x1e: {  	s7 =	smul.u32 @!p0 $0xF7A, s2;
	p2 =	seq.s32 @!p0 s5, $0x0  }
0x1f: {  	s9 =	smul.u32 $0xF7A, s1;
	s8 =	simm.s32 @!p0 $0x1BF5;
	p2 =	por !p2, p0  }
0x20: {  	[sflag:s8] =	ssyncset.s32 @!p0 $0xFFFFF086;
	s6 =	sadd.s32 @!p0 s3, s7;
	s7 =	simm.s32 @!p0 $0x108  }
0x21: {  	s3 =	sadd.s32 s3, s9;
	s6 =	sadd.s32 @!p0 $0x88, s6;
	s7 =	simm.s32 @p2 $0x1082  }
0x22: {  	[simem:s7], [sflag:s8] =	dma.local @!p0 [hbm:s6], $0xF7A  }
0x23: {  	s9 =	sor.u32 $0xD0000000, s2;
	s6 =	simm.s32 $0x108;
	_ =	swait.ge @!p0 [sflag:s8], $0x0  }
0x24: {  	s3 =	sadd.s32 $0x88, s3;
	s6 =	simm.s32 @!p1 $0x1082;
	[sflag:s4] =	ssyncset.s32 $0xFFFFF086  }
0x25: {  	[simem:s6], [sflag:s4] =	dma.local [hbm:s3], $0xF7A  }
0x26: {  	[smem:$0x3F93] =	sst s1;
	(tag) =	ssettag s2;
	_ =	strace s9  }
0x27: {  	s1 =	sld [smem:$0x3FA3]  }
0x28: {  	s2 =	sld [smem:$0x3FA4]  }
0x29: {  	s4 =	sld [smem:$0x3FA6]  }
0x2a: {  	p0 =	seq.s32 s5, $0x0;
	s5 =	sld [smem:$0x3FA7]  }
0x2b: {  	s6 =	sld [smem:$0x3FA8]  }
0x2c: {  	s7 =	sld [smem:$0x3FA9]  }
0x2d: {  	s3 =	simm.s32 $0x108;
	s8 =	sld [smem:$0x3FAA]  }
0x2e: {  	s3 =	simm.s32 @!p0 $0x1082;
	s9 =	sld [smem:$0x3FAB]  }
0x2f: {  	lr =	sadd.s32 s0, s3;
	s0 =	sld [smem:$0x3FA2]  }
0x30: {  	s3 =	sld [smem:$0x3FA5]  }
0x31: {  	[smem:$0x3FAE] =	sst s10  }
0x32: {  	s10 =	sld [smem:$0x3FAC];
	_ =	sdelay $0x3  }
0x33: {  	p0 =	seq.s32 s10, $0x1;
	s10 =	sld [smem:$0x3FAE];
	_ =	sdelay $0x3  }
0x34: {  	[smem:$0x3FAE] =	sst s10  }
0x35: {  	s10 =	sld [smem:$0x3FAD];
	_ =	sdelay $0x3  }
0x36: {  	p1 =	seq.s32 s10, $0x1;
	s10 =	sld [smem:$0x3FAE];
	_ =	sdelay $0x3  }
0x37: {  	[smem:$0x3FAE] =	sst s10  }
0x38: {  	s10 =	sld [smem:$0x3FAF]  }
0x39: {  	_ = 	snop;
	(pc) =	sbr.ind lr, $3  }
0x3a: {  	_ = 	snop  }
0x3b: {  	_ = 	snop  }
0x3c: {  	p2 =	seq.s32 s10, $0x1;
	s10 =	sld [smem:$0x3FAE]  }
0x3d: {  	_ =	shalt  }
0x3e: {  	_ =	shalt  }
0x3f: {  	_ =	shalt  }
0x40: {  	_ =	shalt  }
0x41: {  	_ =	shalt  }
0x42: {  	_ =	shalt  }
0x43: {  	_ =	shalt  }
0x44: {  	_ =	shalt  }
0x45: {  	_ =	shalt  }
0x46: {  	_ =	shalt  }
0x47: {  	_ =	shalt  }
0x48: {  	_ =	shalt  }
0x49: {  	_ =	shalt  }
0x4a: {  	_ =	shalt  }
0x4b: {  	_ =	shalt  }
0x4c: {  	_ =	shalt  }
0x4d: {  	_ =	shalt  }
0x4e: {  	_ =	shalt  }
0x4f: {  	_ =	shalt  }
0x50: {  	_ =	shalt  }
0x51: {  	_ =	shalt  }
0x52: {  	_ =	shalt  }
0x53: {  	_ =	shalt  }
0x54: {  	_ =	shalt  }
0x55: {  	_ =	shalt  }
0x56: {  	_ =	shalt  }
0x57: {  	_ =	shalt  }
0x58: {  	_ =	shalt  }
0x59: {  	_ =	shalt  }
0x5a: {  	_ =	shalt  }
0x5b: {  	_ =	shalt  }
0x5c: {  	_ =	shalt  }
0x5d: {  	_ =	shalt  }
0x5e: {  	_ =	shalt  }
0x5f: {  	_ =	shalt  }
0x60: {  	_ =	shalt  }
0x61: {  	_ =	shalt  }
0x62: {  	_ =	shalt  }
0x63: {  	_ =	shalt  }
0x64: {  	_ =	shalt  }
0x65: {  	_ =	shalt  }
0x66: {  	_ =	shalt  }
0x67: {  	_ =	shalt  }
0x68: {  	_ =	shalt  }
0x69: {  	_ =	shalt  }
0x6a: {  	_ =	shalt  }
0x6b: {  	_ =	shalt  }
0x6c: {  	_ =	shalt  }
0x6d: {  	_ =	shalt  }
0x6e: {  	_ =	shalt  }
0x6f: {  	_ =	shalt  }
0x70: {  	_ =	shalt  }
0x71: {  	_ =	shalt  }
0x72: {  	_ =	shalt  }
0x73: {  	_ =	shalt  }
0x74: {  	_ =	shalt  }
0x75: {  	_ =	shalt  }
0x76: {  	_ =	shalt  }
0x77: {  	_ =	shalt  }
0x78: {  	_ =	shalt  }
0x79: {  	_ =	shalt  }
0x7a: {  	_ =	shalt  }
0x7b: {  	_ =	shalt  }
0x7c: {  	_ =	shalt  }
0x7d: {  	_ =	shalt  }
0x7e: {  	_ =	shalt  }
0x7f: {  	_ =	shalt  }
0x80: {  	_ =	shalt  }
0x81: {  	_ =	shalt  }
0x82: {  	_ =	shalt  }
0x83: {  	_ =	shalt  }
0x84: {  	_ =	shalt  }
0x85: {  	_ =	shalt  }
0x86: {  	_ =	shalt  }
0x87: {  	_ =	shalt  }
.Lfunc_end0:
.L_simem_size_0:
called_computation.4_lowered:
.L_overlay_start_0:
0x88: {  	s2 =	sld [smem:$0x3FD9]  }
0x89: {  	s3 =	sld [smem:$0x3FFE];
	_ =	sdelay $0x1  }
0x8a: {  	s1 =	srdreg.scid  }
0x8b: {  	s0 =	sand.u32 $0x1, s1  }
0x8c: {  	s14 =	sshll.u32 s0, $0xA;
	s2 =	sadd.s32 s3, s2  }
0x8d: {  	s2 =	sadd.s32 s2, s14  }
0x8e: {  	[smem:$0x3FBA] =	sst s2  }
0x8f: {  	_ = 	snop  }
0x90: {  	s2 =	sld [smem:$0x3FD0];
	_ =	sdelay $0x2  }
0x91: {  	s15 =	simm.s32 $0xA;
	s4 =	simm.s32 $0x10  }
0x92: {  	[smem:s4], [sflag:s15] =	dma.local [hbm:s2], $0x1  }
0x93: {  	_ =	swait.eq [sflag:s15], $0x1  }
0x94: {  	[sflag:s15] =	ssyncset.done $0x0  }
0x95: {  	[sflag:s15] =	ssyncadd.s32 $0xFFFFFFFF  }
0x96: {  	s16 =	sld [smem:$0x11];
	(tm) =	ssettm $0x1  }
0x97: {  	s17 =	sld [smem:$0x3FFB];
	_ =	sdelay $0x3  }
0x98: {  	_ =	strace s17  }
0x99: {  	s3 =	sld [smem:$0x3FFC];
	_ =	sdelay $0x3  }
0x9a: {  	_ =	strace s3  }
0x9b: {  	s3 =	sld [smem:$0x3FFD];
	_ =	sdelay $0x3  }
0x9c: {  	_ =	strace s3  }
0x9d: {  	_ =	strace $0x8FFFFFFF  }
0x9e: {  	s18 =	sld [smem:$0x3FDB];
	_ =	sdelay $0x1  }
0x9f: {  	s19 =	simm.s32 $_scs_section_size  }
0xa0: {  	s5 =	simm.s32 $_size__tile_overlayer_lowered;
	s6 =	simm.s32 $_tile_overlayer_lowered  }
0xa1: {  	s22 =	simm.s32 $0x1BFF;
	s21 =	sshll.u32 s6, $0x1;
	s3 =	sadd.s32 s19, s18  }
0xa2: {  	s7 =	simm.s32 $0x0;
	s20 =	sshll.u32 s5, $0x1;
	s5 =	sadd.s32 s21, s3  }
0xa3: {  	[timem:s7], [sflag:s22] =	dma.local [hbm:s5], s20  }
0xa4: {  	_ =	swait.ge [sflag:s22], s20  }
0xa5: {  	s4 =	ssub.s32 $0x0, s20;
	[sflag:s22] =	ssyncset.done $0x0  }
0xa6: {  	[sflag:s22] =	ssyncadd.s32 s4;
	_ =	sdelay $0x1  }
0xa7: {  	s23 =	simm.s32 $0x1B8B  }
0xa8: {  	_ =	swait.ge [sflag:s23], $0x1  }
0xa9: {  	[sflag:s23] =	ssyncset.done $0x0  }
0xaa: {  	s25 =	simm.s32 $0x1B8E;
	s24 =	sld [smem:$0x3FFE];
	[sflag:s23] =	ssyncadd.s32 $0xFFFFFFFF  }
0xab: {  	s26 =	simm.s32 $execute0_lowered;
	[smem:$0x3FD2] =	sst s25  }
0xac: {  	s5 =	sshll.u32 s26, $0x1;
	_ =	strace $0x80000052;
	[dreg:$0x1] =	wrdreg $0xFFFFFFFF  }
0xad: {  	s28 =	simm.s32 $_size_execute0_lowered;
	s3 =	sadd.s32 s3, s5;
	[dreg:$0x0] =	wrdreg $0x0  }
0xae: {  	s5 =	sshll.u32 s28, $0x1;
	[dreg:$0x2] =	wrdreg s3  }
0xaf: {  	[dreg:$0x3] =	wrdreg s5  }
0xb0: {  	[dreg:$0x4] =	wrdreg $0xC0  }
0xb1: {  	_ =	task [dreg:s7], $0x5FFFF  }
0xb2: {  	[dreg:$0x1] =	wrdreg $0xFFFFFFFF  }
0xb3: {  	[dreg:$0x0] =	wrdreg $0x60  }
0xb4: {  	[dreg:$0x2] =	wrdreg s24  }
0xb5: {  	[dreg:$0x3] =	wrdreg s16  }
0xb6: {  	[dreg:$0x4] =	wrdreg $0xA8000  }
0xb7: {  	[dreg:$0x5] =	wrdreg $0x9  }
0xb8: {  	_ =	task.clear_ibuf [dreg:s7], $0x6FFFF;
	_ =	strace $0x90000052  }
0xb9: {  	s29 =	simm.s32 $0x9;
	_ =	strace $0x80000054  }
0xba: {  	_ =	swait.ge [sflag:s29], $0x1  }
0xbb: {  	[sflag:s29] =	ssyncadd.s32 $0xFFFFFFFF  }
0xbc: {  	_ =	strace $0x90000054  }
0xbd: {  	_ =	sfence  }
0xbe: {  	s30 =	sld [smem:$0x0];
	_ =	sdelay $0x2  }
0xbf: {  	s31 =	sshll.u32 s1, $0xD;
	s1 =	sshrl.u32 s1, $0x2  }
0xc0: {  	s3 =	sand.u32 $0x4000, s31;
	s1 =	sadd.s32 s1, s30  }
0xc1: {  	s0 =	sor.u32 s3, s0;
	s1 =	sshll.u32 s1, $0x11  }
0xc2: {  	s0 =	sor.u32 s1, s0  }
0xc3: {  	s0 =	sadd.s32 $0x8F2B, s0  }
0xc4: {  	[sflag:s0] =	ssyncadd.remote.s32 $0x1  }
0xc5: {  	_ =	sfence.sel $0xFFFF  }
0xc6: {  	[dreg:$0x0] =	wrdreg $0xFFFFFFFF;
	(pc) =	sbr.abs _section_cstart, $3  }
0xc7: {  	[dreg:$0x1] =	wrdreg $0xFFFFFFFF  }
0xc8: {  	_ =	task.clear_ibuf [dreg:s7], $0x2FFFF;
	_ =	strace $0x9FFFFFFF  }
0xc9: {  	(tm) =	ssettm $0x7FFFFFFF  }
tec
execute0_lowered:
.L_overlay_start_1:
0x0: {  	(tag) =	ssettag $0x1  }
0x1: {  	s6 =	rddreg [dreg:$0x0]  }
0x2: {  	s9 =	rddreg [dreg:$0x1]  }
0x3: {  	s1 =	rddreg [dreg:$0x2]  }
0x4: {  	s0 =	rddreg [dreg:$0x3]  }
0x5: {  	s3 =	simm.s32 $0x0;
	s2 =	srdreg.scid;
	s16 =	simm.s32 $0x80  }
0x6: {  	s17 =	simm.s32 $0x2800;
	s18 =	simm.s32 $0x6800;
	s19 =	simm.s32 $0x1  }
0x7: {  	s20 =	simm.s32 $0x2;
	s21 =	simm.s32 $0x1380;
	s7 =	sand.u32 $0x1, s2  }
0x8: {  	s22 =	simm.s32 $0x2700;
	s2 =	stileid.u32;
	s8 =	smul.u32 $0x140000, s7  }
0x9: {  	s23 =	simm.s32 $0x2780;
	s24 =	simm.s32 $0x0;
	s10 =	smul.u32 $0x13C00, s2  }
0xa: {  	[smem:$0x7FF] =	sst s3;
	s4 =	sadd.s32 $0xE600, s6;
	s12 =	smul.u32 $0x28000, s7  }
0xb: {  	s11 =	sadd.s32 $0x4600, s6;
	s5 =	sadd.s32 $0xAE600, s6;
	s26 =	smul.u32 $0x2800, s2  }
0xc: {  	_ =	strace $0x80000053;
	s7 =	ssub.s32 $0x2, s7;
	s14 =	smul.u32 $0x4F000, s2  }
0xd: {  	s30 =	sshll.u32 s2, $0x6;
	s13 =	sshrl.u32 s7, $0x1;
	s8 =	sadd.s32 s10, s8  }
0xe: {  	s13 =	ssub.s32 s7, s13;
	s28 =	sadd.s32 s26, s12;
	s29 =	sshrl.u32 s14, $0x2  }
0xf: {  	s8 =	sshrl.u32 s8, $0x3;
	s10 =	sshrl.u32 s28, $0x3;
	s14 =	sadd.s32 s29, s1  }
0x10: {  	s12 =	smax.u32 s13, $0x1;
	s15 =	sadd.s32 s8, s6;
	s6 =	sor.u32 $0x1C03, s30  }
0x11: {  	s31 =	sadd.s32 $0x280, s10;
	s7 =	sadd.s32 s9, s10;
	s8 =	sadd.s32 s11, s10  }
0x12: {  	s13 =	sshrl.u32 s14, $0x3;
	s14 =	simm.s32 $0x3;
	s9 =	sadd.s32 s9, s31  }
0x13: {  	s10 =	sadd.s32 s11, s31;
	s11 =	sadd.s32 $0xB0E00, s15;
	s15 =	simm.s32 $0x1400  }
.LBB2_1:
0x14: {  	[spmem:s13], [sflag:s6] =	dma.local [hbm:s5], $0x2780  }
0x15: {  	_ =	swait.ge [sflag:s14], $0x2780  }
0x16: {  	[sflag:s14] =	ssyncset.done $0x0  }
0x17: {  	[sflag:s14] =	ssyncadd.s32 $0xFFFFD880  }
0x18: {  	[bflag:$0x0] =	sbarrier.arrive $0xFFFF  }
0x19: {  	[tilespmem:s3], [sflag:$0x3] =	stream.linear.gather [hbm4b:s7+s3], $0x1400, $0x38;
	[tilespmem:$0x1E400] =	vst v63  }
0x1a: {  	_ =	swait.ge [sflag:s14], $0x1400  }
0x1b: {  	[sflag:s14] =	ssyncset.done $0x0  }
0x1c: {  	[sflag:s14] =	ssyncadd.s32 $0xFFFFEC00  }
0x1d: {  	[tilespmem:s15], [sflag:$0x3] =	stream.linear.gather [hbm4b:s8+s3], $0x1400, $0x38;
	[tilespmem:$0x1E400] =	vst v63  }
0x1e: {  	_ =	swait.ge [sflag:s14], $0x1400  }
0x1f: {  	[sflag:s14] =	ssyncset.done $0x0  }
0x20: {  	[sflag:s14] =	ssyncadd.s32 $0xFFFFEC00  }
0x21: {  	[tilespmem:s17], [sflag:$0x1] =	stream.indirect.gather [hbm4b:s4+s16], $0x80, s3, s16, $0xb8;
	[tilespmem:$0x1E400] =	vst v63  }
0x22: {  	s25 =	simm.s32 $0x80  }
0x23: {  	[tilespmem:s18], [sflag:$0x2] =	stream.indirect.gather [hbm4b:s4+s16], $0x80, s25, s16, $0xb8;
	[tilespmem:$0x1E400] =	vst v63  }
0x24: {  	_ =	swait.ge [sflag:s19], $0x4000  }
0x25: {  	[sflag:s19] =	ssyncset.done $0x0  }
0x26: {  	s29 =	simm.s32 $0x1400;
	[sflag:s19] =	ssyncadd.s32 $0xFFFFC000  }
0x27: {  	[spmem:s1] =	stream.indirect.scatter.add.f32 [tilespmem:s17], [sflag:$0x3], $0x80, s29, s16, $0xb8;
	[tilespmem:$0x1E400] =	vst v63  }
0x28: {  	_ =	swait.ge [sflag:s14], $0x4000  }
0x29: {  	[sflag:s14] =	ssyncset.done $0x0  }
0x2a: {  	s30 =	simm.s32 $0x100;
	[sflag:s14] =	ssyncadd.s32 $0xFFFFC000  }
0x2b: {  	[tilespmem:s17], [sflag:$0x1] =	stream.indirect.gather [hbm4b:s4+s16], $0x80, s30, s16, $0xb8;
	[tilespmem:$0x1E400] =	vst v63  }
0x2c: {  	_ =	swait.ge [sflag:s20], $0x4000  }
0x2d: {  	[sflag:s20] =	ssyncset.done $0x0  }
0x2e: {  	s31 =	simm.s32 $0x1480;
	[sflag:s20] =	ssyncadd.s32 $0xFFFFC000  }
0x2f: {  	[spmem:s1] =	stream.indirect.scatter.add.f32 [tilespmem:s18], [sflag:$0x3], $0x80, s31, s16, $0xb8;
	[tilespmem:$0x1E400] =	vst v63  }
0x30: {  	_ =	swait.ge [sflag:s14], $0x4000  }
0x31: {  	s26 =	simm.s32 $0x800;
	s25 =	simm.s32 $0x100;
	[sflag:s14] =	ssyncset.done $0x0  }
.LBB2_2:
0x32: {  	s28 =	sadd.s32 $0x80, s25  }
0x33: {  	[sflag:s14] =	ssyncadd.s32 $0xFFFFC000;
	s29 =	smov.u32 s26;
	s30 =	sadd.s32 $0x400, s26  }
0x34: {  	[tilespmem:s18], [sflag:$0x2] =	stream.indirect.gather [hbm4b:s4+s16], $0x80, s28, s16, $0xb8;
	[tilespmem:$0x1E400] =	vst v63  }
0x35: {  	p0 =	sne.s32 s26, $0x4800;
	_ =	swait.ge [sflag:s19], $0x4000  }
0x36: {  	[sflag:s19] =	ssyncset.done $0x0  }
0x37: {  	s26 =	sadd.s32 $0x1400, s25;
	[sflag:s19] =	ssyncadd.s32 $0xFFFFC000  }
0x38: {  	[spmem:s1] =	stream.indirect.scatter.add.f32 [tilespmem:s17], [sflag:$0x3], $0x80, s26, s16, $0xb8;
	[tilespmem:$0x1E400] =	vst v63  }
0x39: {  	_ =	swait.ge [sflag:s14], $0x4000  }
0x3a: {  	[sflag:s14] =	ssyncset.done $0x0  }
0x3b: {  	s26 =	sadd.s32 $0x100, s25;
	[sflag:s14] =	ssyncadd.s32 $0xFFFFC000  }
0x3c: {  	[tilespmem:s17], [sflag:$0x1] =	stream.indirect.gather [hbm4b:s4+s16], $0x80, s26, s16, $0xb8;
	[tilespmem:$0x1E400] =	vst v63  }
0x3d: {  	_ =	swait.ge [sflag:s20], $0x4000  }
.Ltmp0:
0x3e: {  	[sflag:s20] =	ssyncset.done $0x0;
	(pc) =	sbr.rel @p0 .LBB2_2-.Ltmp0, $4  }
0x3f: {  	s25 =	sadd.s32 $0x1480, s25;
	[sflag:s20] =	ssyncadd.s32 $0xFFFFC000  }
0x40: {  	[spmem:s1] =	stream.indirect.scatter.add.f32 [tilespmem:s18], [sflag:$0x3], $0x80, s25, s16, $0xb8;
	[tilespmem:$0x1E400] =	vst v63  }
0x41: {  	_ =	swait.ge [sflag:s14], $0x4000  }
0x42: {  	s26 =	smov.u32 s30;
	s25 =	sshra.s32 s29, $0x2;
	[sflag:s14] =	ssyncset.done $0x0  }
0x43: {  	s26 =	sadd.s32 $0x80, s25;
	[sflag:s14] =	ssyncadd.s32 $0xFFFFC000  }
0x44: {  	[tilespmem:s18], [sflag:$0x2] =	stream.indirect.gather [hbm4b:s4+s16], $0x80, s26, s16, $0xb8;
	[tilespmem:$0x1E400] =	vst v63  }
0x45: {  	_ =	swait.ge [sflag:s19], $0x4000  }
0x46: {  	[sflag:s19] =	ssyncset.done $0x0  }
0x47: {  	s29 =	sadd.s32 $0x1400, s25;
	[sflag:s19] =	ssyncadd.s32 $0xFFFFC000  }
0x48: {  	[spmem:s1] =	stream.indirect.scatter.add.f32 [tilespmem:s17], [sflag:$0x3], $0x80, s29, s16, $0xb8;
	[tilespmem:$0x1E400] =	vst v63  }
0x49: {  	_ =	swait.ge [sflag:s14], $0x4000  }
0x4a: {  	[sflag:s14] =	ssyncset.done $0x0  }
0x4b: {  	s30 =	sadd.s32 $0x100, s25;
	[sflag:s14] =	ssyncadd.s32 $0xFFFFC000  }
0x4c: {  	[tilespmem:s17], [sflag:$0x1] =	stream.indirect.gather [hbm4b:s4+s16], $0x80, s30, s16, $0xb8;
	[tilespmem:$0x1E400] =	vst v63  }
0x4d: {  	_ =	swait.ge [sflag:s20], $0x4000  }
0x4e: {  	[sflag:s20] =	ssyncset.done $0x0  }
0x4f: {  	s31 =	sadd.s32 $0x1480, s25;
	[sflag:s20] =	ssyncadd.s32 $0xFFFFC000  }
0x50: {  	[spmem:s1] =	stream.indirect.scatter.add.f32 [tilespmem:s18], [sflag:$0x3], $0x80, s31, s16, $0xb8;
	[tilespmem:$0x1E400] =	vst v63  }
0x51: {  	_ =	swait.ge [sflag:s14], $0x4000  }
0x52: {  	[sflag:s14] =	ssyncset.done $0x0  }
0x53: {  	[sflag:s14] =	ssyncadd.s32 $0xFFFFC000  }
0x54: {  	[tilespmem:s18], [sflag:$0x2] =	stream.indirect.gather [hbm4b:s4+s16], $0x80, s21, s16, $0xb8;
	[tilespmem:$0x1E400] =	vst v63  }
0x55: {  	_ =	swait.ge [sflag:s19], $0x4000  }
0x56: {  	[sflag:s19] =	ssyncset.done $0x0  }
0x57: {  	[sflag:s19] =	ssyncadd.s32 $0xFFFFC000  }
0x58: {  	[spmem:s1] =	stream.indirect.scatter.add.f32 [tilespmem:s17], [sflag:$0x3], $0x80, s22, s16, $0xb8;
	[tilespmem:$0x1E400] =	vst v63  }
0x59: {  	_ =	swait.ge [sflag:s14], $0x4000  }
0x5a: {  	[sflag:s14] =	ssyncset.done $0x0  }
0x5b: {  	[sflag:s14] =	ssyncadd.s32 $0xFFFFC000  }
0x5c: {  	_ =	swait.ge [sflag:s20], $0x4000  }
0x5d: {  	[sflag:s20] =	ssyncset.done $0x0  }
0x5e: {  	[sflag:s20] =	ssyncadd.s32 $0xFFFFC000  }
0x5f: {  	[spmem:s1] =	stream.indirect.scatter.add.f32 [tilespmem:s18], [sflag:$0x3], $0x80, s23, s16, $0xb8;
	[tilespmem:$0x1E400] =	vst v63  }
0x60: {  	_ =	swait.ge [sflag:s14], $0x4000  }
0x61: {  	[sflag:s14] =	ssyncset.done $0x0  }
0x62: {  	s26 =	simm.s32 $0x0;
	[sflag:s14] =	ssyncadd.s32 $0xFFFFC000  }
0x63: {  	[tilespmem:s26], [sflag:$0x3] =	stream.linear.gather [hbm4b:s9+s26], $0x1400, $0x38;
	[tilespmem:$0x1E400] =	vst v63  }
0x64: {  	_ =	swait.ge [sflag:s14], $0x1400  }
0x65: {  	[sflag:s14] =	ssyncset.done $0x0  }
0x66: {  	[sflag:s14] =	ssyncadd.s32 $0xFFFFEC00  }
0x67: {  	[tilespmem:s15], [sflag:$0x3] =	stream.linear.gather [hbm4b:s10+s26], $0x1400, $0x38;
	[tilespmem:$0x1E400] =	vst v63  }
0x68: {  	_ =	swait.ge [sflag:s14], $0x1400  }
0x69: {  	[sflag:s14] =	ssyncset.done $0x0  }
0x6a: {  	[sflag:s14] =	ssyncadd.s32 $0xFFFFEC00  }
0x6b: {  	[tilespmem:s17], [sflag:$0x1] =	stream.indirect.gather [hbm4b:s4+s16], $0x80, s26, s16, $0xb8;
	[tilespmem:$0x1E400] =	vst v63  }
0x6c: {  	s28 =	simm.s32 $0x80  }
0x6d: {  	[tilespmem:s18], [sflag:$0x2] =	stream.indirect.gather [hbm4b:s4+s16], $0x80, s28, s16, $0xb8;
	[tilespmem:$0x1E400] =	vst v63  }
0x6e: {  	_ =	swait.ge [sflag:s19], $0x4000  }
0x6f: {  	[sflag:s19] =	ssyncset.done $0x0  }
0x70: {  	s29 =	simm.s32 $0x1400;
	[sflag:s19] =	ssyncadd.s32 $0xFFFFC000  }
0x71: {  	[spmem:s1] =	stream.indirect.scatter.add.f32 [tilespmem:s17], [sflag:$0x3], $0x80, s29, s16, $0xb8;
	[tilespmem:$0x1E400] =	vst v63  }
0x72: {  	_ =	swait.ge [sflag:s14], $0x4000  }
0x73: {  	[sflag:s14] =	ssyncset.done $0x0  }
0x74: {  	s30 =	simm.s32 $0x100;
	[sflag:s14] =	ssyncadd.s32 $0xFFFFC000  }
0x75: {  	[tilespmem:s17], [sflag:$0x1] =	stream.indirect.gather [hbm4b:s4+s16], $0x80, s30, s16, $0xb8;
	[tilespmem:$0x1E400] =	vst v63  }
0x76: {  	_ =	swait.ge [sflag:s20], $0x4000  }
0x77: {  	[sflag:s20] =	ssyncset.done $0x0  }
0x78: {  	s31 =	simm.s32 $0x1480;
	[sflag:s20] =	ssyncadd.s32 $0xFFFFC000  }
0x79: {  	[spmem:s1] =	stream.indirect.scatter.add.f32 [tilespmem:s18], [sflag:$0x3], $0x80, s31, s16, $0xb8;
	[tilespmem:$0x1E400] =	vst v63  }
0x7a: {  	_ =	swait.ge [sflag:s14], $0x4000  }
0x7b: {  	s25 =	simm.s32 $0x100;
	s26 =	simm.s32 $0x800;
	[sflag:s14] =	ssyncset.done $0x0  }
.LBB2_4:
0x7c: {  	s28 =	sadd.s32 $0x80, s25  }
0x7d: {  	[sflag:s14] =	ssyncadd.s32 $0xFFFFC000;
	s29 =	smov.u32 s26;
	s30 =	sadd.s32 $0x400, s26  }
0x7e: {  	[tilespmem:s18], [sflag:$0x2] =	stream.indirect.gather [hbm4b:s4+s16], $0x80, s28, s16, $0xb8;
	[tilespmem:$0x1E400] =	vst v63  }
0x7f: {  	p0 =	sne.s32 s26, $0x4800;
	_ =	swait.ge [sflag:s19], $0x4000  }
0x80: {  	[sflag:s19] =	ssyncset.done $0x0  }
0x81: {  	s26 =	sadd.s32 $0x1400, s25;
	[sflag:s19] =	ssyncadd.s32 $0xFFFFC000  }
0x82: {  	[spmem:s1] =	stream.indirect.scatter.add.f32 [tilespmem:s17], [sflag:$0x3], $0x80, s26, s16, $0xb8;
	[tilespmem:$0x1E400] =	vst v63  }
0x83: {  	_ =	swait.ge [sflag:s14], $0x4000  }
0x84: {  	[sflag:s14] =	ssyncset.done $0x0  }
0x85: {  	s26 =	sadd.s32 $0x100, s25;
	[sflag:s14] =	ssyncadd.s32 $0xFFFFC000  }
0x86: {  	[tilespmem:s17], [sflag:$0x1] =	stream.indirect.gather [hbm4b:s4+s16], $0x80, s26, s16, $0xb8;
	[tilespmem:$0x1E400] =	vst v63  }
0x87: {  	_ =	swait.ge [sflag:s20], $0x4000  }
.Ltmp1:
0x88: {  	[sflag:s20] =	ssyncset.done $0x0;
	(pc) =	sbr.rel @p0 .LBB2_4-.Ltmp1, $4  }
0x89: {  	s25 =	sadd.s32 $0x1480, s25;
	[sflag:s20] =	ssyncadd.s32 $0xFFFFC000  }
0x8a: {  	[spmem:s1] =	stream.indirect.scatter.add.f32 [tilespmem:s18], [sflag:$0x3], $0x80, s25, s16, $0xb8;
	[tilespmem:$0x1E400] =	vst v63  }
0x8b: {  	_ =	swait.ge [sflag:s14], $0x4000  }
0x8c: {  	s26 =	smov.u32 s30;
	s25 =	sshra.s32 s29, $0x2;
	[sflag:s14] =	ssyncset.done $0x0  }
0x8d: {  	s26 =	sadd.s32 $0x80, s25;
	[sflag:s14] =	ssyncadd.s32 $0xFFFFC000  }
0x8e: {  	[tilespmem:s18], [sflag:$0x2] =	stream.indirect.gather [hbm4b:s4+s16], $0x80, s26, s16, $0xb8;
	[tilespmem:$0x1E400] =	vst v63  }
0x8f: {  	_ =	swait.ge [sflag:s19], $0x4000  }
0x90: {  	[sflag:s19] =	ssyncset.done $0x0  }
0x91: {  	s29 =	sadd.s32 $0x1400, s25;
	[sflag:s19] =	ssyncadd.s32 $0xFFFFC000  }
0x92: {  	[spmem:s1] =	stream.indirect.scatter.add.f32 [tilespmem:s17], [sflag:$0x3], $0x80, s29, s16, $0xb8;
	[tilespmem:$0x1E400] =	vst v63  }
0x93: {  	_ =	swait.ge [sflag:s14], $0x4000  }
0x94: {  	[sflag:s14] =	ssyncset.done $0x0  }
0x95: {  	s30 =	sadd.s32 $0x100, s25;
	[sflag:s14] =	ssyncadd.s32 $0xFFFFC000  }
0x96: {  	[tilespmem:s17], [sflag:$0x1] =	stream.indirect.gather [hbm4b:s4+s16], $0x80, s30, s16, $0xb8;
	[tilespmem:$0x1E400] =	vst v63  }
0x97: {  	_ =	swait.ge [sflag:s20], $0x4000  }
0x98: {  	[sflag:s20] =	ssyncset.done $0x0  }
0x99: {  	s31 =	sadd.s32 $0x1480, s25;
	[sflag:s20] =	ssyncadd.s32 $0xFFFFC000  }
0x9a: {  	[spmem:s1] =	stream.indirect.scatter.add.f32 [tilespmem:s18], [sflag:$0x3], $0x80, s31, s16, $0xb8;
	[tilespmem:$0x1E400] =	vst v63  }
0x9b: {  	_ =	swait.ge [sflag:s14], $0x4000  }
0x9c: {  	[sflag:s14] =	ssyncset.done $0x0  }
0x9d: {  	[sflag:s14] =	ssyncadd.s32 $0xFFFFC000  }
0x9e: {  	[tilespmem:s18], [sflag:$0x2] =	stream.indirect.gather [hbm4b:s4+s16], $0x80, s21, s16, $0xb8;
	[tilespmem:$0x1E400] =	vst v63  }
0x9f: {  	_ =	swait.ge [sflag:s19], $0x4000  }
0xa0: {  	[sflag:s19] =	ssyncset.done $0x0  }
0xa1: {  	[sflag:s19] =	ssyncadd.s32 $0xFFFFC000  }
0xa2: {  	[spmem:s1] =	stream.indirect.scatter.add.f32 [tilespmem:s17], [sflag:$0x3], $0x80, s22, s16, $0xb8;
	[tilespmem:$0x1E400] =	vst v63  }
0xa3: {  	_ =	swait.ge [sflag:s14], $0x4000  }
0xa4: {  	[sflag:s14] =	ssyncset.done $0x0  }
0xa5: {  	[sflag:s14] =	ssyncadd.s32 $0xFFFFC000  }
0xa6: {  	_ =	swait.ge [sflag:s20], $0x4000  }
0xa7: {  	[sflag:s20] =	ssyncset.done $0x0  }
0xa8: {  	[sflag:s20] =	ssyncadd.s32 $0xFFFFC000  }
0xa9: {  	[spmem:s1] =	stream.indirect.scatter.add.f32 [tilespmem:s18], [sflag:$0x3], $0x80, s23, s16, $0xb8;
	[tilespmem:$0x1E400] =	vst v63  }
0xaa: {  	_ =	swait.ge [sflag:s14], $0x4000  }
0xab: {  	s24 =	sadd.s32 $0x1, s24;
	[sflag:s14] =	ssyncset.done $0x0  }
0xac: {  	p0 =	sne.s32 s24, s12;
	[sflag:s14] =	ssyncadd.s32 $0xFFFFC000  }
.Ltmp2:
0xad: {  	[bflag:$0x0] =	sbarrier.arrive $0xFFFF;
	(pc) =	sbr.rel @p0 .LBB2_1-.Ltmp2, $4  }
0xae: {  	[hbm:s11], [sflag:s6] =	dma.local [spmem:s13], $0x2780  }
0xaf: {  	_ =	swait.ge [sflag:s14], $0x2780  }
0xb0: {  	[sflag:s14] =	ssyncset.done $0x0  }
0xb1: {  	[sflag:s14] =	ssyncadd.s32 $0xFFFFD880  }
0xb2: {  	_ =	sfence.sel $0x180000  }
0xb3: {  	[bflag:$0x0] =	sbarrier.arrive $0xFFFF  }
0xb4: {  	p0 =	sne.s32 s2, $0x0;
	_ =	strace $0x90000053  }
0xb5: {  	s0 =	sadd.s32 @!p0 $0x100000, s0;
	[bflag:$0x2] =	sbarrier.arrive $0xFFFF  }
0xb6: {  	[sflag:s0] =	ssyncadd.tile.s32 @!p0 $0x1;
	_ =	shalt  }
.Lfunc_end2:
_tile_overlayer_lowered:
.L_overlay_start_2:
0xb7: {  	(tag) =	ssettag $0x2  }
0xb8: {  	s0 =	rddreg [dreg:$0x0];
	s2 =	stileid.u32  }
0xb9: {  	s1 =	rddreg [dreg:$0x1];
	p0 =	sne.s32 s2, $0x0  }
0xba: {  	s3 =	rddreg [dreg:$0x2];
	[bflag:$0x3] =	sbarrier.arrive $0xFFFF;
	s2 =	simm.s32 @!p0 $0x1C03  }
0xbb: {  	[timem:s3], [sflag:s2] =	dma.local @!p0 [hbm:s0], s1  }
0xbc: {  	s0 =	simm.s32 @!p0 $0x3  }
0xbd: {  	_ =	swait.ge @!p0 [sflag:s0], s1  }
0xbe: {  	s1 =	ssub.s32 @!p0 $0x0, s1;
	[sflag:s0] =	ssyncset.done @!p0 $0x0  }
0xbf: {  	[sflag:s0] =	ssyncadd.s32 @!p0 s1  }
0xc0: {  	[bflag:$0x3] =	sbarrier.arrive $0xFFFF  }
0xc1: {  	_ =	shalt  }

</sc_bundles>
